<compile_context>
chip_gen: v7x
topology: tpu7x:2x2x1
jax: 0.10.2.dev20260603
libtpu: 0.0.44.dev20260713+nightly
codegen_flags: <defaults>
</compile_context>

<pallas_src>
import functools

import jax
import jax.numpy as jnp
from jax import lax
from jax.experimental import pallas as pl
from jax.experimental.pallas import tpu as pltpu
from jax.experimental.pallas import tpu_sc as plsc

N = 10000
E = 160000
D = 384
NP = 10240
BLK = 256
GRID = NP // BLK
NW = 32
EP = 160256
EC = EP // NW
NB = NP // NW
CH = 64
NCH = NB // CH
H8 = 8
HD8 = D // H8

_mesh = plsc.VectorSubcoreMesh(core_axis_name="c", subcore_axis_name="s")


def _wid():
    return lax.axis_index("s") * 2 + lax.axis_index("c")


@functools.partial(
    pl.kernel,
    out_type=(jax.ShapeDtypeStruct((NW * NP,), jnp.int32),
              jax.ShapeDtypeStruct((NW * NP,), jnp.int32)),
    mesh=_mesh,
    compiler_params=pltpu.CompilerParams(needs_layout_passes=False),
    scratch_types=[pltpu.VMEM((EC,), jnp.int32),
                   pltpu.VMEM((EC,), jnp.int32),
                   pltpu.VMEM((NP,), jnp.int32),
                   pltpu.VMEM((NP,), jnp.int32)],
)
def _win_tables(src_hbm, dst_hbm, win_hbm, sel_hbm, src_v, dst_v, win_v, sel_v):
    wid = _wid()
    base = wid * EC
    pltpu.sync_copy(src_hbm.at[pl.ds(base, EC)], src_v)
    pltpu.sync_copy(dst_hbm.at[pl.ds(base, EC)], dst_v)
    neg = jnp.full((16,), -1, jnp.int32)

    zero = jnp.zeros((16,), jnp.int32)

    def init(i, c):
        win_v[pl.ds(i * 16, 16)] = neg
        sel_v[pl.ds(i * 16, 16)] = zero
        return c

    lax.fori_loop(0, NP // 16, init, 0)
    lane = lax.iota(jnp.int32, 16)

    def step(i, c):
        sl = pl.ds(i * 16, 16)
        d = dst_v[sl]
        s = src_v[sl]
        e = (base + i * 16) + lane
        keep = lane >= 0
        for j in range(1, 16):
            idx = lane + j
            dj = d.at[jnp.minimum(idx, 15)].get(mode='promise_in_bounds')
            keep = keep & ((dj != d) | (idx > 15))
        plsc.store_scatter(win_v, [d], e, mask=keep)
        plsc.store_scatter(sel_v, [d], s, mask=keep)
        return c

    lax.fori_loop(0, EC // 16, step, 0)
    pltpu.sync_copy(win_v, win_hbm.at[pl.ds(wid * NP, NP)])
    pltpu.sync_copy(sel_v, sel_hbm.at[pl.ds(wid * NP, NP)])


def _merge_body(win_ref, sel_ref, osel_ref, omask_ref):
    win = win_ref[...]
    sel = sel_ref[...]
    bw = jnp.max(win, axis=0, keepdims=True)
    eq = win == bw
    bs = jnp.sum(jnp.where(eq, sel, 0), axis=0, keepdims=True)
    osel_ref[...] = bs
    omask_ref[...] = (bw >= 0).astype(jnp.float32)


def _tc_merge(win_t, sel_t):
    full = pl.BlockSpec((NW, NP), lambda: (0, 0))
    out = pl.BlockSpec((1, NP), lambda: (0, 0))
    return pl.pallas_call(
        _merge_body,
        in_specs=[full, full],
        out_specs=[out, out],
        out_shape=[jax.ShapeDtypeStruct((1, NP), jnp.int32),
                   jax.ShapeDtypeStruct((1, NP), jnp.float32)],
    )(win_t.reshape(NW, NP), sel_t.reshape(NW, NP))


@functools.partial(
    pl.kernel,
    out_type=jax.ShapeDtypeStruct((NP, D), jnp.float32),
    mesh=_mesh,
    compiler_params=pltpu.CompilerParams(needs_layout_passes=False),
    scratch_types=[pltpu.VMEM((NB,), jnp.int32),
                   pltpu.VMEM((NB, D), jnp.float32),
                   pltpu.SemaphoreType.DMA,
                   pltpu.SemaphoreType.DMA],
)
def _sc_gather(table_hbm, idx_hbm, out_hbm, idx_v, rows_v, sem, sem2):
    wid = _wid()
    base = wid * NB
    pltpu.sync_copy(idx_hbm.at[pl.ds(base, NB)], idx_v)
    copies = [
        pltpu.async_copy(table_hbm.at[idx_v.at[pl.ds(c * CH, CH)]],
                         rows_v.at[pl.ds(c * CH, CH)], sem)
        for c in range(NCH)
    ]
    outs = []
    for c, cp in enumerate(copies):
        cp.wait()
        outs.append(pltpu.async_copy(rows_v.at[pl.ds(c * CH, CH)],
                                     out_hbm.at[pl.ds(base + c * CH, CH)],
                                     sem2))
    for op in outs:
        op.wait()


def _ln(x, s, b):
    mu = jnp.mean(x, axis=1, keepdims=True)
    xc = x - mu
    var = jnp.mean(xc * xc, axis=1, keepdims=True)
    return xc * lax.rsqrt(var + 1e-5) * s + b


def _dot(a, b):
    return jnp.dot(a, b, preferred_element_type=jnp.float32)


def _hf_body(h_ref, fcW_ref, fcb_ref, hf_ref):
    hf_ref[...] = _dot(h_ref[...], fcW_ref[...]) + fcb_ref[...]


def _head_masks():
    dd = lax.broadcasted_iota(jnp.int32, (D, H8), 0) // HD8
    hh = lax.broadcasted_iota(jnp.int32, (D, H8), 1)
    seg = (dd == hh).astype(jnp.float32)
    dd2 = lax.broadcasted_iota(jnp.int32, (H8, D), 1) // HD8
    hh2 = lax.broadcasted_iota(jnp.int32, (H8, D), 0)
    seg_t = (dd2 == hh2).astype(jnp.float32)
    return seg, seg_t


def _roll(x, j):
    if j == 0:
        return x
    return jnp.concatenate([x[:, HD8 * j:], x[:, :HD8 * j]], axis=1)


def _attn_ffn_body(hf_ref, hfs_ref, mask_ref, scal_ref,
                   qW_ref, qb_ref, kW_ref, kb_ref, vW_ref, vb_ref,
                   n1s_ref, n1b_ref, ffW1_ref, ffb1_ref, ffW2_ref, ffb2_ref,
                   n2s_ref, n2b_ref, fcWn_ref, fcbn_ref, out_ref):
    hf = hf_ref[...]
    hfs = hfs_ref[...]
    q = _dot(hf, qW_ref[...]) + qb_ref[...]
    k = _dot(hfs, kW_ref[...]) + kb_ref[...]
    v = _dot(hfs, vW_ref[...]) + vb_ref[...]
    ascale = scal_ref[0, 0]
    abias = scal_ref[0, 1]
    rscale = scal_ref[0, 2]
    seg, seg_t = _head_masks()
    sc = ascale / (HD8 ** 0.5)
    logits = []
    vs = []
    for j in range(H8):
        kj = _roll(k, j)
        vs.append(_roll(v, j))
        logits.append(_dot(q * kj, seg) * sc + abias)
    m = logits[0]
    for j in range(1, H8):
        m = jnp.maximum(m, logits[j])
    es = [jnp.exp(l - m) for l in logits]
    tot = es[0]
    for j in range(1, H8):
        tot = tot + es[j]
    inv = 1.0 / tot
    he = jnp.zeros_like(hf)
    for j in range(H8):
        he = he + _dot(es[j] * inv, seg_t) * vs[j]
    msk = mask_ref[...]
    h_upd = hf + msk * (he - hf)
    h1 = _ln(hf + h_upd * rscale, n1s_ref[...], n1b_ref[...])
    ffn = jnp.maximum(_dot(h1, ffW1_ref[...]) + ffb1_ref[...], 0.0)
    ffn = _dot(ffn, ffW2_ref[...]) + ffb2_ref[...]
    h2 = _ln(h1 + ffn * rscale, n2s_ref[...], n2b_ref[...])
    out_ref[...] = _dot(h2, fcWn_ref[...]) + fcbn_ref[...]


def _l3_final_body(hf_ref, hfs_ref, mask_ref, scal_ref, vW_ref, vb_ref,
                   n1s_ref, n1b_ref, ffW1_ref, ffb1_ref, ffW2_ref, ffb2_ref,
                   n2s_ref, n2b_ref, pW1_ref, pb1_ref, pW2_ref, pb2_ref,
                   dW1_ref, db1_ref, dW2_ref, db2_ref, pitch_ref, dur_ref):
    hf = hf_ref[...]
    vsel = _dot(hfs_ref[...], vW_ref[...]) + vb_ref[...]
    rscale = scal_ref[0, 0]
    msk = mask_ref[...]
    h_upd = hf + msk * (vsel - hf)
    h1 = _ln(hf + h_upd * rscale, n1s_ref[...], n1b_ref[...])
    ffn = jnp.maximum(_dot(h1, ffW1_ref[...]) + ffb1_ref[...], 0.0)
    ffn = _dot(ffn, ffW2_ref[...]) + ffb2_ref[...]
    h = _ln(h1 + ffn * rscale, n2s_ref[...], n2b_ref[...])
    p = jnp.maximum(_dot(h, pW1_ref[...]) + pb1_ref[...], 0.0)
    pitch_ref[...] = _dot(p, pW2_ref[...]) + pb2_ref[...]
    dd = jnp.maximum(_dot(h, dW1_ref[...]) + db1_ref[...], 0.0)
    dur_ref[...] = _dot(dd, dW2_ref[...]) + db2_ref[...]


def _row_spec(width=D):
    return pl.BlockSpec((BLK, width), lambda i: (i, 0))


def _full_spec(shape):
    nd = len(shape)
    return pl.BlockSpec(shape, lambda i: (0,) * nd)


_SMEM_SPEC = pl.BlockSpec(memory_space=pltpu.SMEM)


def _tc_hf(h, fcW, fcb):
    return pl.pallas_call(
        _hf_body,
        grid=(GRID,),
        in_specs=[_row_spec(), _full_spec((D, D)), _full_spec((1, D))],
        out_specs=_row_spec(),
        out_shape=jax.ShapeDtypeStruct((NP, D), jnp.float32),
    )(h, fcW, fcb.reshape(1, D))


def _tc_attn_ffn(hf, hfs, mask2, scal, qW, qb, kW, kb, vW, vb,
                 n1s, n1b, ffW1, ffb1, ffW2, ffb2, n2s, n2b, fcWn, fcbn):
    w = _full_spec((D, D))
    b = _full_spec((1, D))
    r = _row_spec()
    mspec = pl.BlockSpec((BLK, 1), lambda i: (i, 0))
    return pl.pallas_call(
        _attn_ffn_body,
        grid=(GRID,),
        in_specs=[r, r, mspec, _SMEM_SPEC, w, b, w, b, w, b,
                  b, b, w, b, w, b, b, b, w, b],
        out_specs=r,
        out_shape=jax.ShapeDtypeStruct((NP, D), jnp.float32),
    )(hf, hfs, mask2, scal, qW, qb.reshape(1, D), kW, kb.reshape(1, D),
      vW, vb.reshape(1, D), n1s.reshape(1, D), n1b.reshape(1, D),
      ffW1, ffb1.reshape(1, D), ffW2, ffb2.reshape(1, D),
      n2s.reshape(1, D), n2b.reshape(1, D), fcWn, fcbn.reshape(1, D))


def _tc_l3_final(hf, hfs, mask2, scal, vW, vb, n1s, n1b, ffW1, ffb1,
                 ffW2, ffb2, n2s, n2b, pW1, pb1, pW2, pb2,
                 dW1, db1, dW2, db2):
    w = _full_spec((D, D))
    b = _full_spec((1, D))
    r = _row_spec()
    mspec = pl.BlockSpec((BLK, 1), lambda i: (i, 0))
    return pl.pallas_call(
        _l3_final_body,
        grid=(GRID,),
        in_specs=[r, r, mspec, _SMEM_SPEC, w, b, b, b, w, b, w, b, b, b,
                  w, b, _full_spec((D, 88)), _full_spec((1, 88)),
                  w, b, _full_spec((D, 32)), _full_spec((1, 32))],
        out_specs=[pl.BlockSpec((BLK, 88), lambda i: (i, 0)),
                   pl.BlockSpec((BLK, 32), lambda i: (i, 0))],
        out_shape=[jax.ShapeDtypeStruct((NP, 88), jnp.float32),
                   jax.ShapeDtypeStruct((NP, 32), jnp.float32)],
    )(hf, hfs, mask2, scal, vW, vb.reshape(1, D),
      n1s.reshape(1, D), n1b.reshape(1, D),
      ffW1, ffb1.reshape(1, D), ffW2, ffb2.reshape(1, D),
      n2s.reshape(1, D), n2b.reshape(1, D),
      pW1, pb1.reshape(1, D), pW2, pb2.reshape(1, 88),
      dW1, db1.reshape(1, D), dW2, db2.reshape(1, 32))


def kernel(feat, edge_index, fcW, fcb, qW, qb, kW, kb, vW, vb, n1s, n1b,
           ffW1, ffb1, ffW2, ffb2, n2s, n2b, ascale, abias, rscale,
           pW1, pb1, pW2, pb2, dW1, db1, dW2, db2):
    src = jnp.concatenate([edge_index[0], jnp.zeros((EP - E,), jnp.int32)])
    dst = jnp.concatenate([edge_index[1], jnp.full((EP - E,), N, jnp.int32)])
    win_t, sel_t = _win_tables(src, dst)
    sel2d, mask2d = _tc_merge(win_t, sel_t)
    sel = sel2d.reshape(NP)
    mask2 = mask2d.reshape(NP, 1)

    h0 = jnp.zeros((NP, D), jnp.float32).at[:N].set(feat)
    hf = _tc_hf(h0, fcW[0], fcb[0])
    for i in range(2):
        hfs = _sc_gather(hf, sel)
        scal = jnp.stack([ascale[i], abias[i], rscale[i]]).reshape(1, 3)
        hf = _tc_attn_ffn(hf, hfs, mask2, scal, qW[i], qb[i], kW[i], kb[i],
                          vW[i], vb[i], n1s[i], n1b[i], ffW1[i], ffb1[i],
                          ffW2[i], ffb2[i], n2s[i], n2b[i],
                          fcW[i + 1], fcb[i + 1])
    hfs = _sc_gather(hf, sel)
    scal3 = rscale[2].reshape(1, 1)
    pitch, dur = _tc_l3_final(hf, hfs, mask2, scal3, vW[2], vb[2],
                              n1s[2], n1b[2], ffW1[2], ffb1[2], ffW2[2],
                              ffb2[2], n2s[2], n2b[2], pW1, pb1, pW2, pb2,
                              dW1, db1, dW2, db2)
    return (pitch[:N], dur[:N])

# --- scband reference (transcript-rebuilt; emitter-appended) ---
"""Pipeline reference for scband-enhanced-gatv2-model-2929167695953 (READ-ONLY COPY).

The authoritative reference and input builder live on the scoring server;
editing this copy changes nothing except your own understanding.
"""

import jax, jax.numpy as jnp
import numpy as np

N = 10000
E = 160000
D = 384
L = 3
HEADS = [8, 8, 1]


def _ln(x, s, b):
    m = x.mean(-1, keepdims=True)
    v = x.var(-1, keepdims=True)
    return (x - m) / jnp.sqrt(v + 1e-5) * s + b


def setup_inputs(seed: int = 0):
    key = jax.random.key(seed)
    ks = jax.random.split(key, 32)
    inp = {}
    inp['feat'] = jax.random.normal(ks[0], (N, D), dtype=jnp.float32)
    inp['edge_index'] = jax.random.randint(ks[1], (2, E), 0, N, dtype=jnp.int32)
    s = 0.05
    inp['fcW'] = s * jax.random.normal(ks[2], (L, D, D), dtype=jnp.float32)
    inp['fcb'] = jnp.zeros((L, D), jnp.float32)
    inp['qW'] = s * jax.random.normal(ks[3], (L, D, D), dtype=jnp.float32)
    inp['qb'] = jnp.zeros((L, D), jnp.float32)
    inp['kW'] = s * jax.random.normal(ks[4], (L, D, D), dtype=jnp.float32)
    inp['kb'] = jnp.zeros((L, D), jnp.float32)
    inp['vW'] = s * jax.random.normal(ks[5], (L, D, D), dtype=jnp.float32)
    inp['vb'] = jnp.zeros((L, D), jnp.float32)
    inp['n1s'] = jnp.ones((L, D), jnp.float32)
    inp['n1b'] = jnp.zeros((L, D), jnp.float32)
    inp['ffW1'] = s * jax.random.normal(ks[6], (L, D, D), dtype=jnp.float32)
    inp['ffb1'] = jnp.zeros((L, D), jnp.float32)
    inp['ffW2'] = s * jax.random.normal(ks[7], (L, D, D), dtype=jnp.float32)
    inp['ffb2'] = jnp.zeros((L, D), jnp.float32)
    inp['n2s'] = jnp.ones((L, D), jnp.float32)
    inp['n2b'] = jnp.zeros((L, D), jnp.float32)
    inp['ascale'] = jnp.ones((L,), jnp.float32)
    inp['abias'] = jnp.zeros((L,), jnp.float32)
    inp['rscale'] = jnp.ones((L,), jnp.float32)
    inp['pW1'] = s * jax.random.normal(ks[8], (D, D), dtype=jnp.float32)
    inp['pb1'] = jnp.zeros((D,), jnp.float32)
    inp['pW2'] = s * jax.random.normal(ks[9], (D, 88), dtype=jnp.float32)
    inp['pb2'] = jnp.zeros((88,), jnp.float32)
    inp['dW1'] = s * jax.random.normal(ks[10], (D, D), dtype=jnp.float32)
    inp['db1'] = jnp.zeros((D,), jnp.float32)
    inp['dW2'] = s * jax.random.normal(ks[11], (D, 32), dtype=jnp.float32)
    inp['db2'] = jnp.zeros((32,), jnp.float32)
    return inp


def reference(feat, edge_index, fcW, fcb, qW, qb, kW, kb, vW, vb, n1s, n1b,
              ffW1, ffb1, ffW2, ffb2, n2s, n2b, ascale, abias, rscale,
              pW1, pb1, pW2, pb2, dW1, db1, dW2, db2):
    src = edge_index[0]
    dst = edge_index[1]
    h = feat
    for i in range(L):
        H = HEADS[i]
        hd = D // H
        hf = h @ fcW[i] + fcb[i]
        q = (hf @ qW[i] + qb[i]).reshape(-1, H, hd)
        k_ = (hf @ kW[i] + kb[i]).reshape(-1, H, hd)
        v_ = (hf @ vW[i] + vb[i]).reshape(-1, H, hd)
        qd = q[dst]
        ksrc = k_[src]
        vsrc = v_[src]
        attn = jnp.einsum('ehd,egd->ehg', qd, ksrc) / jnp.sqrt(jnp.float32(hd))
        attn = attn * ascale[i] + abias[i]
        attn = jax.nn.softmax(attn, axis=-1)
        he = jnp.einsum('ehg,egd->ehd', attn, vsrc).reshape(-1, D)
        h_upd = hf.at[dst].set(he)
        h1 = _ln(hf + h_upd * rscale[i], n1s[i], n1b[i])
        ffn = jax.nn.relu(h1 @ ffW1[i] + ffb1[i]) @ ffW2[i] + ffb2[i]
        h = _ln(h1 + ffn * rscale[i], n2s[i], n2b[i])
    pitch = jax.nn.relu(h @ pW1 + pb1) @ pW2 + pb2
    dur = jax.nn.relu(h @ dW1 + db1) @ dW2 + db2
    return (pitch, dur)

if __name__ == "__main__":
    import jax
    _d = setup_inputs()
    print(jax.jit(kernel)(*tuple(_d.values())))

</pallas_src>

<mosaic_0001>
#map = affine_map<(d0, d1) -> (0, 0)>
#map1 = affine_map<(d0, d1) -> (0)>
module attributes {stable_mosaic.version = 14 : i64} {
  func.func @_sc_gather(%arg0: i32, %arg1: i32, %arg2: memref<10240x384xf32, #tpu.memory_space<hbm>>, %arg3: memref<10240xi32, #tpu.memory_space<hbm>>, %arg4: memref<10240x384xf32, #tpu.memory_space<hbm>>, %arg5: memref<320xi32, #tpu.memory_space<vmem>>, %arg6: memref<320x384xf32, #tpu.memory_space<vmem>>, %arg7: memref<!tpu.dma_semaphore, #tpu.memory_space<semaphore_mem>>, %arg8: memref<!tpu.dma_semaphore, #tpu.memory_space<semaphore_mem>>) attributes {dimension_semantics = [#tpu.dimension_semantics<core_parallel>, #tpu.dimension_semantics<subcore_parallel>], iteration_bounds = array<i64: 2, 16>, scalar_prefetch = 0 : i64, scratch_operands = 4 : i64, tpu.core_type = #tpu.core_type<sc_vector_subcore>, window_params = [{transform_indices = #map}, {transform_indices = #map1}, {transform_indices = #map}]} {
    %mul3A = arith.constant 2 : i32
    %mul3A_0 = arith.muli %arg1, %mul3A : i32
    %add3A = arith.addi %mul3A_0, %arg0 : i32
    %mul3A_1 = arith.constant 320 : i32
    %mul3A_2 = arith.muli %add3A, %mul3A_1 : i32
    "tpu.region"() ({
      %run_scoped3A = tpu.sem_alloc : memref<!tpu.dma_semaphore, #tpu.memory_space<semaphore_mem>>
      %dma_start3A_191 = tpu.memref_slice %arg3[%mul3A_2] : memref<10240xi32, #tpu.memory_space<hbm>> -> memref<320xi32, #tpu.memory_space<hbm>>
      %dma_start3A_192 = tpu.memref_slice %arg3[%mul3A_2] : memref<10240xi32, #tpu.memory_space<hbm>> -> memref<320xi32, #tpu.memory_space<hbm>>
      tpu.enqueue_dma source(%dma_start3A_192 : memref<320xi32, #tpu.memory_space<hbm>>) target(%arg5 : memref<320xi32, #tpu.memory_space<vmem>>) target_semaphore(%run_scoped3A : memref<!tpu.dma_semaphore, #tpu.memory_space<semaphore_mem>>)
      %dma_wait3A_193 = tpu.memref_slice %arg3[%mul3A_2] : memref<10240xi32, #tpu.memory_space<hbm>> -> memref<320xi32, #tpu.memory_space<hbm>>
      %dma_wait3A_194 = tpu.memref_slice %arg3[%mul3A_2] : memref<10240xi32, #tpu.memory_space<hbm>> -> memref<320xi32, #tpu.memory_space<hbm>>
      tpu.wait_dma2 semaphore(%run_scoped3A : memref<!tpu.dma_semaphore, #tpu.memory_space<semaphore_mem>>) src(%dma_wait3A_194 : memref<320xi32, #tpu.memory_space<hbm>>) dst(%arg5 : memref<320xi32, #tpu.memory_space<vmem>>)
      tpu.yield
    }) : () -> ()
    %dma_start3A = arith.constant 0 : i32
    %dma_start3A_3 = arith.constant 0 : i32
    %dma_start3A_4 = tpu.memref_slice %arg6[%dma_start3A, %dma_start3A_3] : memref<320x384xf32, #tpu.memory_space<vmem>> -> memref<64x384xf32, #tpu.memory_space<vmem>>
    %dma_start3A_5 = arith.constant 0 : i32
    %dma_start3A_6 = tpu.memref_slice %arg5[%dma_start3A_5] : memref<320xi32, #tpu.memory_space<vmem>> -> memref<64xi32, #tpu.memory_space<vmem>>
    %dma_start3A_7 = arith.constant 0 : i32
    %dma_start3A_8 = arith.constant 0 : i32
    %dma_start3A_9 = tpu.memref_slice %arg2[%dma_start3A_7, %dma_start3A_8] : memref<10240x384xf32, #tpu.memory_space<hbm>> -> memref<10240x384xf32, #tpu.memory_space<hbm>>
    tpu.enqueue_indirect_dma source(%dma_start3A_9 : memref<10240x384xf32, #tpu.memory_space<hbm>>) target(%dma_start3A_4 : memref<64x384xf32, #tpu.memory_space<vmem>>) offsets(%dma_start3A_6 : memref<64xi32, #tpu.memory_space<vmem>>) semaphore(%arg7 : memref<!tpu.dma_semaphore, #tpu.memory_space<semaphore_mem>>)
    %dma_start3A_10 = arith.constant 64 : i32
    %dma_start3A_11 = arith.constant 0 : i32
    %dma_start3A_12 = tpu.memref_slice %arg6[%dma_start3A_10, %dma_start3A_11] : memref<320x384xf32, #tpu.memory_space<vmem>> -> memref<64x384xf32, #tpu.memory_space<vmem>>
    %dma_start3A_13 = arith.constant 64 : i32
    %dma_start3A_14 = tpu.memref_slice %arg5[%dma_start3A_13] : memref<320xi32, #tpu.memory_space<vmem>> -> memref<64xi32, #tpu.memory_space<vmem>>
    %dma_start3A_15 = arith.constant 0 : i32
    %dma_start3A_16 = arith.constant 0 : i32
    %dma_start3A_17 = tpu.memref_slice %arg2[%dma_start3A_15, %dma_start3A_16] : memref<10240x384xf32, #tpu.memory_space<hbm>> -> memref<10240x384xf32, #tpu.memory_space<hbm>>
    tpu.enqueue_indirect_dma source(%dma_start3A_17 : memref<10240x384xf32, #tpu.memory_space<hbm>>) target(%dma_start3A_12 : memref<64x384xf32, #tpu.memory_space<vmem>>) offsets(%dma_start3A_14 : memref<64xi32, #tpu.memory_space<vmem>>) semaphore(%arg7 : memref<!tpu.dma_semaphore, #tpu.memory_space<semaphore_mem>>)
    %dma_start3A_18 = arith.constant 128 : i32
    %dma_start3A_19 = arith.constant 0 : i32
    %dma_start3A_20 = tpu.memref_slice %arg6[%dma_start3A_18, %dma_start3A_19] : memref<320x384xf32, #tpu.memory_space<vmem>> -> memref<64x384xf32, #tpu.memory_space<vmem>>
    %dma_start3A_21 = arith.constant 128 : i32
    %dma_start3A_22 = tpu.memref_slice %arg5[%dma_start3A_21] : memref<320xi32, #tpu.memory_space<vmem>> -> memref<64xi32, #tpu.memory_space<vmem>>
    %dma_start3A_23 = arith.constant 0 : i32
    %dma_start3A_24 = arith.constant 0 : i32
    %dma_start3A_25 = tpu.memref_slice %arg2[%dma_start3A_23, %dma_start3A_24] : memref<10240x384xf32, #tpu.memory_space<hbm>> -> memref<10240x384xf32, #tpu.memory_space<hbm>>
    tpu.enqueue_indirect_dma source(%dma_start3A_25 : memref<10240x384xf32, #tpu.memory_space<hbm>>) target(%dma_start3A_20 : memref<64x384xf32, #tpu.memory_space<vmem>>) offsets(%dma_start3A_22 : memref<64xi32, #tpu.memory_space<vmem>>) semaphore(%arg7 : memref<!tpu.dma_semaphore, #tpu.memory_space<semaphore_mem>>)
    %dma_start3A_26 = arith.constant 192 : i32
    %dma_start3A_27 = arith.constant 0 : i32
    %dma_start3A_28 = tpu.memref_slice %arg6[%dma_start3A_26, %dma_start3A_27] : memref<320x384xf32, #tpu.memory_space<vmem>> -> memref<64x384xf32, #tpu.memory_space<vmem>>
    %dma_start3A_29 = arith.constant 192 : i32
    %dma_start3A_30 = tpu.memref_slice %arg5[%dma_start3A_29] : memref<320xi32, #tpu.memory_space<vmem>> -> memref<64xi32, #tpu.memory_space<vmem>>
    %dma_start3A_31 = arith.constant 0 : i32
    %dma_start3A_32 = arith.constant 0 : i32
    %dma_start3A_33 = tpu.memref_slice %arg2[%dma_start3A_31, %dma_start3A_32] : memref<10240x384xf32, #tpu.memory_space<hbm>> -> memref<10240x384xf32, #tpu.memory_space<hbm>>
    tpu.enqueue_indirect_dma source(%dma_start3A_33 : memref<10240x384xf32, #tpu.memory_space<hbm>>) target(%dma_start3A_28 : memref<64x384xf32, #tpu.memory_space<vmem>>) offsets(%dma_start3A_30 : memref<64xi32, #tpu.memory_space<vmem>>) semaphore(%arg7 : memref<!tpu.dma_semaphore, #tpu.memory_space<semaphore_mem>>)
    %dma_start3A_34 = arith.constant 256 : i32
    %dma_start3A_35 = arith.constant 0 : i32
    %dma_start3A_36 = tpu.memref_slice %arg6[%dma_start3A_34, %dma_start3A_35] : memref<320x384xf32, #tpu.memory_space<vmem>> -> memref<64x384xf32, #tpu.memory_space<vmem>>
    %dma_start3A_37 = arith.constant 256 : i32
    %dma_start3A_38 = tpu.memref_slice %arg5[%dma_start3A_37] : memref<320xi32, #tpu.memory_space<vmem>> -> memref<64xi32, #tpu.memory_space<vmem>>
    %dma_start3A_39 = arith.constant 0 : i32
    %dma_start3A_40 = arith.constant 0 : i32
    %dma_start3A_41 = tpu.memref_slice %arg2[%dma_start3A_39, %dma_start3A_40] : memref<10240x384xf32, #tpu.memory_space<hbm>> -> memref<10240x384xf32, #tpu.memory_space<hbm>>
    tpu.enqueue_indirect_dma source(%dma_start3A_41 : memref<10240x384xf32, #tpu.memory_space<hbm>>) target(%dma_start3A_36 : memref<64x384xf32, #tpu.memory_space<vmem>>) offsets(%dma_start3A_38 : memref<64xi32, #tpu.memory_space<vmem>>) semaphore(%arg7 : memref<!tpu.dma_semaphore, #tpu.memory_space<semaphore_mem>>)
    %dma_wait3A = arith.constant 0 : i32
    %dma_wait3A_42 = arith.constant 0 : i32
    %dma_wait3A_43 = tpu.memref_slice %arg6[%dma_wait3A, %dma_wait3A_42] : memref<320x384xf32, #tpu.memory_space<vmem>> -> memref<64x384xf32, #tpu.memory_space<vmem>>
    %dma_wait3A_44 = arith.constant 0 : i32
    %dma_wait3A_45 = tpu.memref_slice %arg5[%dma_wait3A_44] : memref<320xi32, #tpu.memory_space<vmem>> -> memref<64xi32, #tpu.memory_space<vmem>>
    %dma_wait3A_46 = arith.constant 0 : i32
    %dma_wait3A_47 = arith.constant 0 : i32
    %dma_wait3A_48 = tpu.memref_slice %arg2[%dma_wait3A_46, %dma_wait3A_47] : memref<10240x384xf32, #tpu.memory_space<hbm>> -> memref<10240x384xf32, #tpu.memory_space<hbm>>
    tpu.wait_indirect_dma semaphore(%arg7 : memref<!tpu.dma_semaphore, #tpu.memory_space<semaphore_mem>>) src(%dma_wait3A_48 : memref<10240x384xf32, #tpu.memory_space<hbm>>) dst(%dma_wait3A_43 : memref<64x384xf32, #tpu.memory_space<vmem>>)
    %add3A_49 = arith.constant 0 : i32
    %add3A_50 = arith.addi %mul3A_2, %add3A_49 : i32
    %dma_start3A_51 = arith.constant 0 : i32
    %dma_start3A_52 = arith.constant 0 : i32
    %dma_start3A_53 = tpu.memref_slice %arg6[%dma_start3A_51, %dma_start3A_52] : memref<320x384xf32, #tpu.memory_space<vmem>> -> memref<64x384xf32, #tpu.memory_space<vmem>>
    %dma_start3A_54 = arith.constant 0 : i32
    %dma_start3A_55 = tpu.memref_slice %arg4[%add3A_50, %dma_start3A_54] : memref<10240x384xf32, #tpu.memory_space<hbm>> -> memref<64x384xf32, #tpu.memory_space<hbm>>
    %dma_start3A_56 = arith.constant 0 : i32
    %dma_start3A_57 = tpu.memref_slice %arg4[%add3A_50, %dma_start3A_56] : memref<10240x384xf32, #tpu.memory_space<hbm>> -> memref<64x384xf32, #tpu.memory_space<hbm>>
    %dma_start3A_58 = arith.constant 0 : i32
    %dma_start3A_59 = arith.constant 0 : i32
    %dma_start3A_60 = tpu.memref_slice %arg6[%dma_start3A_58, %dma_start3A_59] : memref<320x384xf32, #tpu.memory_space<vmem>> -> memref<64x384xf32, #tpu.memory_space<vmem>>
    tpu.enqueue_dma source(%dma_start3A_60 : memref<64x384xf32, #tpu.memory_space<vmem>>) target(%dma_start3A_57 : memref<64x384xf32, #tpu.memory_space<hbm>>) target_semaphore(%arg8 : memref<!tpu.dma_semaphore, #tpu.memory_space<semaphore_mem>>)
    %dma_wait3A_61 = arith.constant 64 : i32
    %dma_wait3A_62 = arith.constant 0 : i32
    %dma_wait3A_63 = tpu.memref_slice %arg6[%dma_wait3A_61, %dma_wait3A_62] : memref<320x384xf32, #tpu.memory_space<vmem>> -> memref<64x384xf32, #tpu.memory_space<vmem>>
    %dma_wait3A_64 = arith.constant 64 : i32
    %dma_wait3A_65 = tpu.memref_slice %arg5[%dma_wait3A_64] : memref<320xi32, #tpu.memory_space<vmem>> -> memref<64xi32, #tpu.memory_space<vmem>>
    %dma_wait3A_66 = arith.constant 0 : i32
    %dma_wait3A_67 = arith.constant 0 : i32
    %dma_wait3A_68 = tpu.memref_slice %arg2[%dma_wait3A_66, %dma_wait3A_67] : memref<10240x384xf32, #tpu.memory_space<hbm>> -> memref<10240x384xf32, #tpu.memory_space<hbm>>
    tpu.wait_indirect_dma semaphore(%arg7 : memref<!tpu.dma_semaphore, #tpu.memory_space<semaphore_mem>>) src(%dma_wait3A_68 : memref<10240x384xf32, #tpu.memory_space<hbm>>) dst(%dma_wait3A_63 : memref<64x384xf32, #tpu.memory_space<vmem>>)
    %add3A_69 = arith.constant 64 : i32
    %add3A_70 = arith.addi %mul3A_2, %add3A_69 : i32
    %dma_start3A_71 = arith.constant 64 : i32
    %dma_start3A_72 = arith.constant 0 : i32
    %dma_start3A_73 = tpu.memref_slice %arg6[%dma_start3A_71, %dma_start3A_72] : memref<320x384xf32, #tpu.memory_space<vmem>> -> memref<64x384xf32, #tpu.memory_space<vmem>>
    %dma_start3A_74 = arith.constant 0 : i32
    %dma_start3A_75 = tpu.memref_slice %arg4[%add3A_70, %dma_start3A_74] : memref<10240x384xf32, #tpu.memory_space<hbm>> -> memref<64x384xf32, #tpu.memory_space<hbm>>
    %dma_start3A_76 = arith.constant 0 : i32
    %dma_start3A_77 = tpu.memref_slice %arg4[%add3A_70, %dma_start3A_76] : memref<10240x384xf32, #tpu.memory_space<hbm>> -> memref<64x384xf32, #tpu.memory_space<hbm>>
    %dma_start3A_78 = arith.constant 64 : i32
    %dma_start3A_79 = arith.constant 0 : i32
    %dma_start3A_80 = tpu.memref_slice %arg6[%dma_start3A_78, %dma_start3A_79] : memref<320x384xf32, #tpu.memory_space<vmem>> -> memref<64x384xf32, #tpu.memory_space<vmem>>
    tpu.enqueue_dma source(%dma_start3A_80 : memref<64x384xf32, #tpu.memory_space<vmem>>) target(%dma_start3A_77 : memref<64x384xf32, #tpu.memory_space<hbm>>) target_semaphore(%arg8 : memref<!tpu.dma_semaphore, #tpu.memory_space<semaphore_mem>>)
    %dma_wait3A_81 = arith.constant 128 : i32
    %dma_wait3A_82 = arith.constant 0 : i32
    %dma_wait3A_83 = tpu.memref_slice %arg6[%dma_wait3A_81, %dma_wait3A_82] : memref<320x384xf32, #tpu.memory_space<vmem>> -> memref<64x384xf32, #tpu.memory_space<vmem>>
    %dma_wait3A_84 = arith.constant 128 : i32
    %dma_wait3A_85 = tpu.memref_slice %arg5[%dma_wait3A_84] : memref<320xi32, #tpu.memory_space<vmem>> -> memref<64xi32, #tpu.memory_space<vmem>>
    %dma_wait3A_86 = arith.constant 0 : i32
    %dma_wait3A_87 = arith.constant 0 : i32
    %dma_wait3A_88 = tpu.memref_slice %arg2[%dma_wait3A_86, %dma_wait3A_87] : memref<10240x384xf32, #tpu.memory_space<hbm>> -> memref<10240x384xf32, #tpu.memory_space<hbm>>
    tpu.wait_indirect_dma semaphore(%arg7 : memref<!tpu.dma_semaphore, #tpu.memory_space<semaphore_mem>>) src(%dma_wait3A_88 : memref<10240x384xf32, #tpu.memory_space<hbm>>) dst(%dma_wait3A_83 : memref<64x384xf32, #tpu.memory_space<vmem>>)
    %add3A_89 = arith.constant 128 : i32
    %add3A_90 = arith.addi %mul3A_2, %add3A_89 : i32
    %dma_start3A_91 = arith.constant 128 : i32
    %dma_start3A_92 = arith.constant 0 : i32
    %dma_start3A_93 = tpu.memref_slice %arg6[%dma_start3A_91, %dma_start3A_92] : memref<320x384xf32, #tpu.memory_space<vmem>> -> memref<64x384xf32, #tpu.memory_space<vmem>>
    %dma_start3A_94 = arith.constant 0 : i32
    %dma_start3A_95 = tpu.memref_slice %arg4[%add3A_90, %dma_start3A_94] : memref<10240x384xf32, #tpu.memory_space<hbm>> -> memref<64x384xf32, #tpu.memory_space<hbm>>
    %dma_start3A_96 = arith.constant 0 : i32
    %dma_start3A_97 = tpu.memref_slice %arg4[%add3A_90, %dma_start3A_96] : memref<10240x384xf32, #tpu.memory_space<hbm>> -> memref<64x384xf32, #tpu.memory_space<hbm>>
    %dma_start3A_98 = arith.constant 128 : i32
    %dma_start3A_99 = arith.constant 0 : i32
    %dma_start3A_100 = tpu.memref_slice %arg6[%dma_start3A_98, %dma_start3A_99] : memref<320x384xf32, #tpu.memory_space<vmem>> -> memref<64x384xf32, #tpu.memory_space<vmem>>
    tpu.enqueue_dma source(%dma_start3A_100 : memref<64x384xf32, #tpu.memory_space<vmem>>) target(%dma_start3A_97 : memref<64x384xf32, #tpu.memory_space<hbm>>) target_semaphore(%arg8 : memref<!tpu.dma_semaphore, #tpu.memory_space<semaphore_mem>>)
    %dma_wait3A_101 = arith.constant 192 : i32
    %dma_wait3A_102 = arith.constant 0 : i32
    %dma_wait3A_103 = tpu.memref_slice %arg6[%dma_wait3A_101, %dma_wait3A_102] : memref<320x384xf32, #tpu.memory_space<vmem>> -> memref<64x384xf32, #tpu.memory_space<vmem>>
    %dma_wait3A_104 = arith.constant 192 : i32
    %dma_wait3A_105 = tpu.memref_slice %arg5[%dma_wait3A_104] : memref<320xi32, #tpu.memory_space<vmem>> -> memref<64xi32, #tpu.memory_space<vmem>>
    %dma_wait3A_106 = arith.constant 0 : i32
    %dma_wait3A_107 = arith.constant 0 : i32
    %dma_wait3A_108 = tpu.memref_slice %arg2[%dma_wait3A_106, %dma_wait3A_107] : memref<10240x384xf32, #tpu.memory_space<hbm>> -> memref<10240x384xf32, #tpu.memory_space<hbm>>
    tpu.wait_indirect_dma semaphore(%arg7 : memref<!tpu.dma_semaphore, #tpu.memory_space<semaphore_mem>>) src(%dma_wait3A_108 : memref<10240x384xf32, #tpu.memory_space<hbm>>) dst(%dma_wait3A_103 : memref<64x384xf32, #tpu.memory_space<vmem>>)
    %add3A_109 = arith.constant 192 : i32
    %add3A_110 = arith.addi %mul3A_2, %add3A_109 : i32
    %dma_start3A_111 = arith.constant 192 : i32
    %dma_start3A_112 = arith.constant 0 : i32
    %dma_start3A_113 = tpu.memref_slice %arg6[%dma_start3A_111, %dma_start3A_112] : memref<320x384xf32, #tpu.memory_space<vmem>> -> memref<64x384xf32, #tpu.memory_space<vmem>>
    %dma_start3A_114 = arith.constant 0 : i32
    %dma_start3A_115 = tpu.memref_slice %arg4[%add3A_110, %dma_start3A_114] : memref<10240x384xf32, #tpu.memory_space<hbm>> -> memref<64x384xf32, #tpu.memory_space<hbm>>
    %dma_start3A_116 = arith.constant 0 : i32
    %dma_start3A_117 = tpu.memref_slice %arg4[%add3A_110, %dma_start3A_116] : memref<10240x384xf32, #tpu.memory_space<hbm>> -> memref<64x384xf32, #tpu.memory_space<hbm>>
    %dma_start3A_118 = arith.constant 192 : i32
    %dma_start3A_119 = arith.constant 0 : i32
    %dma_start3A_120 = tpu.memref_slice %arg6[%dma_start3A_118, %dma_start3A_119] : memref<320x384xf32, #tpu.memory_space<vmem>> -> memref<64x384xf32, #tpu.memory_space<vmem>>
    tpu.enqueue_dma source(%dma_start3A_120 : memref<64x384xf32, #tpu.memory_space<vmem>>) target(%dma_start3A_117 : memref<64x384xf32, #tpu.memory_space<hbm>>) target_semaphore(%arg8 : memref<!tpu.dma_semaphore, #tpu.memory_space<semaphore_mem>>)
    %dma_wait3A_121 = arith.constant 256 : i32
    %dma_wait3A_122 = arith.constant 0 : i32
    %dma_wait3A_123 = tpu.memref_slice %arg6[%dma_wait3A_121, %dma_wait3A_122] : memref<320x384xf32, #tpu.memory_space<vmem>> -> memref<64x384xf32, #tpu.memory_space<vmem>>
    %dma_wait3A_124 = arith.constant 256 : i32
    %dma_wait3A_125 = tpu.memref_slice %arg5[%dma_wait3A_124] : memref<320xi32, #tpu.memory_space<vmem>> -> memref<64xi32, #tpu.memory_space<vmem>>
    %dma_wait3A_126 = arith.constant 0 : i32
    %dma_wait3A_127 = arith.constant 0 : i32
    %dma_wait3A_128 = tpu.memref_slice %arg2[%dma_wait3A_126, %dma_wait3A_127] : memref<10240x384xf32, #tpu.memory_space<hbm>> -> memref<10240x384xf32, #tpu.memory_space<hbm>>
    tpu.wait_indirect_dma semaphore(%arg7 : memref<!tpu.dma_semaphore, #tpu.memory_space<semaphore_mem>>) src(%dma_wait3A_128 : memref<10240x384xf32, #tpu.memory_space<hbm>>) dst(%dma_wait3A_123 : memref<64x384xf32, #tpu.memory_space<vmem>>)
    %add3A_129 = arith.constant 256 : i32
    %add3A_130 = arith.addi %mul3A_2, %add3A_129 : i32
    %dma_start3A_131 = arith.constant 256 : i32
    %dma_start3A_132 = arith.constant 0 : i32
    %dma_start3A_133 = tpu.memref_slice %arg6[%dma_start3A_131, %dma_start3A_132] : memref<320x384xf32, #tpu.memory_space<vmem>> -> memref<64x384xf32, #tpu.memory_space<vmem>>
    %dma_start3A_134 = arith.constant 0 : i32
    %dma_start3A_135 = tpu.memref_slice %arg4[%add3A_130, %dma_start3A_134] : memref<10240x384xf32, #tpu.memory_space<hbm>> -> memref<64x384xf32, #tpu.memory_space<hbm>>
    %dma_start3A_136 = arith.constant 0 : i32
    %dma_start3A_137 = tpu.memref_slice %arg4[%add3A_130, %dma_start3A_136] : memref<10240x384xf32, #tpu.memory_space<hbm>> -> memref<64x384xf32, #tpu.memory_space<hbm>>
    %dma_start3A_138 = arith.constant 256 : i32
    %dma_start3A_139 = arith.constant 0 : i32
    %dma_start3A_140 = tpu.memref_slice %arg6[%dma_start3A_138, %dma_start3A_139] : memref<320x384xf32, #tpu.memory_space<vmem>> -> memref<64x384xf32, #tpu.memory_space<vmem>>
    tpu.enqueue_dma source(%dma_start3A_140 : memref<64x384xf32, #tpu.memory_space<vmem>>) target(%dma_start3A_137 : memref<64x384xf32, #tpu.memory_space<hbm>>) target_semaphore(%arg8 : memref<!tpu.dma_semaphore, #tpu.memory_space<semaphore_mem>>)
    %dma_wait3A_141 = arith.constant 0 : i32
    %dma_wait3A_142 = arith.constant 0 : i32
    %dma_wait3A_143 = tpu.memref_slice %arg6[%dma_wait3A_141, %dma_wait3A_142] : memref<320x384xf32, #tpu.memory_space<vmem>> -> memref<64x384xf32, #tpu.memory_space<vmem>>
    %dma_wait3A_144 = arith.constant 0 : i32
    %dma_wait3A_145 = tpu.memref_slice %arg4[%add3A_50, %dma_wait3A_144] : memref<10240x384xf32, #tpu.memory_space<hbm>> -> memref<64x384xf32, #tpu.memory_space<hbm>>
    %dma_wait3A_146 = arith.constant 0 : i32
    %dma_wait3A_147 = tpu.memref_slice %arg4[%add3A_50, %dma_wait3A_146] : memref<10240x384xf32, #tpu.memory_space<hbm>> -> memref<64x384xf32, #tpu.memory_space<hbm>>
    %dma_wait3A_148 = arith.constant 0 : i32
    %dma_wait3A_149 = arith.constant 0 : i32
    %dma_wait3A_150 = tpu.memref_slice %arg6[%dma_wait3A_148, %dma_wait3A_149] : memref<320x384xf32, #tpu.memory_space<vmem>> -> memref<64x384xf32, #tpu.memory_space<vmem>>
    tpu.wait_dma2 semaphore(%arg8 : memref<!tpu.dma_semaphore, #tpu.memory_space<semaphore_mem>>) src(%dma_wait3A_150 : memref<64x384xf32, #tpu.memory_space<vmem>>) dst(%dma_wait3A_147 : memref<64x384xf32, #tpu.memory_space<hbm>>)
    %dma_wait3A_151 = arith.constant 64 : i32
    %dma_wait3A_152 = arith.constant 0 : i32
    %dma_wait3A_153 = tpu.memref_slice %arg6[%dma_wait3A_151, %dma_wait3A_152] : memref<320x384xf32, #tpu.memory_space<vmem>> -> memref<64x384xf32, #tpu.memory_space<vmem>>
    %dma_wait3A_154 = arith.constant 0 : i32
    %dma_wait3A_155 = tpu.memref_slice %arg4[%add3A_70, %dma_wait3A_154] : memref<10240x384xf32, #tpu.memory_space<hbm>> -> memref<64x384xf32, #tpu.memory_space<hbm>>
    %dma_wait3A_156 = arith.constant 0 : i32
    %dma_wait3A_157 = tpu.memref_slice %arg4[%add3A_70, %dma_wait3A_156] : memref<10240x384xf32, #tpu.memory_space<hbm>> -> memref<64x384xf32, #tpu.memory_space<hbm>>
    %dma_wait3A_158 = arith.constant 64 : i32
    %dma_wait3A_159 = arith.constant 0 : i32
    %dma_wait3A_160 = tpu.memref_slice %arg6[%dma_wait3A_158, %dma_wait3A_159] : memref<320x384xf32, #tpu.memory_space<vmem>> -> memref<64x384xf32, #tpu.memory_space<vmem>>
    tpu.wait_dma2 semaphore(%arg8 : memref<!tpu.dma_semaphore, #tpu.memory_space<semaphore_mem>>) src(%dma_wait3A_160 : memref<64x384xf32, #tpu.memory_space<vmem>>) dst(%dma_wait3A_157 : memref<64x384xf32, #tpu.memory_space<hbm>>)
    %dma_wait3A_161 = arith.constant 128 : i32
    %dma_wait3A_162 = arith.constant 0 : i32
    %dma_wait3A_163 = tpu.memref_slice %arg6[%dma_wait3A_161, %dma_wait3A_162] : memref<320x384xf32, #tpu.memory_space<vmem>> -> memref<64x384xf32, #tpu.memory_space<vmem>>
    %dma_wait3A_164 = arith.constant 0 : i32
    %dma_wait3A_165 = tpu.memref_slice %arg4[%add3A_90, %dma_wait3A_164] : memref<10240x384xf32, #tpu.memory_space<hbm>> -> memref<64x384xf32, #tpu.memory_space<hbm>>
    %dma_wait3A_166 = arith.constant 0 : i32
    %dma_wait3A_167 = tpu.memref_slice %arg4[%add3A_90, %dma_wait3A_166] : memref<10240x384xf32, #tpu.memory_space<hbm>> -> memref<64x384xf32, #tpu.memory_space<hbm>>
    %dma_wait3A_168 = arith.constant 128 : i32
    %dma_wait3A_169 = arith.constant 0 : i32
    %dma_wait3A_170 = tpu.memref_slice %arg6[%dma_wait3A_168, %dma_wait3A_169] : memref<320x384xf32, #tpu.memory_space<vmem>> -> memref<64x384xf32, #tpu.memory_space<vmem>>
    tpu.wait_dma2 semaphore(%arg8 : memref<!tpu.dma_semaphore, #tpu.memory_space<semaphore_mem>>) src(%dma_wait3A_170 : memref<64x384xf32, #tpu.memory_space<vmem>>) dst(%dma_wait3A_167 : memref<64x384xf32, #tpu.memory_space<hbm>>)
    %dma_wait3A_171 = arith.constant 192 : i32
    %dma_wait3A_172 = arith.constant 0 : i32
    %dma_wait3A_173 = tpu.memref_slice %arg6[%dma_wait3A_171, %dma_wait3A_172] : memref<320x384xf32, #tpu.memory_space<vmem>> -> memref<64x384xf32, #tpu.memory_space<vmem>>
    %dma_wait3A_174 = arith.constant 0 : i32
    %dma_wait3A_175 = tpu.memref_slice %arg4[%add3A_110, %dma_wait3A_174] : memref<10240x384xf32, #tpu.memory_space<hbm>> -> memref<64x384xf32, #tpu.memory_space<hbm>>
    %dma_wait3A_176 = arith.constant 0 : i32
    %dma_wait3A_177 = tpu.memref_slice %arg4[%add3A_110, %dma_wait3A_176] : memref<10240x384xf32, #tpu.memory_space<hbm>> -> memref<64x384xf32, #tpu.memory_space<hbm>>
    %dma_wait3A_178 = arith.constant 192 : i32
    %dma_wait3A_179 = arith.constant 0 : i32
    %dma_wait3A_180 = tpu.memref_slice %arg6[%dma_wait3A_178, %dma_wait3A_179] : memref<320x384xf32, #tpu.memory_space<vmem>> -> memref<64x384xf32, #tpu.memory_space<vmem>>
    tpu.wait_dma2 semaphore(%arg8 : memref<!tpu.dma_semaphore, #tpu.memory_space<semaphore_mem>>) src(%dma_wait3A_180 : memref<64x384xf32, #tpu.memory_space<vmem>>) dst(%dma_wait3A_177 : memref<64x384xf32, #tpu.memory_space<hbm>>)
    %dma_wait3A_181 = arith.constant 256 : i32
    %dma_wait3A_182 = arith.constant 0 : i32
    %dma_wait3A_183 = tpu.memref_slice %arg6[%dma_wait3A_181, %dma_wait3A_182] : memref<320x384xf32, #tpu.memory_space<vmem>> -> memref<64x384xf32, #tpu.memory_space<vmem>>
    %dma_wait3A_184 = arith.constant 0 : i32
    %dma_wait3A_185 = tpu.memref_slice %arg4[%add3A_130, %dma_wait3A_184] : memref<10240x384xf32, #tpu.memory_space<hbm>> -> memref<64x384xf32, #tpu.memory_space<hbm>>
    %dma_wait3A_186 = arith.constant 0 : i32
    %dma_wait3A_187 = tpu.memref_slice %arg4[%add3A_130, %dma_wait3A_186] : memref<10240x384xf32, #tpu.memory_space<hbm>> -> memref<64x384xf32, #tpu.memory_space<hbm>>
    %dma_wait3A_188 = arith.constant 256 : i32
    %dma_wait3A_189 = arith.constant 0 : i32
    %dma_wait3A_190 = tpu.memref_slice %arg6[%dma_wait3A_188, %dma_wait3A_189] : memref<320x384xf32, #tpu.memory_space<vmem>> -> memref<64x384xf32, #tpu.memory_space<vmem>>
    tpu.wait_dma2 semaphore(%arg8 : memref<!tpu.dma_semaphore, #tpu.memory_space<semaphore_mem>>) src(%dma_wait3A_190 : memref<64x384xf32, #tpu.memory_space<vmem>>) dst(%dma_wait3A_187 : memref<64x384xf32, #tpu.memory_space<hbm>>)
    return
  }
}

#map = affine_map<(d0, d1) -> (0, 0)>
#map1 = affine_map<(d0, d1) -> (0)>
module attributes {stable_mosaic.version = 14 : i64} {
  func.func @_sc_gather(%arg0: i32, %arg1: i32, %arg2: memref<10240x384xf32, #tpu.memory_space<hbm>>, %arg3: memref<10240xi32, #tpu.memory_space<hbm>>, %arg4: memref<10240x384xf32, #tpu.memory_space<hbm>>, %arg5: memref<320xi32, #tpu.memory_space<vmem>>, %arg6: memref<320x384xf32, #tpu.memory_space<vmem>>, %arg7: memref<!tpu.dma_semaphore, #tpu.memory_space<semaphore_mem>>, %arg8: memref<!tpu.dma_semaphore, #tpu.memory_space<semaphore_mem>>) attributes {dimension_semantics = [#tpu.dimension_semantics<core_parallel>, #tpu.dimension_semantics<subcore_parallel>], iteration_bounds = array<i64: 2, 16>, scalar_prefetch = 0 : i64, scratch_operands = 4 : i64, tpu.core_type = #tpu.core_type<sc_vector_subcore>, window_params = [{transform_indices = #map}, {transform_indices = #map1}, {transform_indices = #map}]} {
    %mul3A = arith.constant 2 : i32
    %mul3A_0 = arith.muli %arg1, %mul3A : i32
    %add3A = arith.addi %mul3A_0, %arg0 : i32
    %mul3A_1 = arith.constant 320 : i32
    %mul3A_2 = arith.muli %add3A, %mul3A_1 : i32
    "tpu.region"() ({
      %run_scoped3A = tpu.sem_alloc : memref<!tpu.dma_semaphore, #tpu.memory_space<semaphore_mem>>
      %dma_start3A_191 = tpu.memref_slice %arg3[%mul3A_2] : memref<10240xi32, #tpu.memory_space<hbm>> -> memref<320xi32, #tpu.memory_space<hbm>>
      %dma_start3A_192 = tpu.memref_slice %arg3[%mul3A_2] : memref<10240xi32, #tpu.memory_space<hbm>> -> memref<320xi32, #tpu.memory_space<hbm>>
      tpu.enqueue_dma source(%dma_start3A_192 : memref<320xi32, #tpu.memory_space<hbm>>) target(%arg5 : memref<320xi32, #tpu.memory_space<vmem>>) target_semaphore(%run_scoped3A : memref<!tpu.dma_semaphore, #tpu.memory_space<semaphore_mem>>)
      %dma_wait3A_193 = tpu.memref_slice %arg3[%mul3A_2] : memref<10240xi32, #tpu.memory_space<hbm>> -> memref<320xi32, #tpu.memory_space<hbm>>
      %dma_wait3A_194 = tpu.memref_slice %arg3[%mul3A_2] : memref<10240xi32, #tpu.memory_space<hbm>> -> memref<320xi32, #tpu.memory_space<hbm>>
      tpu.wait_dma2 semaphore(%run_scoped3A : memref<!tpu.dma_semaphore, #tpu.memory_space<semaphore_mem>>) src(%dma_wait3A_194 : memref<320xi32, #tpu.memory_space<hbm>>) dst(%arg5 : memref<320xi32, #tpu.memory_space<vmem>>)
      tpu.yield
    }) : () -> ()
    %dma_start3A = arith.constant 0 : i32
    %dma_start3A_3 = arith.constant 0 : i32
    %dma_start3A_4 = tpu.memref_slice %arg6[%dma_start3A, %dma_start3A_3] : memref<320x384xf32, #tpu.memory_space<vmem>> -> memref<64x384xf32, #tpu.memory_space<vmem>>
    %dma_start3A_5 = arith.constant 0 : i32
    %dma_start3A_6 = tpu.memref_slice %arg5[%dma_start3A_5] : memref<320xi32, #tpu.memory_space<vmem>> -> memref<64xi32, #tpu.memory_space<vmem>>
    %dma_start3A_7 = arith.constant 0 : i32
    %dma_start3A_8 = arith.constant 0 : i32
    %dma_start3A_9 = tpu.memref_slice %arg2[%dma_start3A_7, %dma_start3A_8] : memref<10240x384xf32, #tpu.memory_space<hbm>> -> memref<10240x384xf32, #tpu.memory_space<hbm>>
    tpu.enqueue_indirect_dma source(%dma_start3A_9 : memref<10240x384xf32, #tpu.memory_space<hbm>>) target(%dma_start3A_4 : memref<64x384xf32, #tpu.memory_space<vmem>>) offsets(%dma_start3A_6 : memref<64xi32, #tpu.memory_space<vmem>>) semaphore(%arg7 : memref<!tpu.dma_semaphore, #tpu.memory_space<semaphore_mem>>)
    %dma_start3A_10 = arith.constant 64 : i32
    %dma_start3A_11 = arith.constant 0 : i32
    %dma_start3A_12 = tpu.memref_slice %arg6[%dma_start3A_10, %dma_start3A_11] : memref<320x384xf32, #tpu.memory_space<vmem>> -> memref<64x384xf32, #tpu.memory_space<vmem>>
    %dma_start3A_13 = arith.constant 64 : i32
    %dma_start3A_14 = tpu.memref_slice %arg5[%dma_start3A_13] : memref<320xi32, #tpu.memory_space<vmem>> -> memref<64xi32, #tpu.memory_space<vmem>>
    %dma_start3A_15 = arith.constant 0 : i32
    %dma_start3A_16 = arith.constant 0 : i32
    %dma_start3A_17 = tpu.memref_slice %arg2[%dma_start3A_15, %dma_start3A_16] : memref<10240x384xf32, #tpu.memory_space<hbm>> -> memref<10240x384xf32, #tpu.memory_space<hbm>>
    tpu.enqueue_indirect_dma source(%dma_start3A_17 : memref<10240x384xf32, #tpu.memory_space<hbm>>) target(%dma_start3A_12 : memref<64x384xf32, #tpu.memory_space<vmem>>) offsets(%dma_start3A_14 : memref<64xi32, #tpu.memory_space<vmem>>) semaphore(%arg7 : memref<!tpu.dma_semaphore, #tpu.memory_space<semaphore_mem>>)
    %dma_start3A_18 = arith.constant 128 : i32
    %dma_start3A_19 = arith.constant 0 : i32
    %dma_start3A_20 = tpu.memref_slice %arg6[%dma_start3A_18, %dma_start3A_19] : memref<320x384xf32, #tpu.memory_space<vmem>> -> memref<64x384xf32, #tpu.memory_space<vmem>>
    %dma_start3A_21 = arith.constant 128 : i32
    %dma_start3A_22 = tpu.memref_slice %arg5[%dma_start3A_21] : memref<320xi32, #tpu.memory_space<vmem>> -> memref<64xi32, #tpu.memory_space<vmem>>
    %dma_start3A_23 = arith.constant 0 : i32
    %dma_start3A_24 = arith.constant 0 : i32
    %dma_start3A_25 = tpu.memref_slice %arg2[%dma_start3A_23, %dma_start3A_24] : memref<10240x384xf32, #tpu.memory_space<hbm>> -> memref<10240x384xf32, #tpu.memory_space<hbm>>
    tpu.enqueue_indirect_dma source(%dma_start3A_25 : memref<10240x384xf32, #tpu.memory_space<hbm>>) target(%dma_start3A_20 : memref<64x384xf32, #tpu.memory_space<vmem>>) offsets(%dma_start3A_22 : memref<64xi32, #tpu.memory_space<vmem>>) semaphore(%arg7 : memref<!tpu.dma_semaphore, #tpu.memory_space<semaphore_mem>>)
    %dma_start3A_26 = arith.constant 192 : i32
    %dma_start3A_27 = arith.constant 0 : i32
    %dma_start3A_28 = tpu.memref_slice %arg6[%dma_start3A_26, %dma_start3A_27] : memref<320x384xf32, #tpu.memory_space<vmem>> -> memref<64x384xf32, #tpu.memory_space<vmem>>
    %dma_start3A_29 = arith.constant 192 : i32
    %dma_start3A_30 = tpu.memref_slice %arg5[%dma_start3A_29] : memref<320xi32, #tpu.memory_space<vmem>> -> memref<64xi32, #tpu.memory_space<vmem>>
    %dma_start3A_31 = arith.constant 0 : i32
    %dma_start3A_32 = arith.constant 0 : i32
    %dma_start3A_33 = tpu.memref_slice %arg2[%dma_start3A_31, %dma_start3A_32] : memref<10240x384xf32, #tpu.memory_space<hbm>> -> memref<10240x384xf32, #tpu.memory_space<hbm>>
    tpu.enqueue_indirect_dma source(%dma_start3A_33 : memref<10240x384xf32, #tpu.memory_space<hbm>>) target(%dma_start3A_28 : memref<64x384xf32, #tpu.memory_space<vmem>>) offsets(%dma_start3A_30 : memref<64xi32, #tpu.memory_space<vmem>>) semaphore(%arg7 : memref<!tpu.dma_semaphore, #tpu.memory_space<semaphore_mem>>)
    %dma_start3A_34 = arith.constant 256 : i32
    %dma_start3A_35 = arith.constant 0 : i32
    %dma_start3A_36 = tpu.memref_slice %arg6[%dma_start3A_34, %dma_start3A_35] : memref<320x384xf32, #tpu.memory_space<vmem>> -> memref<64x384xf32, #tpu.memory_space<vmem>>
    %dma_start3A_37 = arith.constant 256 : i32
    %dma_start3A_38 = tpu.memref_slice %arg5[%dma_start3A_37] : memref<320xi32, #tpu.memory_space<vmem>> -> memref<64xi32, #tpu.memory_space<vmem>>
    %dma_start3A_39 = arith.constant 0 : i32
    %dma_start3A_40 = arith.constant 0 : i32
    %dma_start3A_41 = tpu.memref_slice %arg2[%dma_start3A_39, %dma_start3A_40] : memref<10240x384xf32, #tpu.memory_space<hbm>> -> memref<10240x384xf32, #tpu.memory_space<hbm>>
    tpu.enqueue_indirect_dma source(%dma_start3A_41 : memref<10240x384xf32, #tpu.memory_space<hbm>>) target(%dma_start3A_36 : memref<64x384xf32, #tpu.memory_space<vmem>>) offsets(%dma_start3A_38 : memref<64xi32, #tpu.memory_space<vmem>>) semaphore(%arg7 : memref<!tpu.dma_semaphore, #tpu.memory_space<semaphore_mem>>)
    %dma_wait3A = arith.constant 0 : i32
    %dma_wait3A_42 = arith.constant 0 : i32
    %dma_wait3A_43 = tpu.memref_slice %arg6[%dma_wait3A, %dma_wait3A_42] : memref<320x384xf32, #tpu.memory_space<vmem>> -> memref<64x384xf32, #tpu.memory_space<vmem>>
    %dma_wait3A_44 = arith.constant 0 : i32
    %dma_wait3A_45 = tpu.memref_slice %arg5[%dma_wait3A_44] : memref<320xi32, #tpu.memory_space<vmem>> -> memref<64xi32, #tpu.memory_space<vmem>>
    %dma_wait3A_46 = arith.constant 0 : i32
    %dma_wait3A_47 = arith.constant 0 : i32
    %dma_wait3A_48 = tpu.memref_slice %arg2[%dma_wait3A_46, %dma_wait3A_47] : memref<10240x384xf32, #tpu.memory_space<hbm>> -> memref<10240x384xf32, #tpu.memory_space<hbm>>
    tpu.wait_indirect_dma semaphore(%arg7 : memref<!tpu.dma_semaphore, #tpu.memory_space<semaphore_mem>>) src(%dma_wait3A_48 : memref<10240x384xf32, #tpu.memory_space<hbm>>) dst(%dma_wait3A_43 : memref<64x384xf32, #tpu.memory_space<vmem>>)
    %add3A_49 = arith.constant 0 : i32
    %add3A_50 = arith.addi %mul3A_2, %add3A_49 : i32
    %dma_start3A_51 = arith.constant 0 : i32
    %dma_start3A_52 = arith.constant 0 : i32
    %dma_start3A_53 = tpu.memref_slice %arg6[%dma_start3A_51, %dma_start3A_52] : memref<320x384xf32, #tpu.memory_space<vmem>> -> memref<64x384xf32, #tpu.memory_space<vmem>>
    %dma_start3A_54 = arith.constant 0 : i32
    %dma_start3A_55 = tpu.memref_slice %arg4[%add3A_50, %dma_start3A_54] : memref<10240x384xf32, #tpu.memory_space<hbm>> -> memref<64x384xf32, #tpu.memory_space<hbm>>
    %dma_start3A_56 = arith.constant 0 : i32
    %dma_start3A_57 = tpu.memref_slice %arg4[%add3A_50, %dma_start3A_56] : memref<10240x384xf32, #tpu.memory_space<hbm>> -> memref<64x384xf32, #tpu.memory_space<hbm>>
    %dma_start3A_58 = arith.constant 0 : i32
    %dma_start3A_59 = arith.constant 0 : i32
    %dma_start3A_60 = tpu.memref_slice %arg6[%dma_start3A_58, %dma_start3A_59] : memref<320x384xf32, #tpu.memory_space<vmem>> -> memref<64x384xf32, #tpu.memory_space<vmem>>
    tpu.enqueue_dma source(%dma_start3A_60 : memref<64x384xf32, #tpu.memory_space<vmem>>) target(%dma_start3A_57 : memref<64x384xf32, #tpu.memory_space<hbm>>) target_semaphore(%arg8 : memref<!tpu.dma_semaphore, #tpu.memory_space<semaphore_mem>>)
    %dma_wait3A_61 = arith.constant 64 : i32
    %dma_wait3A_62 = arith.constant 0 : i32
    %dma_wait3A_63 = tpu.memref_slice %arg6[%dma_wait3A_61, %dma_wait3A_62] : memref<320x384xf32, #tpu.memory_space<vmem>> -> memref<64x384xf32, #tpu.memory_space<vmem>>
    %dma_wait3A_64 = arith.constant 64 : i32
    %dma_wait3A_65 = tpu.memref_slice %arg5[%dma_wait3A_64] : memref<320xi32, #tpu.memory_space<vmem>> -> memref<64xi32, #tpu.memory_space<vmem>>
    %dma_wait3A_66 = arith.constant 0 : i32
    %dma_wait3A_67 = arith.constant 0 : i32
    %dma_wait3A_68 = tpu.memref_slice %arg2[%dma_wait3A_66, %dma_wait3A_67] : memref<10240x384xf32, #tpu.memory_space<hbm>> -> memref<10240x384xf32, #tpu.memory_space<hbm>>
    tpu.wait_indirect_dma semaphore(%arg7 : memref<!tpu.dma_semaphore, #tpu.memory_space<semaphore_mem>>) src(%dma_wait3A_68 : memref<10240x384xf32, #tpu.memory_space<hbm>>) dst(%dma_wait3A_63 : memref<64x384xf32, #tpu.memory_space<vmem>>)
    %add3A_69 = arith.constant 64 : i32
    %add3A_70 = arith.addi %mul3A_2, %add3A_69 : i32
    %dma_start3A_71 = arith.constant 64 : i32
    %dma_start3A_72 = arith.constant 0 : i32
    %dma_start3A_73 = tpu.memref_slice %arg6[%dma_start3A_71, %dma_start3A_72] : memref<320x384xf32, #tpu.memory_space<vmem>> -> memref<64x384xf32, #tpu.memory_space<vmem>>
    %dma_start3A_74 = arith.constant 0 : i32
    %dma_start3A_75 = tpu.memref_slice %arg4[%add3A_70, %dma_start3A_74] : memref<10240x384xf32, #tpu.memory_space<hbm>> -> memref<64x384xf32, #tpu.memory_space<hbm>>
    %dma_start3A_76 = arith.constant 0 : i32
    %dma_start3A_77 = tpu.memref_slice %arg4[%add3A_70, %dma_start3A_76] : memref<10240x384xf32, #tpu.memory_space<hbm>> -> memref<64x384xf32, #tpu.memory_space<hbm>>
    %dma_start3A_78 = arith.constant 64 : i32
    %dma_start3A_79 = arith.constant 0 : i32
    %dma_start3A_80 = tpu.memref_slice %arg6[%dma_start3A_78, %dma_start3A_79] : memref<320x384xf32, #tpu.memory_space<vmem>> -> memref<64x384xf32, #tpu.memory_space<vmem>>
    tpu.enqueue_dma source(%dma_start3A_80 : memref<64x384xf32, #tpu.memory_space<vmem>>) target(%dma_start3A_77 : memref<64x384xf32, #tpu.memory_space<hbm>>) target_semaphore(%arg8 : memref<!tpu.dma_semaphore, #tpu.memory_space<semaphore_mem>>)
    %dma_wait3A_81 = arith.constant 128 : i32
    %dma_wait3A_82 = arith.constant 0 : i32
    %dma_wait3A_83 = tpu.memref_slice %arg6[%dma_wait3A_81, %dma_wait3A_82] : memref<320x384xf32, #tpu.memory_space<vmem>> -> memref<64x384xf32, #tpu.memory_space<vmem>>
    %dma_wait3A_84 = arith.constant 128 : i32
    %dma_wait3A_85 = tpu.memref_slice %arg5[%dma_wait3A_84] : memref<320xi32, #tpu.memory_space<vmem>> -> memref<64xi32, #tpu.memory_space<vmem>>
    %dma_wait3A_86 = arith.constant 0 : i32
    %dma_wait3A_87 = arith.constant 0 : i32
    %dma_wait3A_88 = tpu.memref_slice %arg2[%dma_wait3A_86, %dma_wait3A_87] : memref<10240x384xf32, #tpu.memory_space<hbm>> -> memref<10240x384xf32, #tpu.memory_space<hbm>>
    tpu.wait_indirect_dma semaphore(%arg7 : memref<!tpu.dma_semaphore, #tpu.memory_space<semaphore_mem>>) src(%dma_wait3A_88 : memref<10240x384xf32, #tpu.memory_space<hbm>>) dst(%dma_wait3A_83 : memref<64x384xf32, #tpu.memory_space<vmem>>)
    %add3A_89 = arith.constant 128 : i32
    %add3A_90 = arith.addi %mul3A_2, %add3A_89 : i32
    %dma_start3A_91 = arith.constant 128 : i32
    %dma_start3A_92 = arith.constant 0 : i32
    %dma_start3A_93 = tpu.memref_slice %arg6[%dma_start3A_91, %dma_start3A_92] : memref<320x384xf32, #tpu.memory_space<vmem>> -> memref<64x384xf32, #tpu.memory_space<vmem>>
    %dma_start3A_94 = arith.constant 0 : i32
    %dma_start3A_95 = tpu.memref_slice %arg4[%add3A_90, %dma_start3A_94] : memref<10240x384xf32, #tpu.memory_space<hbm>> -> memref<64x384xf32, #tpu.memory_space<hbm>>
    %dma_start3A_96 = arith.constant 0 : i32
    %dma_start3A_97 = tpu.memref_slice %arg4[%add3A_90, %dma_start3A_96] : memref<10240x384xf32, #tpu.memory_space<hbm>> -> memref<64x384xf32, #tpu.memory_space<hbm>>
    %dma_start3A_98 = arith.constant 128 : i32
    %dma_start3A_99 = arith.constant 0 : i32
    %dma_start3A_100 = tpu.memref_slice %arg6[%dma_start3A_98, %dma_start3A_99] : memref<320x384xf32, #tpu.memory_space<vmem>> -> memref<64x384xf32, #tpu.memory_space<vmem>>
    tpu.enqueue_dma source(%dma_start3A_100 : memref<64x384xf32, #tpu.memory_space<vmem>>) target(%dma_start3A_97 : memref<64x384xf32, #tpu.memory_space<hbm>>) target_semaphore(%arg8 : memref<!tpu.dma_semaphore, #tpu.memory_space<semaphore_mem>>)
    %dma_wait3A_101 = arith.constant 192 : i32
    %dma_wait3A_102 = arith.constant 0 : i32
    %dma_wait3A_103 = tpu.memref_slice %arg6[%dma_wait3A_101, %dma_wait3A_102] : memref<320x384xf32, #tpu.memory_space<vmem>> -> memref<64x384xf32, #tpu.memory_space<vmem>>
    %dma_wait3A_104 = arith.constant 192 : i32
    %dma_wait3A_105 = tpu.memref_slice %arg5[%dma_wait3A_104] : memref<320xi32, #tpu.memory_space<vmem>> -> memref<64xi32, #tpu.memory_space<vmem>>
    %dma_wait3A_106 = arith.constant 0 : i32
    %dma_wait3A_107 = arith.constant 0 : i32
    %dma_wait3A_108 = tpu.memref_slice %arg2[%dma_wait3A_106, %dma_wait3A_107] : memref<10240x384xf32, #tpu.memory_space<hbm>> -> memref<10240x384xf32, #tpu.memory_space<hbm>>
    tpu.wait_indirect_dma semaphore(%arg7 : memref<!tpu.dma_semaphore, #tpu.memory_space<semaphore_mem>>) src(%dma_wait3A_108 : memref<10240x384xf32, #tpu.memory_space<hbm>>) dst(%dma_wait3A_103 : memref<64x384xf32, #tpu.memory_space<vmem>>)
    %add3A_109 = arith.constant 192 : i32
    %add3A_110 = arith.addi %mul3A_2, %add3A_109 : i32
    %dma_start3A_111 = arith.constant 192 : i32
    %dma_start3A_112 = arith.constant 0 : i32
    %dma_start3A_113 = tpu.memref_slice %arg6[%dma_start3A_111, %dma_start3A_112] : memref<320x384xf32, #tpu.memory_space<vmem>> -> memref<64x384xf32, #tpu.memory_space<vmem>>
    %dma_start3A_114 = arith.constant 0 : i32
    %dma_start3A_115 = tpu.memref_slice %arg4[%add3A_110, %dma_start3A_114] : memref<10240x384xf32, #tpu.memory_space<hbm>> -> memref<64x384xf32, #tpu.memory_space<hbm>>
    %dma_start3A_116 = arith.constant 0 : i32
    %dma_start3A_117 = tpu.memref_slice %arg4[%add3A_110, %dma_start3A_116] : memref<10240x384xf32, #tpu.memory_space<hbm>> -> memref<64x384xf32, #tpu.memory_space<hbm>>
    %dma_start3A_118 = arith.constant 192 : i32
    %dma_start3A_119 = arith.constant 0 : i32
    %dma_start3A_120 = tpu.memref_slice %arg6[%dma_start3A_118, %dma_start3A_119] : memref<320x384xf32, #tpu.memory_space<vmem>> -> memref<64x384xf32, #tpu.memory_space<vmem>>
    tpu.enqueue_dma source(%dma_start3A_120 : memref<64x384xf32, #tpu.memory_space<vmem>>) target(%dma_start3A_117 : memref<64x384xf32, #tpu.memory_space<hbm>>) target_semaphore(%arg8 : memref<!tpu.dma_semaphore, #tpu.memory_space<semaphore_mem>>)
    %dma_wait3A_121 = arith.constant 256 : i32
    %dma_wait3A_122 = arith.constant 0 : i32
    %dma_wait3A_123 = tpu.memref_slice %arg6[%dma_wait3A_121, %dma_wait3A_122] : memref<320x384xf32, #tpu.memory_space<vmem>> -> memref<64x384xf32, #tpu.memory_space<vmem>>
    %dma_wait3A_124 = arith.constant 256 : i32
    %dma_wait3A_125 = tpu.memref_slice %arg5[%dma_wait3A_124] : memref<320xi32, #tpu.memory_space<vmem>> -> memref<64xi32, #tpu.memory_space<vmem>>
    %dma_wait3A_126 = arith.constant 0 : i32
    %dma_wait3A_127 = arith.constant 0 : i32
    %dma_wait3A_128 = tpu.memref_slice %arg2[%dma_wait3A_126, %dma_wait3A_127] : memref<10240x384xf32, #tpu.memory_space<hbm>> -> memref<10240x384xf32, #tpu.memory_space<hbm>>
    tpu.wait_indirect_dma semaphore(%arg7 : memref<!tpu.dma_semaphore, #tpu.memory_space<semaphore_mem>>) src(%dma_wait3A_128 : memref<10240x384xf32, #tpu.memory_space<hbm>>) dst(%dma_wait3A_123 : memref<64x384xf32, #tpu.memory_space<vmem>>)
    %add3A_129 = arith.constant 256 : i32
    %add3A_130 = arith.addi %mul3A_2, %add3A_129 : i32
    %dma_start3A_131 = arith.constant 256 : i32
    %dma_start3A_132 = arith.constant 0 : i32
    %dma_start3A_133 = tpu.memref_slice %arg6[%dma_start3A_131, %dma_start3A_132] : memref<320x384xf32, #tpu.memory_space<vmem>> -> memref<64x384xf32, #tpu.memory_space<vmem>>
    %dma_start3A_134 = arith.constant 0 : i32
    %dma_start3A_135 = tpu.memref_slice %arg4[%add3A_130, %dma_start3A_134] : memref<10240x384xf32, #tpu.memory_space<hbm>> -> memref<64x384xf32, #tpu.memory_space<hbm>>
    %dma_start3A_136 = arith.constant 0 : i32
    %dma_start3A_137 = tpu.memref_slice %arg4[%add3A_130, %dma_start3A_136] : memref<10240x384xf32, #tpu.memory_space<hbm>> -> memref<64x384xf32, #tpu.memory_space<hbm>>
    %dma_start3A_138 = arith.constant 256 : i32
    %dma_start3A_139 = arith.constant 0 : i32
    %dma_start3A_140 = tpu.memref_slice %arg6[%dma_start3A_138, %dma_start3A_139] : memref<320x384xf32, #tpu.memory_space<vmem>> -> memref<64x384xf32, #tpu.memory_space<vmem>>
    tpu.enqueue_dma source(%dma_start3A_140 : memref<64x384xf32, #tpu.memory_space<vmem>>) target(%dma_start3A_137 : memref<64x384xf32, #tpu.memory_space<hbm>>) target_semaphore(%arg8 : memref<!tpu.dma_semaphore, #tpu.memory_space<semaphore_mem>>)
    %dma_wait3A_141 = arith.constant 0 : i32
    %dma_wait3A_142 = arith.constant 0 : i32
    %dma_wait3A_143 = tpu.memref_slice %arg6[%dma_wait3A_141, %dma_wait3A_142] : memref<320x384xf32, #tpu.memory_space<vmem>> -> memref<64x384xf32, #tpu.memory_space<vmem>>
    %dma_wait3A_144 = arith.constant 0 : i32
    %dma_wait3A_145 = tpu.memref_slice %arg4[%add3A_50, %dma_wait3A_144] : memref<10240x384xf32, #tpu.memory_space<hbm>> -> memref<64x384xf32, #tpu.memory_space<hbm>>
    %dma_wait3A_146 = arith.constant 0 : i32
    %dma_wait3A_147 = tpu.memref_slice %arg4[%add3A_50, %dma_wait3A_146] : memref<10240x384xf32, #tpu.memory_space<hbm>> -> memref<64x384xf32, #tpu.memory_space<hbm>>
    %dma_wait3A_148 = arith.constant 0 : i32
    %dma_wait3A_149 = arith.constant 0 : i32
    %dma_wait3A_150 = tpu.memref_slice %arg6[%dma_wait3A_148, %dma_wait3A_149] : memref<320x384xf32, #tpu.memory_space<vmem>> -> memref<64x384xf32, #tpu.memory_space<vmem>>
    tpu.wait_dma2 semaphore(%arg8 : memref<!tpu.dma_semaphore, #tpu.memory_space<semaphore_mem>>) src(%dma_wait3A_150 : memref<64x384xf32, #tpu.memory_space<vmem>>) dst(%dma_wait3A_147 : memref<64x384xf32, #tpu.memory_space<hbm>>)
    %dma_wait3A_151 = arith.constant 64 : i32
    %dma_wait3A_152 = arith.constant 0 : i32
    %dma_wait3A_153 = tpu.memref_slice %arg6[%dma_wait3A_151, %dma_wait3A_152] : memref<320x384xf32, #tpu.memory_space<vmem>> -> memref<64x384xf32, #tpu.memory_space<vmem>>
    %dma_wait3A_154 = arith.constant 0 : i32
    %dma_wait3A_155 = tpu.memref_slice %arg4[%add3A_70, %dma_wait3A_154] : memref<10240x384xf32, #tpu.memory_space<hbm>> -> memref<64x384xf32, #tpu.memory_space<hbm>>
    %dma_wait3A_156 = arith.constant 0 : i32
    %dma_wait3A_157 = tpu.memref_slice %arg4[%add3A_70, %dma_wait3A_156] : memref<10240x384xf32, #tpu.memory_space<hbm>> -> memref<64x384xf32, #tpu.memory_space<hbm>>
    %dma_wait3A_158 = arith.constant 64 : i32
    %dma_wait3A_159 = arith.constant 0 : i32
    %dma_wait3A_160 = tpu.memref_slice %arg6[%dma_wait3A_158, %dma_wait3A_159] : memref<320x384xf32, #tpu.memory_space<vmem>> -> memref<64x384xf32, #tpu.memory_space<vmem>>
    tpu.wait_dma2 semaphore(%arg8 : memref<!tpu.dma_semaphore, #tpu.memory_space<semaphore_mem>>) src(%dma_wait3A_160 : memref<64x384xf32, #tpu.memory_space<vmem>>) dst(%dma_wait3A_157 : memref<64x384xf32, #tpu.memory_space<hbm>>)
    %dma_wait3A_161 = arith.constant 128 : i32
    %dma_wait3A_162 = arith.constant 0 : i32
    %dma_wait3A_163 = tpu.memref_slice %arg6[%dma_wait3A_161, %dma_wait3A_162] : memref<320x384xf32, #tpu.memory_space<vmem>> -> memref<64x384xf32, #tpu.memory_space<vmem>>
    %dma_wait3A_164 = arith.constant 0 : i32
    %dma_wait3A_165 = tpu.memref_slice %arg4[%add3A_90, %dma_wait3A_164] : memref<10240x384xf32, #tpu.memory_space<hbm>> -> memref<64x384xf32, #tpu.memory_space<hbm>>
    %dma_wait3A_166 = arith.constant 0 : i32
    %dma_wait3A_167 = tpu.memref_slice %arg4[%add3A_90, %dma_wait3A_166] : memref<10240x384xf32, #tpu.memory_space<hbm>> -> memref<64x384xf32, #tpu.memory_space<hbm>>
    %dma_wait3A_168 = arith.constant 128 : i32
    %dma_wait3A_169 = arith.constant 0 : i32
    %dma_wait3A_170 = tpu.memref_slice %arg6[%dma_wait3A_168, %dma_wait3A_169] : memref<320x384xf32, #tpu.memory_space<vmem>> -> memref<64x384xf32, #tpu.memory_space<vmem>>
    tpu.wait_dma2 semaphore(%arg8 : memref<!tpu.dma_semaphore, #tpu.memory_space<semaphore_mem>>) src(%dma_wait3A_170 : memref<64x384xf32, #tpu.memory_space<vmem>>) dst(%dma_wait3A_167 : memref<64x384xf32, #tpu.memory_space<hbm>>)
    %dma_wait3A_171 = arith.constant 192 : i32
    %dma_wait3A_172 = arith.constant 0 : i32
    %dma_wait3A_173 = tpu.memref_slice %arg6[%dma_wait3A_171, %dma_wait3A_172] : memref<320x384xf32, #tpu.memory_space<vmem>> -> memref<64x384xf32, #tpu.memory_space<vmem>>
    %dma_wait3A_174 = arith.constant 0 : i32
    %dma_wait3A_175 = tpu.memref_slice %arg4[%add3A_110, %dma_wait3A_174] : memref<10240x384xf32, #tpu.memory_space<hbm>> -> memref<64x384xf32, #tpu.memory_space<hbm>>
    %dma_wait3A_176 = arith.constant 0 : i32
    %dma_wait3A_177 = tpu.memref_slice %arg4[%add3A_110, %dma_wait3A_176] : memref<10240x384xf32, #tpu.memory_space<hbm>> -> memref<64x384xf32, #tpu.memory_space<hbm>>
    %dma_wait3A_178 = arith.constant 192 : i32
    %dma_wait3A_179 = arith.constant 0 : i32
    %dma_wait3A_180 = tpu.memref_slice %arg6[%dma_wait3A_178, %dma_wait3A_179] : memref<320x384xf32, #tpu.memory_space<vmem>> -> memref<64x384xf32, #tpu.memory_space<vmem>>
    tpu.wait_dma2 semaphore(%arg8 : memref<!tpu.dma_semaphore, #tpu.memory_space<semaphore_mem>>) src(%dma_wait3A_180 : memref<64x384xf32, #tpu.memory_space<vmem>>) dst(%dma_wait3A_177 : memref<64x384xf32, #tpu.memory_space<hbm>>)
    %dma_wait3A_181 = arith.constant 256 : i32
    %dma_wait3A_182 = arith.constant 0 : i32
    %dma_wait3A_183 = tpu.memref_slice %arg6[%dma_wait3A_181, %dma_wait3A_182] : memref<320x384xf32, #tpu.memory_space<vmem>> -> memref<64x384xf32, #tpu.memory_space<vmem>>
    %dma_wait3A_184 = arith.constant 0 : i32
    %dma_wait3A_185 = tpu.memref_slice %arg4[%add3A_130, %dma_wait3A_184] : memref<10240x384xf32, #tpu.memory_space<hbm>> -> memref<64x384xf32, #tpu.memory_space<hbm>>
    %dma_wait3A_186 = arith.constant 0 : i32
    %dma_wait3A_187 = tpu.memref_slice %arg4[%add3A_130, %dma_wait3A_186] : memref<10240x384xf32, #tpu.memory_space<hbm>> -> memref<64x384xf32, #tpu.memory_space<hbm>>
    %dma_wait3A_188 = arith.constant 256 : i32
    %dma_wait3A_189 = arith.constant 0 : i32
    %dma_wait3A_190 = tpu.memref_slice %arg6[%dma_wait3A_188, %dma_wait3A_189] : memref<320x384xf32, #tpu.memory_space<vmem>> -> memref<64x384xf32, #tpu.memory_space<vmem>>
    tpu.wait_dma2 semaphore(%arg8 : memref<!tpu.dma_semaphore, #tpu.memory_space<semaphore_mem>>) src(%dma_wait3A_190 : memref<64x384xf32, #tpu.memory_space<vmem>>) dst(%dma_wait3A_187 : memref<64x384xf32, #tpu.memory_space<hbm>>)
    return
  }
}

#map = affine_map<(d0, d1) -> (0)>
module attributes {stable_mosaic.version = 14 : i64} {
  func.func @_win_tables(%arg0: i32, %arg1: i32, %arg2: memref<160256xi32, #tpu.memory_space<hbm>>, %arg3: memref<160256xi32, #tpu.memory_space<hbm>>, %arg4: memref<327680xi32, #tpu.memory_space<hbm>>, %arg5: memref<327680xi32, #tpu.memory_space<hbm>>, %arg6: memref<5008xi32, #tpu.memory_space<vmem>>, %arg7: memref<5008xi32, #tpu.memory_space<vmem>>, %arg8: memref<10240xi32, #tpu.memory_space<vmem>>, %arg9: memref<10240xi32, #tpu.memory_space<vmem>>) attributes {dimension_semantics = [#tpu.dimension_semantics<core_parallel>, #tpu.dimension_semantics<subcore_parallel>], iteration_bounds = array<i64: 2, 16>, scalar_prefetch = 0 : i64, scratch_operands = 4 : i64, tpu.core_type = #tpu.core_type<sc_vector_subcore>, window_params = [{transform_indices = #map}, {transform_indices = #map}, {transform_indices = #map}, {transform_indices = #map}]} {
    %mul3A = arith.constant 2 : i32
    %mul3A_0 = arith.muli %arg1, %mul3A : i32
    %add3A = arith.addi %mul3A_0, %arg0 : i32
    %mul3A_1 = arith.constant 5008 : i32
    %mul3A_2 = arith.muli %add3A, %mul3A_1 : i32
    "tpu.region"() ({
      %run_scoped3A = tpu.sem_alloc : memref<!tpu.dma_semaphore, #tpu.memory_space<semaphore_mem>>
      %dma_start3A = tpu.memref_slice %arg2[%mul3A_2] : memref<160256xi32, #tpu.memory_space<hbm>> -> memref<5008xi32, #tpu.memory_space<hbm>>
      %dma_start3A_21 = tpu.memref_slice %arg2[%mul3A_2] : memref<160256xi32, #tpu.memory_space<hbm>> -> memref<5008xi32, #tpu.memory_space<hbm>>
      tpu.enqueue_dma source(%dma_start3A_21 : memref<5008xi32, #tpu.memory_space<hbm>>) target(%arg6 : memref<5008xi32, #tpu.memory_space<vmem>>) target_semaphore(%run_scoped3A : memref<!tpu.dma_semaphore, #tpu.memory_space<semaphore_mem>>)
      %dma_wait3A = tpu.memref_slice %arg2[%mul3A_2] : memref<160256xi32, #tpu.memory_space<hbm>> -> memref<5008xi32, #tpu.memory_space<hbm>>
      %dma_wait3A_22 = tpu.memref_slice %arg2[%mul3A_2] : memref<160256xi32, #tpu.memory_space<hbm>> -> memref<5008xi32, #tpu.memory_space<hbm>>
      tpu.wait_dma2 semaphore(%run_scoped3A : memref<!tpu.dma_semaphore, #tpu.memory_space<semaphore_mem>>) src(%dma_wait3A_22 : memref<5008xi32, #tpu.memory_space<hbm>>) dst(%arg6 : memref<5008xi32, #tpu.memory_space<vmem>>)
      tpu.yield
    }) : () -> ()
    "tpu.region"() ({
      %run_scoped3A = tpu.sem_alloc : memref<!tpu.dma_semaphore, #tpu.memory_space<semaphore_mem>>
      %dma_start3A = tpu.memref_slice %arg3[%mul3A_2] : memref<160256xi32, #tpu.memory_space<hbm>> -> memref<5008xi32, #tpu.memory_space<hbm>>
      %dma_start3A_21 = tpu.memref_slice %arg3[%mul3A_2] : memref<160256xi32, #tpu.memory_space<hbm>> -> memref<5008xi32, #tpu.memory_space<hbm>>
      tpu.enqueue_dma source(%dma_start3A_21 : memref<5008xi32, #tpu.memory_space<hbm>>) target(%arg7 : memref<5008xi32, #tpu.memory_space<vmem>>) target_semaphore(%run_scoped3A : memref<!tpu.dma_semaphore, #tpu.memory_space<semaphore_mem>>)
      %dma_wait3A = tpu.memref_slice %arg3[%mul3A_2] : memref<160256xi32, #tpu.memory_space<hbm>> -> memref<5008xi32, #tpu.memory_space<hbm>>
      %dma_wait3A_22 = tpu.memref_slice %arg3[%mul3A_2] : memref<160256xi32, #tpu.memory_space<hbm>> -> memref<5008xi32, #tpu.memory_space<hbm>>
      tpu.wait_dma2 semaphore(%run_scoped3A : memref<!tpu.dma_semaphore, #tpu.memory_space<semaphore_mem>>) src(%dma_wait3A_22 : memref<5008xi32, #tpu.memory_space<hbm>>) dst(%arg7 : memref<5008xi32, #tpu.memory_space<vmem>>)
      tpu.yield
    }) : () -> ()
    %broadcast_in_dim3A = arith.constant -1 : i32
    %broadcast_in_dim3A_3 = vector.broadcast %broadcast_in_dim3A : i32 to vector<16xi32>
    %broadcast_in_dim3A_4 = arith.constant 0 : i32
    %broadcast_in_dim3A_5 = vector.broadcast %broadcast_in_dim3A_4 : i32 to vector<16xi32>
    %scan3A = arith.constant 0 : i32
    %scan3A_6 = arith.constant 0 : i32
    %scan3A_7 = arith.constant 640 : i32
    %scan3A_8 = arith.addi %scan3A_6, %scan3A_7 : i32
    %scan3A_9 = arith.constant 1 : i32
    scf.for %scan3A_21 = %scan3A_6 to %scan3A_8 step %scan3A_9  : i32 {
      %mul3A_22 = arith.constant 16 : i32
      %mul3A_23 = arith.muli %scan3A_21, %mul3A_22 : i32
      %swap3A = arith.index_cast %mul3A_23 : i32 to index
      %swap3A_24 = tpu.vector_load %arg8[%swap3A] {strides = array<i32>} : memref<10240xi32, #tpu.memory_space<vmem>>, vector<16xi32>,
      tpu.vector_store %arg8[%swap3A], %broadcast_in_dim3A_3 {strides = array<i32>} : memref<10240xi32, #tpu.memory_space<vmem>>, vector<16xi32>,
      %mul3A_25 = arith.constant 16 : i32
      %mul3A_26 = arith.muli %scan3A_21, %mul3A_25 : i32
      %swap3A_27 = arith.index_cast %mul3A_26 : i32 to index
      %swap3A_28 = tpu.vector_load %arg9[%swap3A_27] {strides = array<i32>} : memref<10240xi32, #tpu.memory_space<vmem>>, vector<16xi32>,
      tpu.vector_store %arg9[%swap3A_27], %broadcast_in_dim3A_5 {strides = array<i32>} : memref<10240xi32, #tpu.memory_space<vmem>>, vector<16xi32>,
    }
    %scan3A_10 = arith.constant 640 : i32
    %iota3A = tpu.iota {dimensions = array<i32: 0>} : vector<16xi32>
    %scan3A_11 = arith.constant 0 : i32
    %scan3A_12 = arith.constant 0 : i32
    %scan3A_13 = arith.constant 313 : i32
    %scan3A_14 = arith.addi %scan3A_12, %scan3A_13 : i32
    %scan3A_15 = arith.constant 1 : i32
    scf.for %scan3A_21 = %scan3A_12 to %scan3A_14 step %scan3A_15  : i32 {
      %mul3A_22 = arith.constant 16 : i32
      %mul3A_23 = arith.muli %scan3A_21, %mul3A_22 : i32
      %get3A = arith.index_cast %mul3A_23 : i32 to index
      %get3A_24 = tpu.vector_load %arg7[%get3A] {strides = array<i32>} : memref<5008xi32, #tpu.memory_space<vmem>>, vector<16xi32>,
      %get3A_25 = arith.index_cast %mul3A_23 : i32 to index
      %get3A_26 = tpu.vector_load %arg6[%get3A_25] {strides = array<i32>} : memref<5008xi32, #tpu.memory_space<vmem>>, vector<16xi32>,
      %mul3A_27 = arith.constant 16 : i32
      %mul3A_28 = arith.muli %scan3A_21, %mul3A_27 : i32
      %add3A_29 = arith.addi %mul3A_2, %mul3A_28 : i32
      %add3A_30 = vector.broadcast %add3A_29 : i32 to vector<16xi32>
      %add3A_31 = arith.addi %add3A_30, %iota3A : vector<16xi32>
      %ge3A = arith.constant 0 : i32
      %ge3A_32 = vector.broadcast %ge3A : i32 to vector<16xi32>
      %ge3A_33 = arith.cmpi sge, %iota3A, %ge3A_32 : vector<16xi32>
      %add3A_34 = arith.constant 1 : i32
      %add3A_35 = vector.broadcast %add3A_34 : i32 to vector<16xi32>
      %add3A_36 = arith.addi %iota3A, %add3A_35 : vector<16xi32>
      %min3A = arith.constant 15 : i32
      %min3A_37 = vector.broadcast %min3A : i32 to vector<16xi32>
      %min3A_38 = arith.minsi %add3A_36, %min3A_37 : vector<16xi32>
      %lt3A = arith.constant 0 : i32
      %lt3A_39 = vector.broadcast %lt3A : i32 to vector<16xi32>
      %lt3A_40 = arith.cmpi slt, %min3A_38, %lt3A_39 : vector<16xi32>
      %add3A_41 = arith.constant 16 : i32
      %add3A_42 = vector.broadcast %add3A_41 : i32 to vector<16xi32>
      %add3A_43 = arith.addi %min3A_38, %add3A_42 : vector<16xi32>
      %select_n3A = arith.select %lt3A_40, %add3A_43, %min3A_38 : vector<16xi1>, vector<16xi32>
      %broadcast_in_dim3A_44 = vector.shape_cast %select_n3A : vector<16xi32> to vector<16x1xi32>
      %gather3A = vector.shape_cast %broadcast_in_dim3A_44 : vector<16x1xi32> to vector<16xi32>
      %gather3A_45 = tpu.dynamic_gather %get3A_24[%gather3A] in [0] : vector<16xi32>, vector<16xi32> -> vector<16xi32>
      %ne3A = arith.cmpi ne, %gather3A_45, %get3A_24 : vector<16xi32>
      %gt3A = arith.constant 15 : i32
      %gt3A_46 = vector.broadcast %gt3A : i32 to vector<16xi32>
      %gt3A_47 = arith.cmpi sgt, %add3A_36, %gt3A_46 : vector<16xi32>
      %or3A = arith.ori %ne3A, %gt3A_47 : vector<16xi1>
      %and3A = arith.andi %ge3A_33, %or3A : vector<16xi1>
      %add3A_48 = arith.constant 2 : i32
      %add3A_49 = vector.broadcast %add3A_48 : i32 to vector<16xi32>
      %add3A_50 = arith.addi %iota3A, %add3A_49 : vector<16xi32>
      %min3A_51 = arith.constant 15 : i32
      %min3A_52 = vector.broadcast %min3A_51 : i32 to vector<16xi32>
      %min3A_53 = arith.minsi %add3A_50, %min3A_52 : vector<16xi32>
      %lt3A_54 = arith.constant 0 : i32
      %lt3A_55 = vector.broadcast %lt3A_54 : i32 to vector<16xi32>
      %lt3A_56 = arith.cmpi slt, %min3A_53, %lt3A_55 : vector<16xi32>
      %add3A_57 = arith.constant 16 : i32
      %add3A_58 = vector.broadcast %add3A_57 : i32 to vector<16xi32>
      %add3A_59 = arith.addi %min3A_53, %add3A_58 : vector<16xi32>
      %select_n3A_60 = arith.select %lt3A_56, %add3A_59, %min3A_53 : vector<16xi1>, vector<16xi32>
      %broadcast_in_dim3A_61 = vector.shape_cast %select_n3A_60 : vector<16xi32> to vector<16x1xi32>
      %gather3A_62 = vector.shape_cast %broadcast_in_dim3A_61 : vector<16x1xi32> to vector<16xi32>
      %gather3A_63 = tpu.dynamic_gather %get3A_24[%gather3A_62] in [0] : vector<16xi32>, vector<16xi32> -> vector<16xi32>
      %ne3A_64 = arith.cmpi ne, %gather3A_63, %get3A_24 : vector<16xi32>
      %gt3A_65 = arith.constant 15 : i32
      %gt3A_66 = vector.broadcast %gt3A_65 : i32 to vector<16xi32>
      %gt3A_67 = arith.cmpi sgt, %add3A_50, %gt3A_66 : vector<16xi32>
      %or3A_68 = arith.ori %ne3A_64, %gt3A_67 : vector<16xi1>
      %and3A_69 = arith.andi %and3A, %or3A_68 : vector<16xi1>
      %add3A_70 = arith.constant 3 : i32
      %add3A_71 = vector.broadcast %add3A_70 : i32 to vector<16xi32>
      %add3A_72 = arith.addi %iota3A, %add3A_71 : vector<16xi32>
      %min3A_73 = arith.constant 15 : i32
      %min3A_74 = vector.broadcast %min3A_73 : i32 to vector<16xi32>
      %min3A_75 = arith.minsi %add3A_72, %min3A_74 : vector<16xi32>
      %lt3A_76 = arith.constant 0 : i32
      %lt3A_77 = vector.broadcast %lt3A_76 : i32 to vector<16xi32>
      %lt3A_78 = arith.cmpi slt, %min3A_75, %lt3A_77 : vector<16xi32>
      %add3A_79 = arith.constant 16 : i32
      %add3A_80 = vector.broadcast %add3A_79 : i32 to vector<16xi32>
      %add3A_81 = arith.addi %min3A_75, %add3A_80 : vector<16xi32>
      %select_n3A_82 = arith.select %lt3A_78, %add3A_81, %min3A_75 : vector<16xi1>, vector<16xi32>
      %broadcast_in_dim3A_83 = vector.shape_cast %select_n3A_82 : vector<16xi32> to vector<16x1xi32>
      %gather3A_84 = vector.shape_cast %broadcast_in_dim3A_83 : vector<16x1xi32> to vector<16xi32>
      %gather3A_85 = tpu.dynamic_gather %get3A_24[%gather3A_84] in [0] : vector<16xi32>, vector<16xi32> -> vector<16xi32>
      %ne3A_86 = arith.cmpi ne, %gather3A_85, %get3A_24 : vector<16xi32>
      %gt3A_87 = arith.constant 15 : i32
      %gt3A_88 = vector.broadcast %gt3A_87 : i32 to vector<16xi32>
      %gt3A_89 = arith.cmpi sgt, %add3A_72, %gt3A_88 : vector<16xi32>
      %or3A_90 = arith.ori %ne3A_86, %gt3A_89 : vector<16xi1>
      %and3A_91 = arith.andi %and3A_69, %or3A_90 : vector<16xi1>
      %add3A_92 = arith.constant 4 : i32
      %add3A_93 = vector.broadcast %add3A_92 : i32 to vector<16xi32>
      %add3A_94 = arith.addi %iota3A, %add3A_93 : vector<16xi32>
      %min3A_95 = arith.constant 15 : i32
      %min3A_96 = vector.broadcast %min3A_95 : i32 to vector<16xi32>
      %min3A_97 = arith.minsi %add3A_94, %min3A_96 : vector<16xi32>
      %lt3A_98 = arith.constant 0 : i32
      %lt3A_99 = vector.broadcast %lt3A_98 : i32 to vector<16xi32>
      %lt3A_100 = arith.cmpi slt, %min3A_97, %lt3A_99 : vector<16xi32>
      %add3A_101 = arith.constant 16 : i32
      %add3A_102 = vector.broadcast %add3A_101 : i32 to vector<16xi32>
      %add3A_103 = arith.addi %min3A_97, %add3A_102 : vector<16xi32>
      %select_n3A_104 = arith.select %lt3A_100, %add3A_103, %min3A_97 : vector<16xi1>, vector<16xi32>
      %broadcast_in_dim3A_105 = vector.shape_cast %select_n3A_104 : vector<16xi32> to vector<16x1xi32>
      %gather3A_106 = vector.shape_cast %broadcast_in_dim3A_105 : vector<16x1xi32> to vector<16xi32>
      %gather3A_107 = tpu.dynamic_gather %get3A_24[%gather3A_106] in [0] : vector<16xi32>, vector<16xi32> -> vector<16xi32>
      %ne3A_108 = arith.cmpi ne, %gather3A_107, %get3A_24 : vector<16xi32>
      %gt3A_109 = arith.constant 15 : i32
      %gt3A_110 = vector.broadcast %gt3A_109 : i32 to vector<16xi32>
      %gt3A_111 = arith.cmpi sgt, %add3A_94, %gt3A_110 : vector<16xi32>
      %or3A_112 = arith.ori %ne3A_108, %gt3A_111 : vector<16xi1>
      %and3A_113 = arith.andi %and3A_91, %or3A_112 : vector<16xi1>
      %add3A_114 = arith.constant 5 : i32
      %add3A_115 = vector.broadcast %add3A_114 : i32 to vector<16xi32>
      %add3A_116 = arith.addi %iota3A, %add3A_115 : vector<16xi32>
      %min3A_117 = arith.constant 15 : i32
      %min3A_118 = vector.broadcast %min3A_117 : i32 to vector<16xi32>
      %min3A_119 = arith.minsi %add3A_116, %min3A_118 : vector<16xi32>
      %lt3A_120 = arith.constant 0 : i32
      %lt3A_121 = vector.broadcast %lt3A_120 : i32 to vector<16xi32>
      %lt3A_122 = arith.cmpi slt, %min3A_119, %lt3A_121 : vector<16xi32>
      %add3A_123 = arith.constant 16 : i32
      %add3A_124 = vector.broadcast %add3A_123 : i32 to vector<16xi32>
      %add3A_125 = arith.addi %min3A_119, %add3A_124 : vector<16xi32>
      %select_n3A_126 = arith.select %lt3A_122, %add3A_125, %min3A_119 : vector<16xi1>, vector<16xi32>
      %broadcast_in_dim3A_127 = vector.shape_cast %select_n3A_126 : vector<16xi32> to vector<16x1xi32>
      %gather3A_128 = vector.shape_cast %broadcast_in_dim3A_127 : vector<16x1xi32> to vector<16xi32>
      %gather3A_129 = tpu.dynamic_gather %get3A_24[%gather3A_128] in [0] : vector<16xi32>, vector<16xi32> -> vector<16xi32>
      %ne3A_130 = arith.cmpi ne, %gather3A_129, %get3A_24 : vector<16xi32>
      %gt3A_131 = arith.constant 15 : i32
      %gt3A_132 = vector.broadcast %gt3A_131 : i32 to vector<16xi32>
      %gt3A_133 = arith.cmpi sgt, %add3A_116, %gt3A_132 : vector<16xi32>
      %or3A_134 = arith.ori %ne3A_130, %gt3A_133 : vector<16xi1>
      %and3A_135 = arith.andi %and3A_113, %or3A_134 : vector<16xi1>
      %add3A_136 = arith.constant 6 : i32
      %add3A_137 = vector.broadcast %add3A_136 : i32 to vector<16xi32>
      %add3A_138 = arith.addi %iota3A, %add3A_137 : vector<16xi32>
      %min3A_139 = arith.constant 15 : i32
      %min3A_140 = vector.broadcast %min3A_139 : i32 to vector<16xi32>
      %min3A_141 = arith.minsi %add3A_138, %min3A_140 : vector<16xi32>
      %lt3A_142 = arith.constant 0 : i32
      %lt3A_143 = vector.broadcast %lt3A_142 : i32 to vector<16xi32>
      %lt3A_144 = arith.cmpi slt, %min3A_141, %lt3A_143 : vector<16xi32>
      %add3A_145 = arith.constant 16 : i32
      %add3A_146 = vector.broadcast %add3A_145 : i32 to vector<16xi32>
      %add3A_147 = arith.addi %min3A_141, %add3A_146 : vector<16xi32>
      %select_n3A_148 = arith.select %lt3A_144, %add3A_147, %min3A_141 : vector<16xi1>, vector<16xi32>
      %broadcast_in_dim3A_149 = vector.shape_cast %select_n3A_148 : vector<16xi32> to vector<16x1xi32>
      %gather3A_150 = vector.shape_cast %broadcast_in_dim3A_149 : vector<16x1xi32> to vector<16xi32>
      %gather3A_151 = tpu.dynamic_gather %get3A_24[%gather3A_150] in [0] : vector<16xi32>, vector<16xi32> -> vector<16xi32>
      %ne3A_152 = arith.cmpi ne, %gather3A_151, %get3A_24 : vector<16xi32>
      %gt3A_153 = arith.constant 15 : i32
      %gt3A_154 = vector.broadcast %gt3A_153 : i32 to vector<16xi32>
      %gt3A_155 = arith.cmpi sgt, %add3A_138, %gt3A_154 : vector<16xi32>
      %or3A_156 = arith.ori %ne3A_152, %gt3A_155 : vector<16xi1>
      %and3A_157 = arith.andi %and3A_135, %or3A_156 : vector<16xi1>
      %add3A_158 = arith.constant 7 : i32
      %add3A_159 = vector.broadcast %add3A_158 : i32 to vector<16xi32>
      %add3A_160 = arith.addi %iota3A, %add3A_159 : vector<16xi32>
      %min3A_161 = arith.constant 15 : i32
      %min3A_162 = vector.broadcast %min3A_161 : i32 to vector<16xi32>
      %min3A_163 = arith.minsi %add3A_160, %min3A_162 : vector<16xi32>
      %lt3A_164 = arith.constant 0 : i32
      %lt3A_165 = vector.broadcast %lt3A_164 : i32 to vector<16xi32>
      %lt3A_166 = arith.cmpi slt, %min3A_163, %lt3A_165 : vector<16xi32>
      %add3A_167 = arith.constant 16 : i32
      %add3A_168 = vector.broadcast %add3A_167 : i32 to vector<16xi32>
      %add3A_169 = arith.addi %min3A_163, %add3A_168 : vector<16xi32>
      %select_n3A_170 = arith.select %lt3A_166, %add3A_169, %min3A_163 : vector<16xi1>, vector<16xi32>
      %broadcast_in_dim3A_171 = vector.shape_cast %select_n3A_170 : vector<16xi32> to vector<16x1xi32>
      %gather3A_172 = vector.shape_cast %broadcast_in_dim3A_171 : vector<16x1xi32> to vector<16xi32>
      %gather3A_173 = tpu.dynamic_gather %get3A_24[%gather3A_172] in [0] : vector<16xi32>, vector<16xi32> -> vector<16xi32>
      %ne3A_174 = arith.cmpi ne, %gather3A_173, %get3A_24 : vector<16xi32>
      %gt3A_175 = arith.constant 15 : i32
      %gt3A_176 = vector.broadcast %gt3A_175 : i32 to vector<16xi32>
      %gt3A_177 = arith.cmpi sgt, %add3A_160, %gt3A_176 : vector<16xi32>
      %or3A_178 = arith.ori %ne3A_174, %gt3A_177 : vector<16xi1>
      %and3A_179 = arith.andi %and3A_157, %or3A_178 : vector<16xi1>
      %add3A_180 = arith.constant 8 : i32
      %add3A_181 = vector.broadcast %add3A_180 : i32 to vector<16xi32>
      %add3A_182 = arith.addi %iota3A, %add3A_181 : vector<16xi32>
      %min3A_183 = arith.constant 15 : i32
      %min3A_184 = vector.broadcast %min3A_183 : i32 to vector<16xi32>
      %min3A_185 = arith.minsi %add3A_182, %min3A_184 : vector<16xi32>
      %lt3A_186 = arith.constant 0 : i32
      %lt3A_187 = vector.broadcast %lt3A_186 : i32 to vector<16xi32>
      %lt3A_188 = arith.cmpi slt, %min3A_185, %lt3A_187 : vector<16xi32>
      %add3A_189 = arith.constant 16 : i32
      %add3A_190 = vector.broadcast %add3A_189 : i32 to vector<16xi32>
      %add3A_191 = arith.addi %min3A_185, %add3A_190 : vector<16xi32>
      %select_n3A_192 = arith.select %lt3A_188, %add3A_191, %min3A_185 : vector<16xi1>, vector<16xi32>
      %broadcast_in_dim3A_193 = vector.shape_cast %select_n3A_192 : vector<16xi32> to vector<16x1xi32>
      %gather3A_194 = vector.shape_cast %broadcast_in_dim3A_193 : vector<16x1xi32> to vector<16xi32>
      %gather3A_195 = tpu.dynamic_gather %get3A_24[%gather3A_194] in [0] : vector<16xi32>, vector<16xi32> -> vector<16xi32>
      %ne3A_196 = arith.cmpi ne, %gather3A_195, %get3A_24 : vector<16xi32>
      %gt3A_197 = arith.constant 15 : i32
      %gt3A_198 = vector.broadcast %gt3A_197 : i32 to vector<16xi32>
      %gt3A_199 = arith.cmpi sgt, %add3A_182, %gt3A_198 : vector<16xi32>
      %or3A_200 = arith.ori %ne3A_196, %gt3A_199 : vector<16xi1>
      %and3A_201 = arith.andi %and3A_179, %or3A_200 : vector<16xi1>
      %add3A_202 = arith.constant 9 : i32
      %add3A_203 = vector.broadcast %add3A_202 : i32 to vector<16xi32>
      %add3A_204 = arith.addi %iota3A, %add3A_203 : vector<16xi32>
      %min3A_205 = arith.constant 15 : i32
      %min3A_206 = vector.broadcast %min3A_205 : i32 to vector<16xi32>
      %min3A_207 = arith.minsi %add3A_204, %min3A_206 : vector<16xi32>
      %lt3A_208 = arith.constant 0 : i32
      %lt3A_209 = vector.broadcast %lt3A_208 : i32 to vector<16xi32>
      %lt3A_210 = arith.cmpi slt, %min3A_207, %lt3A_209 : vector<16xi32>
      %add3A_211 = arith.constant 16 : i32
      %add3A_212 = vector.broadcast %add3A_211 : i32 to vector<16xi32>
      %add3A_213 = arith.addi %min3A_207, %add3A_212 : vector<16xi32>
      %select_n3A_214 = arith.select %lt3A_210, %add3A_213, %min3A_207 : vector<16xi1>, vector<16xi32>
      %broadcast_in_dim3A_215 = vector.shape_cast %select_n3A_214 : vector<16xi32> to vector<16x1xi32>
      %gather3A_216 = vector.shape_cast %broadcast_in_dim3A_215 : vector<16x1xi32> to vector<16xi32>
      %gather3A_217 = tpu.dynamic_gather %get3A_24[%gather3A_216] in [0] : vector<16xi32>, vector<16xi32> -> vector<16xi32>
      %ne3A_218 = arith.cmpi ne, %gather3A_217, %get3A_24 : vector<16xi32>
      %gt3A_219 = arith.constant 15 : i32
      %gt3A_220 = vector.broadcast %gt3A_219 : i32 to vector<16xi32>
      %gt3A_221 = arith.cmpi sgt, %add3A_204, %gt3A_220 : vector<16xi32>
      %or3A_222 = arith.ori %ne3A_218, %gt3A_221 : vector<16xi1>
      %and3A_223 = arith.andi %and3A_201, %or3A_222 : vector<16xi1>
      %add3A_224 = arith.constant 10 : i32
      %add3A_225 = vector.broadcast %add3A_224 : i32 to vector<16xi32>
      %add3A_226 = arith.addi %iota3A, %add3A_225 : vector<16xi32>
      %min3A_227 = arith.constant 15 : i32
      %min3A_228 = vector.broadcast %min3A_227 : i32 to vector<16xi32>
      %min3A_229 = arith.minsi %add3A_226, %min3A_228 : vector<16xi32>
      %lt3A_230 = arith.constant 0 : i32
      %lt3A_231 = vector.broadcast %lt3A_230 : i32 to vector<16xi32>
      %lt3A_232 = arith.cmpi slt, %min3A_229, %lt3A_231 : vector<16xi32>
      %add3A_233 = arith.constant 16 : i32
      %add3A_234 = vector.broadcast %add3A_233 : i32 to vector<16xi32>
      %add3A_235 = arith.addi %min3A_229, %add3A_234 : vector<16xi32>
      %select_n3A_236 = arith.select %lt3A_232, %add3A_235, %min3A_229 : vector<16xi1>, vector<16xi32>
      %broadcast_in_dim3A_237 = vector.shape_cast %select_n3A_236 : vector<16xi32> to vector<16x1xi32>
      %gather3A_238 = vector.shape_cast %broadcast_in_dim3A_237 : vector<16x1xi32> to vector<16xi32>
      %gather3A_239 = tpu.dynamic_gather %get3A_24[%gather3A_238] in [0] : vector<16xi32>, vector<16xi32> -> vector<16xi32>
      %ne3A_240 = arith.cmpi ne, %gather3A_239, %get3A_24 : vector<16xi32>
      %gt3A_241 = arith.constant 15 : i32
      %gt3A_242 = vector.broadcast %gt3A_241 : i32 to vector<16xi32>
      %gt3A_243 = arith.cmpi sgt, %add3A_226, %gt3A_242 : vector<16xi32>
      %or3A_244 = arith.ori %ne3A_240, %gt3A_243 : vector<16xi1>
      %and3A_245 = arith.andi %and3A_223, %or3A_244 : vector<16xi1>
      %add3A_246 = arith.constant 11 : i32
      %add3A_247 = vector.broadcast %add3A_246 : i32 to vector<16xi32>
      %add3A_248 = arith.addi %iota3A, %add3A_247 : vector<16xi32>
      %min3A_249 = arith.constant 15 : i32
      %min3A_250 = vector.broadcast %min3A_249 : i32 to vector<16xi32>
      %min3A_251 = arith.minsi %add3A_248, %min3A_250 : vector<16xi32>
      %lt3A_252 = arith.constant 0 : i32
      %lt3A_253 = vector.broadcast %lt3A_252 : i32 to vector<16xi32>
      %lt3A_254 = arith.cmpi slt, %min3A_251, %lt3A_253 : vector<16xi32>
      %add3A_255 = arith.constant 16 : i32
      %add3A_256 = vector.broadcast %add3A_255 : i32 to vector<16xi32>
      %add3A_257 = arith.addi %min3A_251, %add3A_256 : vector<16xi32>
      %select_n3A_258 = arith.select %lt3A_254, %add3A_257, %min3A_251 : vector<16xi1>, vector<16xi32>
      %broadcast_in_dim3A_259 = vector.shape_cast %select_n3A_258 : vector<16xi32> to vector<16x1xi32>
      %gather3A_260 = vector.shape_cast %broadcast_in_dim3A_259 : vector<16x1xi32> to vector<16xi32>
      %gather3A_261 = tpu.dynamic_gather %get3A_24[%gather3A_260] in [0] : vector<16xi32>, vector<16xi32> -> vector<16xi32>
      %ne3A_262 = arith.cmpi ne, %gather3A_261, %get3A_24 : vector<16xi32>
      %gt3A_263 = arith.constant 15 : i32
      %gt3A_264 = vector.broadcast %gt3A_263 : i32 to vector<16xi32>
      %gt3A_265 = arith.cmpi sgt, %add3A_248, %gt3A_264 : vector<16xi32>
      %or3A_266 = arith.ori %ne3A_262, %gt3A_265 : vector<16xi1>
      %and3A_267 = arith.andi %and3A_245, %or3A_266 : vector<16xi1>
      %add3A_268 = arith.constant 12 : i32
      %add3A_269 = vector.broadcast %add3A_268 : i32 to vector<16xi32>
      %add3A_270 = arith.addi %iota3A, %add3A_269 : vector<16xi32>
      %min3A_271 = arith.constant 15 : i32
      %min3A_272 = vector.broadcast %min3A_271 : i32 to vector<16xi32>
      %min3A_273 = arith.minsi %add3A_270, %min3A_272 : vector<16xi32>
      %lt3A_274 = arith.constant 0 : i32
      %lt3A_275 = vector.broadcast %lt3A_274 : i32 to vector<16xi32>
      %lt3A_276 = arith.cmpi slt, %min3A_273, %lt3A_275 : vector<16xi32>
      %add3A_277 = arith.constant 16 : i32
      %add3A_278 = vector.broadcast %add3A_277 : i32 to vector<16xi32>
      %add3A_279 = arith.addi %min3A_273, %add3A_278 : vector<16xi32>
      %select_n3A_280 = arith.select %lt3A_276, %add3A_279, %min3A_273 : vector<16xi1>, vector<16xi32>
      %broadcast_in_dim3A_281 = vector.shape_cast %select_n3A_280 : vector<16xi32> to vector<16x1xi32>
      %gather3A_282 = vector.shape_cast %broadcast_in_dim3A_281 : vector<16x1xi32> to vector<16xi32>
      %gather3A_283 = tpu.dynamic_gather %get3A_24[%gather3A_282] in [0] : vector<16xi32>, vector<16xi32> -> vector<16xi32>
      %ne3A_284 = arith.cmpi ne, %gather3A_283, %get3A_24 : vector<16xi32>
      %gt3A_285 = arith.constant 15 : i32
      %gt3A_286 = vector.broadcast %gt3A_285 : i32 to vector<16xi32>
      %gt3A_287 = arith.cmpi sgt, %add3A_270, %gt3A_286 : vector<16xi32>
      %or3A_288 = arith.ori %ne3A_284, %gt3A_287 : vector<16xi1>
      %and3A_289 = arith.andi %and3A_267, %or3A_288 : vector<16xi1>
      %add3A_290 = arith.constant 13 : i32
      %add3A_291 = vector.broadcast %add3A_290 : i32 to vector<16xi32>
      %add3A_292 = arith.addi %iota3A, %add3A_291 : vector<16xi32>
      %min3A_293 = arith.constant 15 : i32
      %min3A_294 = vector.broadcast %min3A_293 : i32 to vector<16xi32>
      %min3A_295 = arith.minsi %add3A_292, %min3A_294 : vector<16xi32>
      %lt3A_296 = arith.constant 0 : i32
      %lt3A_297 = vector.broadcast %lt3A_296 : i32 to vector<16xi32>
      %lt3A_298 = arith.cmpi slt, %min3A_295, %lt3A_297 : vector<16xi32>
      %add3A_299 = arith.constant 16 : i32
      %add3A_300 = vector.broadcast %add3A_299 : i32 to vector<16xi32>
      %add3A_301 = arith.addi %min3A_295, %add3A_300 : vector<16xi32>
      %select_n3A_302 = arith.select %lt3A_298, %add3A_301, %min3A_295 : vector<16xi1>, vector<16xi32>
      %broadcast_in_dim3A_303 = vector.shape_cast %select_n3A_302 : vector<16xi32> to vector<16x1xi32>
      %gather3A_304 = vector.shape_cast %broadcast_in_dim3A_303 : vector<16x1xi32> to vector<16xi32>
      %gather3A_305 = tpu.dynamic_gather %get3A_24[%gather3A_304] in [0] : vector<16xi32>, vector<16xi32> -> vector<16xi32>
      %ne3A_306 = arith.cmpi ne, %gather3A_305, %get3A_24 : vector<16xi32>
      %gt3A_307 = arith.constant 15 : i32
      %gt3A_308 = vector.broadcast %gt3A_307 : i32 to vector<16xi32>
      %gt3A_309 = arith.cmpi sgt, %add3A_292, %gt3A_308 : vector<16xi32>
      %or3A_310 = arith.ori %ne3A_306, %gt3A_309 : vector<16xi1>
      %and3A_311 = arith.andi %and3A_289, %or3A_310 : vector<16xi1>
      %add3A_312 = arith.constant 14 : i32
      %add3A_313 = vector.broadcast %add3A_312 : i32 to vector<16xi32>
      %add3A_314 = arith.addi %iota3A, %add3A_313 : vector<16xi32>
      %min3A_315 = arith.constant 15 : i32
      %min3A_316 = vector.broadcast %min3A_315 : i32 to vector<16xi32>
      %min3A_317 = arith.minsi %add3A_314, %min3A_316 : vector<16xi32>
      %lt3A_318 = arith.constant 0 : i32
      %lt3A_319 = vector.broadcast %lt3A_318 : i32 to vector<16xi32>
      %lt3A_320 = arith.cmpi slt, %min3A_317, %lt3A_319 : vector<16xi32>
      %add3A_321 = arith.constant 16 : i32
      %add3A_322 = vector.broadcast %add3A_321 : i32 to vector<16xi32>
      %add3A_323 = arith.addi %min3A_317, %add3A_322 : vector<16xi32>
      %select_n3A_324 = arith.select %lt3A_320, %add3A_323, %min3A_317 : vector<16xi1>, vector<16xi32>
      %broadcast_in_dim3A_325 = vector.shape_cast %select_n3A_324 : vector<16xi32> to vector<16x1xi32>
      %gather3A_326 = vector.shape_cast %broadcast_in_dim3A_325 : vector<16x1xi32> to vector<16xi32>
      %gather3A_327 = tpu.dynamic_gather %get3A_24[%gather3A_326] in [0] : vector<16xi32>, vector<16xi32> -> vector<16xi32>
      %ne3A_328 = arith.cmpi ne, %gather3A_327, %get3A_24 : vector<16xi32>
      %gt3A_329 = arith.constant 15 : i32
      %gt3A_330 = vector.broadcast %gt3A_329 : i32 to vector<16xi32>
      %gt3A_331 = arith.cmpi sgt, %add3A_314, %gt3A_330 : vector<16xi32>
      %or3A_332 = arith.ori %ne3A_328, %gt3A_331 : vector<16xi1>
      %and3A_333 = arith.andi %and3A_311, %or3A_332 : vector<16xi1>
      %add3A_334 = arith.constant 15 : i32
      %add3A_335 = vector.broadcast %add3A_334 : i32 to vector<16xi32>
      %add3A_336 = arith.addi %iota3A, %add3A_335 : vector<16xi32>
      %min3A_337 = arith.constant 15 : i32
      %min3A_338 = vector.broadcast %min3A_337 : i32 to vector<16xi32>
      %min3A_339 = arith.minsi %add3A_336, %min3A_338 : vector<16xi32>
      %lt3A_340 = arith.constant 0 : i32
      %lt3A_341 = vector.broadcast %lt3A_340 : i32 to vector<16xi32>
      %lt3A_342 = arith.cmpi slt, %min3A_339, %lt3A_341 : vector<16xi32>
      %add3A_343 = arith.constant 16 : i32
      %add3A_344 = vector.broadcast %add3A_343 : i32 to vector<16xi32>
      %add3A_345 = arith.addi %min3A_339, %add3A_344 : vector<16xi32>
      %select_n3A_346 = arith.select %lt3A_342, %add3A_345, %min3A_339 : vector<16xi1>, vector<16xi32>
      %broadcast_in_dim3A_347 = vector.shape_cast %select_n3A_346 : vector<16xi32> to vector<16x1xi32>
      %gather3A_348 = vector.shape_cast %broadcast_in_dim3A_347 : vector<16x1xi32> to vector<16xi32>
      %gather3A_349 = tpu.dynamic_gather %get3A_24[%gather3A_348] in [0] : vector<16xi32>, vector<16xi32> -> vector<16xi32>
      %ne3A_350 = arith.cmpi ne, %gather3A_349, %get3A_24 : vector<16xi32>
      %gt3A_351 = arith.constant 15 : i32
      %gt3A_352 = vector.broadcast %gt3A_351 : i32 to vector<16xi32>
      %gt3A_353 = arith.cmpi sgt, %add3A_336, %gt3A_352 : vector<16xi32>
      %or3A_354 = arith.ori %ne3A_350, %gt3A_353 : vector<16xi1>
      %and3A_355 = arith.andi %and3A_333, %or3A_354 : vector<16xi1>
      tpu.vector_store_idx %arg8[%get3A_24], %add3A_31 masked %and3A_355 : memref<10240xi32, #tpu.memory_space<vmem>>[vector<16xi32>], vector<16xi32>, vector<16xi1>
      tpu.vector_store_idx %arg9[%get3A_24], %get3A_26 masked %and3A_355 : memref<10240xi32, #tpu.memory_space<vmem>>[vector<16xi32>], vector<16xi32>, vector<16xi1>
    }
    %scan3A_16 = arith.constant 313 : i32
    %mul3A_17 = arith.constant 10240 : i32
    %mul3A_18 = arith.muli %add3A, %mul3A_17 : i32
    "tpu.region"() ({
      %run_scoped3A = tpu.sem_alloc : memref<!tpu.dma_semaphore, #tpu.memory_space<semaphore_mem>>
      %dma_start3A = tpu.memref_slice %arg4[%mul3A_18] : memref<327680xi32, #tpu.memory_space<hbm>> -> memref<10240xi32, #tpu.memory_space<hbm>>
      %dma_start3A_21 = tpu.memref_slice %arg4[%mul3A_18] : memref<327680xi32, #tpu.memory_space<hbm>> -> memref<10240xi32, #tpu.memory_space<hbm>>
      tpu.enqueue_dma source(%arg8 : memref<10240xi32, #tpu.memory_space<vmem>>) target(%dma_start3A_21 : memref<10240xi32, #tpu.memory_space<hbm>>) target_semaphore(%run_scoped3A : memref<!tpu.dma_semaphore, #tpu.memory_space<semaphore_mem>>)
      %dma_wait3A = tpu.memref_slice %arg4[%mul3A_18] : memref<327680xi32, #tpu.memory_space<hbm>> -> memref<10240xi32, #tpu.memory_space<hbm>>
      %dma_wait3A_22 = tpu.memref_slice %arg4[%mul3A_18] : memref<327680xi32, #tpu.memory_space<hbm>> -> memref<10240xi32, #tpu.memory_space<hbm>>
      tpu.wait_dma2 semaphore(%run_scoped3A : memref<!tpu.dma_semaphore, #tpu.memory_space<semaphore_mem>>) src(%arg8 : memref<10240xi32, #tpu.memory_space<vmem>>) dst(%dma_wait3A_22 : memref<10240xi32, #tpu.memory_space<hbm>>)
      tpu.yield
    }) : () -> ()
    %mul3A_19 = arith.constant 10240 : i32
    %mul3A_20 = arith.muli %add3A, %mul3A_19 : i32
    "tpu.region"() ({
      %run_scoped3A = tpu.sem_alloc : memref<!tpu.dma_semaphore, #tpu.memory_space<semaphore_mem>>
      %dma_start3A = tpu.memref_slice %arg5[%mul3A_20] : memref<327680xi32, #tpu.memory_space<hbm>> -> memref<10240xi32, #tpu.memory_space<hbm>>
      %dma_start3A_21 = tpu.memref_slice %arg5[%mul3A_20] : memref<327680xi32, #tpu.memory_space<hbm>> -> memref<10240xi32, #tpu.memory_space<hbm>>
      tpu.enqueue_dma source(%arg9 : memref<10240xi32, #tpu.memory_space<vmem>>) target(%dma_start3A_21 : memref<10240xi32, #tpu.memory_space<hbm>>) target_semaphore(%run_scoped3A : memref<!tpu.dma_semaphore, #tpu.memory_space<semaphore_mem>>)
      %dma_wait3A = tpu.memref_slice %arg5[%mul3A_20] : memref<327680xi32, #tpu.memory_space<hbm>> -> memref<10240xi32, #tpu.memory_space<hbm>>
      %dma_wait3A_22 = tpu.memref_slice %arg5[%mul3A_20] : memref<327680xi32, #tpu.memory_space<hbm>> -> memref<10240xi32, #tpu.memory_space<hbm>>
      tpu.wait_dma2 semaphore(%run_scoped3A : memref<!tpu.dma_semaphore, #tpu.memory_space<semaphore_mem>>) src(%arg9 : memref<10240xi32, #tpu.memory_space<vmem>>) dst(%dma_wait3A_22 : memref<10240xi32, #tpu.memory_space<hbm>>)
      tpu.yield
    }) : () -> ()
    return
  }
}

#map = affine_map<(d0, d1) -> (0, 0)>
#map1 = affine_map<(d0, d1) -> (0)>
module attributes {stable_mosaic.version = 14 : i64} {
  func.func @_sc_gather(%arg0: i32, %arg1: i32, %arg2: memref<10240x384xf32, #tpu.memory_space<hbm>>, %arg3: memref<10240xi32, #tpu.memory_space<hbm>>, %arg4: memref<10240x384xf32, #tpu.memory_space<hbm>>, %arg5: memref<320xi32, #tpu.memory_space<vmem>>, %arg6: memref<320x384xf32, #tpu.memory_space<vmem>>, %arg7: memref<!tpu.dma_semaphore, #tpu.memory_space<semaphore_mem>>, %arg8: memref<!tpu.dma_semaphore, #tpu.memory_space<semaphore_mem>>) attributes {dimension_semantics = [#tpu.dimension_semantics<core_parallel>, #tpu.dimension_semantics<subcore_parallel>], iteration_bounds = array<i64: 2, 16>, scalar_prefetch = 0 : i64, scratch_operands = 4 : i64, tpu.core_type = #tpu.core_type<sc_vector_subcore>, window_params = [{transform_indices = #map}, {transform_indices = #map1}, {transform_indices = #map}]} {
    %mul3A = arith.constant 2 : i32
    %mul3A_0 = arith.muli %arg1, %mul3A : i32
    %add3A = arith.addi %mul3A_0, %arg0 : i32
    %mul3A_1 = arith.constant 320 : i32
    %mul3A_2 = arith.muli %add3A, %mul3A_1 : i32
    "tpu.region"() ({
      %run_scoped3A = tpu.sem_alloc : memref<!tpu.dma_semaphore, #tpu.memory_space<semaphore_mem>>
      %dma_start3A_191 = tpu.memref_slice %arg3[%mul3A_2] : memref<10240xi32, #tpu.memory_space<hbm>> -> memref<320xi32, #tpu.memory_space<hbm>>
      %dma_start3A_192 = tpu.memref_slice %arg3[%mul3A_2] : memref<10240xi32, #tpu.memory_space<hbm>> -> memref<320xi32, #tpu.memory_space<hbm>>
      tpu.enqueue_dma source(%dma_start3A_192 : memref<320xi32, #tpu.memory_space<hbm>>) target(%arg5 : memref<320xi32, #tpu.memory_space<vmem>>) target_semaphore(%run_scoped3A : memref<!tpu.dma_semaphore, #tpu.memory_space<semaphore_mem>>)
      %dma_wait3A_193 = tpu.memref_slice %arg3[%mul3A_2] : memref<10240xi32, #tpu.memory_space<hbm>> -> memref<320xi32, #tpu.memory_space<hbm>>
      %dma_wait3A_194 = tpu.memref_slice %arg3[%mul3A_2] : memref<10240xi32, #tpu.memory_space<hbm>> -> memref<320xi32, #tpu.memory_space<hbm>>
      tpu.wait_dma2 semaphore(%run_scoped3A : memref<!tpu.dma_semaphore, #tpu.memory_space<semaphore_mem>>) src(%dma_wait3A_194 : memref<320xi32, #tpu.memory_space<hbm>>) dst(%arg5 : memref<320xi32, #tpu.memory_space<vmem>>)
      tpu.yield
    }) : () -> ()
    %dma_start3A = arith.constant 0 : i32
    %dma_start3A_3 = arith.constant 0 : i32
    %dma_start3A_4 = tpu.memref_slice %arg6[%dma_start3A, %dma_start3A_3] : memref<320x384xf32, #tpu.memory_space<vmem>> -> memref<64x384xf32, #tpu.memory_space<vmem>>
    %dma_start3A_5 = arith.constant 0 : i32
    %dma_start3A_6 = tpu.memref_slice %arg5[%dma_start3A_5] : memref<320xi32, #tpu.memory_space<vmem>> -> memref<64xi32, #tpu.memory_space<vmem>>
    %dma_start3A_7 = arith.constant 0 : i32
    %dma_start3A_8 = arith.constant 0 : i32
    %dma_start3A_9 = tpu.memref_slice %arg2[%dma_start3A_7, %dma_start3A_8] : memref<10240x384xf32, #tpu.memory_space<hbm>> -> memref<10240x384xf32, #tpu.memory_space<hbm>>
    tpu.enqueue_indirect_dma source(%dma_start3A_9 : memref<10240x384xf32, #tpu.memory_space<hbm>>) target(%dma_start3A_4 : memref<64x384xf32, #tpu.memory_space<vmem>>) offsets(%dma_start3A_6 : memref<64xi32, #tpu.memory_space<vmem>>) semaphore(%arg7 : memref<!tpu.dma_semaphore, #tpu.memory_space<semaphore_mem>>)
    %dma_start3A_10 = arith.constant 64 : i32
    %dma_start3A_11 = arith.constant 0 : i32
    %dma_start3A_12 = tpu.memref_slice %arg6[%dma_start3A_10, %dma_start3A_11] : memref<320x384xf32, #tpu.memory_space<vmem>> -> memref<64x384xf32, #tpu.memory_space<vmem>>
    %dma_start3A_13 = arith.constant 64 : i32
    %dma_start3A_14 = tpu.memref_slice %arg5[%dma_start3A_13] : memref<320xi32, #tpu.memory_space<vmem>> -> memref<64xi32, #tpu.memory_space<vmem>>
    %dma_start3A_15 = arith.constant 0 : i32
    %dma_start3A_16 = arith.constant 0 : i32
    %dma_start3A_17 = tpu.memref_slice %arg2[%dma_start3A_15, %dma_start3A_16] : memref<10240x384xf32, #tpu.memory_space<hbm>> -> memref<10240x384xf32, #tpu.memory_space<hbm>>
    tpu.enqueue_indirect_dma source(%dma_start3A_17 : memref<10240x384xf32, #tpu.memory_space<hbm>>) target(%dma_start3A_12 : memref<64x384xf32, #tpu.memory_space<vmem>>) offsets(%dma_start3A_14 : memref<64xi32, #tpu.memory_space<vmem>>) semaphore(%arg7 : memref<!tpu.dma_semaphore, #tpu.memory_space<semaphore_mem>>)
    %dma_start3A_18 = arith.constant 128 : i32
    %dma_start3A_19 = arith.constant 0 : i32
    %dma_start3A_20 = tpu.memref_slice %arg6[%dma_start3A_18, %dma_start3A_19] : memref<320x384xf32, #tpu.memory_space<vmem>> -> memref<64x384xf32, #tpu.memory_space<vmem>>
    %dma_start3A_21 = arith.constant 128 : i32
    %dma_start3A_22 = tpu.memref_slice %arg5[%dma_start3A_21] : memref<320xi32, #tpu.memory_space<vmem>> -> memref<64xi32, #tpu.memory_space<vmem>>
    %dma_start3A_23 = arith.constant 0 : i32
    %dma_start3A_24 = arith.constant 0 : i32
    %dma_start3A_25 = tpu.memref_slice %arg2[%dma_start3A_23, %dma_start3A_24] : memref<10240x384xf32, #tpu.memory_space<hbm>> -> memref<10240x384xf32, #tpu.memory_space<hbm>>
    tpu.enqueue_indirect_dma source(%dma_start3A_25 : memref<10240x384xf32, #tpu.memory_space<hbm>>) target(%dma_start3A_20 : memref<64x384xf32, #tpu.memory_space<vmem>>) offsets(%dma_start3A_22 : memref<64xi32, #tpu.memory_space<vmem>>) semaphore(%arg7 : memref<!tpu.dma_semaphore, #tpu.memory_space<semaphore_mem>>)
    %dma_start3A_26 = arith.constant 192 : i32
    %dma_start3A_27 = arith.constant 0 : i32
    %dma_start3A_28 = tpu.memref_slice %arg6[%dma_start3A_26, %dma_start3A_27] : memref<320x384xf32, #tpu.memory_space<vmem>> -> memref<64x384xf32, #tpu.memory_space<vmem>>
    %dma_start3A_29 = arith.constant 192 : i32
    %dma_start3A_30 = tpu.memref_slice %arg5[%dma_start3A_29] : memref<320xi32, #tpu.memory_space<vmem>> -> memref<64xi32, #tpu.memory_space<vmem>>
    %dma_start3A_31 = arith.constant 0 : i32
    %dma_start3A_32 = arith.constant 0 : i32
    %dma_start3A_33 = tpu.memref_slice %arg2[%dma_start3A_31, %dma_start3A_32] : memref<10240x384xf32, #tpu.memory_space<hbm>> -> memref<10240x384xf32, #tpu.memory_space<hbm>>
    tpu.enqueue_indirect_dma source(%dma_start3A_33 : memref<10240x384xf32, #tpu.memory_space<hbm>>) target(%dma_start3A_28 : memref<64x384xf32, #tpu.memory_space<vmem>>) offsets(%dma_start3A_30 : memref<64xi32, #tpu.memory_space<vmem>>) semaphore(%arg7 : memref<!tpu.dma_semaphore, #tpu.memory_space<semaphore_mem>>)
    %dma_start3A_34 = arith.constant 256 : i32
    %dma_start3A_35 = arith.constant 0 : i32
    %dma_start3A_36 = tpu.memref_slice %arg6[%dma_start3A_34, %dma_start3A_35] : memref<320x384xf32, #tpu.memory_space<vmem>> -> memref<64x384xf32, #tpu.memory_space<vmem>>
    %dma_start3A_37 = arith.constant 256 : i32
    %dma_start3A_38 = tpu.memref_slice %arg5[%dma_start3A_37] : memref<320xi32, #tpu.memory_space<vmem>> -> memref<64xi32, #tpu.memory_space<vmem>>
    %dma_start3A_39 = arith.constant 0 : i32
    %dma_start3A_40 = arith.constant 0 : i32
    %dma_start3A_41 = tpu.memref_slice %arg2[%dma_start3A_39, %dma_start3A_40] : memref<10240x384xf32, #tpu.memory_space<hbm>> -> memref<10240x384xf32, #tpu.memory_space<hbm>>
    tpu.enqueue_indirect_dma source(%dma_start3A_41 : memref<10240x384xf32, #tpu.memory_space<hbm>>) target(%dma_start3A_36 : memref<64x384xf32, #tpu.memory_space<vmem>>) offsets(%dma_start3A_38 : memref<64xi32, #tpu.memory_space<vmem>>) semaphore(%arg7 : memref<!tpu.dma_semaphore, #tpu.memory_space<semaphore_mem>>)
    %dma_wait3A = arith.constant 0 : i32
    %dma_wait3A_42 = arith.constant 0 : i32
    %dma_wait3A_43 = tpu.memref_slice %arg6[%dma_wait3A, %dma_wait3A_42] : memref<320x384xf32, #tpu.memory_space<vmem>> -> memref<64x384xf32, #tpu.memory_space<vmem>>
    %dma_wait3A_44 = arith.constant 0 : i32
    %dma_wait3A_45 = tpu.memref_slice %arg5[%dma_wait3A_44] : memref<320xi32, #tpu.memory_space<vmem>> -> memref<64xi32, #tpu.memory_space<vmem>>
    %dma_wait3A_46 = arith.constant 0 : i32
    %dma_wait3A_47 = arith.constant 0 : i32
    %dma_wait3A_48 = tpu.memref_slice %arg2[%dma_wait3A_46, %dma_wait3A_47] : memref<10240x384xf32, #tpu.memory_space<hbm>> -> memref<10240x384xf32, #tpu.memory_space<hbm>>
    tpu.wait_indirect_dma semaphore(%arg7 : memref<!tpu.dma_semaphore, #tpu.memory_space<semaphore_mem>>) src(%dma_wait3A_48 : memref<10240x384xf32, #tpu.memory_space<hbm>>) dst(%dma_wait3A_43 : memref<64x384xf32, #tpu.memory_space<vmem>>)
    %add3A_49 = arith.constant 0 : i32
    %add3A_50 = arith.addi %mul3A_2, %add3A_49 : i32
    %dma_start3A_51 = arith.constant 0 : i32
    %dma_start3A_52 = arith.constant 0 : i32
    %dma_start3A_53 = tpu.memref_slice %arg6[%dma_start3A_51, %dma_start3A_52] : memref<320x384xf32, #tpu.memory_space<vmem>> -> memref<64x384xf32, #tpu.memory_space<vmem>>
    %dma_start3A_54 = arith.constant 0 : i32
    %dma_start3A_55 = tpu.memref_slice %arg4[%add3A_50, %dma_start3A_54] : memref<10240x384xf32, #tpu.memory_space<hbm>> -> memref<64x384xf32, #tpu.memory_space<hbm>>
    %dma_start3A_56 = arith.constant 0 : i32
    %dma_start3A_57 = tpu.memref_slice %arg4[%add3A_50, %dma_start3A_56] : memref<10240x384xf32, #tpu.memory_space<hbm>> -> memref<64x384xf32, #tpu.memory_space<hbm>>
    %dma_start3A_58 = arith.constant 0 : i32
    %dma_start3A_59 = arith.constant 0 : i32
    %dma_start3A_60 = tpu.memref_slice %arg6[%dma_start3A_58, %dma_start3A_59] : memref<320x384xf32, #tpu.memory_space<vmem>> -> memref<64x384xf32, #tpu.memory_space<vmem>>
    tpu.enqueue_dma source(%dma_start3A_60 : memref<64x384xf32, #tpu.memory_space<vmem>>) target(%dma_start3A_57 : memref<64x384xf32, #tpu.memory_space<hbm>>) target_semaphore(%arg8 : memref<!tpu.dma_semaphore, #tpu.memory_space<semaphore_mem>>)
    %dma_wait3A_61 = arith.constant 64 : i32
    %dma_wait3A_62 = arith.constant 0 : i32
    %dma_wait3A_63 = tpu.memref_slice %arg6[%dma_wait3A_61, %dma_wait3A_62] : memref<320x384xf32, #tpu.memory_space<vmem>> -> memref<64x384xf32, #tpu.memory_space<vmem>>
    %dma_wait3A_64 = arith.constant 64 : i32
    %dma_wait3A_65 = tpu.memref_slice %arg5[%dma_wait3A_64] : memref<320xi32, #tpu.memory_space<vmem>> -> memref<64xi32, #tpu.memory_space<vmem>>
    %dma_wait3A_66 = arith.constant 0 : i32
    %dma_wait3A_67 = arith.constant 0 : i32
    %dma_wait3A_68 = tpu.memref_slice %arg2[%dma_wait3A_66, %dma_wait3A_67] : memref<10240x384xf32, #tpu.memory_space<hbm>> -> memref<10240x384xf32, #tpu.memory_space<hbm>>
    tpu.wait_indirect_dma semaphore(%arg7 : memref<!tpu.dma_semaphore, #tpu.memory_space<semaphore_mem>>) src(%dma_wait3A_68 : memref<10240x384xf32, #tpu.memory_space<hbm>>) dst(%dma_wait3A_63 : memref<64x384xf32, #tpu.memory_space<vmem>>)
    %add3A_69 = arith.constant 64 : i32
    %add3A_70 = arith.addi %mul3A_2, %add3A_69 : i32
    %dma_start3A_71 = arith.constant 64 : i32
    %dma_start3A_72 = arith.constant 0 : i32
    %dma_start3A_73 = tpu.memref_slice %arg6[%dma_start3A_71, %dma_start3A_72] : memref<320x384xf32, #tpu.memory_space<vmem>> -> memref<64x384xf32, #tpu.memory_space<vmem>>
    %dma_start3A_74 = arith.constant 0 : i32
    %dma_start3A_75 = tpu.memref_slice %arg4[%add3A_70, %dma_start3A_74] : memref<10240x384xf32, #tpu.memory_space<hbm>> -> memref<64x384xf32, #tpu.memory_space<hbm>>
    %dma_start3A_76 = arith.constant 0 : i32
    %dma_start3A_77 = tpu.memref_slice %arg4[%add3A_70, %dma_start3A_76] : memref<10240x384xf32, #tpu.memory_space<hbm>> -> memref<64x384xf32, #tpu.memory_space<hbm>>
    %dma_start3A_78 = arith.constant 64 : i32
    %dma_start3A_79 = arith.constant 0 : i32
    %dma_start3A_80 = tpu.memref_slice %arg6[%dma_start3A_78, %dma_start3A_79] : memref<320x384xf32, #tpu.memory_space<vmem>> -> memref<64x384xf32, #tpu.memory_space<vmem>>
    tpu.enqueue_dma source(%dma_start3A_80 : memref<64x384xf32, #tpu.memory_space<vmem>>) target(%dma_start3A_77 : memref<64x384xf32, #tpu.memory_space<hbm>>) target_semaphore(%arg8 : memref<!tpu.dma_semaphore, #tpu.memory_space<semaphore_mem>>)
    %dma_wait3A_81 = arith.constant 128 : i32
    %dma_wait3A_82 = arith.constant 0 : i32
    %dma_wait3A_83 = tpu.memref_slice %arg6[%dma_wait3A_81, %dma_wait3A_82] : memref<320x384xf32, #tpu.memory_space<vmem>> -> memref<64x384xf32, #tpu.memory_space<vmem>>
    %dma_wait3A_84 = arith.constant 128 : i32
    %dma_wait3A_85 = tpu.memref_slice %arg5[%dma_wait3A_84] : memref<320xi32, #tpu.memory_space<vmem>> -> memref<64xi32, #tpu.memory_space<vmem>>
    %dma_wait3A_86 = arith.constant 0 : i32
    %dma_wait3A_87 = arith.constant 0 : i32
    %dma_wait3A_88 = tpu.memref_slice %arg2[%dma_wait3A_86, %dma_wait3A_87] : memref<10240x384xf32, #tpu.memory_space<hbm>> -> memref<10240x384xf32, #tpu.memory_space<hbm>>
    tpu.wait_indirect_dma semaphore(%arg7 : memref<!tpu.dma_semaphore, #tpu.memory_space<semaphore_mem>>) src(%dma_wait3A_88 : memref<10240x384xf32, #tpu.memory_space<hbm>>) dst(%dma_wait3A_83 : memref<64x384xf32, #tpu.memory_space<vmem>>)
    %add3A_89 = arith.constant 128 : i32
    %add3A_90 = arith.addi %mul3A_2, %add3A_89 : i32
    %dma_start3A_91 = arith.constant 128 : i32
    %dma_start3A_92 = arith.constant 0 : i32
    %dma_start3A_93 = tpu.memref_slice %arg6[%dma_start3A_91, %dma_start3A_92] : memref<320x384xf32, #tpu.memory_space<vmem>> -> memref<64x384xf32, #tpu.memory_space<vmem>>
    %dma_start3A_94 = arith.constant 0 : i32
    %dma_start3A_95 = tpu.memref_slice %arg4[%add3A_90, %dma_start3A_94] : memref<10240x384xf32, #tpu.memory_space<hbm>> -> memref<64x384xf32, #tpu.memory_space<hbm>>
    %dma_start3A_96 = arith.constant 0 : i32
    %dma_start3A_97 = tpu.memref_slice %arg4[%add3A_90, %dma_start3A_96] : memref<10240x384xf32, #tpu.memory_space<hbm>> -> memref<64x384xf32, #tpu.memory_space<hbm>>
    %dma_start3A_98 = arith.constant 128 : i32
    %dma_start3A_99 = arith.constant 0 : i32
    %dma_start3A_100 = tpu.memref_slice %arg6[%dma_start3A_98, %dma_start3A_99] : memref<320x384xf32, #tpu.memory_space<vmem>> -> memref<64x384xf32, #tpu.memory_space<vmem>>
    tpu.enqueue_dma source(%dma_start3A_100 : memref<64x384xf32, #tpu.memory_space<vmem>>) target(%dma_start3A_97 : memref<64x384xf32, #tpu.memory_space<hbm>>) target_semaphore(%arg8 : memref<!tpu.dma_semaphore, #tpu.memory_space<semaphore_mem>>)
    %dma_wait3A_101 = arith.constant 192 : i32
    %dma_wait3A_102 = arith.constant 0 : i32
    %dma_wait3A_103 = tpu.memref_slice %arg6[%dma_wait3A_101, %dma_wait3A_102] : memref<320x384xf32, #tpu.memory_space<vmem>> -> memref<64x384xf32, #tpu.memory_space<vmem>>
    %dma_wait3A_104 = arith.constant 192 : i32
    %dma_wait3A_105 = tpu.memref_slice %arg5[%dma_wait3A_104] : memref<320xi32, #tpu.memory_space<vmem>> -> memref<64xi32, #tpu.memory_space<vmem>>
    %dma_wait3A_106 = arith.constant 0 : i32
    %dma_wait3A_107 = arith.constant 0 : i32
    %dma_wait3A_108 = tpu.memref_slice %arg2[%dma_wait3A_106, %dma_wait3A_107] : memref<10240x384xf32, #tpu.memory_space<hbm>> -> memref<10240x384xf32, #tpu.memory_space<hbm>>
    tpu.wait_indirect_dma semaphore(%arg7 : memref<!tpu.dma_semaphore, #tpu.memory_space<semaphore_mem>>) src(%dma_wait3A_108 : memref<10240x384xf32, #tpu.memory_space<hbm>>) dst(%dma_wait3A_103 : memref<64x384xf32, #tpu.memory_space<vmem>>)
    %add3A_109 = arith.constant 192 : i32
    %add3A_110 = arith.addi %mul3A_2, %add3A_109 : i32
    %dma_start3A_111 = arith.constant 192 : i32
    %dma_start3A_112 = arith.constant 0 : i32
    %dma_start3A_113 = tpu.memref_slice %arg6[%dma_start3A_111, %dma_start3A_112] : memref<320x384xf32, #tpu.memory_space<vmem>> -> memref<64x384xf32, #tpu.memory_space<vmem>>
    %dma_start3A_114 = arith.constant 0 : i32
    %dma_start3A_115 = tpu.memref_slice %arg4[%add3A_110, %dma_start3A_114] : memref<10240x384xf32, #tpu.memory_space<hbm>> -> memref<64x384xf32, #tpu.memory_space<hbm>>
    %dma_start3A_116 = arith.constant 0 : i32
    %dma_start3A_117 = tpu.memref_slice %arg4[%add3A_110, %dma_start3A_116] : memref<10240x384xf32, #tpu.memory_space<hbm>> -> memref<64x384xf32, #tpu.memory_space<hbm>>
    %dma_start3A_118 = arith.constant 192 : i32
    %dma_start3A_119 = arith.constant 0 : i32
    %dma_start3A_120 = tpu.memref_slice %arg6[%dma_start3A_118, %dma_start3A_119] : memref<320x384xf32, #tpu.memory_space<vmem>> -> memref<64x384xf32, #tpu.memory_space<vmem>>
    tpu.enqueue_dma source(%dma_start3A_120 : memref<64x384xf32, #tpu.memory_space<vmem>>) target(%dma_start3A_117 : memref<64x384xf32, #tpu.memory_space<hbm>>) target_semaphore(%arg8 : memref<!tpu.dma_semaphore, #tpu.memory_space<semaphore_mem>>)
    %dma_wait3A_121 = arith.constant 256 : i32
    %dma_wait3A_122 = arith.constant 0 : i32
    %dma_wait3A_123 = tpu.memref_slice %arg6[%dma_wait3A_121, %dma_wait3A_122] : memref<320x384xf32, #tpu.memory_space<vmem>> -> memref<64x384xf32, #tpu.memory_space<vmem>>
    %dma_wait3A_124 = arith.constant 256 : i32
    %dma_wait3A_125 = tpu.memref_slice %arg5[%dma_wait3A_124] : memref<320xi32, #tpu.memory_space<vmem>> -> memref<64xi32, #tpu.memory_space<vmem>>
    %dma_wait3A_126 = arith.constant 0 : i32
    %dma_wait3A_127 = arith.constant 0 : i32
    %dma_wait3A_128 = tpu.memref_slice %arg2[%dma_wait3A_126, %dma_wait3A_127] : memref<10240x384xf32, #tpu.memory_space<hbm>> -> memref<10240x384xf32, #tpu.memory_space<hbm>>
    tpu.wait_indirect_dma semaphore(%arg7 : memref<!tpu.dma_semaphore, #tpu.memory_space<semaphore_mem>>) src(%dma_wait3A_128 : memref<10240x384xf32, #tpu.memory_space<hbm>>) dst(%dma_wait3A_123 : memref<64x384xf32, #tpu.memory_space<vmem>>)
    %add3A_129 = arith.constant 256 : i32
    %add3A_130 = arith.addi %mul3A_2, %add3A_129 : i32
    %dma_start3A_131 = arith.constant 256 : i32
    %dma_start3A_132 = arith.constant 0 : i32
    %dma_start3A_133 = tpu.memref_slice %arg6[%dma_start3A_131, %dma_start3A_132] : memref<320x384xf32, #tpu.memory_space<vmem>> -> memref<64x384xf32, #tpu.memory_space<vmem>>
    %dma_start3A_134 = arith.constant 0 : i32
    %dma_start3A_135 = tpu.memref_slice %arg4[%add3A_130, %dma_start3A_134] : memref<10240x384xf32, #tpu.memory_space<hbm>> -> memref<64x384xf32, #tpu.memory_space<hbm>>
    %dma_start3A_136 = arith.constant 0 : i32
    %dma_start3A_137 = tpu.memref_slice %arg4[%add3A_130, %dma_start3A_136] : memref<10240x384xf32, #tpu.memory_space<hbm>> -> memref<64x384xf32, #tpu.memory_space<hbm>>
    %dma_start3A_138 = arith.constant 256 : i32
    %dma_start3A_139 = arith.constant 0 : i32
    %dma_start3A_140 = tpu.memref_slice %arg6[%dma_start3A_138, %dma_start3A_139] : memref<320x384xf32, #tpu.memory_space<vmem>> -> memref<64x384xf32, #tpu.memory_space<vmem>>
    tpu.enqueue_dma source(%dma_start3A_140 : memref<64x384xf32, #tpu.memory_space<vmem>>) target(%dma_start3A_137 : memref<64x384xf32, #tpu.memory_space<hbm>>) target_semaphore(%arg8 : memref<!tpu.dma_semaphore, #tpu.memory_space<semaphore_mem>>)
    %dma_wait3A_141 = arith.constant 0 : i32
    %dma_wait3A_142 = arith.constant 0 : i32
    %dma_wait3A_143 = tpu.memref_slice %arg6[%dma_wait3A_141, %dma_wait3A_142] : memref<320x384xf32, #tpu.memory_space<vmem>> -> memref<64x384xf32, #tpu.memory_space<vmem>>
    %dma_wait3A_144 = arith.constant 0 : i32
    %dma_wait3A_145 = tpu.memref_slice %arg4[%add3A_50, %dma_wait3A_144] : memref<10240x384xf32, #tpu.memory_space<hbm>> -> memref<64x384xf32, #tpu.memory_space<hbm>>
    %dma_wait3A_146 = arith.constant 0 : i32
    %dma_wait3A_147 = tpu.memref_slice %arg4[%add3A_50, %dma_wait3A_146] : memref<10240x384xf32, #tpu.memory_space<hbm>> -> memref<64x384xf32, #tpu.memory_space<hbm>>
    %dma_wait3A_148 = arith.constant 0 : i32
    %dma_wait3A_149 = arith.constant 0 : i32
    %dma_wait3A_150 = tpu.memref_slice %arg6[%dma_wait3A_148, %dma_wait3A_149] : memref<320x384xf32, #tpu.memory_space<vmem>> -> memref<64x384xf32, #tpu.memory_space<vmem>>
    tpu.wait_dma2 semaphore(%arg8 : memref<!tpu.dma_semaphore, #tpu.memory_space<semaphore_mem>>) src(%dma_wait3A_150 : memref<64x384xf32, #tpu.memory_space<vmem>>) dst(%dma_wait3A_147 : memref<64x384xf32, #tpu.memory_space<hbm>>)
    %dma_wait3A_151 = arith.constant 64 : i32
    %dma_wait3A_152 = arith.constant 0 : i32
    %dma_wait3A_153 = tpu.memref_slice %arg6[%dma_wait3A_151, %dma_wait3A_152] : memref<320x384xf32, #tpu.memory_space<vmem>> -> memref<64x384xf32, #tpu.memory_space<vmem>>
    %dma_wait3A_154 = arith.constant 0 : i32
    %dma_wait3A_155 = tpu.memref_slice %arg4[%add3A_70, %dma_wait3A_154] : memref<10240x384xf32, #tpu.memory_space<hbm>> -> memref<64x384xf32, #tpu.memory_space<hbm>>
    %dma_wait3A_156 = arith.constant 0 : i32
    %dma_wait3A_157 = tpu.memref_slice %arg4[%add3A_70, %dma_wait3A_156] : memref<10240x384xf32, #tpu.memory_space<hbm>> -> memref<64x384xf32, #tpu.memory_space<hbm>>
    %dma_wait3A_158 = arith.constant 64 : i32
    %dma_wait3A_159 = arith.constant 0 : i32
    %dma_wait3A_160 = tpu.memref_slice %arg6[%dma_wait3A_158, %dma_wait3A_159] : memref<320x384xf32, #tpu.memory_space<vmem>> -> memref<64x384xf32, #tpu.memory_space<vmem>>
    tpu.wait_dma2 semaphore(%arg8 : memref<!tpu.dma_semaphore, #tpu.memory_space<semaphore_mem>>) src(%dma_wait3A_160 : memref<64x384xf32, #tpu.memory_space<vmem>>) dst(%dma_wait3A_157 : memref<64x384xf32, #tpu.memory_space<hbm>>)
    %dma_wait3A_161 = arith.constant 128 : i32
    %dma_wait3A_162 = arith.constant 0 : i32
    %dma_wait3A_163 = tpu.memref_slice %arg6[%dma_wait3A_161, %dma_wait3A_162] : memref<320x384xf32, #tpu.memory_space<vmem>> -> memref<64x384xf32, #tpu.memory_space<vmem>>
    %dma_wait3A_164 = arith.constant 0 : i32
    %dma_wait3A_165 = tpu.memref_slice %arg4[%add3A_90, %dma_wait3A_164] : memref<10240x384xf32, #tpu.memory_space<hbm>> -> memref<64x384xf32, #tpu.memory_space<hbm>>
    %dma_wait3A_166 = arith.constant 0 : i32
    %dma_wait3A_167 = tpu.memref_slice %arg4[%add3A_90, %dma_wait3A_166] : memref<10240x384xf32, #tpu.memory_space<hbm>> -> memref<64x384xf32, #tpu.memory_space<hbm>>
    %dma_wait3A_168 = arith.constant 128 : i32
    %dma_wait3A_169 = arith.constant 0 : i32
    %dma_wait3A_170 = tpu.memref_slice %arg6[%dma_wait3A_168, %dma_wait3A_169] : memref<320x384xf32, #tpu.memory_space<vmem>> -> memref<64x384xf32, #tpu.memory_space<vmem>>
    tpu.wait_dma2 semaphore(%arg8 : memref<!tpu.dma_semaphore, #tpu.memory_space<semaphore_mem>>) src(%dma_wait3A_170 : memref<64x384xf32, #tpu.memory_space<vmem>>) dst(%dma_wait3A_167 : memref<64x384xf32, #tpu.memory_space<hbm>>)
    %dma_wait3A_171 = arith.constant 192 : i32
    %dma_wait3A_172 = arith.constant 0 : i32
    %dma_wait3A_173 = tpu.memref_slice %arg6[%dma_wait3A_171, %dma_wait3A_172] : memref<320x384xf32, #tpu.memory_space<vmem>> -> memref<64x384xf32, #tpu.memory_space<vmem>>
    %dma_wait3A_174 = arith.constant 0 : i32
    %dma_wait3A_175 = tpu.memref_slice %arg4[%add3A_110, %dma_wait3A_174] : memref<10240x384xf32, #tpu.memory_space<hbm>> -> memref<64x384xf32, #tpu.memory_space<hbm>>
    %dma_wait3A_176 = arith.constant 0 : i32
    %dma_wait3A_177 = tpu.memref_slice %arg4[%add3A_110, %dma_wait3A_176] : memref<10240x384xf32, #tpu.memory_space<hbm>> -> memref<64x384xf32, #tpu.memory_space<hbm>>
    %dma_wait3A_178 = arith.constant 192 : i32
    %dma_wait3A_179 = arith.constant 0 : i32
    %dma_wait3A_180 = tpu.memref_slice %arg6[%dma_wait3A_178, %dma_wait3A_179] : memref<320x384xf32, #tpu.memory_space<vmem>> -> memref<64x384xf32, #tpu.memory_space<vmem>>
    tpu.wait_dma2 semaphore(%arg8 : memref<!tpu.dma_semaphore, #tpu.memory_space<semaphore_mem>>) src(%dma_wait3A_180 : memref<64x384xf32, #tpu.memory_space<vmem>>) dst(%dma_wait3A_177 : memref<64x384xf32, #tpu.memory_space<hbm>>)
    %dma_wait3A_181 = arith.constant 256 : i32
    %dma_wait3A_182 = arith.constant 0 : i32
    %dma_wait3A_183 = tpu.memref_slice %arg6[%dma_wait3A_181, %dma_wait3A_182] : memref<320x384xf32, #tpu.memory_space<vmem>> -> memref<64x384xf32, #tpu.memory_space<vmem>>
    %dma_wait3A_184 = arith.constant 0 : i32
    %dma_wait3A_185 = tpu.memref_slice %arg4[%add3A_130, %dma_wait3A_184] : memref<10240x384xf32, #tpu.memory_space<hbm>> -> memref<64x384xf32, #tpu.memory_space<hbm>>
    %dma_wait3A_186 = arith.constant 0 : i32
    %dma_wait3A_187 = tpu.memref_slice %arg4[%add3A_130, %dma_wait3A_186] : memref<10240x384xf32, #tpu.memory_space<hbm>> -> memref<64x384xf32, #tpu.memory_space<hbm>>
    %dma_wait3A_188 = arith.constant 256 : i32
    %dma_wait3A_189 = arith.constant 0 : i32
    %dma_wait3A_190 = tpu.memref_slice %arg6[%dma_wait3A_188, %dma_wait3A_189] : memref<320x384xf32, #tpu.memory_space<vmem>> -> memref<64x384xf32, #tpu.memory_space<vmem>>
    tpu.wait_dma2 semaphore(%arg8 : memref<!tpu.dma_semaphore, #tpu.memory_space<semaphore_mem>>) src(%dma_wait3A_190 : memref<64x384xf32, #tpu.memory_space<vmem>>) dst(%dma_wait3A_187 : memref<64x384xf32, #tpu.memory_space<hbm>>)
    return
  }
}

module attributes {stable_mosaic.version = 14 : i64} {
  func.func @_hf_body(%arg0: i32, %arg1: memref<256x384xf32, #tpu.memory_space<vmem>>, %arg2: memref<384x384xf32, #tpu.memory_space<vmem>>, %arg3: memref<1x384xf32, #tpu.memory_space<vmem>>, %arg4: memref<256x384xf32, #tpu.memory_space<vmem>>) attributes {dimension_semantics = [#tpu.dimension_semantics<arbitrary>], iteration_bounds = array<i64: 40>, scalar_prefetch = 0 : i64, scratch_operands = 0 : i64, tpu.core_type = #tpu.core_type<tc>, window_params = [{transform_indices = @transform_0, window_bounds = array<i64: 256, 384>}, {pipeline_mode = #tpu.pipeline_mode<synchronous>, transform_indices = @transform_1, window_bounds = array<i64: 384, 384>}, {pipeline_mode = #tpu.pipeline_mode<synchronous>, transform_indices = @transform_2, window_bounds = array<i64: 1, 384>}, {transform_indices = @transform_3, window_bounds = array<i64: 256, 384>}]} {
    %get3A = arith.constant 0 : index
    %get3A_0 = arith.constant 0 : index
    %get3A_1 = vector.load %arg1[%get3A, %get3A_0] : memref<256x384xf32, #tpu.memory_space<vmem>>, vector<256x384xf32>
    %get3A_2 = arith.constant 0 : index
    %get3A_3 = arith.constant 0 : index
    %get3A_4 = vector.load %arg2[%get3A_2, %get3A_3] : memref<384x384xf32, #tpu.memory_space<vmem>>, vector<384x384xf32>
    %dot_general3A = arith.constant dense<0.000000e+00> : vector<256x384xf32>
    %dot_general3A_5 = tpu.matmul %get3A_1, %get3A_4, %dot_general3A {dimension_numbers = #tpu.dot_dimension_numbers<[1], [0], [0], [1], [0, 0, 1, 1], [], []>, transpose_lhs_hint = false} : vector<256x384xf32>, vector<384x384xf32>, vector<256x384xf32> -> vector<256x384xf32>
    %get3A_6 = arith.constant 0 : index
    %get3A_7 = arith.constant 0 : index
    %get3A_8 = vector.load %arg3[%get3A_6, %get3A_7] : memref<1x384xf32, #tpu.memory_space<vmem>>, vector<1x384xf32>
    %add3A = vector.broadcast %get3A_8 : vector<1x384xf32> to vector<256x384xf32>
    %add3A_9 = arith.addf %dot_general3A_5, %add3A : vector<256x384xf32>
    %swap3A = arith.constant 0 : index
    %swap3A_10 = arith.constant 0 : index
    %swap3A_11 = vector.load %arg4[%swap3A, %swap3A_10] : memref<256x384xf32, #tpu.memory_space<vmem>>, vector<256x384xf32>
    tpu.vector_store %arg4[%swap3A, %swap3A_10], %add3A_9 {strides = array<i32>} : memref<256x384xf32, #tpu.memory_space<vmem>>, vector<256x384xf32>,
    return
  }
  func.func @transform_0(%arg0: i32) -> (i32, i32) {
    %c0_i32 = arith.constant 0 : i32
    %c0_i32_0 = arith.constant 0 : i32
    return %arg0, %c0_i32 : i32, i32
  }
  func.func @transform_1(%arg0: i32) -> (i32, i32) {
    %c0_i32 = arith.constant 0 : i32
    %c0_i32_0 = arith.constant 0 : i32
    %c0_i32_1 = arith.constant 0 : i32
    return %c0_i32, %c0_i32_0 : i32, i32
  }
  func.func @transform_2(%arg0: i32) -> (i32, i32) {
    %c0_i32 = arith.constant 0 : i32
    %c0_i32_0 = arith.constant 0 : i32
    %c0_i32_1 = arith.constant 0 : i32
    return %c0_i32, %c0_i32_0 : i32, i32
  }
  func.func @transform_3(%arg0: i32) -> (i32, i32) {
    %c0_i32 = arith.constant 0 : i32
    %c0_i32_0 = arith.constant 0 : i32
    return %arg0, %c0_i32 : i32, i32
  }
}

module attributes {stable_mosaic.version = 14 : i64} {
  func.func @_merge_body(%arg0: memref<32x10240xi32, #tpu.memory_space<vmem>>, %arg1: memref<32x10240xi32, #tpu.memory_space<vmem>>, %arg2: memref<1x10240xi32, #tpu.memory_space<vmem>>, %arg3: memref<1x10240xf32, #tpu.memory_space<vmem>>) attributes {dimension_semantics = [], scalar_prefetch = 0 : i64, scratch_operands = 0 : i64, tpu.core_type = #tpu.core_type<tc>} {
    %get3A = arith.constant 0 : index
    %get3A_0 = arith.constant 0 : index
    %get3A_1 = vector.load %arg0[%get3A, %get3A_0] : memref<32x10240xi32, #tpu.memory_space<vmem>>, vector<32x10240xi32>
    %get3A_2 = arith.constant 0 : index
    %get3A_3 = arith.constant 0 : index
    %get3A_4 = vector.load %arg1[%get3A_2, %get3A_3] : memref<32x10240xi32, #tpu.memory_space<vmem>>, vector<32x10240xi32>
    %reduce_max3A = arith.constant dense<-2147483648> : vector<10240xi32>
    %reduce_max3A_5 = vector.multi_reduction <maxsi>, %get3A_1, %reduce_max3A [0] : vector<32x10240xi32> to vector<10240xi32>
    %broadcast_in_dim3A = vector.shape_cast %reduce_max3A_5 : vector<10240xi32> to vector<1x10240xi32>
    %eq3A = vector.broadcast %broadcast_in_dim3A : vector<1x10240xi32> to vector<32x10240xi32>
    %eq3A_6 = arith.cmpi eq, %get3A_1, %eq3A : vector<32x10240xi32>
    %jit3A = arith.constant 0 : i32
    %broadcast_in_dim3A_7 = vector.broadcast %jit3A : i32 to vector<32x10240xi32>
    %select_n3A = arith.select %eq3A_6, %get3A_4, %broadcast_in_dim3A_7 : vector<32x10240xi1>, vector<32x10240xi32>
    %reduce_sum3A = arith.constant dense<0> : vector<10240xi32>
    %reduce_sum3A_8 = vector.multi_reduction <add>, %select_n3A, %reduce_sum3A [0] : vector<32x10240xi32> to vector<10240xi32>
    %broadcast_in_dim3A_9 = vector.shape_cast %reduce_sum3A_8 : vector<10240xi32> to vector<1x10240xi32>
    %swap3A = arith.constant 0 : index
    %swap3A_10 = arith.constant 0 : index
    %swap3A_11 = vector.load %arg2[%swap3A, %swap3A_10] : memref<1x10240xi32, #tpu.memory_space<vmem>>, vector<1x10240xi32>
    tpu.vector_store %arg2[%swap3A, %swap3A_10], %broadcast_in_dim3A_9 {strides = array<i32>} : memref<1x10240xi32, #tpu.memory_space<vmem>>, vector<1x10240xi32>,
    %ge3A = arith.constant 0 : i32
    %ge3A_12 = vector.broadcast %ge3A : i32 to vector<1x10240xi32>
    %ge3A_13 = arith.cmpi sge, %broadcast_in_dim3A, %ge3A_12 : vector<1x10240xi32>
    %convert_element_type3A = arith.extui %ge3A_13 : vector<1x10240xi1> to vector<1x10240xi32>
    %convert_element_type3A_14 = arith.sitofp %convert_element_type3A : vector<1x10240xi32> to vector<1x10240xf32>
    %swap3A_15 = arith.constant 0 : index
    %swap3A_16 = arith.constant 0 : index
    %swap3A_17 = vector.load %arg3[%swap3A_15, %swap3A_16] : memref<1x10240xf32, #tpu.memory_space<vmem>>, vector<1x10240xf32>
    tpu.vector_store %arg3[%swap3A_15, %swap3A_16], %convert_element_type3A_14 {strides = array<i32>} : memref<1x10240xf32, #tpu.memory_space<vmem>>, vector<1x10240xf32>,
    return
  }
}

module attributes {stable_mosaic.version = 14 : i64} {
  func.func @_attn_ffn_body(%arg0: i32, %arg1: memref<256x384xf32, #tpu.memory_space<vmem>>, %arg2: memref<256x384xf32, #tpu.memory_space<vmem>>, %arg3: memref<256x1xf32, #tpu.memory_space<vmem>>, %arg4: memref<1x3xf32, #tpu.memory_space<smem>>, %arg5: memref<384x384xf32, #tpu.memory_space<vmem>>, %arg6: memref<1x384xf32, #tpu.memory_space<vmem>>, %arg7: memref<384x384xf32, #tpu.memory_space<vmem>>, %arg8: memref<1x384xf32, #tpu.memory_space<vmem>>, %arg9: memref<384x384xf32, #tpu.memory_space<vmem>>, %arg10: memref<1x384xf32, #tpu.memory_space<vmem>>, %arg11: memref<1x384xf32, #tpu.memory_space<vmem>>, %arg12: memref<1x384xf32, #tpu.memory_space<vmem>>, %arg13: memref<384x384xf32, #tpu.memory_space<vmem>>, %arg14: memref<1x384xf32, #tpu.memory_space<vmem>>, %arg15: memref<384x384xf32, #tpu.memory_space<vmem>>, %arg16: memref<1x384xf32, #tpu.memory_space<vmem>>, %arg17: memref<1x384xf32, #tpu.memory_space<vmem>>, %arg18: memref<1x384xf32, #tpu.memory_space<vmem>>, %arg19: memref<384x384xf32, #tpu.memory_space<vmem>>, %arg20: memref<1x384xf32, #tpu.memory_space<vmem>>, %arg21: memref<256x384xf32, #tpu.memory_space<vmem>>) attributes {dimension_semantics = [#tpu.dimension_semantics<arbitrary>], iteration_bounds = array<i64: 40>, scalar_prefetch = 0 : i64, scratch_operands = 0 : i64, tpu.core_type = #tpu.core_type<tc>, window_params = [{transform_indices = @transform_0, window_bounds = array<i64: 256, 384>}, {transform_indices = @transform_1, window_bounds = array<i64: 256, 384>}, {transform_indices = @transform_2, window_bounds = array<i64: 256, 1>}, {transform_indices = @transform_3, window_bounds = array<i64: 1, 3>}, {pipeline_mode = #tpu.pipeline_mode<synchronous>, transform_indices = @transform_4, window_bounds = array<i64: 384, 384>}, {pipeline_mode = #tpu.pipeline_mode<synchronous>, transform_indices = @transform_5, window_bounds = array<i64: 1, 384>}, {pipeline_mode = #tpu.pipeline_mode<synchronous>, transform_indices = @transform_6, window_bounds = array<i64: 384, 384>}, {pipeline_mode = #tpu.pipeline_mode<synchronous>, transform_indices = @transform_7, window_bounds = array<i64: 1, 384>}, {pipeline_mode = #tpu.pipeline_mode<synchronous>, transform_indices = @transform_8, window_bounds = array<i64: 384, 384>}, {pipeline_mode = #tpu.pipeline_mode<synchronous>, transform_indices = @transform_9, window_bounds = array<i64: 1, 384>}, {pipeline_mode = #tpu.pipeline_mode<synchronous>, transform_indices = @transform_10, window_bounds = array<i64: 1, 384>}, {pipeline_mode = #tpu.pipeline_mode<synchronous>, transform_indices = @transform_11, window_bounds = array<i64: 1, 384>}, {pipeline_mode = #tpu.pipeline_mode<synchronous>, transform_indices = @transform_12, window_bounds = array<i64: 384, 384>}, {pipeline_mode = #tpu.pipeline_mode<synchronous>, transform_indices = @transform_13, window_bounds = array<i64: 1, 384>}, {pipeline_mode = #tpu.pipeline_mode<synchronous>, transform_indices = @transform_14, window_bounds = array<i64: 384, 384>}, {pipeline_mode = #tpu.pipeline_mode<synchronous>, transform_indices = @transform_15, window_bounds = array<i64: 1, 384>}, {pipeline_mode = #tpu.pipeline_mode<synchronous>, transform_indices = @transform_16, window_bounds = array<i64: 1, 384>}, {pipeline_mode = #tpu.pipeline_mode<synchronous>, transform_indices = @transform_17, window_bounds = array<i64: 1, 384>}, {pipeline_mode = #tpu.pipeline_mode<synchronous>, transform_indices = @transform_18, window_bounds = array<i64: 384, 384>}, {pipeline_mode = #tpu.pipeline_mode<synchronous>, transform_indices = @transform_19, window_bounds = array<i64: 1, 384>}, {transform_indices = @transform_20, window_bounds = array<i64: 256, 384>}]} {
    %get3A = arith.constant 0 : index
    %get3A_0 = arith.constant 0 : index
    %get3A_1 = vector.load %arg1[%get3A, %get3A_0] : memref<256x384xf32, #tpu.memory_space<vmem>>, vector<256x384xf32>
    %get3A_2 = arith.constant 0 : index
    %get3A_3 = arith.constant 0 : index
    %get3A_4 = vector.load %arg2[%get3A_2, %get3A_3] : memref<256x384xf32, #tpu.memory_space<vmem>>, vector<256x384xf32>
    %get3A_5 = arith.constant 0 : index
    %get3A_6 = arith.constant 0 : index
    %get3A_7 = vector.load %arg5[%get3A_5, %get3A_6] : memref<384x384xf32, #tpu.memory_space<vmem>>, vector<384x384xf32>
    %dot_general3A = arith.constant dense<0.000000e+00> : vector<256x384xf32>
    %dot_general3A_8 = tpu.matmul %get3A_1, %get3A_7, %dot_general3A {dimension_numbers = #tpu.dot_dimension_numbers<[1], [0], [0], [1], [0, 0, 1, 1], [], []>, transpose_lhs_hint = false} : vector<256x384xf32>, vector<384x384xf32>, vector<256x384xf32> -> vector<256x384xf32>
    %get3A_9 = arith.constant 0 : index
    %get3A_10 = arith.constant 0 : index
    %get3A_11 = vector.load %arg6[%get3A_9, %get3A_10] : memref<1x384xf32, #tpu.memory_space<vmem>>, vector<1x384xf32>
    %add3A = vector.broadcast %get3A_11 : vector<1x384xf32> to vector<256x384xf32>
    %add3A_12 = arith.addf %dot_general3A_8, %add3A : vector<256x384xf32>
    %get3A_13 = arith.constant 0 : index
    %get3A_14 = arith.constant 0 : index
    %get3A_15 = vector.load %arg7[%get3A_13, %get3A_14] : memref<384x384xf32, #tpu.memory_space<vmem>>, vector<384x384xf32>
    %dot_general3A_16 = arith.constant dense<0.000000e+00> : vector<256x384xf32>
    %dot_general3A_17 = tpu.matmul %get3A_4, %get3A_15, %dot_general3A_16 {dimension_numbers = #tpu.dot_dimension_numbers<[1], [0], [0], [1], [0, 0, 1, 1], [], []>, transpose_lhs_hint = false} : vector<256x384xf32>, vector<384x384xf32>, vector<256x384xf32> -> vector<256x384xf32>
    %get3A_18 = arith.constant 0 : index
    %get3A_19 = arith.constant 0 : index
    %get3A_20 = vector.load %arg8[%get3A_18, %get3A_19] : memref<1x384xf32, #tpu.memory_space<vmem>>, vector<1x384xf32>
    %add3A_21 = vector.broadcast %get3A_20 : vector<1x384xf32> to vector<256x384xf32>
    %add3A_22 = arith.addf %dot_general3A_17, %add3A_21 : vector<256x384xf32>
    %get3A_23 = arith.constant 0 : index
    %get3A_24 = arith.constant 0 : index
    %get3A_25 = vector.load %arg9[%get3A_23, %get3A_24] : memref<384x384xf32, #tpu.memory_space<vmem>>, vector<384x384xf32>
    %dot_general3A_26 = arith.constant dense<0.000000e+00> : vector<256x384xf32>
    %dot_general3A_27 = tpu.matmul %get3A_4, %get3A_25, %dot_general3A_26 {dimension_numbers = #tpu.dot_dimension_numbers<[1], [0], [0], [1], [0, 0, 1, 1], [], []>, transpose_lhs_hint = false} : vector<256x384xf32>, vector<384x384xf32>, vector<256x384xf32> -> vector<256x384xf32>
    %get3A_28 = arith.constant 0 : index
    %get3A_29 = arith.constant 0 : index
    %get3A_30 = vector.load %arg10[%get3A_28, %get3A_29] : memref<1x384xf32, #tpu.memory_space<vmem>>, vector<1x384xf32>
    %add3A_31 = vector.broadcast %get3A_30 : vector<1x384xf32> to vector<256x384xf32>
    %add3A_32 = arith.addf %dot_general3A_27, %add3A_31 : vector<256x384xf32>
    %get3A_33 = arith.constant 0 : index
    %get3A_34 = arith.constant 0 : index
    %get3A_35 = memref.load %arg4[%get3A_33, %get3A_34] : memref<1x3xf32, #tpu.memory_space<smem>>
    %get3A_36 = arith.constant 0 : index
    %get3A_37 = arith.constant 1 : index
    %get3A_38 = memref.load %arg4[%get3A_36, %get3A_37] : memref<1x3xf32, #tpu.memory_space<smem>>
    %get3A_39 = arith.constant 0 : index
    %get3A_40 = arith.constant 2 : index
    %get3A_41 = memref.load %arg4[%get3A_39, %get3A_40] : memref<1x3xf32, #tpu.memory_space<smem>>
    %iota3A = tpu.iota {dimensions = array<i32: 0>} : vector<384x8xi32>
    %jit3A = arith.constant 48 : i32
    %div3A = vector.broadcast %jit3A : i32 to vector<384x8xi32>
    %div3A_42 = arith.divsi %iota3A, %div3A : vector<384x8xi32>
    %sign3A = arith.constant 0 : i32
    %sign3A_43 = vector.broadcast %sign3A : i32 to vector<384x8xi32>
    %sign3A_44 = arith.cmpi sgt, %iota3A, %sign3A_43 : vector<384x8xi32>
    %sign3A_45 = arith.extui %sign3A_44 : vector<384x8xi1> to vector<384x8xi32>
    %sign3A_46 = arith.constant 0 : i32
    %sign3A_47 = vector.broadcast %sign3A_46 : i32 to vector<384x8xi32>
    %sign3A_48 = arith.cmpi slt, %iota3A, %sign3A_47 : vector<384x8xi32>
    %sign3A_49 = arith.extui %sign3A_48 : vector<384x8xi1> to vector<384x8xi32>
    %sign3A_50 = arith.subi %sign3A_45, %sign3A_49 : vector<384x8xi32>
    %sign3A_51 = arith.constant 0 : i32
    %sign3A_52 = arith.cmpi sgt, %jit3A, %sign3A_51 : i32
    %sign3A_53 = arith.extui %sign3A_52 : i1 to i32
    %sign3A_54 = arith.constant 0 : i32
    %sign3A_55 = arith.cmpi slt, %jit3A, %sign3A_54 : i32
    %sign3A_56 = arith.extui %sign3A_55 : i1 to i32
    %sign3A_57 = arith.subi %sign3A_53, %sign3A_56 : i32
    %ne3A = vector.broadcast %sign3A_57 : i32 to vector<384x8xi32>
    %ne3A_58 = arith.cmpi ne, %sign3A_50, %ne3A : vector<384x8xi32>
    %rem3A = vector.broadcast %jit3A : i32 to vector<384x8xi32>
    %rem3A_59 = arith.remsi %iota3A, %rem3A : vector<384x8xi32>
    %ne3A_60 = arith.constant 0 : i32
    %ne3A_61 = vector.broadcast %ne3A_60 : i32 to vector<384x8xi32>
    %ne3A_62 = arith.cmpi ne, %rem3A_59, %ne3A_61 : vector<384x8xi32>
    %and3A = arith.andi %ne3A_58, %ne3A_62 : vector<384x8xi1>
    %sub3A = arith.constant 1 : i32
    %sub3A_63 = vector.broadcast %sub3A : i32 to vector<384x8xi32>
    %sub3A_64 = arith.subi %div3A_42, %sub3A_63 : vector<384x8xi32>
    %select_n3A = arith.select %and3A, %sub3A_64, %div3A_42 : vector<384x8xi1>, vector<384x8xi32>
    %iota3A_65 = tpu.iota {dimensions = array<i32: 1>} : vector<384x8xi32>
    %eq3A = arith.cmpi eq, %select_n3A, %iota3A_65 : vector<384x8xi32>
    %convert_element_type3A = arith.extui %eq3A : vector<384x8xi1> to vector<384x8xi32>
    %convert_element_type3A_66 = arith.sitofp %convert_element_type3A : vector<384x8xi32> to vector<384x8xf32>
    %iota3A_67 = tpu.iota {dimensions = array<i32: 1>} : vector<8x384xi32>
    %jit3A_68 = arith.constant 48 : i32
    %div3A_69 = vector.broadcast %jit3A_68 : i32 to vector<8x384xi32>
    %div3A_70 = arith.divsi %iota3A_67, %div3A_69 : vector<8x384xi32>
    %sign3A_71 = arith.constant 0 : i32
    %sign3A_72 = vector.broadcast %sign3A_71 : i32 to vector<8x384xi32>
    %sign3A_73 = arith.cmpi sgt, %iota3A_67, %sign3A_72 : vector<8x384xi32>
    %sign3A_74 = arith.extui %sign3A_73 : vector<8x384xi1> to vector<8x384xi32>
    %sign3A_75 = arith.constant 0 : i32
    %sign3A_76 = vector.broadcast %sign3A_75 : i32 to vector<8x384xi32>
    %sign3A_77 = arith.cmpi slt, %iota3A_67, %sign3A_76 : vector<8x384xi32>
    %sign3A_78 = arith.extui %sign3A_77 : vector<8x384xi1> to vector<8x384xi32>
    %sign3A_79 = arith.subi %sign3A_74, %sign3A_78 : vector<8x384xi32>
    %sign3A_80 = arith.constant 0 : i32
    %sign3A_81 = arith.cmpi sgt, %jit3A_68, %sign3A_80 : i32
    %sign3A_82 = arith.extui %sign3A_81 : i1 to i32
    %sign3A_83 = arith.constant 0 : i32
    %sign3A_84 = arith.cmpi slt, %jit3A_68, %sign3A_83 : i32
    %sign3A_85 = arith.extui %sign3A_84 : i1 to i32
    %sign3A_86 = arith.subi %sign3A_82, %sign3A_85 : i32
    %ne3A_87 = vector.broadcast %sign3A_86 : i32 to vector<8x384xi32>
    %ne3A_88 = arith.cmpi ne, %sign3A_79, %ne3A_87 : vector<8x384xi32>
    %rem3A_89 = vector.broadcast %jit3A_68 : i32 to vector<8x384xi32>
    %rem3A_90 = arith.remsi %iota3A_67, %rem3A_89 : vector<8x384xi32>
    %ne3A_91 = arith.constant 0 : i32
    %ne3A_92 = vector.broadcast %ne3A_91 : i32 to vector<8x384xi32>
    %ne3A_93 = arith.cmpi ne, %rem3A_90, %ne3A_92 : vector<8x384xi32>
    %and3A_94 = arith.andi %ne3A_88, %ne3A_93 : vector<8x384xi1>
    %sub3A_95 = arith.constant 1 : i32
    %sub3A_96 = vector.broadcast %sub3A_95 : i32 to vector<8x384xi32>
    %sub3A_97 = arith.subi %div3A_70, %sub3A_96 : vector<8x384xi32>
    %select_n3A_98 = arith.select %and3A_94, %sub3A_97, %div3A_70 : vector<8x384xi1>, vector<8x384xi32>
    %iota3A_99 = tpu.iota {dimensions = array<i32: 0>} : vector<8x384xi32>
    %eq3A_100 = arith.cmpi eq, %select_n3A_98, %iota3A_99 : vector<8x384xi32>
    %convert_element_type3A_101 = arith.extui %eq3A_100 : vector<8x384xi1> to vector<8x384xi32>
    %convert_element_type3A_102 = arith.sitofp %convert_element_type3A_101 : vector<8x384xi32> to vector<8x384xf32>
    %div3A_103 = arith.constant 6.92820311 : f32
    %div3A_104 = arith.divf %get3A_35, %div3A_103 : f32
    %mul3A = arith.mulf %add3A_12, %add3A_22 : vector<256x384xf32>
    %dot_general3A_105 = arith.constant dense<0.000000e+00> : vector<256x8xf32>
    %dot_general3A_106 = tpu.matmul %mul3A, %convert_element_type3A_66, %dot_general3A_105 {dimension_numbers = #tpu.dot_dimension_numbers<[1], [0], [0], [1], [0, 0, 1, 1], [], []>, transpose_lhs_hint = false} : vector<256x384xf32>, vector<384x8xf32>, vector<256x8xf32> -> vector<256x8xf32>
    %mul3A_107 = vector.broadcast %div3A_104 : f32 to vector<256x8xf32>
    %mul3A_108 = arith.mulf %dot_general3A_106, %mul3A_107 : vector<256x8xf32>
    %add3A_109 = vector.broadcast %get3A_38 : f32 to vector<256x8xf32>
    %add3A_110 = arith.addf %mul3A_108, %add3A_109 : vector<256x8xf32>
    %slice3A = vector.extract_strided_slice %add3A_22 {offsets = [0, 48], sizes = [256, 336], strides = [1, 1]} : vector<256x384xf32> to vector<256x336xf32>
    %slice3A_111 = vector.extract_strided_slice %add3A_22 {offsets = [0, 0], sizes = [256, 48], strides = [1, 1]} : vector<256x384xf32> to vector<256x48xf32>
    %concatenate3A = tpu.concatenate %slice3A, %slice3A_111 in 1 : vector<256x336xf32>, vector<256x48xf32> -> vector<256x384xf32>
    %slice3A_112 = vector.extract_strided_slice %add3A_32 {offsets = [0, 48], sizes = [256, 336], strides = [1, 1]} : vector<256x384xf32> to vector<256x336xf32>
    %slice3A_113 = vector.extract_strided_slice %add3A_32 {offsets = [0, 0], sizes = [256, 48], strides = [1, 1]} : vector<256x384xf32> to vector<256x48xf32>
    %concatenate3A_114 = tpu.concatenate %slice3A_112, %slice3A_113 in 1 : vector<256x336xf32>, vector<256x48xf32> -> vector<256x384xf32>
    %mul3A_115 = arith.mulf %add3A_12, %concatenate3A : vector<256x384xf32>
    %dot_general3A_116 = arith.constant dense<0.000000e+00> : vector<256x8xf32>
    %dot_general3A_117 = tpu.matmul %mul3A_115, %convert_element_type3A_66, %dot_general3A_116 {dimension_numbers = #tpu.dot_dimension_numbers<[1], [0], [0], [1], [0, 0, 1, 1], [], []>, transpose_lhs_hint = false} : vector<256x384xf32>, vector<384x8xf32>, vector<256x8xf32> -> vector<256x8xf32>
    %mul3A_118 = vector.broadcast %div3A_104 : f32 to vector<256x8xf32>
    %mul3A_119 = arith.mulf %dot_general3A_117, %mul3A_118 : vector<256x8xf32>
    %add3A_120 = vector.broadcast %get3A_38 : f32 to vector<256x8xf32>
    %add3A_121 = arith.addf %mul3A_119, %add3A_120 : vector<256x8xf32>
    %slice3A_122 = vector.extract_strided_slice %add3A_22 {offsets = [0, 96], sizes = [256, 288], strides = [1, 1]} : vector<256x384xf32> to vector<256x288xf32>
    %slice3A_123 = vector.extract_strided_slice %add3A_22 {offsets = [0, 0], sizes = [256, 96], strides = [1, 1]} : vector<256x384xf32> to vector<256x96xf32>
    %concatenate3A_124 = tpu.concatenate %slice3A_122, %slice3A_123 in 1 : vector<256x288xf32>, vector<256x96xf32> -> vector<256x384xf32>
    %slice3A_125 = vector.extract_strided_slice %add3A_32 {offsets = [0, 96], sizes = [256, 288], strides = [1, 1]} : vector<256x384xf32> to vector<256x288xf32>
    %slice3A_126 = vector.extract_strided_slice %add3A_32 {offsets = [0, 0], sizes = [256, 96], strides = [1, 1]} : vector<256x384xf32> to vector<256x96xf32>
    %concatenate3A_127 = tpu.concatenate %slice3A_125, %slice3A_126 in 1 : vector<256x288xf32>, vector<256x96xf32> -> vector<256x384xf32>
    %mul3A_128 = arith.mulf %add3A_12, %concatenate3A_124 : vector<256x384xf32>
    %dot_general3A_129 = arith.constant dense<0.000000e+00> : vector<256x8xf32>
    %dot_general3A_130 = tpu.matmul %mul3A_128, %convert_element_type3A_66, %dot_general3A_129 {dimension_numbers = #tpu.dot_dimension_numbers<[1], [0], [0], [1], [0, 0, 1, 1], [], []>, transpose_lhs_hint = false} : vector<256x384xf32>, vector<384x8xf32>, vector<256x8xf32> -> vector<256x8xf32>
    %mul3A_131 = vector.broadcast %div3A_104 : f32 to vector<256x8xf32>
    %mul3A_132 = arith.mulf %dot_general3A_130, %mul3A_131 : vector<256x8xf32>
    %add3A_133 = vector.broadcast %get3A_38 : f32 to vector<256x8xf32>
    %add3A_134 = arith.addf %mul3A_132, %add3A_133 : vector<256x8xf32>
    %slice3A_135 = vector.extract_strided_slice %add3A_22 {offsets = [0, 144], sizes = [256, 240], strides = [1, 1]} : vector<256x384xf32> to vector<256x240xf32>
    %slice3A_136 = vector.extract_strided_slice %add3A_22 {offsets = [0, 0], sizes = [256, 144], strides = [1, 1]} : vector<256x384xf32> to vector<256x144xf32>
    %concatenate3A_137 = tpu.concatenate %slice3A_135, %slice3A_136 in 1 : vector<256x240xf32>, vector<256x144xf32> -> vector<256x384xf32>
    %slice3A_138 = vector.extract_strided_slice %add3A_32 {offsets = [0, 144], sizes = [256, 240], strides = [1, 1]} : vector<256x384xf32> to vector<256x240xf32>
    %slice3A_139 = vector.extract_strided_slice %add3A_32 {offsets = [0, 0], sizes = [256, 144], strides = [1, 1]} : vector<256x384xf32> to vector<256x144xf32>
    %concatenate3A_140 = tpu.concatenate %slice3A_138, %slice3A_139 in 1 : vector<256x240xf32>, vector<256x144xf32> -> vector<256x384xf32>
    %mul3A_141 = arith.mulf %add3A_12, %concatenate3A_137 : vector<256x384xf32>
    %dot_general3A_142 = arith.constant dense<0.000000e+00> : vector<256x8xf32>
    %dot_general3A_143 = tpu.matmul %mul3A_141, %convert_element_type3A_66, %dot_general3A_142 {dimension_numbers = #tpu.dot_dimension_numbers<[1], [0], [0], [1], [0, 0, 1, 1], [], []>, transpose_lhs_hint = false} : vector<256x384xf32>, vector<384x8xf32>, vector<256x8xf32> -> vector<256x8xf32>
    %mul3A_144 = vector.broadcast %div3A_104 : f32 to vector<256x8xf32>
    %mul3A_145 = arith.mulf %dot_general3A_143, %mul3A_144 : vector<256x8xf32>
    %add3A_146 = vector.broadcast %get3A_38 : f32 to vector<256x8xf32>
    %add3A_147 = arith.addf %mul3A_145, %add3A_146 : vector<256x8xf32>
    %slice3A_148 = vector.extract_strided_slice %add3A_22 {offsets = [0, 192], sizes = [256, 192], strides = [1, 1]} : vector<256x384xf32> to vector<256x192xf32>
    %slice3A_149 = vector.extract_strided_slice %add3A_22 {offsets = [0, 0], sizes = [256, 192], strides = [1, 1]} : vector<256x384xf32> to vector<256x192xf32>
    %concatenate3A_150 = tpu.concatenate %slice3A_148, %slice3A_149 in 1 : vector<256x192xf32>, vector<256x192xf32> -> vector<256x384xf32>
    %slice3A_151 = vector.extract_strided_slice %add3A_32 {offsets = [0, 192], sizes = [256, 192], strides = [1, 1]} : vector<256x384xf32> to vector<256x192xf32>
    %slice3A_152 = vector.extract_strided_slice %add3A_32 {offsets = [0, 0], sizes = [256, 192], strides = [1, 1]} : vector<256x384xf32> to vector<256x192xf32>
    %concatenate3A_153 = tpu.concatenate %slice3A_151, %slice3A_152 in 1 : vector<256x192xf32>, vector<256x192xf32> -> vector<256x384xf32>
    %mul3A_154 = arith.mulf %add3A_12, %concatenate3A_150 : vector<256x384xf32>
    %dot_general3A_155 = arith.constant dense<0.000000e+00> : vector<256x8xf32>
    %dot_general3A_156 = tpu.matmul %mul3A_154, %convert_element_type3A_66, %dot_general3A_155 {dimension_numbers = #tpu.dot_dimension_numbers<[1], [0], [0], [1], [0, 0, 1, 1], [], []>, transpose_lhs_hint = false} : vector<256x384xf32>, vector<384x8xf32>, vector<256x8xf32> -> vector<256x8xf32>
    %mul3A_157 = vector.broadcast %div3A_104 : f32 to vector<256x8xf32>
    %mul3A_158 = arith.mulf %dot_general3A_156, %mul3A_157 : vector<256x8xf32>
    %add3A_159 = vector.broadcast %get3A_38 : f32 to vector<256x8xf32>
    %add3A_160 = arith.addf %mul3A_158, %add3A_159 : vector<256x8xf32>
    %slice3A_161 = vector.extract_strided_slice %add3A_22 {offsets = [0, 240], sizes = [256, 144], strides = [1, 1]} : vector<256x384xf32> to vector<256x144xf32>
    %slice3A_162 = vector.extract_strided_slice %add3A_22 {offsets = [0, 0], sizes = [256, 240], strides = [1, 1]} : vector<256x384xf32> to vector<256x240xf32>
    %concatenate3A_163 = tpu.concatenate %slice3A_161, %slice3A_162 in 1 : vector<256x144xf32>, vector<256x240xf32> -> vector<256x384xf32>
    %slice3A_164 = vector.extract_strided_slice %add3A_32 {offsets = [0, 240], sizes = [256, 144], strides = [1, 1]} : vector<256x384xf32> to vector<256x144xf32>
    %slice3A_165 = vector.extract_strided_slice %add3A_32 {offsets = [0, 0], sizes = [256, 240], strides = [1, 1]} : vector<256x384xf32> to vector<256x240xf32>
    %concatenate3A_166 = tpu.concatenate %slice3A_164, %slice3A_165 in 1 : vector<256x144xf32>, vector<256x240xf32> -> vector<256x384xf32>
    %mul3A_167 = arith.mulf %add3A_12, %concatenate3A_163 : vector<256x384xf32>
    %dot_general3A_168 = arith.constant dense<0.000000e+00> : vector<256x8xf32>
    %dot_general3A_169 = tpu.matmul %mul3A_167, %convert_element_type3A_66, %dot_general3A_168 {dimension_numbers = #tpu.dot_dimension_numbers<[1], [0], [0], [1], [0, 0, 1, 1], [], []>, transpose_lhs_hint = false} : vector<256x384xf32>, vector<384x8xf32>, vector<256x8xf32> -> vector<256x8xf32>
    %mul3A_170 = vector.broadcast %div3A_104 : f32 to vector<256x8xf32>
    %mul3A_171 = arith.mulf %dot_general3A_169, %mul3A_170 : vector<256x8xf32>
    %add3A_172 = vector.broadcast %get3A_38 : f32 to vector<256x8xf32>
    %add3A_173 = arith.addf %mul3A_171, %add3A_172 : vector<256x8xf32>
    %slice3A_174 = vector.extract_strided_slice %add3A_22 {offsets = [0, 288], sizes = [256, 96], strides = [1, 1]} : vector<256x384xf32> to vector<256x96xf32>
    %slice3A_175 = vector.extract_strided_slice %add3A_22 {offsets = [0, 0], sizes = [256, 288], strides = [1, 1]} : vector<256x384xf32> to vector<256x288xf32>
    %concatenate3A_176 = tpu.concatenate %slice3A_174, %slice3A_175 in 1 : vector<256x96xf32>, vector<256x288xf32> -> vector<256x384xf32>
    %slice3A_177 = vector.extract_strided_slice %add3A_32 {offsets = [0, 288], sizes = [256, 96], strides = [1, 1]} : vector<256x384xf32> to vector<256x96xf32>
    %slice3A_178 = vector.extract_strided_slice %add3A_32 {offsets = [0, 0], sizes = [256, 288], strides = [1, 1]} : vector<256x384xf32> to vector<256x288xf32>
    %concatenate3A_179 = tpu.concatenate %slice3A_177, %slice3A_178 in 1 : vector<256x96xf32>, vector<256x288xf32> -> vector<256x384xf32>
    %mul3A_180 = arith.mulf %add3A_12, %concatenate3A_176 : vector<256x384xf32>
    %dot_general3A_181 = arith.constant dense<0.000000e+00> : vector<256x8xf32>
    %dot_general3A_182 = tpu.matmul %mul3A_180, %convert_element_type3A_66, %dot_general3A_181 {dimension_numbers = #tpu.dot_dimension_numbers<[1], [0], [0], [1], [0, 0, 1, 1], [], []>, transpose_lhs_hint = false} : vector<256x384xf32>, vector<384x8xf32>, vector<256x8xf32> -> vector<256x8xf32>
    %mul3A_183 = vector.broadcast %div3A_104 : f32 to vector<256x8xf32>
    %mul3A_184 = arith.mulf %dot_general3A_182, %mul3A_183 : vector<256x8xf32>
    %add3A_185 = vector.broadcast %get3A_38 : f32 to vector<256x8xf32>
    %add3A_186 = arith.addf %mul3A_184, %add3A_185 : vector<256x8xf32>
    %slice3A_187 = vector.extract_strided_slice %add3A_22 {offsets = [0, 336], sizes = [256, 48], strides = [1, 1]} : vector<256x384xf32> to vector<256x48xf32>
    %slice3A_188 = vector.extract_strided_slice %add3A_22 {offsets = [0, 0], sizes = [256, 336], strides = [1, 1]} : vector<256x384xf32> to vector<256x336xf32>
    %concatenate3A_189 = tpu.concatenate %slice3A_187, %slice3A_188 in 1 : vector<256x48xf32>, vector<256x336xf32> -> vector<256x384xf32>
    %slice3A_190 = vector.extract_strided_slice %add3A_32 {offsets = [0, 336], sizes = [256, 48], strides = [1, 1]} : vector<256x384xf32> to vector<256x48xf32>
    %slice3A_191 = vector.extract_strided_slice %add3A_32 {offsets = [0, 0], sizes = [256, 336], strides = [1, 1]} : vector<256x384xf32> to vector<256x336xf32>
    %concatenate3A_192 = tpu.concatenate %slice3A_190, %slice3A_191 in 1 : vector<256x48xf32>, vector<256x336xf32> -> vector<256x384xf32>
    %mul3A_193 = arith.mulf %add3A_12, %concatenate3A_189 : vector<256x384xf32>
    %dot_general3A_194 = arith.constant dense<0.000000e+00> : vector<256x8xf32>
    %dot_general3A_195 = tpu.matmul %mul3A_193, %convert_element_type3A_66, %dot_general3A_194 {dimension_numbers = #tpu.dot_dimension_numbers<[1], [0], [0], [1], [0, 0, 1, 1], [], []>, transpose_lhs_hint = false} : vector<256x384xf32>, vector<384x8xf32>, vector<256x8xf32> -> vector<256x8xf32>
    %mul3A_196 = vector.broadcast %div3A_104 : f32 to vector<256x8xf32>
    %mul3A_197 = arith.mulf %dot_general3A_195, %mul3A_196 : vector<256x8xf32>
    %add3A_198 = vector.broadcast %get3A_38 : f32 to vector<256x8xf32>
    %add3A_199 = arith.addf %mul3A_197, %add3A_198 : vector<256x8xf32>
    %max3A = arith.maximumf %add3A_110, %add3A_121 : vector<256x8xf32>
    %max3A_200 = arith.maximumf %max3A, %add3A_134 : vector<256x8xf32>
    %max3A_201 = arith.maximumf %max3A_200, %add3A_147 : vector<256x8xf32>
    %max3A_202 = arith.maximumf %max3A_201, %add3A_160 : vector<256x8xf32>
    %max3A_203 = arith.maximumf %max3A_202, %add3A_173 : vector<256x8xf32>
    %max3A_204 = arith.maximumf %max3A_203, %add3A_186 : vector<256x8xf32>
    %max3A_205 = arith.maximumf %max3A_204, %add3A_199 : vector<256x8xf32>
    %sub3A_206 = arith.subf %add3A_110, %max3A_205 : vector<256x8xf32>
    %exp3A = math.exp %sub3A_206 : vector<256x8xf32>
    %sub3A_207 = arith.subf %add3A_121, %max3A_205 : vector<256x8xf32>
    %exp3A_208 = math.exp %sub3A_207 : vector<256x8xf32>
    %sub3A_209 = arith.subf %add3A_134, %max3A_205 : vector<256x8xf32>
    %exp3A_210 = math.exp %sub3A_209 : vector<256x8xf32>
    %sub3A_211 = arith.subf %add3A_147, %max3A_205 : vector<256x8xf32>
    %exp3A_212 = math.exp %sub3A_211 : vector<256x8xf32>
    %sub3A_213 = arith.subf %add3A_160, %max3A_205 : vector<256x8xf32>
    %exp3A_214 = math.exp %sub3A_213 : vector<256x8xf32>
    %sub3A_215 = arith.subf %add3A_173, %max3A_205 : vector<256x8xf32>
    %exp3A_216 = math.exp %sub3A_215 : vector<256x8xf32>
    %sub3A_217 = arith.subf %add3A_186, %max3A_205 : vector<256x8xf32>
    %exp3A_218 = math.exp %sub3A_217 : vector<256x8xf32>
    %sub3A_219 = arith.subf %add3A_199, %max3A_205 : vector<256x8xf32>
    %exp3A_220 = math.exp %sub3A_219 : vector<256x8xf32>
    %add3A_221 = arith.addf %exp3A, %exp3A_208 : vector<256x8xf32>
    %add3A_222 = arith.addf %add3A_221, %exp3A_210 : vector<256x8xf32>
    %add3A_223 = arith.addf %add3A_222, %exp3A_212 : vector<256x8xf32>
    %add3A_224 = arith.addf %add3A_223, %exp3A_214 : vector<256x8xf32>
    %add3A_225 = arith.addf %add3A_224, %exp3A_216 : vector<256x8xf32>
    %add3A_226 = arith.addf %add3A_225, %exp3A_218 : vector<256x8xf32>
    %add3A_227 = arith.addf %add3A_226, %exp3A_220 : vector<256x8xf32>
    %div3A_228 = arith.constant 1.000000e+00 : f32
    %div3A_229 = vector.broadcast %div3A_228 : f32 to vector<256x8xf32>
    %div3A_230 = arith.divf %div3A_229, %add3A_227 : vector<256x8xf32>
    %broadcast_in_dim3A = arith.constant 0.000000e+00 : f32
    %broadcast_in_dim3A_231 = vector.broadcast %broadcast_in_dim3A : f32 to vector<256x384xf32>
    %mul3A_232 = arith.mulf %exp3A, %div3A_230 : vector<256x8xf32>
    %dot_general3A_233 = arith.constant dense<0.000000e+00> : vector<256x384xf32>
    %dot_general3A_234 = tpu.matmul %mul3A_232, %convert_element_type3A_102, %dot_general3A_233 {dimension_numbers = #tpu.dot_dimension_numbers<[1], [0], [0], [1], [0, 0, 1, 1], [], []>, transpose_lhs_hint = false} : vector<256x8xf32>, vector<8x384xf32>, vector<256x384xf32> -> vector<256x384xf32>
    %mul3A_235 = arith.mulf %dot_general3A_234, %add3A_32 : vector<256x384xf32>
    %add3A_236 = arith.addf %broadcast_in_dim3A_231, %mul3A_235 : vector<256x384xf32>
    %mul3A_237 = arith.mulf %exp3A_208, %div3A_230 : vector<256x8xf32>
    %dot_general3A_238 = arith.constant dense<0.000000e+00> : vector<256x384xf32>
    %dot_general3A_239 = tpu.matmul %mul3A_237, %convert_element_type3A_102, %dot_general3A_238 {dimension_numbers = #tpu.dot_dimension_numbers<[1], [0], [0], [1], [0, 0, 1, 1], [], []>, transpose_lhs_hint = false} : vector<256x8xf32>, vector<8x384xf32>, vector<256x384xf32> -> vector<256x384xf32>
    %mul3A_240 = arith.mulf %dot_general3A_239, %concatenate3A_114 : vector<256x384xf32>
    %add3A_241 = arith.addf %add3A_236, %mul3A_240 : vector<256x384xf32>
    %mul3A_242 = arith.mulf %exp3A_210, %div3A_230 : vector<256x8xf32>
    %dot_general3A_243 = arith.constant dense<0.000000e+00> : vector<256x384xf32>
    %dot_general3A_244 = tpu.matmul %mul3A_242, %convert_element_type3A_102, %dot_general3A_243 {dimension_numbers = #tpu.dot_dimension_numbers<[1], [0], [0], [1], [0, 0, 1, 1], [], []>, transpose_lhs_hint = false} : vector<256x8xf32>, vector<8x384xf32>, vector<256x384xf32> -> vector<256x384xf32>
    %mul3A_245 = arith.mulf %dot_general3A_244, %concatenate3A_127 : vector<256x384xf32>
    %add3A_246 = arith.addf %add3A_241, %mul3A_245 : vector<256x384xf32>
    %mul3A_247 = arith.mulf %exp3A_212, %div3A_230 : vector<256x8xf32>
    %dot_general3A_248 = arith.constant dense<0.000000e+00> : vector<256x384xf32>
    %dot_general3A_249 = tpu.matmul %mul3A_247, %convert_element_type3A_102, %dot_general3A_248 {dimension_numbers = #tpu.dot_dimension_numbers<[1], [0], [0], [1], [0, 0, 1, 1], [], []>, transpose_lhs_hint = false} : vector<256x8xf32>, vector<8x384xf32>, vector<256x384xf32> -> vector<256x384xf32>
    %mul3A_250 = arith.mulf %dot_general3A_249, %concatenate3A_140 : vector<256x384xf32>
    %add3A_251 = arith.addf %add3A_246, %mul3A_250 : vector<256x384xf32>
    %mul3A_252 = arith.mulf %exp3A_214, %div3A_230 : vector<256x8xf32>
    %dot_general3A_253 = arith.constant dense<0.000000e+00> : vector<256x384xf32>
    %dot_general3A_254 = tpu.matmul %mul3A_252, %convert_element_type3A_102, %dot_general3A_253 {dimension_numbers = #tpu.dot_dimension_numbers<[1], [0], [0], [1], [0, 0, 1, 1], [], []>, transpose_lhs_hint = false} : vector<256x8xf32>, vector<8x384xf32>, vector<256x384xf32> -> vector<256x384xf32>
    %mul3A_255 = arith.mulf %dot_general3A_254, %concatenate3A_153 : vector<256x384xf32>
    %add3A_256 = arith.addf %add3A_251, %mul3A_255 : vector<256x384xf32>
    %mul3A_257 = arith.mulf %exp3A_216, %div3A_230 : vector<256x8xf32>
    %dot_general3A_258 = arith.constant dense<0.000000e+00> : vector<256x384xf32>
    %dot_general3A_259 = tpu.matmul %mul3A_257, %convert_element_type3A_102, %dot_general3A_258 {dimension_numbers = #tpu.dot_dimension_numbers<[1], [0], [0], [1], [0, 0, 1, 1], [], []>, transpose_lhs_hint = false} : vector<256x8xf32>, vector<8x384xf32>, vector<256x384xf32> -> vector<256x384xf32>
    %mul3A_260 = arith.mulf %dot_general3A_259, %concatenate3A_166 : vector<256x384xf32>
    %add3A_261 = arith.addf %add3A_256, %mul3A_260 : vector<256x384xf32>
    %mul3A_262 = arith.mulf %exp3A_218, %div3A_230 : vector<256x8xf32>
    %dot_general3A_263 = arith.constant dense<0.000000e+00> : vector<256x384xf32>
    %dot_general3A_264 = tpu.matmul %mul3A_262, %convert_element_type3A_102, %dot_general3A_263 {dimension_numbers = #tpu.dot_dimension_numbers<[1], [0], [0], [1], [0, 0, 1, 1], [], []>, transpose_lhs_hint = false} : vector<256x8xf32>, vector<8x384xf32>, vector<256x384xf32> -> vector<256x384xf32>
    %mul3A_265 = arith.mulf %dot_general3A_264, %concatenate3A_179 : vector<256x384xf32>
    %add3A_266 = arith.addf %add3A_261, %mul3A_265 : vector<256x384xf32>
    %mul3A_267 = arith.mulf %exp3A_220, %div3A_230 : vector<256x8xf32>
    %dot_general3A_268 = arith.constant dense<0.000000e+00> : vector<256x384xf32>
    %dot_general3A_269 = tpu.matmul %mul3A_267, %convert_element_type3A_102, %dot_general3A_268 {dimension_numbers = #tpu.dot_dimension_numbers<[1], [0], [0], [1], [0, 0, 1, 1], [], []>, transpose_lhs_hint = false} : vector<256x8xf32>, vector<8x384xf32>, vector<256x384xf32> -> vector<256x384xf32>
    %mul3A_270 = arith.mulf %dot_general3A_269, %concatenate3A_192 : vector<256x384xf32>
    %add3A_271 = arith.addf %add3A_266, %mul3A_270 : vector<256x384xf32>
    %get3A_272 = arith.constant 0 : index
    %get3A_273 = arith.constant 0 : index
    %get3A_274 = vector.load %arg3[%get3A_272, %get3A_273] : memref<256x1xf32, #tpu.memory_space<vmem>>, vector<256x1xf32>
    %sub3A_275 = arith.subf %add3A_271, %get3A_1 : vector<256x384xf32>
    %mul3A_276 = vector.broadcast %get3A_274 : vector<256x1xf32> to vector<256x384xf32>
    %mul3A_277 = arith.mulf %mul3A_276, %sub3A_275 : vector<256x384xf32>
    %add3A_278 = arith.addf %get3A_1, %mul3A_277 : vector<256x384xf32>
    %mul3A_279 = vector.broadcast %get3A_41 : f32 to vector<256x384xf32>
    %mul3A_280 = arith.mulf %add3A_278, %mul3A_279 : vector<256x384xf32>
    %add3A_281 = arith.addf %get3A_1, %mul3A_280 : vector<256x384xf32>
    %get3A_282 = arith.constant 0 : index
    %get3A_283 = arith.constant 0 : index
    %get3A_284 = vector.load %arg11[%get3A_282, %get3A_283] : memref<1x384xf32, #tpu.memory_space<vmem>>, vector<1x384xf32>
    %get3A_285 = arith.constant 0 : index
    %get3A_286 = arith.constant 0 : index
    %get3A_287 = vector.load %arg12[%get3A_285, %get3A_286] : memref<1x384xf32, #tpu.memory_space<vmem>>, vector<1x384xf32>
    %reduce_sum3A = arith.constant dense<0.000000e+00> : vector<256xf32>
    %reduce_sum3A_288 = vector.multi_reduction <add>, %add3A_281, %reduce_sum3A [1] : vector<256x384xf32> to vector<256xf32>
    %broadcast_in_dim3A_289 = vector.shape_cast %reduce_sum3A_288 : vector<256xf32> to vector<256x1xf32>
    %div3A_290 = arith.constant 3.840000e+02 : f32
    %div3A_291 = vector.broadcast %div3A_290 : f32 to vector<256x1xf32>
    %div3A_292 = arith.divf %broadcast_in_dim3A_289, %div3A_291 : vector<256x1xf32>
    %jit3A_293 = arith.constant 0 : i32
    %reduce_sum3A_294 = arith.constant dense<0.000000e+00> : vector<256xf32>
    %reduce_sum3A_295 = vector.multi_reduction <add>, %add3A_281, %reduce_sum3A_294 [1] : vector<256x384xf32> to vector<256xf32>
    %broadcast_in_dim3A_296 = vector.shape_cast %reduce_sum3A_295 : vector<256xf32> to vector<256x1xf32>
    %div3A_297 = arith.constant 3.840000e+02 : f32
    %div3A_298 = vector.broadcast %div3A_297 : f32 to vector<256x1xf32>
    %div3A_299 = arith.divf %broadcast_in_dim3A_296, %div3A_298 : vector<256x1xf32>
    %sub3A_300 = vector.broadcast %div3A_299 : vector<256x1xf32> to vector<256x384xf32>
    %sub3A_301 = arith.subf %add3A_281, %sub3A_300 : vector<256x384xf32>
    %square3A = arith.mulf %sub3A_301, %sub3A_301 : vector<256x384xf32>
    %convert_element_type3A_302 = arith.sitofp %jit3A_293 : i32 to f32
    %sub3A_303 = arith.constant 3.840000e+02 : f32
    %sub3A_304 = arith.subf %sub3A_303, %convert_element_type3A_302 : f32
    %reduce_sum3A_305 = arith.constant dense<0.000000e+00> : vector<256xf32>
    %reduce_sum3A_306 = vector.multi_reduction <add>, %square3A, %reduce_sum3A_305 [1] : vector<256x384xf32> to vector<256xf32>
    %broadcast_in_dim3A_307 = vector.shape_cast %reduce_sum3A_306 : vector<256xf32> to vector<256x1xf32>
    %div3A_308 = vector.broadcast %sub3A_304 : f32 to vector<256x1xf32>
    %div3A_309 = arith.divf %broadcast_in_dim3A_307, %div3A_308 : vector<256x1xf32>
    %gt3A = arith.constant 0.000000e+00 : f32
    %gt3A_310 = arith.cmpf ogt, %sub3A_304, %gt3A : f32
    %jit3A_311 = arith.constant 0x7FC00000 : f32
    %broadcast_in_dim3A_312 = vector.broadcast %jit3A_311 : f32 to vector<256x1xf32>
    %select_n3A_313 = arith.select %gt3A_310, %div3A_309, %broadcast_in_dim3A_312 : vector<256x1xf32>
    %sub3A_314 = vector.broadcast %div3A_292 : vector<256x1xf32> to vector<256x384xf32>
    %sub3A_315 = arith.subf %add3A_281, %sub3A_314 : vector<256x384xf32>
    %add3A_316 = arith.constant 9.99999974E-6 : f32
    %add3A_317 = vector.broadcast %add3A_316 : f32 to vector<256x1xf32>
    %add3A_318 = arith.addf %select_n3A_313, %add3A_317 : vector<256x1xf32>
    %sqrt3A = math.sqrt %add3A_318 : vector<256x1xf32>
    %div3A_319 = vector.broadcast %sqrt3A : vector<256x1xf32> to vector<256x384xf32>
    %div3A_320 = arith.divf %sub3A_315, %div3A_319 : vector<256x384xf32>
    %mul3A_321 = vector.broadcast %get3A_284 : vector<1x384xf32> to vector<256x384xf32>
    %mul3A_322 = arith.mulf %div3A_320, %mul3A_321 : vector<256x384xf32>
    %add3A_323 = vector.broadcast %get3A_287 : vector<1x384xf32> to vector<256x384xf32>
    %add3A_324 = arith.addf %mul3A_322, %add3A_323 : vector<256x384xf32>
    %get3A_325 = arith.constant 0 : index
    %get3A_326 = arith.constant 0 : index
    %get3A_327 = vector.load %arg13[%get3A_325, %get3A_326] : memref<384x384xf32, #tpu.memory_space<vmem>>, vector<384x384xf32>
    %dot_general3A_328 = arith.constant dense<0.000000e+00> : vector<256x384xf32>
    %dot_general3A_329 = tpu.matmul %add3A_324, %get3A_327, %dot_general3A_328 {dimension_numbers = #tpu.dot_dimension_numbers<[1], [0], [0], [1], [0, 0, 1, 1], [], []>, transpose_lhs_hint = false} : vector<256x384xf32>, vector<384x384xf32>, vector<256x384xf32> -> vector<256x384xf32>
    %get3A_330 = arith.constant 0 : index
    %get3A_331 = arith.constant 0 : index
    %get3A_332 = vector.load %arg14[%get3A_330, %get3A_331] : memref<1x384xf32, #tpu.memory_space<vmem>>, vector<1x384xf32>
    %add3A_333 = vector.broadcast %get3A_332 : vector<1x384xf32> to vector<256x384xf32>
    %add3A_334 = arith.addf %dot_general3A_329, %add3A_333 : vector<256x384xf32>
    %max3A_335 = arith.constant 0.000000e+00 : f32
    %max3A_336 = vector.broadcast %max3A_335 : f32 to vector<256x384xf32>
    %max3A_337 = arith.maximumf %add3A_334, %max3A_336 : vector<256x384xf32>
    %get3A_338 = arith.constant 0 : index
    %get3A_339 = arith.constant 0 : index
    %get3A_340 = vector.load %arg15[%get3A_338, %get3A_339] : memref<384x384xf32, #tpu.memory_space<vmem>>, vector<384x384xf32>
    %dot_general3A_341 = arith.constant dense<0.000000e+00> : vector<256x384xf32>
    %dot_general3A_342 = tpu.matmul %max3A_337, %get3A_340, %dot_general3A_341 {dimension_numbers = #tpu.dot_dimension_numbers<[1], [0], [0], [1], [0, 0, 1, 1], [], []>, transpose_lhs_hint = false} : vector<256x384xf32>, vector<384x384xf32>, vector<256x384xf32> -> vector<256x384xf32>
    %get3A_343 = arith.constant 0 : index
    %get3A_344 = arith.constant 0 : index
    %get3A_345 = vector.load %arg16[%get3A_343, %get3A_344] : memref<1x384xf32, #tpu.memory_space<vmem>>, vector<1x384xf32>
    %add3A_346 = vector.broadcast %get3A_345 : vector<1x384xf32> to vector<256x384xf32>
    %add3A_347 = arith.addf %dot_general3A_342, %add3A_346 : vector<256x384xf32>
    %mul3A_348 = vector.broadcast %get3A_41 : f32 to vector<256x384xf32>
    %mul3A_349 = arith.mulf %add3A_347, %mul3A_348 : vector<256x384xf32>
    %add3A_350 = arith.addf %add3A_324, %mul3A_349 : vector<256x384xf32>
    %get3A_351 = arith.constant 0 : index
    %get3A_352 = arith.constant 0 : index
    %get3A_353 = vector.load %arg17[%get3A_351, %get3A_352] : memref<1x384xf32, #tpu.memory_space<vmem>>, vector<1x384xf32>
    %get3A_354 = arith.constant 0 : index
    %get3A_355 = arith.constant 0 : index
    %get3A_356 = vector.load %arg18[%get3A_354, %get3A_355] : memref<1x384xf32, #tpu.memory_space<vmem>>, vector<1x384xf32>
    %reduce_sum3A_357 = arith.constant dense<0.000000e+00> : vector<256xf32>
    %reduce_sum3A_358 = vector.multi_reduction <add>, %add3A_350, %reduce_sum3A_357 [1] : vector<256x384xf32> to vector<256xf32>
    %broadcast_in_dim3A_359 = vector.shape_cast %reduce_sum3A_358 : vector<256xf32> to vector<256x1xf32>
    %div3A_360 = arith.constant 3.840000e+02 : f32
    %div3A_361 = vector.broadcast %div3A_360 : f32 to vector<256x1xf32>
    %div3A_362 = arith.divf %broadcast_in_dim3A_359, %div3A_361 : vector<256x1xf32>
    %jit3A_363 = arith.constant 0 : i32
    %reduce_sum3A_364 = arith.constant dense<0.000000e+00> : vector<256xf32>
    %reduce_sum3A_365 = vector.multi_reduction <add>, %add3A_350, %reduce_sum3A_364 [1] : vector<256x384xf32> to vector<256xf32>
    %broadcast_in_dim3A_366 = vector.shape_cast %reduce_sum3A_365 : vector<256xf32> to vector<256x1xf32>
    %div3A_367 = arith.constant 3.840000e+02 : f32
    %div3A_368 = vector.broadcast %div3A_367 : f32 to vector<256x1xf32>
    %div3A_369 = arith.divf %broadcast_in_dim3A_366, %div3A_368 : vector<256x1xf32>
    %sub3A_370 = vector.broadcast %div3A_369 : vector<256x1xf32> to vector<256x384xf32>
    %sub3A_371 = arith.subf %add3A_350, %sub3A_370 : vector<256x384xf32>
    %square3A_372 = arith.mulf %sub3A_371, %sub3A_371 : vector<256x384xf32>
    %convert_element_type3A_373 = arith.sitofp %jit3A_363 : i32 to f32
    %sub3A_374 = arith.constant 3.840000e+02 : f32
    %sub3A_375 = arith.subf %sub3A_374, %convert_element_type3A_373 : f32
    %reduce_sum3A_376 = arith.constant dense<0.000000e+00> : vector<256xf32>
    %reduce_sum3A_377 = vector.multi_reduction <add>, %square3A_372, %reduce_sum3A_376 [1] : vector<256x384xf32> to vector<256xf32>
    %broadcast_in_dim3A_378 = vector.shape_cast %reduce_sum3A_377 : vector<256xf32> to vector<256x1xf32>
    %div3A_379 = vector.broadcast %sub3A_375 : f32 to vector<256x1xf32>
    %div3A_380 = arith.divf %broadcast_in_dim3A_378, %div3A_379 : vector<256x1xf32>
    %gt3A_381 = arith.constant 0.000000e+00 : f32
    %gt3A_382 = arith.cmpf ogt, %sub3A_375, %gt3A_381 : f32
    %jit3A_383 = arith.constant 0x7FC00000 : f32
    %broadcast_in_dim3A_384 = vector.broadcast %jit3A_383 : f32 to vector<256x1xf32>
    %select_n3A_385 = arith.select %gt3A_382, %div3A_380, %broadcast_in_dim3A_384 : vector<256x1xf32>
    %sub3A_386 = vector.broadcast %div3A_362 : vector<256x1xf32> to vector<256x384xf32>
    %sub3A_387 = arith.subf %add3A_350, %sub3A_386 : vector<256x384xf32>
    %add3A_388 = arith.constant 9.99999974E-6 : f32
    %add3A_389 = vector.broadcast %add3A_388 : f32 to vector<256x1xf32>
    %add3A_390 = arith.addf %select_n3A_385, %add3A_389 : vector<256x1xf32>
    %sqrt3A_391 = math.sqrt %add3A_390 : vector<256x1xf32>
    %div3A_392 = vector.broadcast %sqrt3A_391 : vector<256x1xf32> to vector<256x384xf32>
    %div3A_393 = arith.divf %sub3A_387, %div3A_392 : vector<256x384xf32>
    %mul3A_394 = vector.broadcast %get3A_353 : vector<1x384xf32> to vector<256x384xf32>
    %mul3A_395 = arith.mulf %div3A_393, %mul3A_394 : vector<256x384xf32>
    %add3A_396 = vector.broadcast %get3A_356 : vector<1x384xf32> to vector<256x384xf32>
    %add3A_397 = arith.addf %mul3A_395, %add3A_396 : vector<256x384xf32>
    %get3A_398 = arith.constant 0 : index
    %get3A_399 = arith.constant 0 : index
    %get3A_400 = vector.load %arg19[%get3A_398, %get3A_399] : memref<384x384xf32, #tpu.memory_space<vmem>>, vector<384x384xf32>
    %dot_general3A_401 = arith.constant dense<0.000000e+00> : vector<256x384xf32>
    %dot_general3A_402 = tpu.matmul %add3A_397, %get3A_400, %dot_general3A_401 {dimension_numbers = #tpu.dot_dimension_numbers<[1], [0], [0], [1], [0, 0, 1, 1], [], []>, transpose_lhs_hint = false} : vector<256x384xf32>, vector<384x384xf32>, vector<256x384xf32> -> vector<256x384xf32>
    %get3A_403 = arith.constant 0 : index
    %get3A_404 = arith.constant 0 : index
    %get3A_405 = vector.load %arg20[%get3A_403, %get3A_404] : memref<1x384xf32, #tpu.memory_space<vmem>>, vector<1x384xf32>
    %add3A_406 = vector.broadcast %get3A_405 : vector<1x384xf32> to vector<256x384xf32>
    %add3A_407 = arith.addf %dot_general3A_402, %add3A_406 : vector<256x384xf32>
    %swap3A = arith.constant 0 : index
    %swap3A_408 = arith.constant 0 : index
    %swap3A_409 = vector.load %arg21[%swap3A, %swap3A_408] : memref<256x384xf32, #tpu.memory_space<vmem>>, vector<256x384xf32>
    tpu.vector_store %arg21[%swap3A, %swap3A_408], %add3A_407 {strides = array<i32>} : memref<256x384xf32, #tpu.memory_space<vmem>>, vector<256x384xf32>,
    return
  }
  func.func @transform_0(%arg0: i32) -> (i32, i32) {
    %c0_i32 = arith.constant 0 : i32
    %c0_i32_0 = arith.constant 0 : i32
    return %arg0, %c0_i32 : i32, i32
  }
  func.func @transform_1(%arg0: i32) -> (i32, i32) {
    %c0_i32 = arith.constant 0 : i32
    %c0_i32_0 = arith.constant 0 : i32
    return %arg0, %c0_i32 : i32, i32
  }
  func.func @transform_2(%arg0: i32) -> (i32, i32) {
    %c0_i32 = arith.constant 0 : i32
    %c0_i32_0 = arith.constant 0 : i32
    return %arg0, %c0_i32 : i32, i32
  }
  func.func @transform_3(%arg0: i32) -> (i32, i32) {
    %c0_i32 = arith.constant 0 : i32
    %c0_i32_0 = arith.constant 0 : i32
    %c0_i32_1 = arith.constant 0 : i32
    return %c0_i32, %c0_i32_0 : i32, i32
  }
  func.func @transform_4(%arg0: i32) -> (i32, i32) {
    %c0_i32 = arith.constant 0 : i32
    %c0_i32_0 = arith.constant 0 : i32
    %c0_i32_1 = arith.constant 0 : i32
    return %c0_i32, %c0_i32_0 : i32, i32
  }
  func.func @transform_5(%arg0: i32) -> (i32, i32) {
    %c0_i32 = arith.constant 0 : i32
    %c0_i32_0 = arith.constant 0 : i32
    %c0_i32_1 = arith.constant 0 : i32
    return %c0_i32, %c0_i32_0 : i32, i32
  }
  func.func @transform_6(%arg0: i32) -> (i32, i32) {
    %c0_i32 = arith.constant 0 : i32
    %c0_i32_0 = arith.constant 0 : i32
    %c0_i32_1 = arith.constant 0 : i32
    return %c0_i32, %c0_i32_0 : i32, i32
  }
  func.func @transform_7(%arg0: i32) -> (i32, i32) {
    %c0_i32 = arith.constant 0 : i32
    %c0_i32_0 = arith.constant 0 : i32
    %c0_i32_1 = arith.constant 0 : i32
    return %c0_i32, %c0_i32_0 : i32, i32
  }
  func.func @transform_8(%arg0: i32) -> (i32, i32) {
    %c0_i32 = arith.constant 0 : i32
    %c0_i32_0 = arith.constant 0 : i32
    %c0_i32_1 = arith.constant 0 : i32
    return %c0_i32, %c0_i32_0 : i32, i32
  }
  func.func @transform_9(%arg0: i32) -> (i32, i32) {
    %c0_i32 = arith.constant 0 : i32
    %c0_i32_0 = arith.constant 0 : i32
    %c0_i32_1 = arith.constant 0 : i32
    return %c0_i32, %c0_i32_0 : i32, i32
  }
  func.func @transform_10(%arg0: i32) -> (i32, i32) {
    %c0_i32 = arith.constant 0 : i32
    %c0_i32_0 = arith.constant 0 : i32
    %c0_i32_1 = arith.constant 0 : i32
    return %c0_i32, %c0_i32_0 : i32, i32
  }
  func.func @transform_11(%arg0: i32) -> (i32, i32) {
    %c0_i32 = arith.constant 0 : i32
    %c0_i32_0 = arith.constant 0 : i32
    %c0_i32_1 = arith.constant 0 : i32
    return %c0_i32, %c0_i32_0 : i32, i32
  }
  func.func @transform_12(%arg0: i32) -> (i32, i32) {
    %c0_i32 = arith.constant 0 : i32
    %c0_i32_0 = arith.constant 0 : i32
    %c0_i32_1 = arith.constant 0 : i32
    return %c0_i32, %c0_i32_0 : i32, i32
  }
  func.func @transform_13(%arg0: i32) -> (i32, i32) {
    %c0_i32 = arith.constant 0 : i32
    %c0_i32_0 = arith.constant 0 : i32
    %c0_i32_1 = arith.constant 0 : i32
    return %c0_i32, %c0_i32_0 : i32, i32
  }
  func.func @transform_14(%arg0: i32) -> (i32, i32) {
    %c0_i32 = arith.constant 0 : i32
    %c0_i32_0 = arith.constant 0 : i32
    %c0_i32_1 = arith.constant 0 : i32
    return %c0_i32, %c0_i32_0 : i32, i32
  }
  func.func @transform_15(%arg0: i32) -> (i32, i32) {
    %c0_i32 = arith.constant 0 : i32
    %c0_i32_0 = arith.constant 0 : i32
    %c0_i32_1 = arith.constant 0 : i32
    return %c0_i32, %c0_i32_0 : i32, i32
  }
  func.func @transform_16(%arg0: i32) -> (i32, i32) {
    %c0_i32 = arith.constant 0 : i32
    %c0_i32_0 = arith.constant 0 : i32
    %c0_i32_1 = arith.constant 0 : i32
    return %c0_i32, %c0_i32_0 : i32, i32
  }
  func.func @transform_17(%arg0: i32) -> (i32, i32) {
    %c0_i32 = arith.constant 0 : i32
    %c0_i32_0 = arith.constant 0 : i32
    %c0_i32_1 = arith.constant 0 : i32
    return %c0_i32, %c0_i32_0 : i32, i32
  }
  func.func @transform_18(%arg0: i32) -> (i32, i32) {
    %c0_i32 = arith.constant 0 : i32
    %c0_i32_0 = arith.constant 0 : i32
    %c0_i32_1 = arith.constant 0 : i32
    return %c0_i32, %c0_i32_0 : i32, i32
  }
  func.func @transform_19(%arg0: i32) -> (i32, i32) {
    %c0_i32 = arith.constant 0 : i32
    %c0_i32_0 = arith.constant 0 : i32
    %c0_i32_1 = arith.constant 0 : i32
    return %c0_i32, %c0_i32_0 : i32, i32
  }
  func.func @transform_20(%arg0: i32) -> (i32, i32) {
    %c0_i32 = arith.constant 0 : i32
    %c0_i32_0 = arith.constant 0 : i32
    return %arg0, %c0_i32 : i32, i32
  }
}

module attributes {stable_mosaic.version = 14 : i64} {
  func.func @_l3_final_body(%arg0: i32, %arg1: memref<256x384xf32, #tpu.memory_space<vmem>>, %arg2: memref<256x384xf32, #tpu.memory_space<vmem>>, %arg3: memref<256x1xf32, #tpu.memory_space<vmem>>, %arg4: memref<1x1xf32, #tpu.memory_space<smem>>, %arg5: memref<384x384xf32, #tpu.memory_space<vmem>>, %arg6: memref<1x384xf32, #tpu.memory_space<vmem>>, %arg7: memref<1x384xf32, #tpu.memory_space<vmem>>, %arg8: memref<1x384xf32, #tpu.memory_space<vmem>>, %arg9: memref<384x384xf32, #tpu.memory_space<vmem>>, %arg10: memref<1x384xf32, #tpu.memory_space<vmem>>, %arg11: memref<384x384xf32, #tpu.memory_space<vmem>>, %arg12: memref<1x384xf32, #tpu.memory_space<vmem>>, %arg13: memref<1x384xf32, #tpu.memory_space<vmem>>, %arg14: memref<1x384xf32, #tpu.memory_space<vmem>>, %arg15: memref<384x384xf32, #tpu.memory_space<vmem>>, %arg16: memref<1x384xf32, #tpu.memory_space<vmem>>, %arg17: memref<384x88xf32, #tpu.memory_space<vmem>>, %arg18: memref<1x88xf32, #tpu.memory_space<vmem>>, %arg19: memref<384x384xf32, #tpu.memory_space<vmem>>, %arg20: memref<1x384xf32, #tpu.memory_space<vmem>>, %arg21: memref<384x32xf32, #tpu.memory_space<vmem>>, %arg22: memref<1x32xf32, #tpu.memory_space<vmem>>, %arg23: memref<256x88xf32, #tpu.memory_space<vmem>>, %arg24: memref<256x32xf32, #tpu.memory_space<vmem>>) attributes {dimension_semantics = [#tpu.dimension_semantics<arbitrary>], iteration_bounds = array<i64: 40>, scalar_prefetch = 0 : i64, scratch_operands = 0 : i64, tpu.core_type = #tpu.core_type<tc>, window_params = [{transform_indices = @transform_0, window_bounds = array<i64: 256, 384>}, {transform_indices = @transform_1, window_bounds = array<i64: 256, 384>}, {transform_indices = @transform_2, window_bounds = array<i64: 256, 1>}, {transform_indices = @transform_3, window_bounds = array<i64: 1, 1>}, {pipeline_mode = #tpu.pipeline_mode<synchronous>, transform_indices = @transform_4, window_bounds = array<i64: 384, 384>}, {pipeline_mode = #tpu.pipeline_mode<synchronous>, transform_indices = @transform_5, window_bounds = array<i64: 1, 384>}, {pipeline_mode = #tpu.pipeline_mode<synchronous>, transform_indices = @transform_6, window_bounds = array<i64: 1, 384>}, {pipeline_mode = #tpu.pipeline_mode<synchronous>, transform_indices = @transform_7, window_bounds = array<i64: 1, 384>}, {pipeline_mode = #tpu.pipeline_mode<synchronous>, transform_indices = @transform_8, window_bounds = array<i64: 384, 384>}, {pipeline_mode = #tpu.pipeline_mode<synchronous>, transform_indices = @transform_9, window_bounds = array<i64: 1, 384>}, {pipeline_mode = #tpu.pipeline_mode<synchronous>, transform_indices = @transform_10, window_bounds = array<i64: 384, 384>}, {pipeline_mode = #tpu.pipeline_mode<synchronous>, transform_indices = @transform_11, window_bounds = array<i64: 1, 384>}, {pipeline_mode = #tpu.pipeline_mode<synchronous>, transform_indices = @transform_12, window_bounds = array<i64: 1, 384>}, {pipeline_mode = #tpu.pipeline_mode<synchronous>, transform_indices = @transform_13, window_bounds = array<i64: 1, 384>}, {pipeline_mode = #tpu.pipeline_mode<synchronous>, transform_indices = @transform_14, window_bounds = array<i64: 384, 384>}, {pipeline_mode = #tpu.pipeline_mode<synchronous>, transform_indices = @transform_15, window_bounds = array<i64: 1, 384>}, {pipeline_mode = #tpu.pipeline_mode<synchronous>, transform_indices = @transform_16, window_bounds = array<i64: 384, 88>}, {pipeline_mode = #tpu.pipeline_mode<synchronous>, transform_indices = @transform_17, window_bounds = array<i64: 1, 88>}, {pipeline_mode = #tpu.pipeline_mode<synchronous>, transform_indices = @transform_18, window_bounds = array<i64: 384, 384>}, {pipeline_mode = #tpu.pipeline_mode<synchronous>, transform_indices = @transform_19, window_bounds = array<i64: 1, 384>}, {pipeline_mode = #tpu.pipeline_mode<synchronous>, transform_indices = @transform_20, window_bounds = array<i64: 384, 32>}, {pipeline_mode = #tpu.pipeline_mode<synchronous>, transform_indices = @transform_21, window_bounds = array<i64: 1, 32>}, {transform_indices = @transform_22, window_bounds = array<i64: 256, 88>}, {transform_indices = @transform_23, window_bounds = array<i64: 256, 32>}]} {
    %get3A = arith.constant 0 : index
    %get3A_0 = arith.constant 0 : index
    %get3A_1 = vector.load %arg1[%get3A, %get3A_0] : memref<256x384xf32, #tpu.memory_space<vmem>>, vector<256x384xf32>
    %get3A_2 = arith.constant 0 : index
    %get3A_3 = arith.constant 0 : index
    %get3A_4 = vector.load %arg2[%get3A_2, %get3A_3] : memref<256x384xf32, #tpu.memory_space<vmem>>, vector<256x384xf32>
    %get3A_5 = arith.constant 0 : index
    %get3A_6 = arith.constant 0 : index
    %get3A_7 = vector.load %arg5[%get3A_5, %get3A_6] : memref<384x384xf32, #tpu.memory_space<vmem>>, vector<384x384xf32>
    %dot_general3A = arith.constant dense<0.000000e+00> : vector<256x384xf32>
    %dot_general3A_8 = tpu.matmul %get3A_4, %get3A_7, %dot_general3A {dimension_numbers = #tpu.dot_dimension_numbers<[1], [0], [0], [1], [0, 0, 1, 1], [], []>, transpose_lhs_hint = false} : vector<256x384xf32>, vector<384x384xf32>, vector<256x384xf32> -> vector<256x384xf32>
    %get3A_9 = arith.constant 0 : index
    %get3A_10 = arith.constant 0 : index
    %get3A_11 = vector.load %arg6[%get3A_9, %get3A_10] : memref<1x384xf32, #tpu.memory_space<vmem>>, vector<1x384xf32>
    %add3A = vector.broadcast %get3A_11 : vector<1x384xf32> to vector<256x384xf32>
    %add3A_12 = arith.addf %dot_general3A_8, %add3A : vector<256x384xf32>
    %get3A_13 = arith.constant 0 : index
    %get3A_14 = arith.constant 0 : index
    %get3A_15 = memref.load %arg4[%get3A_13, %get3A_14] : memref<1x1xf32, #tpu.memory_space<smem>>
    %get3A_16 = arith.constant 0 : index
    %get3A_17 = arith.constant 0 : index
    %get3A_18 = vector.load %arg3[%get3A_16, %get3A_17] : memref<256x1xf32, #tpu.memory_space<vmem>>, vector<256x1xf32>
    %sub3A = arith.subf %add3A_12, %get3A_1 : vector<256x384xf32>
    %mul3A = vector.broadcast %get3A_18 : vector<256x1xf32> to vector<256x384xf32>
    %mul3A_19 = arith.mulf %mul3A, %sub3A : vector<256x384xf32>
    %add3A_20 = arith.addf %get3A_1, %mul3A_19 : vector<256x384xf32>
    %mul3A_21 = vector.broadcast %get3A_15 : f32 to vector<256x384xf32>
    %mul3A_22 = arith.mulf %add3A_20, %mul3A_21 : vector<256x384xf32>
    %add3A_23 = arith.addf %get3A_1, %mul3A_22 : vector<256x384xf32>
    %get3A_24 = arith.constant 0 : index
    %get3A_25 = arith.constant 0 : index
    %get3A_26 = vector.load %arg7[%get3A_24, %get3A_25] : memref<1x384xf32, #tpu.memory_space<vmem>>, vector<1x384xf32>
    %get3A_27 = arith.constant 0 : index
    %get3A_28 = arith.constant 0 : index
    %get3A_29 = vector.load %arg8[%get3A_27, %get3A_28] : memref<1x384xf32, #tpu.memory_space<vmem>>, vector<1x384xf32>
    %reduce_sum3A = arith.constant dense<0.000000e+00> : vector<256xf32>
    %reduce_sum3A_30 = vector.multi_reduction <add>, %add3A_23, %reduce_sum3A [1] : vector<256x384xf32> to vector<256xf32>
    %broadcast_in_dim3A = vector.shape_cast %reduce_sum3A_30 : vector<256xf32> to vector<256x1xf32>
    %div3A = arith.constant 3.840000e+02 : f32
    %div3A_31 = vector.broadcast %div3A : f32 to vector<256x1xf32>
    %div3A_32 = arith.divf %broadcast_in_dim3A, %div3A_31 : vector<256x1xf32>
    %jit3A = arith.constant 0 : i32
    %reduce_sum3A_33 = arith.constant dense<0.000000e+00> : vector<256xf32>
    %reduce_sum3A_34 = vector.multi_reduction <add>, %add3A_23, %reduce_sum3A_33 [1] : vector<256x384xf32> to vector<256xf32>
    %broadcast_in_dim3A_35 = vector.shape_cast %reduce_sum3A_34 : vector<256xf32> to vector<256x1xf32>
    %div3A_36 = arith.constant 3.840000e+02 : f32
    %div3A_37 = vector.broadcast %div3A_36 : f32 to vector<256x1xf32>
    %div3A_38 = arith.divf %broadcast_in_dim3A_35, %div3A_37 : vector<256x1xf32>
    %sub3A_39 = vector.broadcast %div3A_38 : vector<256x1xf32> to vector<256x384xf32>
    %sub3A_40 = arith.subf %add3A_23, %sub3A_39 : vector<256x384xf32>
    %square3A = arith.mulf %sub3A_40, %sub3A_40 : vector<256x384xf32>
    %convert_element_type3A = arith.sitofp %jit3A : i32 to f32
    %sub3A_41 = arith.constant 3.840000e+02 : f32
    %sub3A_42 = arith.subf %sub3A_41, %convert_element_type3A : f32
    %reduce_sum3A_43 = arith.constant dense<0.000000e+00> : vector<256xf32>
    %reduce_sum3A_44 = vector.multi_reduction <add>, %square3A, %reduce_sum3A_43 [1] : vector<256x384xf32> to vector<256xf32>
    %broadcast_in_dim3A_45 = vector.shape_cast %reduce_sum3A_44 : vector<256xf32> to vector<256x1xf32>
    %div3A_46 = vector.broadcast %sub3A_42 : f32 to vector<256x1xf32>
    %div3A_47 = arith.divf %broadcast_in_dim3A_45, %div3A_46 : vector<256x1xf32>
    %gt3A = arith.constant 0.000000e+00 : f32
    %gt3A_48 = arith.cmpf ogt, %sub3A_42, %gt3A : f32
    %jit3A_49 = arith.constant 0x7FC00000 : f32
    %broadcast_in_dim3A_50 = vector.broadcast %jit3A_49 : f32 to vector<256x1xf32>
    %select_n3A = arith.select %gt3A_48, %div3A_47, %broadcast_in_dim3A_50 : vector<256x1xf32>
    %sub3A_51 = vector.broadcast %div3A_32 : vector<256x1xf32> to vector<256x384xf32>
    %sub3A_52 = arith.subf %add3A_23, %sub3A_51 : vector<256x384xf32>
    %add3A_53 = arith.constant 9.99999974E-6 : f32
    %add3A_54 = vector.broadcast %add3A_53 : f32 to vector<256x1xf32>
    %add3A_55 = arith.addf %select_n3A, %add3A_54 : vector<256x1xf32>
    %sqrt3A = math.sqrt %add3A_55 : vector<256x1xf32>
    %div3A_56 = vector.broadcast %sqrt3A : vector<256x1xf32> to vector<256x384xf32>
    %div3A_57 = arith.divf %sub3A_52, %div3A_56 : vector<256x384xf32>
    %mul3A_58 = vector.broadcast %get3A_26 : vector<1x384xf32> to vector<256x384xf32>
    %mul3A_59 = arith.mulf %div3A_57, %mul3A_58 : vector<256x384xf32>
    %add3A_60 = vector.broadcast %get3A_29 : vector<1x384xf32> to vector<256x384xf32>
    %add3A_61 = arith.addf %mul3A_59, %add3A_60 : vector<256x384xf32>
    %get3A_62 = arith.constant 0 : index
    %get3A_63 = arith.constant 0 : index
    %get3A_64 = vector.load %arg9[%get3A_62, %get3A_63] : memref<384x384xf32, #tpu.memory_space<vmem>>, vector<384x384xf32>
    %dot_general3A_65 = arith.constant dense<0.000000e+00> : vector<256x384xf32>
    %dot_general3A_66 = tpu.matmul %add3A_61, %get3A_64, %dot_general3A_65 {dimension_numbers = #tpu.dot_dimension_numbers<[1], [0], [0], [1], [0, 0, 1, 1], [], []>, transpose_lhs_hint = false} : vector<256x384xf32>, vector<384x384xf32>, vector<256x384xf32> -> vector<256x384xf32>
    %get3A_67 = arith.constant 0 : index
    %get3A_68 = arith.constant 0 : index
    %get3A_69 = vector.load %arg10[%get3A_67, %get3A_68] : memref<1x384xf32, #tpu.memory_space<vmem>>, vector<1x384xf32>
    %add3A_70 = vector.broadcast %get3A_69 : vector<1x384xf32> to vector<256x384xf32>
    %add3A_71 = arith.addf %dot_general3A_66, %add3A_70 : vector<256x384xf32>
    %max3A = arith.constant 0.000000e+00 : f32
    %max3A_72 = vector.broadcast %max3A : f32 to vector<256x384xf32>
    %max3A_73 = arith.maximumf %add3A_71, %max3A_72 : vector<256x384xf32>
    %get3A_74 = arith.constant 0 : index
    %get3A_75 = arith.constant 0 : index
    %get3A_76 = vector.load %arg11[%get3A_74, %get3A_75] : memref<384x384xf32, #tpu.memory_space<vmem>>, vector<384x384xf32>
    %dot_general3A_77 = arith.constant dense<0.000000e+00> : vector<256x384xf32>
    %dot_general3A_78 = tpu.matmul %max3A_73, %get3A_76, %dot_general3A_77 {dimension_numbers = #tpu.dot_dimension_numbers<[1], [0], [0], [1], [0, 0, 1, 1], [], []>, transpose_lhs_hint = false} : vector<256x384xf32>, vector<384x384xf32>, vector<256x384xf32> -> vector<256x384xf32>
    %get3A_79 = arith.constant 0 : index
    %get3A_80 = arith.constant 0 : index
    %get3A_81 = vector.load %arg12[%get3A_79, %get3A_80] : memref<1x384xf32, #tpu.memory_space<vmem>>, vector<1x384xf32>
    %add3A_82 = vector.broadcast %get3A_81 : vector<1x384xf32> to vector<256x384xf32>
    %add3A_83 = arith.addf %dot_general3A_78, %add3A_82 : vector<256x384xf32>
    %mul3A_84 = vector.broadcast %get3A_15 : f32 to vector<256x384xf32>
    %mul3A_85 = arith.mulf %add3A_83, %mul3A_84 : vector<256x384xf32>
    %add3A_86 = arith.addf %add3A_61, %mul3A_85 : vector<256x384xf32>
    %get3A_87 = arith.constant 0 : index
    %get3A_88 = arith.constant 0 : index
    %get3A_89 = vector.load %arg13[%get3A_87, %get3A_88] : memref<1x384xf32, #tpu.memory_space<vmem>>, vector<1x384xf32>
    %get3A_90 = arith.constant 0 : index
    %get3A_91 = arith.constant 0 : index
    %get3A_92 = vector.load %arg14[%get3A_90, %get3A_91] : memref<1x384xf32, #tpu.memory_space<vmem>>, vector<1x384xf32>
    %reduce_sum3A_93 = arith.constant dense<0.000000e+00> : vector<256xf32>
    %reduce_sum3A_94 = vector.multi_reduction <add>, %add3A_86, %reduce_sum3A_93 [1] : vector<256x384xf32> to vector<256xf32>
    %broadcast_in_dim3A_95 = vector.shape_cast %reduce_sum3A_94 : vector<256xf32> to vector<256x1xf32>
    %div3A_96 = arith.constant 3.840000e+02 : f32
    %div3A_97 = vector.broadcast %div3A_96 : f32 to vector<256x1xf32>
    %div3A_98 = arith.divf %broadcast_in_dim3A_95, %div3A_97 : vector<256x1xf32>
    %jit3A_99 = arith.constant 0 : i32
    %reduce_sum3A_100 = arith.constant dense<0.000000e+00> : vector<256xf32>
    %reduce_sum3A_101 = vector.multi_reduction <add>, %add3A_86, %reduce_sum3A_100 [1] : vector<256x384xf32> to vector<256xf32>
    %broadcast_in_dim3A_102 = vector.shape_cast %reduce_sum3A_101 : vector<256xf32> to vector<256x1xf32>
    %div3A_103 = arith.constant 3.840000e+02 : f32
    %div3A_104 = vector.broadcast %div3A_103 : f32 to vector<256x1xf32>
    %div3A_105 = arith.divf %broadcast_in_dim3A_102, %div3A_104 : vector<256x1xf32>
    %sub3A_106 = vector.broadcast %div3A_105 : vector<256x1xf32> to vector<256x384xf32>
    %sub3A_107 = arith.subf %add3A_86, %sub3A_106 : vector<256x384xf32>
    %square3A_108 = arith.mulf %sub3A_107, %sub3A_107 : vector<256x384xf32>
    %convert_element_type3A_109 = arith.sitofp %jit3A_99 : i32 to f32
    %sub3A_110 = arith.constant 3.840000e+02 : f32
    %sub3A_111 = arith.subf %sub3A_110, %convert_element_type3A_109 : f32
    %reduce_sum3A_112 = arith.constant dense<0.000000e+00> : vector<256xf32>
    %reduce_sum3A_113 = vector.multi_reduction <add>, %square3A_108, %reduce_sum3A_112 [1] : vector<256x384xf32> to vector<256xf32>
    %broadcast_in_dim3A_114 = vector.shape_cast %reduce_sum3A_113 : vector<256xf32> to vector<256x1xf32>
    %div3A_115 = vector.broadcast %sub3A_111 : f32 to vector<256x1xf32>
    %div3A_116 = arith.divf %broadcast_in_dim3A_114, %div3A_115 : vector<256x1xf32>
    %gt3A_117 = arith.constant 0.000000e+00 : f32
    %gt3A_118 = arith.cmpf ogt, %sub3A_111, %gt3A_117 : f32
    %jit3A_119 = arith.constant 0x7FC00000 : f32
    %broadcast_in_dim3A_120 = vector.broadcast %jit3A_119 : f32 to vector<256x1xf32>
    %select_n3A_121 = arith.select %gt3A_118, %div3A_116, %broadcast_in_dim3A_120 : vector<256x1xf32>
    %sub3A_122 = vector.broadcast %div3A_98 : vector<256x1xf32> to vector<256x384xf32>
    %sub3A_123 = arith.subf %add3A_86, %sub3A_122 : vector<256x384xf32>
    %add3A_124 = arith.constant 9.99999974E-6 : f32
    %add3A_125 = vector.broadcast %add3A_124 : f32 to vector<256x1xf32>
    %add3A_126 = arith.addf %select_n3A_121, %add3A_125 : vector<256x1xf32>
    %sqrt3A_127 = math.sqrt %add3A_126 : vector<256x1xf32>
    %div3A_128 = vector.broadcast %sqrt3A_127 : vector<256x1xf32> to vector<256x384xf32>
    %div3A_129 = arith.divf %sub3A_123, %div3A_128 : vector<256x384xf32>
    %mul3A_130 = vector.broadcast %get3A_89 : vector<1x384xf32> to vector<256x384xf32>
    %mul3A_131 = arith.mulf %div3A_129, %mul3A_130 : vector<256x384xf32>
    %add3A_132 = vector.broadcast %get3A_92 : vector<1x384xf32> to vector<256x384xf32>
    %add3A_133 = arith.addf %mul3A_131, %add3A_132 : vector<256x384xf32>
    %get3A_134 = arith.constant 0 : index
    %get3A_135 = arith.constant 0 : index
    %get3A_136 = vector.load %arg15[%get3A_134, %get3A_135] : memref<384x384xf32, #tpu.memory_space<vmem>>, vector<384x384xf32>
    %dot_general3A_137 = arith.constant dense<0.000000e+00> : vector<256x384xf32>
    %dot_general3A_138 = tpu.matmul %add3A_133, %get3A_136, %dot_general3A_137 {dimension_numbers = #tpu.dot_dimension_numbers<[1], [0], [0], [1], [0, 0, 1, 1], [], []>, transpose_lhs_hint = false} : vector<256x384xf32>, vector<384x384xf32>, vector<256x384xf32> -> vector<256x384xf32>
    %get3A_139 = arith.constant 0 : index
    %get3A_140 = arith.constant 0 : index
    %get3A_141 = vector.load %arg16[%get3A_139, %get3A_140] : memref<1x384xf32, #tpu.memory_space<vmem>>, vector<1x384xf32>
    %add3A_142 = vector.broadcast %get3A_141 : vector<1x384xf32> to vector<256x384xf32>
    %add3A_143 = arith.addf %dot_general3A_138, %add3A_142 : vector<256x384xf32>
    %max3A_144 = arith.constant 0.000000e+00 : f32
    %max3A_145 = vector.broadcast %max3A_144 : f32 to vector<256x384xf32>
    %max3A_146 = arith.maximumf %add3A_143, %max3A_145 : vector<256x384xf32>
    %get3A_147 = arith.constant 0 : index
    %get3A_148 = arith.constant 0 : index
    %get3A_149 = vector.load %arg17[%get3A_147, %get3A_148] : memref<384x88xf32, #tpu.memory_space<vmem>>, vector<384x88xf32>
    %dot_general3A_150 = arith.constant dense<0.000000e+00> : vector<256x88xf32>
    %dot_general3A_151 = tpu.matmul %max3A_146, %get3A_149, %dot_general3A_150 {dimension_numbers = #tpu.dot_dimension_numbers<[1], [0], [0], [1], [0, 0, 1, 1], [], []>, transpose_lhs_hint = false} : vector<256x384xf32>, vector<384x88xf32>, vector<256x88xf32> -> vector<256x88xf32>
    %get3A_152 = arith.constant 0 : index
    %get3A_153 = arith.constant 0 : index
    %get3A_154 = vector.load %arg18[%get3A_152, %get3A_153] : memref<1x88xf32, #tpu.memory_space<vmem>>, vector<1x88xf32>
    %add3A_155 = vector.broadcast %get3A_154 : vector<1x88xf32> to vector<256x88xf32>
    %add3A_156 = arith.addf %dot_general3A_151, %add3A_155 : vector<256x88xf32>
    %swap3A = arith.constant 0 : index
    %swap3A_157 = arith.constant 0 : index
    %swap3A_158 = vector.load %arg23[%swap3A, %swap3A_157] : memref<256x88xf32, #tpu.memory_space<vmem>>, vector<256x88xf32>
    tpu.vector_store %arg23[%swap3A, %swap3A_157], %add3A_156 {strides = array<i32>} : memref<256x88xf32, #tpu.memory_space<vmem>>, vector<256x88xf32>,
    %get3A_159 = arith.constant 0 : index
    %get3A_160 = arith.constant 0 : index
    %get3A_161 = vector.load %arg19[%get3A_159, %get3A_160] : memref<384x384xf32, #tpu.memory_space<vmem>>, vector<384x384xf32>
    %dot_general3A_162 = arith.constant dense<0.000000e+00> : vector<256x384xf32>
    %dot_general3A_163 = tpu.matmul %add3A_133, %get3A_161, %dot_general3A_162 {dimension_numbers = #tpu.dot_dimension_numbers<[1], [0], [0], [1], [0, 0, 1, 1], [], []>, transpose_lhs_hint = false} : vector<256x384xf32>, vector<384x384xf32>, vector<256x384xf32> -> vector<256x384xf32>
    %get3A_164 = arith.constant 0 : index
    %get3A_165 = arith.constant 0 : index
    %get3A_166 = vector.load %arg20[%get3A_164, %get3A_165] : memref<1x384xf32, #tpu.memory_space<vmem>>, vector<1x384xf32>
    %add3A_167 = vector.broadcast %get3A_166 : vector<1x384xf32> to vector<256x384xf32>
    %add3A_168 = arith.addf %dot_general3A_163, %add3A_167 : vector<256x384xf32>
    %max3A_169 = arith.constant 0.000000e+00 : f32
    %max3A_170 = vector.broadcast %max3A_169 : f32 to vector<256x384xf32>
    %max3A_171 = arith.maximumf %add3A_168, %max3A_170 : vector<256x384xf32>
    %get3A_172 = arith.constant 0 : index
    %get3A_173 = arith.constant 0 : index
    %get3A_174 = vector.load %arg21[%get3A_172, %get3A_173] : memref<384x32xf32, #tpu.memory_space<vmem>>, vector<384x32xf32>
    %dot_general3A_175 = arith.constant dense<0.000000e+00> : vector<256x32xf32>
    %dot_general3A_176 = tpu.matmul %max3A_171, %get3A_174, %dot_general3A_175 {dimension_numbers = #tpu.dot_dimension_numbers<[1], [0], [0], [1], [0, 0, 1, 1], [], []>, transpose_lhs_hint = false} : vector<256x384xf32>, vector<384x32xf32>, vector<256x32xf32> -> vector<256x32xf32>
    %get3A_177 = arith.constant 0 : index
    %get3A_178 = arith.constant 0 : index
    %get3A_179 = vector.load %arg22[%get3A_177, %get3A_178] : memref<1x32xf32, #tpu.memory_space<vmem>>, vector<1x32xf32>
    %add3A_180 = vector.broadcast %get3A_179 : vector<1x32xf32> to vector<256x32xf32>
    %add3A_181 = arith.addf %dot_general3A_176, %add3A_180 : vector<256x32xf32>
    %swap3A_182 = arith.constant 0 : index
    %swap3A_183 = arith.constant 0 : index
    %swap3A_184 = vector.load %arg24[%swap3A_182, %swap3A_183] : memref<256x32xf32, #tpu.memory_space<vmem>>, vector<256x32xf32>
    tpu.vector_store %arg24[%swap3A_182, %swap3A_183], %add3A_181 {strides = array<i32>} : memref<256x32xf32, #tpu.memory_space<vmem>>, vector<256x32xf32>,
    return
  }
  func.func @transform_0(%arg0: i32) -> (i32, i32) {
    %c0_i32 = arith.constant 0 : i32
    %c0_i32_0 = arith.constant 0 : i32
    return %arg0, %c0_i32 : i32, i32
  }
  func.func @transform_1(%arg0: i32) -> (i32, i32) {
    %c0_i32 = arith.constant 0 : i32
    %c0_i32_0 = arith.constant 0 : i32
    return %arg0, %c0_i32 : i32, i32
  }
  func.func @transform_2(%arg0: i32) -> (i32, i32) {
    %c0_i32 = arith.constant 0 : i32
    %c0_i32_0 = arith.constant 0 : i32
    return %arg0, %c0_i32 : i32, i32
  }
  func.func @transform_3(%arg0: i32) -> (i32, i32) {
    %c0_i32 = arith.constant 0 : i32
    %c0_i32_0 = arith.constant 0 : i32
    %c0_i32_1 = arith.constant 0 : i32
    return %c0_i32, %c0_i32_0 : i32, i32
  }
  func.func @transform_4(%arg0: i32) -> (i32, i32) {
    %c0_i32 = arith.constant 0 : i32
    %c0_i32_0 = arith.constant 0 : i32
    %c0_i32_1 = arith.constant 0 : i32
    return %c0_i32, %c0_i32_0 : i32, i32
  }
  func.func @transform_5(%arg0: i32) -> (i32, i32) {
    %c0_i32 = arith.constant 0 : i32
    %c0_i32_0 = arith.constant 0 : i32
    %c0_i32_1 = arith.constant 0 : i32
    return %c0_i32, %c0_i32_0 : i32, i32
  }
  func.func @transform_6(%arg0: i32) -> (i32, i32) {
    %c0_i32 = arith.constant 0 : i32
    %c0_i32_0 = arith.constant 0 : i32
    %c0_i32_1 = arith.constant 0 : i32
    return %c0_i32, %c0_i32_0 : i32, i32
  }
  func.func @transform_7(%arg0: i32) -> (i32, i32) {
    %c0_i32 = arith.constant 0 : i32
    %c0_i32_0 = arith.constant 0 : i32
    %c0_i32_1 = arith.constant 0 : i32
    return %c0_i32, %c0_i32_0 : i32, i32
  }
  func.func @transform_8(%arg0: i32) -> (i32, i32) {
    %c0_i32 = arith.constant 0 : i32
    %c0_i32_0 = arith.constant 0 : i32
    %c0_i32_1 = arith.constant 0 : i32
    return %c0_i32, %c0_i32_0 : i32, i32
  }
  func.func @transform_9(%arg0: i32) -> (i32, i32) {
    %c0_i32 = arith.constant 0 : i32
    %c0_i32_0 = arith.constant 0 : i32
    %c0_i32_1 = arith.constant 0 : i32
    return %c0_i32, %c0_i32_0 : i32, i32
  }
  func.func @transform_10(%arg0: i32) -> (i32, i32) {
    %c0_i32 = arith.constant 0 : i32
    %c0_i32_0 = arith.constant 0 : i32
    %c0_i32_1 = arith.constant 0 : i32
    return %c0_i32, %c0_i32_0 : i32, i32
  }
  func.func @transform_11(%arg0: i32) -> (i32, i32) {
    %c0_i32 = arith.constant 0 : i32
    %c0_i32_0 = arith.constant 0 : i32
    %c0_i32_1 = arith.constant 0 : i32
    return %c0_i32, %c0_i32_0 : i32, i32
  }
  func.func @transform_12(%arg0: i32) -> (i32, i32) {
    %c0_i32 = arith.constant 0 : i32
    %c0_i32_0 = arith.constant 0 : i32
    %c0_i32_1 = arith.constant 0 : i32
    return %c0_i32, %c0_i32_0 : i32, i32
  }
  func.func @transform_13(%arg0: i32) -> (i32, i32) {
    %c0_i32 = arith.constant 0 : i32
    %c0_i32_0 = arith.constant 0 : i32
    %c0_i32_1 = arith.constant 0 : i32
    return %c0_i32, %c0_i32_0 : i32, i32
  }
  func.func @transform_14(%arg0: i32) -> (i32, i32) {
    %c0_i32 = arith.constant 0 : i32
    %c0_i32_0 = arith.constant 0 : i32
    %c0_i32_1 = arith.constant 0 : i32
    return %c0_i32, %c0_i32_0 : i32, i32
  }
  func.func @transform_15(%arg0: i32) -> (i32, i32) {
    %c0_i32 = arith.constant 0 : i32
    %c0_i32_0 = arith.constant 0 : i32
    %c0_i32_1 = arith.constant 0 : i32
    return %c0_i32, %c0_i32_0 : i32, i32
  }
  func.func @transform_16(%arg0: i32) -> (i32, i32) {
    %c0_i32 = arith.constant 0 : i32
    %c0_i32_0 = arith.constant 0 : i32
    %c0_i32_1 = arith.constant 0 : i32
    return %c0_i32, %c0_i32_0 : i32, i32
  }
  func.func @transform_17(%arg0: i32) -> (i32, i32) {
    %c0_i32 = arith.constant 0 : i32
    %c0_i32_0 = arith.constant 0 : i32
    %c0_i32_1 = arith.constant 0 : i32
    return %c0_i32, %c0_i32_0 : i32, i32
  }
  func.func @transform_18(%arg0: i32) -> (i32, i32) {
    %c0_i32 = arith.constant 0 : i32
    %c0_i32_0 = arith.constant 0 : i32
    %c0_i32_1 = arith.constant 0 : i32
    return %c0_i32, %c0_i32_0 : i32, i32
  }
  func.func @transform_19(%arg0: i32) -> (i32, i32) {
    %c0_i32 = arith.constant 0 : i32
    %c0_i32_0 = arith.constant 0 : i32
    %c0_i32_1 = arith.constant 0 : i32
    return %c0_i32, %c0_i32_0 : i32, i32
  }
  func.func @transform_20(%arg0: i32) -> (i32, i32) {
    %c0_i32 = arith.constant 0 : i32
    %c0_i32_0 = arith.constant 0 : i32
    %c0_i32_1 = arith.constant 0 : i32
    return %c0_i32, %c0_i32_0 : i32, i32
  }
  func.func @transform_21(%arg0: i32) -> (i32, i32) {
    %c0_i32 = arith.constant 0 : i32
    %c0_i32_0 = arith.constant 0 : i32
    %c0_i32_1 = arith.constant 0 : i32
    return %c0_i32, %c0_i32_0 : i32, i32
  }
  func.func @transform_22(%arg0: i32) -> (i32, i32) {
    %c0_i32 = arith.constant 0 : i32
    %c0_i32_0 = arith.constant 0 : i32
    return %arg0, %c0_i32 : i32, i32
  }
  func.func @transform_23(%arg0: i32) -> (i32, i32) {
    %c0_i32 = arith.constant 0 : i32
    %c0_i32_0 = arith.constant 0 : i32
    return %arg0, %c0_i32 : i32, i32
  }
}

</mosaic_0001>

<sc_bundles>
// kernel: kernel.11.cloned.1.call-start
scs
__scs_entry_jumppad:
0x0: {  	(pc) =	sbr.rel $0x88, $3  }
0x1: {  	(tag) =	ssettag $0x0;
	lr =	simm.s32 $0x1  }
0x2: {  	[smem:$0x3F84] =	sst lr;
	_ =	strace $0xD0000000  }
0x3: {  	_ = 	snop  }
0x4: {  	_ = 	snop  }
0x5: {  	_ = 	snop  }
0x6: {  	_ = 	snop  }
0x7: {  	_ = 	snop  }
__scs_overlays_trampoline_lowered:
0x8: {  	[smem:$0x3F93] =	sst s0  }
0x9: {  	[smem:$0x3F94] =	sst s1  }
0xa: {  	[smem:$0x3F95] =	sst s2  }
0xb: {  	[smem:$0x3F96] =	sst s3  }
0xc: {  	[smem:$0x3F97] =	sst s4  }
0xd: {  	[smem:$0x3F98] =	sst s5  }
0xe: {  	[smem:$0x3F99] =	sst s6  }
0xf: {  	[smem:$0x3F9A] =	sst s7  }
0x10: {  	[smem:$0x3F9B] =	sst s8  }
0x11: {  	[smem:$0x3F9C] =	sst s9;
	s0 =	simm.s32 @!p0 $0x0  }
0x12: {  	s1 =	sld [smem:$0x3F82];
	s0 =	simm.s32 @p0 $0x1  }
0x13: {  	[smem:$0x3F9D] =	sst s0;
	s0 =	simm.s32 @!p1 $0x0  }
0x14: {  	s2 =	sld [smem:$0x3F81];
	s0 =	simm.s32 @p1 $0x1  }
0x15: {  	[smem:$0x3F9E] =	sst s0;
	s0 =	simm.s32 @!p2 $0x0  }
0x16: {  	s3 =	sld [smem:$0x3FDB];
	s0 =	simm.s32 @p2 $0x1  }
0x17: {  	s4 =	simm.s32 $0x1BF5;
	[smem:$0x3FA0] =	sst s0  }
0x18: {  	s0 =	sld [smem:$0x3F83];
	_ =	swait.ge [sflag:s4], $0x0  }
0x19: {  	s7 =	sld [smem:$0x3F84]  }
0x1a: {  	s8 =	sadd.s32 $0xFFFFE003, lr  }
0x1b: {  	s9 =	sadd.s32 $0xFFFFFEF7, lr;
	s5 =	simm.s32 $0xFFFFFFFF;
	p2 =	slt.u32 s8, $0xFFFFF086  }
0x1c: {  	p1 =	slt.u32 s9, $0xF7A;
	s5 =	simm.s32 @!p2 $0x0  }
0x1d: {  	s5 =	simm.s32 @p1 $0x1;
	p0 =	seq.s32 s7, s2  }
0x1e: {  	s7 =	smul.u32 @!p0 $0xF7A, s2;
	p2 =	seq.s32 @!p0 s5, $0x0  }
0x1f: {  	s9 =	smul.u32 $0xF7A, s1;
	s8 =	simm.s32 @!p0 $0x1BF5;
	p2 =	por !p2, p0  }
0x20: {  	[sflag:s8] =	ssyncset.s32 @!p0 $0xFFFFF086;
	s6 =	sadd.s32 @!p0 s3, s7;
	s7 =	simm.s32 @!p0 $0x108  }
0x21: {  	s3 =	sadd.s32 s3, s9;
	s6 =	sadd.s32 @!p0 $0x88, s6;
	s7 =	simm.s32 @p2 $0x1082  }
0x22: {  	[simem:s7], [sflag:s8] =	dma.local @!p0 [hbm:s6], $0xF7A  }
0x23: {  	s9 =	sor.u32 $0xD0000000, s2;
	s6 =	simm.s32 $0x108;
	_ =	swait.ge @!p0 [sflag:s8], $0x0  }
0x24: {  	s3 =	sadd.s32 $0x88, s3;
	s6 =	simm.s32 @!p1 $0x1082;
	[sflag:s4] =	ssyncset.s32 $0xFFFFF086  }
0x25: {  	[simem:s6], [sflag:s4] =	dma.local [hbm:s3], $0xF7A  }
0x26: {  	[smem:$0x3F84] =	sst s1;
	(tag) =	ssettag s2;
	_ =	strace s9  }
0x27: {  	s1 =	sld [smem:$0x3F94]  }
0x28: {  	s2 =	sld [smem:$0x3F95]  }
0x29: {  	s4 =	sld [smem:$0x3F97]  }
0x2a: {  	p0 =	seq.s32 s5, $0x0;
	s5 =	sld [smem:$0x3F98]  }
0x2b: {  	s6 =	sld [smem:$0x3F99]  }
0x2c: {  	s7 =	sld [smem:$0x3F9A]  }
0x2d: {  	s3 =	simm.s32 $0x108;
	s8 =	sld [smem:$0x3F9B]  }
0x2e: {  	s3 =	simm.s32 @!p0 $0x1082;
	s9 =	sld [smem:$0x3F9C]  }
0x2f: {  	lr =	sadd.s32 s0, s3;
	s0 =	sld [smem:$0x3F93]  }
0x30: {  	s3 =	sld [smem:$0x3F96]  }
0x31: {  	[smem:$0x3F9F] =	sst s10  }
0x32: {  	s10 =	sld [smem:$0x3F9D];
	_ =	sdelay $0x3  }
0x33: {  	p0 =	seq.s32 s10, $0x1;
	s10 =	sld [smem:$0x3F9F];
	_ =	sdelay $0x3  }
0x34: {  	[smem:$0x3F9F] =	sst s10  }
0x35: {  	s10 =	sld [smem:$0x3F9E];
	_ =	sdelay $0x3  }
0x36: {  	p1 =	seq.s32 s10, $0x1;
	s10 =	sld [smem:$0x3F9F];
	_ =	sdelay $0x3  }
0x37: {  	[smem:$0x3F9F] =	sst s10  }
0x38: {  	s10 =	sld [smem:$0x3FA0]  }
0x39: {  	_ = 	snop;
	(pc) =	sbr.ind lr, $3  }
0x3a: {  	_ = 	snop  }
0x3b: {  	_ = 	snop  }
0x3c: {  	p2 =	seq.s32 s10, $0x1;
	s10 =	sld [smem:$0x3F9F]  }
0x3d: {  	_ =	shalt  }
0x3e: {  	_ =	shalt  }
0x3f: {  	_ =	shalt  }
0x40: {  	_ =	shalt  }
0x41: {  	_ =	shalt  }
0x42: {  	_ =	shalt  }
0x43: {  	_ =	shalt  }
0x44: {  	_ =	shalt  }
0x45: {  	_ =	shalt  }
0x46: {  	_ =	shalt  }
0x47: {  	_ =	shalt  }
0x48: {  	_ =	shalt  }
0x49: {  	_ =	shalt  }
0x4a: {  	_ =	shalt  }
0x4b: {  	_ =	shalt  }
0x4c: {  	_ =	shalt  }
0x4d: {  	_ =	shalt  }
0x4e: {  	_ =	shalt  }
0x4f: {  	_ =	shalt  }
0x50: {  	_ =	shalt  }
0x51: {  	_ =	shalt  }
0x52: {  	_ =	shalt  }
0x53: {  	_ =	shalt  }
0x54: {  	_ =	shalt  }
0x55: {  	_ =	shalt  }
0x56: {  	_ =	shalt  }
0x57: {  	_ =	shalt  }
0x58: {  	_ =	shalt  }
0x59: {  	_ =	shalt  }
0x5a: {  	_ =	shalt  }
0x5b: {  	_ =	shalt  }
0x5c: {  	_ =	shalt  }
0x5d: {  	_ =	shalt  }
0x5e: {  	_ =	shalt  }
0x5f: {  	_ =	shalt  }
0x60: {  	_ =	shalt  }
0x61: {  	_ =	shalt  }
0x62: {  	_ =	shalt  }
0x63: {  	_ =	shalt  }
0x64: {  	_ =	shalt  }
0x65: {  	_ =	shalt  }
0x66: {  	_ =	shalt  }
0x67: {  	_ =	shalt  }
0x68: {  	_ =	shalt  }
0x69: {  	_ =	shalt  }
0x6a: {  	_ =	shalt  }
0x6b: {  	_ =	shalt  }
0x6c: {  	_ =	shalt  }
0x6d: {  	_ =	shalt  }
0x6e: {  	_ =	shalt  }
0x6f: {  	_ =	shalt  }
0x70: {  	_ =	shalt  }
0x71: {  	_ =	shalt  }
0x72: {  	_ =	shalt  }
0x73: {  	_ =	shalt  }
0x74: {  	_ =	shalt  }
0x75: {  	_ =	shalt  }
0x76: {  	_ =	shalt  }
0x77: {  	_ =	shalt  }
0x78: {  	_ =	shalt  }
0x79: {  	_ =	shalt  }
0x7a: {  	_ =	shalt  }
0x7b: {  	_ =	shalt  }
0x7c: {  	_ =	shalt  }
0x7d: {  	_ =	shalt  }
0x7e: {  	_ =	shalt  }
0x7f: {  	_ =	shalt  }
0x80: {  	_ =	shalt  }
0x81: {  	_ =	shalt  }
0x82: {  	_ =	shalt  }
0x83: {  	_ =	shalt  }
0x84: {  	_ =	shalt  }
0x85: {  	_ =	shalt  }
0x86: {  	_ =	shalt  }
0x87: {  	_ =	shalt  }
.Lfunc_end0:
.L_simem_size_0:
called_computation_lowered:
.L_overlay_start_0:
0x88: {  	s2 =	sld [smem:$0x3FD9]  }
0x89: {  	s3 =	sld [smem:$0x3FFE];
	_ =	sdelay $0x1  }
0x8a: {  	s1 =	srdreg.scid  }
0x8b: {  	s0 =	sand.u32 $0x1, s1  }
0x8c: {  	s14 =	sshll.u32 s0, $0xA;
	s2 =	sadd.s32 s3, s2  }
0x8d: {  	s2 =	sadd.s32 s2, s14  }
0x8e: {  	[smem:$0x3FAB] =	sst s2  }
0x8f: {  	_ = 	snop  }
0x90: {  	s2 =	sld [smem:$0x3FD0];
	_ =	sdelay $0x2  }
0x91: {  	s15 =	simm.s32 $0xA;
	s4 =	simm.s32 $0x10  }
0x92: {  	[smem:s4], [sflag:s15] =	dma.local [hbm:s2], $0x1  }
0x93: {  	_ =	swait.eq [sflag:s15], $0x1  }
0x94: {  	[sflag:s15] =	ssyncset.done $0x0  }
0x95: {  	s16 =	sld [smem:$0x10];
	[sflag:s15] =	ssyncadd.s32 $0xFFFFFFFF  }
0x96: {  	s17 =	sld [smem:$0x11];
	(tm) =	ssettm $0x1  }
0x97: {  	s18 =	sld [smem:$0x3FFB];
	_ =	sdelay $0x3  }
0x98: {  	_ =	strace s18  }
0x99: {  	s4 =	sld [smem:$0x3FFC];
	_ =	sdelay $0x3  }
0x9a: {  	_ =	strace s4  }
0x9b: {  	s4 =	sld [smem:$0x3FFD];
	_ =	sdelay $0x3  }
0x9c: {  	_ =	strace s4  }
0x9d: {  	_ =	strace $0x8FFFFFFF  }
0x9e: {  	s19 =	sld [smem:$0x3FDB];
	_ =	sdelay $0x1  }
0x9f: {  	s5 =	simm.s32 $_scs_section_size  }
0xa0: {  	s6 =	simm.s32 $_size__tile_overlayer_lowered;
	s7 =	simm.s32 $_tile_overlayer_lowered  }
0xa1: {  	s22 =	simm.s32 $0x1BFF;
	s21 =	sshll.u32 s7, $0x1;
	s4 =	sadd.s32 s5, s19  }
0xa2: {  	s8 =	simm.s32 $0x0;
	s20 =	sshll.u32 s6, $0x1;
	s6 =	sadd.s32 s21, s4  }
0xa3: {  	[timem:s8], [sflag:s22] =	dma.local [hbm:s6], s20  }
0xa4: {  	_ =	swait.ge [sflag:s22], s20  }
0xa5: {  	s5 =	ssub.s32 $0x0, s20;
	[sflag:s22] =	ssyncset.done $0x0  }
0xa6: {  	[sflag:s22] =	ssyncadd.s32 s5;
	_ =	sdelay $0x1  }
0xa7: {  	s23 =	simm.s32 $0x1B8B  }
0xa8: {  	_ =	swait.ge [sflag:s23], $0x1  }
0xa9: {  	[sflag:s23] =	ssyncset.done $0x0  }
0xaa: {  	s25 =	simm.s32 $0x1B8E;
	s24 =	sld [smem:$0x3FFE];
	[sflag:s23] =	ssyncadd.s32 $0xFFFFFFFF  }
0xab: {  	s26 =	simm.s32 $execute0_lowered;
	[smem:$0x3FD2] =	sst s25  }
0xac: {  	s6 =	sshll.u32 s26, $0x1;
	_ =	strace $0x80000046;
	[dreg:$0x1] =	wrdreg $0xFFFFFFFF  }
0xad: {  	s28 =	simm.s32 $_size_execute0_lowered;
	s4 =	sadd.s32 s4, s6;
	[dreg:$0x0] =	wrdreg $0x0  }
0xae: {  	s6 =	sshll.u32 s28, $0x1;
	[dreg:$0x2] =	wrdreg s4  }
0xaf: {  	[dreg:$0x3] =	wrdreg s6  }
0xb0: {  	[dreg:$0x4] =	wrdreg $0xC0  }
0xb1: {  	_ =	task [dreg:s8], $0x5FFFF  }
0xb2: {  	[dreg:$0x1] =	wrdreg $0xFFFFFFFF  }
0xb3: {  	[dreg:$0x0] =	wrdreg $0x60  }
0xb4: {  	[dreg:$0x2] =	wrdreg s17  }
0xb5: {  	[dreg:$0x3] =	wrdreg s24  }
0xb6: {  	[dreg:$0x4] =	wrdreg s16  }
0xb7: {  	[dreg:$0x5] =	wrdreg $0x9  }
0xb8: {  	_ =	task.clear_ibuf [dreg:s8], $0x6FFFF;
	_ =	strace $0x90000046  }
0xb9: {  	s29 =	simm.s32 $0x9;
	_ =	strace $0x80000048  }
0xba: {  	_ =	swait.ge [sflag:s29], $0x1  }
0xbb: {  	[sflag:s29] =	ssyncadd.s32 $0xFFFFFFFF  }
0xbc: {  	_ =	strace $0x90000048  }
0xbd: {  	_ =	sfence  }
0xbe: {  	s30 =	sld [smem:$0x0];
	_ =	sdelay $0x2  }
0xbf: {  	s31 =	sshll.u32 s1, $0xD;
	s1 =	sshrl.u32 s1, $0x2  }
0xc0: {  	s3 =	sand.u32 $0x4000, s31;
	s1 =	sadd.s32 s1, s30  }
0xc1: {  	s0 =	sor.u32 s3, s0;
	s1 =	sshll.u32 s1, $0x11  }
0xc2: {  	s0 =	sor.u32 s1, s0  }
0xc3: {  	s0 =	sadd.s32 $0x8F2B, s0  }
0xc4: {  	[sflag:s0] =	ssyncadd.remote.s32 $0x1  }
0xc5: {  	_ =	sfence.sel $0xFFFF  }
0xc6: {  	[dreg:$0x0] =	wrdreg $0xFFFFFFFF;
	(pc) =	sbr.abs _section_cstart, $3  }
0xc7: {  	[dreg:$0x1] =	wrdreg $0xFFFFFFFF  }
0xc8: {  	_ =	task.clear_ibuf [dreg:s8], $0x2FFFF;
	_ =	strace $0x9FFFFFFF  }
0xc9: {  	(tm) =	ssettm $0x7FFFFFFF  }
tec
execute0_lowered:
.L_overlay_start_1:
0x0: {  	(tag) =	ssettag $0x1  }
0x1: {  	v0 =	vimm.s32 $0x87654321  }
0x2: {  	v3 =	vimm.s32 $0x98765432;
	v4 =	vimm.s32 $0xFFFEDCBA;
	vm0 =	vcmask $0x3F3C  }
0x3: {  	vm3 =	vcmask $0x3F38;
	vm9 =	vcmask $0x1F00;
	vm4 =	vcmask $0x2F20  }
0x4: {  	v8 =	vimm.s32 $0xF0E0D0C;
	vm2 =	vcmask $0x3F34;
	v9 =	vimm.s32 $0xF0F0E0D  }
0x5: {  	v10 =	vimm.s32 $0xFEDCBA98;
	vm5 =	vcmask $0x2320;
	vm6 =	vcmask $0x3F24  }
0x6: {  	vm11 =	vcmask $0x3F1C;
	vm12 =	vcmask $0xF00;
	vm8 =	vcmask $0x3F18  }
0x7: {  	vm10 =	vcmask $0x3F10;
	vm13 =	vcmask $0x300;
	v16 =	vimm.s32 $0xF  }
0x8: {  	vm14 =	vcmask $0x3F04;
	v1 =	vunpack.c.l.s4.s8 v0;
	v0 =	vimm.s32 $0xFFEDCBA9  }
0x9: {  	v3 =	vunpack.c.l.s4.s8 v3;
	v4 =	vunpack.c.l.s4.s8 v4;
	v14 =	vunpack.c.0.s8.s32 v8  }
0xa: {  	v8 =	vimm.s32 $0xDCBA9876;
	v15 =	vunpack.c.0.s8.s32 v9;
	v9 =	vimm.s32 $0xEDCBA987  }
0xb: {  	v10 =	vunpack.c.l.s4.s8 v10;
	v17 =	vsel vm13, $0xE, v16;
	vm13 =	vcmask $0x3F08  }
0xc: {  	v2 =	vunpack.c.l.s4.s8 v0;
	v0 =	vimm.s32 $0xFFFFFFFF;
	v8 =	vunpack.c.l.s4.s8 v8  }
0xd: {  	v9 =	vunpack.c.l.s4.s8 v9;
	v5 =	vunpack.c.0.s8.s32 v1;
	v1 =	vimm.s32 $0xA9876543  }
0xe: {  	v6 =	vunpack.c.0.s8.s32 v3;
	v12 =	vunpack.c.0.s8.s32 v4;
	v10 =	vunpack.c.0.s8.s32 v10  }
0xf: {  	s3 =	rddreg [dreg:$0x0];
	v11 =	vunpack.c.0.s8.s32 v2;
	v7 =	vunpack.c.l.s4.s8 v1;
	v1 =	vimm.s32 $0x0  }
0x10: {  	s1 =	srdreg.scid;
	s4 =	rddreg [dreg:$0x1];
	v2 =	vlaneseq.u32;
	v8 =	vunpack.c.0.s8.s32 v8;
	v9 =	vunpack.c.0.s8.s32 v9  }
0x11: {  	s0 =	stileid.u32;
	s6 =	rddreg [dreg:$0x2];
	s2 =	simm.s32 $0x0;
	v4 =	vcombine.low v6, v12;
	v6 =	vimm.s32 $0xBA987654;
	v10 =	vnsel vm9, $0xF, v10  }
0x12: {  	s13 =	simm.s32 $0x0;
	s5 =	sand.u32 $0x1, s1;
	s29 =	sshll.u32 s0, $0x1;
	v3 =	vcombine.low v5, v11;
	v5 =	vunpack.c.0.s8.s32 v7;
	v7 =	vimm.s32 $0xE0D0C0B  }
0x13: {  	s1 =	rddreg [dreg:$0x3];
	s30 =	smul.u32 $0x2720, s0;
	s7 =	sor.u32 s5, s29;
	v6 =	vunpack.c.l.s4.s8 v6;
	v13 =	vunpack.c.0.s8.s32 v7;
	v7 =	vimm.s32 $0xCBA98765  }
0x14: {  	[smem:$0x7FF] =	sst s2;
	s9 =	ssub.s32 $0x2, s5;
	s8 =	smul.u32 $0x1390, s7;
	v12 =	vnsel vm9, $0xF, v12;
	v8 =	vnsel vm9, $0xF, v8;
	v7 =	vunpack.c.l.s4.s8 v7  }
0x15: {  	_ =	strace $0x80000047;
	s7 =	smul.u32 $0x500, s7;
	s11 =	sshrl.u32 s9, $0x1;
	v9 =	vnsel vm9, $0xF, v9;
	v11 =	vnsel vm9, $0xF, v11;
	v6 =	vunpack.c.0.s8.s32 v6  }
0x16: {  	s31 =	smul.u32 $0x1390, s5;
	s9 =	ssub.s32 s9, s11;
	s11 =	simm.s32 $0x2800;
	v8 =	vsel vm5, $0xE, v8;
	v5 =	vnsel vm9, $0xF, v5;
	v7 =	vunpack.c.0.s8.s32 v7  }
0x17: {  	s8 =	sshrl.u32 s8, $0x3;
	s12 =	sadd.s32 s7, s4;
	s5 =	sadd.s32 s6, s7;
	vm5 =	vcmask $0x3F28;
	v5 =	vsel vm4, v13, v5;
	v6 =	vnsel vm9, $0xF, v6  }
0x18: {  	s7 =	smax.u32 s9, $0x1;
	s9 =	simm.s32 $0x1;
	s10 =	sadd.s32 s8, s4;
	v13 =	vnsel vm12, $0xF, v13;
	v6 =	vsel vm4, v14, v6;
	v7 =	vnsel vm9, $0xF, v7  }
0x19: {  	s3 =	sadd.s32 s3, s8;
	s6 =	sadd.s32 $0xB400, s12;
	s8 =	sadd.s32 s31, s30;
	v14 =	vnsel vm12, $0xF, v14;
	vm9 =	vcmask $0x3F14;
	v7 =	vsel vm4, v15, v7  }
0x1a: {  	s12 =	simm.s32 $0x5000;
	s4 =	sadd.s32 $0x6400, s10;
	s10 =	simm.s32 $0x1400;
	vm4 =	vcmask $0x3F2C;
	v15 =	vnsel vm12, $0xF, v15;
	vm12 =	vcmask $0x3F0C  }
.LBB2_1:
0x1b: {  	[tilespmem:s2], [sflag:$0x1] =	stream.linear.gather [hbm4b:s3+s2], $0x1390, $0x38;
	[tilespmem:$0x7800] =	vst v63  }
0x1c: {  	_ =	swait.ge [sflag:s9], $0x1390  }
0x1d: {  	[sflag:s9] =	ssyncset.done $0x0  }
0x1e: {  	[sflag:s9] =	ssyncadd.s32 $0xFFFFEC70  }
0x1f: {  	[tilespmem:s10], [sflag:$0x1] =	stream.linear.gather [hbm4b:s4+s2], $0x1390, $0x38;
	[tilespmem:$0x7800] =	vst v63  }
0x20: {  	_ =	swait.ge [sflag:s9], $0x1390  }
0x21: {  	[sflag:s9] =	ssyncset.done $0x0  }
0x22: {  	s14 =	simm.s32 $0x0;
	[sflag:s9] =	ssyncadd.s32 $0xFFFFEC70  }
.LBB2_2:
0x23: {  	p0 =	sne.s32 s14, $0x9FC0  }
.Ltmp0:
0x24: {  	_ = 	snop;
	(pc) =	sbr.rel @p0 .LBB2_2-.Ltmp0, $4  }
0x25: {  	_ = 	snop  }
0x26: {  	s15 =	sshra.s32 s14, $0x2  }
0x27: {  	[tilespmem:s15+$0x2800] =	vst v0  }
0x28: {  	s14 =	sadd.s32 $0x40, s14;
	[tilespmem:s15+$0x5000] =	vst v1  }
0x29: {  	s15 =	simm.s32 $0x0  }
0x2a: {  	v18 =	vld [tilespmem:s15+$0x1400];
	_ =	sdelay $0x4  }
0x2b: {  	v19 =	vperm.xlane v18, v3;
	_ =	sdelay $0x1  }
0x2c: {  	vm15 =	vne.s32 v19, v18;
	v19 =	vimm.s32 $0x0  }
0x2d: {  	v19 =	vsel vm15, $0xFFFFFFFF, v19  }
0x2e: {  	[tilespmem:$0x1FF60] =	vst v19  }
0x2f: {  	v52 =	vld [tilespmem:$0x1FF60];
	_ =	sdelay $0x1  }
0x30: {  	v21 =	vperm.xlane v18, v5;
	_ =	sdelay $0x1  }
0x31: {  	v50 =	vimm.s32 $0x0;
	vm1 =	vne.s32 v21, v18  }
0x32: {  	v23 =	vperm.xlane v18, v4;
	v21 =	vsel vm1, $0xFFFFFFFF, v50;
	vm1 =	vnez.u8 v52  }
0x33: {  	v53 =	vimm.s32 $0x0;
	vm1 =	vmor vm1, vm0  }
0x34: {  	vm15 =	vne.s32 v23, v18;
	v23 =	vsel vm1, $0xFFFFFFFF, v53  }
0x35: {  	[tilespmem:$0x1FF80] =	vst v23  }
0x36: {  	v25 =	vld [tilespmem:$0x1FF80]  }
0x37: {  	[tilespmem:$0x1FF70] =	vst v21  }
0x38: {  	v54 =	vld [tilespmem:$0x1FF70];
	_ =	sdelay $0x1  }
0x39: {  	v51 =	vperm.xlane v18, v6  }
0x3a: {  	vm15 =	vmor vm15, vm3;
	vm3 =	vnez.u8 v25  }
0x3b: {  	v56 =	vimm.s32 $0x0;
	vm15 =	vmand vm3, vm15;
	vm3 =	vne.s32 v51, v18  }
0x3c: {  	v19 =	vperm.xlane v18, v7;
	vm1 =	vnez.u8 v54;
	v21 =	vsel vm3, $0xFFFFFFFF, v56  }
0x3d: {  	vm1 =	vmor vm1, vm2;
	[tilespmem:$0x1FF90] =	vst v21  }
0x3e: {  	vm1 =	vmand vm15, vm1;
	vm15 =	vne.s32 v19, v18;
	v19 =	vld [tilespmem:$0x1FF90];
	_ =	sdelay $0x3  }
0x3f: {  	v57 =	vimm.s32 $0x0  }
0x40: {  	vm3 =	vcmask $0x3F30;
	v21 =	vsel vm1, $0xFFFFFFFF, v57;
	vm1 =	vnez.u8 v19  }
0x41: {  	v19 =	vimm.s32 $0x0;
	vm7 =	vmor vm1, vm3;
	vm1 =	vmor vm15, vm4  }
0x42: {  	[tilespmem:$0x1FFA0] =	vst v21;
	v19 =	vsel vm1, $0xFFFFFFFF, v19  }
0x43: {  	[tilespmem:$0x1FFB0] =	vst v19;
	v19 =	vld [tilespmem:$0x1FFA0];
	_ =	sdelay $0x4  }
0x44: {  	vm1 =	vnez.u8 v19  }
0x45: {  	v19 =	vimm.s32 $0x0;
	vm1 =	vmand vm1, vm7  }
0x46: {  	v19 =	vsel vm1, $0xFFFFFFFF, v19  }
0x47: {  	[tilespmem:$0x1FFC0] =	vst v19;
	v19 =	vld [tilespmem:$0x1FFB0];
	_ =	sdelay $0x1  }
0x48: {  	v55 =	vperm.xlane v18, v8;
	_ =	sdelay $0x1  }
0x49: {  	vm15 =	vne.s32 v55, v18  }
0x4a: {  	vm1 =	vmor vm15, vm5;
	vm15 =	vnez.u8 v19;
	v19 =	vld [tilespmem:$0x1FFC0];
	_ =	sdelay $0x4  }
0x4b: {  	v24 =	vperm.xlane v18, v9;
	vm7 =	vnez.u8 v19  }
0x4c: {  	v19 =	vimm.s32 $0x0;
	vm15 =	vmand vm7, vm15  }
0x4d: {  	v19 =	vsel vm15, $0xFFFFFFFF, v19;
	vm15 =	vne.s32 v24, v18  }
0x4e: {  	v58 =	vimm.s32 $0x0;
	vm15 =	vmor vm15, vm6  }
0x4f: {  	[tilespmem:$0x1FFD0] =	vst v19;
	v21 =	vsel vm15, $0xFFFFFFFF, v58  }
0x50: {  	v59 =	vld [tilespmem:$0x1FFD0];
	[tilespmem:$0x1FFE0] =	vst v21  }
0x51: {  	v61 =	vld [tilespmem:$0x1FFE0];
	_ =	sdelay $0x3  }
0x52: {  	v19 =	vperm.xlane v18, v11;
	vm6 =	vnez.u8 v59  }
0x53: {  	vm15 =	vmand vm6, vm1;
	vm6 =	vnez.u8 v61  }
0x54: {  	vm6 =	vmand vm15, vm6;
	vm15 =	vne.s32 v19, v18;
	v19 =	vimm.s32 $0x0  }
0x55: {  	v19 =	vsel vm15, $0xFFFFFFFF, v19  }
0x56: {  	[tilespmem:$0x1FFF0] =	vst v19  }
0x57: {  	v62 =	vld [tilespmem:$0x1FFF0];
	_ =	sdelay $0x1  }
0x58: {  	v22 =	vperm.xlane v18, v10  }
0x59: {  	v20 =	vperm.xlane v18, v14  }
0x5a: {  	v60 =	vperm.xlane v18, v12;
	vm7 =	vcmask $0x3F20;
	vm1 =	vne.s32 v22, v18  }
0x5b: {  	vm15 =	vmor vm1, vm7;
	v19 =	vperm.xlane v18, v13;
	vm1 =	vnez.u8 v62  }
0x5c: {  	v63 =	vperm.xlane v18, v16;
	vm7 =	vmand vm6, vm15;
	vm15 =	vmor vm1, vm11  }
0x5d: {  	vm6 =	vne.s32 v60, v18;
	vm1 =	vmand vm7, vm15;
	vm7 =	vne.s32 v19, v18  }
0x5e: {  	vm15 =	vmor vm6, vm8;
	vm8 =	vne.s32 v20, v18;
	v19 =	vperm.xlane v18, v15  }
0x5f: {  	v20 =	vperm.xlane v18, v17;
	vm1 =	vmand vm1, vm15;
	vm15 =	vmor vm7, vm9  }
0x60: {  	vm6 =	vmor vm8, vm10;
	vm7 =	vmand vm1, vm15;
	vm15 =	vne.s32 v19, v18  }
0x61: {  	vm1 =	vmor vm15, vm12;
	vm6 =	vmand vm7, vm6;
	vm15 =	vne.s32 v20, v18  }
0x62: {  	vm7 =	vmor vm15, vm13;
	vm15 =	vmand vm6, vm1;
	vm1 =	vne.s32 v63, v18  }
0x63: {  	vm6 =	vmand vm15, vm7;
	vm15 =	vmor vm1, vm14  }
0x64: {  	vm15 =	vmand vm6, vm15  }
0x65: {  	s14 =	simm.s32 $0x40;
	s16 =	smov.u32 s8;
	vm9 =	vmmov vm3;
	v19 =	vld [tilespmem:s15+$0x0];
	s15 =	smov.u32 s8;
	vm12 =	vcmask $0x3F24  }
.LBB2_4:
0x66: {  	p0 =	sne.s32 s14, $0x4E00  }
0x67: {  	s15 =	sadd.s32 $0x10, s15;
	s17 =	smov.u32 s14;
	s14 =	sadd.s32 $0x40, s14  }
0x68: {  	v20 =	vor.u32 s16, v2;
	s16 =	smov.u32 s15;
	_ =	sdelay $0x1  }
0x69: {  	[tilespmem:v18+s11+$0x0] =	vst.idx.msk vm15, v20  }
0x6a: {  	s17 =	sshra.s32 s17, $0x2;
	[tilespmem:v18+s12+$0x0] =	vst.idx.msk vm15, v19  }
0x6b: {  	v18 =	vld [tilespmem:s17+$0x1400];
	_ =	sdelay $0x3  }
0x6c: {  	vm6 =	vmmov vm0;
	vm8 =	vmmov vm2  }
0x6d: {  	vm7 =	vmmov vm14;
	vm14 =	vmmov vm13;
	v19 =	vperm.xlane v18, v3  }
0x6e: {  	vm13 =	vmmov vm10;
	v20 =	vperm.xlane v18, v14;
	v21 =	vperm.xlane v18, v5  }
0x6f: {  	vm10 =	vmmov vm4;
	v22 =	vperm.xlane v18, v10;
	v24 =	vperm.xlane v18, v4  }
0x70: {  	vm11 =	vcmask $0x3F38;
	v23 =	vperm.xlane v18, v9;
	v25 =	vperm.xlane v18, v8  }
0x71: {  	vm15 =	vne.s32 v19, v18;
	v19 =	vperm.xlane v18, v7;
	vm3 =	vne.s32 v24, v18  }
0x72: {  	vm15 =	vmor vm15, vm0;
	vm0 =	vne.s32 v21, v18;
	v21 =	vperm.xlane v18, v6  }
0x73: {  	vm3 =	vmor vm3, vm11;
	vm11 =	vmmov vm5;
	vm0 =	vmor vm0, vm2  }
0x74: {  	vm2 =	vne.s32 v19, v18;
	v19 =	vperm.xlane v18, v11;
	vm3 =	vmand vm15, vm3  }
0x75: {  	vm15 =	vne.s32 v22, v18;
	vm1 =	vne.s32 v21, v18;
	vm2 =	vmor vm2, vm4  }
0x76: {  	vm4 =	vne.s32 v25, v18;
	vm0 =	vmand vm3, vm0;
	v21 =	vperm.xlane v18, v12  }
0x77: {  	vm4 =	vmor vm4, vm5;
	vm5 =	vne.s32 v23, v18;
	vm1 =	vmor vm1, vm9  }
0x78: {  	vm3 =	vmor vm5, vm12;
	vm0 =	vmand vm0, vm1;
	vm1 =	vne.s32 v19, v18  }
0x79: {  	v19 =	vperm.xlane v18, v13;
	vm5 =	vne.s32 v21, v18;
	vm0 =	vmand vm0, vm2  }
0x7a: {  	vm2 =	vcmask $0x3F20;
	vm0 =	vmand vm0, vm4;
	vm4 =	vcmask $0x3F1C  }
0x7b: {  	v21 =	vperm.xlane v18, v16;
	vm2 =	vmor vm15, vm2;
	vm1 =	vmor vm1, vm4  }
0x7c: {  	vm4 =	vne.s32 v19, v18;
	vm0 =	vmand vm0, vm3;
	vm3 =	vcmask $0x3F18  }
0x7d: {  	v19 =	vperm.xlane v18, v15;
	vm3 =	vmor vm5, vm3;
	vm5 =	vne.s32 v20, v18  }
0x7e: {  	vm0 =	vmand vm0, vm2;
	vm2 =	vcmask $0x3F14;
	v20 =	vperm.xlane v18, v17  }
0x7f: {  	vm2 =	vmor vm4, vm2;
	vm4 =	vmmov vm10;
	vm10 =	vmmov vm13  }
0x80: {  	vm13 =	vmmov vm14;
	vm14 =	vmmov vm7;
	vm0 =	vmand vm0, vm1  }
0x81: {  	vm0 =	vmand vm0, vm3;
	vm1 =	vmor vm5, vm10;
	vm5 =	vmmov vm11  }
0x82: {  	vm3 =	vne.s32 v19, v18;
	vm0 =	vmand vm0, vm2;
	vm2 =	vcmask $0x3F0C  }
0x83: {  	vm2 =	vmor vm3, vm2;
	vm3 =	vne.s32 v20, v18  }
.Ltmp1:
0x84: {  	vm0 =	vmand vm0, vm1;
	vm1 =	vmor vm3, vm13;
	vm3 =	vne.s32 v21, v18;
	(pc) =	sbr.rel @p0 .LBB2_4-.Ltmp1, $4  }
0x85: {  	vm0 =	vmand vm0, vm2;
	vm2 =	vmor vm3, vm7  }
0x86: {  	vm0 =	vmand vm0, vm1  }
0x87: {  	vm15 =	vmand vm0, vm2;
	vm2 =	vmmov vm8;
	vm0 =	vmmov vm6  }
0x88: {  	v19 =	vld [tilespmem:s17+$0x0]  }
0x89: {  	_ =	sdelay $0x3  }
0x8a: {  	v20 =	vor.u32 s16, v2  }
0x8b: {  	[tilespmem:v18+s11+$0x0] =	vst.idx.msk vm15, v20  }
0x8c: {  	[tilespmem:v18+s12+$0x0] =	vst.idx.msk vm15, v19  }
0x8d: {  	[hbm4b:s5+s2] =	stream.linear.scatter [tilespmem:s11], [sflag:$0x1], $0x2800, $0x38;
	[tilespmem:$0x7800] =	vst v63  }
0x8e: {  	s13 =	sadd.s32 $0x1, s13;
	_ =	swait.ge [sflag:s9], $0x2800  }
0x8f: {  	p0 =	sne.s32 s13, s7;
	[sflag:s9] =	ssyncset.done $0x0  }
.Ltmp2:
0x90: {  	[sflag:s9] =	ssyncadd.s32 $0xFFFFD800;
	(pc) =	sbr.rel @p0 .LBB2_1-.Ltmp2, $4  }
0x91: {  	[hbm4b:s6+s2] =	stream.linear.scatter [tilespmem:s12], [sflag:$0x1], $0x2800, $0x38;
	[tilespmem:$0x7800] =	vst v63  }
0x92: {  	_ =	swait.ge [sflag:s9], $0x2800  }
0x93: {  	vm3 =	vcmask $0x3F38;
	vm6 =	vmmov vm12;
	vm11 =	vcmask $0x3F1C;
	[sflag:s9] =	ssyncset.done $0x0  }
0x94: {  	vm8 =	vcmask $0x3F18;
	vm9 =	vcmask $0x3F14;
	vm12 =	vcmask $0x3F0C;
	[sflag:s9] =	ssyncadd.s32 $0xFFFFD800  }
0x95: {  	_ =	sfence.sel $0x180000  }
0x96: {  	[bflag:$0x0] =	sbarrier.arrive $0xFFFF  }
0x97: {  	p0 =	sne.s32 s0, $0x0;
	_ =	strace $0x90000047  }
0x98: {  	s0 =	sadd.s32 @!p0 $0x100000, s1;
	[bflag:$0x2] =	sbarrier.arrive $0xFFFF  }
0x99: {  	[sflag:s0] =	ssyncadd.tile.s32 @!p0 $0x1;
	_ =	shalt  }
.Lfunc_end2:
_tile_overlayer_lowered:
.L_overlay_start_2:
0x9a: {  	(tag) =	ssettag $0x2  }
0x9b: {  	s0 =	rddreg [dreg:$0x0];
	s2 =	stileid.u32  }
0x9c: {  	s1 =	rddreg [dreg:$0x1];
	p0 =	sne.s32 s2, $0x0  }
0x9d: {  	s3 =	rddreg [dreg:$0x2];
	[bflag:$0x3] =	sbarrier.arrive $0xFFFF;
	s2 =	simm.s32 @!p0 $0x1C01  }
0x9e: {  	[timem:s3], [sflag:s2] =	dma.local @!p0 [hbm:s0], s1  }
0x9f: {  	s0 =	simm.s32 @!p0 $0x1  }
0xa0: {  	_ =	swait.ge @!p0 [sflag:s0], s1  }
0xa1: {  	s1 =	ssub.s32 @!p0 $0x0, s1;
	[sflag:s0] =	ssyncset.done @!p0 $0x0  }
0xa2: {  	[sflag:s0] =	ssyncadd.s32 @!p0 s1  }
0xa3: {  	[bflag:$0x3] =	sbarrier.arrive $0xFFFF  }
0xa4: {  	_ =	shalt  }

// kernel: kernel.14.cloned.1.call-start
scs
__scs_entry_jumppad:
0x0: {  	(pc) =	sbr.rel $0x88, $3  }
0x1: {  	(tag) =	ssettag $0x0;
	lr =	simm.s32 $0x1  }
0x2: {  	[smem:$0x3F84] =	sst lr;
	_ =	strace $0xD0000000  }
0x3: {  	_ = 	snop  }
0x4: {  	_ = 	snop  }
0x5: {  	_ = 	snop  }
0x6: {  	_ = 	snop  }
0x7: {  	_ = 	snop  }
__scs_overlays_trampoline_lowered:
0x8: {  	[smem:$0x3F93] =	sst s0  }
0x9: {  	[smem:$0x3F94] =	sst s1  }
0xa: {  	[smem:$0x3F95] =	sst s2  }
0xb: {  	[smem:$0x3F96] =	sst s3  }
0xc: {  	[smem:$0x3F97] =	sst s4  }
0xd: {  	[smem:$0x3F98] =	sst s5  }
0xe: {  	[smem:$0x3F99] =	sst s6  }
0xf: {  	[smem:$0x3F9A] =	sst s7  }
0x10: {  	[smem:$0x3F9B] =	sst s8  }
0x11: {  	[smem:$0x3F9C] =	sst s9;
	s0 =	simm.s32 @!p0 $0x0  }
0x12: {  	s1 =	sld [smem:$0x3F82];
	s0 =	simm.s32 @p0 $0x1  }
0x13: {  	[smem:$0x3F9D] =	sst s0;
	s0 =	simm.s32 @!p1 $0x0  }
0x14: {  	s2 =	sld [smem:$0x3F81];
	s0 =	simm.s32 @p1 $0x1  }
0x15: {  	[smem:$0x3F9E] =	sst s0;
	s0 =	simm.s32 @!p2 $0x0  }
0x16: {  	s3 =	sld [smem:$0x3FDB];
	s0 =	simm.s32 @p2 $0x1  }
0x17: {  	s4 =	simm.s32 $0x1BF5;
	[smem:$0x3FA0] =	sst s0  }
0x18: {  	s0 =	sld [smem:$0x3F83];
	_ =	swait.ge [sflag:s4], $0x0  }
0x19: {  	s7 =	sld [smem:$0x3F84]  }
0x1a: {  	s8 =	sadd.s32 $0xFFFFE003, lr  }
0x1b: {  	s9 =	sadd.s32 $0xFFFFFEF7, lr;
	s5 =	simm.s32 $0xFFFFFFFF;
	p2 =	slt.u32 s8, $0xFFFFF086  }
0x1c: {  	p1 =	slt.u32 s9, $0xF7A;
	s5 =	simm.s32 @!p2 $0x0  }
0x1d: {  	s5 =	simm.s32 @p1 $0x1;
	p0 =	seq.s32 s7, s2  }
0x1e: {  	s7 =	smul.u32 @!p0 $0xF7A, s2;
	p2 =	seq.s32 @!p0 s5, $0x0  }
0x1f: {  	s9 =	smul.u32 $0xF7A, s1;
	s8 =	simm.s32 @!p0 $0x1BF5;
	p2 =	por !p2, p0  }
0x20: {  	[sflag:s8] =	ssyncset.s32 @!p0 $0xFFFFF086;
	s6 =	sadd.s32 @!p0 s3, s7;
	s7 =	simm.s32 @!p0 $0x108  }
0x21: {  	s3 =	sadd.s32 s3, s9;
	s6 =	sadd.s32 @!p0 $0x88, s6;
	s7 =	simm.s32 @p2 $0x1082  }
0x22: {  	[simem:s7], [sflag:s8] =	dma.local @!p0 [hbm:s6], $0xF7A  }
0x23: {  	s9 =	sor.u32 $0xD0000000, s2;
	s6 =	simm.s32 $0x108;
	_ =	swait.ge @!p0 [sflag:s8], $0x0  }
0x24: {  	s3 =	sadd.s32 $0x88, s3;
	s6 =	simm.s32 @!p1 $0x1082;
	[sflag:s4] =	ssyncset.s32 $0xFFFFF086  }
0x25: {  	[simem:s6], [sflag:s4] =	dma.local [hbm:s3], $0xF7A  }
0x26: {  	[smem:$0x3F84] =	sst s1;
	(tag) =	ssettag s2;
	_ =	strace s9  }
0x27: {  	s1 =	sld [smem:$0x3F94]  }
0x28: {  	s2 =	sld [smem:$0x3F95]  }
0x29: {  	s4 =	sld [smem:$0x3F97]  }
0x2a: {  	p0 =	seq.s32 s5, $0x0;
	s5 =	sld [smem:$0x3F98]  }
0x2b: {  	s6 =	sld [smem:$0x3F99]  }
0x2c: {  	s7 =	sld [smem:$0x3F9A]  }
0x2d: {  	s3 =	simm.s32 $0x108;
	s8 =	sld [smem:$0x3F9B]  }
0x2e: {  	s3 =	simm.s32 @!p0 $0x1082;
	s9 =	sld [smem:$0x3F9C]  }
0x2f: {  	lr =	sadd.s32 s0, s3;
	s0 =	sld [smem:$0x3F93]  }
0x30: {  	s3 =	sld [smem:$0x3F96]  }
0x31: {  	[smem:$0x3F9F] =	sst s10  }
0x32: {  	s10 =	sld [smem:$0x3F9D];
	_ =	sdelay $0x3  }
0x33: {  	p0 =	seq.s32 s10, $0x1;
	s10 =	sld [smem:$0x3F9F];
	_ =	sdelay $0x3  }
0x34: {  	[smem:$0x3F9F] =	sst s10  }
0x35: {  	s10 =	sld [smem:$0x3F9E];
	_ =	sdelay $0x3  }
0x36: {  	p1 =	seq.s32 s10, $0x1;
	s10 =	sld [smem:$0x3F9F];
	_ =	sdelay $0x3  }
0x37: {  	[smem:$0x3F9F] =	sst s10  }
0x38: {  	s10 =	sld [smem:$0x3FA0]  }
0x39: {  	_ = 	snop;
	(pc) =	sbr.ind lr, $3  }
0x3a: {  	_ = 	snop  }
0x3b: {  	_ = 	snop  }
0x3c: {  	p2 =	seq.s32 s10, $0x1;
	s10 =	sld [smem:$0x3F9F]  }
0x3d: {  	_ =	shalt  }
0x3e: {  	_ =	shalt  }
0x3f: {  	_ =	shalt  }
0x40: {  	_ =	shalt  }
0x41: {  	_ =	shalt  }
0x42: {  	_ =	shalt  }
0x43: {  	_ =	shalt  }
0x44: {  	_ =	shalt  }
0x45: {  	_ =	shalt  }
0x46: {  	_ =	shalt  }
0x47: {  	_ =	shalt  }
0x48: {  	_ =	shalt  }
0x49: {  	_ =	shalt  }
0x4a: {  	_ =	shalt  }
0x4b: {  	_ =	shalt  }
0x4c: {  	_ =	shalt  }
0x4d: {  	_ =	shalt  }
0x4e: {  	_ =	shalt  }
0x4f: {  	_ =	shalt  }
0x50: {  	_ =	shalt  }
0x51: {  	_ =	shalt  }
0x52: {  	_ =	shalt  }
0x53: {  	_ =	shalt  }
0x54: {  	_ =	shalt  }
0x55: {  	_ =	shalt  }
0x56: {  	_ =	shalt  }
0x57: {  	_ =	shalt  }
0x58: {  	_ =	shalt  }
0x59: {  	_ =	shalt  }
0x5a: {  	_ =	shalt  }
0x5b: {  	_ =	shalt  }
0x5c: {  	_ =	shalt  }
0x5d: {  	_ =	shalt  }
0x5e: {  	_ =	shalt  }
0x5f: {  	_ =	shalt  }
0x60: {  	_ =	shalt  }
0x61: {  	_ =	shalt  }
0x62: {  	_ =	shalt  }
0x63: {  	_ =	shalt  }
0x64: {  	_ =	shalt  }
0x65: {  	_ =	shalt  }
0x66: {  	_ =	shalt  }
0x67: {  	_ =	shalt  }
0x68: {  	_ =	shalt  }
0x69: {  	_ =	shalt  }
0x6a: {  	_ =	shalt  }
0x6b: {  	_ =	shalt  }
0x6c: {  	_ =	shalt  }
0x6d: {  	_ =	shalt  }
0x6e: {  	_ =	shalt  }
0x6f: {  	_ =	shalt  }
0x70: {  	_ =	shalt  }
0x71: {  	_ =	shalt  }
0x72: {  	_ =	shalt  }
0x73: {  	_ =	shalt  }
0x74: {  	_ =	shalt  }
0x75: {  	_ =	shalt  }
0x76: {  	_ =	shalt  }
0x77: {  	_ =	shalt  }
0x78: {  	_ =	shalt  }
0x79: {  	_ =	shalt  }
0x7a: {  	_ =	shalt  }
0x7b: {  	_ =	shalt  }
0x7c: {  	_ =	shalt  }
0x7d: {  	_ =	shalt  }
0x7e: {  	_ =	shalt  }
0x7f: {  	_ =	shalt  }
0x80: {  	_ =	shalt  }
0x81: {  	_ =	shalt  }
0x82: {  	_ =	shalt  }
0x83: {  	_ =	shalt  }
0x84: {  	_ =	shalt  }
0x85: {  	_ =	shalt  }
0x86: {  	_ =	shalt  }
0x87: {  	_ =	shalt  }
.Lfunc_end0:
.L_simem_size_0:
called_computation.1_lowered:
.L_overlay_start_0:
0x88: {  	s2 =	sld [smem:$0x3FD9]  }
0x89: {  	s3 =	sld [smem:$0x3FFE];
	_ =	sdelay $0x1  }
0x8a: {  	s1 =	srdreg.scid  }
0x8b: {  	s0 =	sand.u32 $0x1, s1  }
0x8c: {  	s14 =	sshll.u32 s0, $0xA;
	s2 =	sadd.s32 s3, s2  }
0x8d: {  	s2 =	sadd.s32 s2, s14  }
0x8e: {  	[smem:$0x3FAB] =	sst s2  }
0x8f: {  	_ = 	snop  }
0x90: {  	s2 =	sld [smem:$0x3FD0];
	_ =	sdelay $0x2  }
0x91: {  	s15 =	simm.s32 $0xA;
	s4 =	simm.s32 $0x10  }
0x92: {  	[smem:s4], [sflag:s15] =	dma.local [hbm:s2], $0x1  }
0x93: {  	_ =	swait.eq [sflag:s15], $0x1  }
0x94: {  	[sflag:s15] =	ssyncset.done $0x0  }
0x95: {  	[sflag:s15] =	ssyncadd.s32 $0xFFFFFFFF  }
0x96: {  	s16 =	sld [smem:$0x11];
	(tm) =	ssettm $0x1  }
0x97: {  	s17 =	sld [smem:$0x3FFB];
	_ =	sdelay $0x3  }
0x98: {  	_ =	strace s17  }
0x99: {  	s3 =	sld [smem:$0x3FFC];
	_ =	sdelay $0x3  }
0x9a: {  	_ =	strace s3  }
0x9b: {  	s3 =	sld [smem:$0x3FFD];
	_ =	sdelay $0x3  }
0x9c: {  	_ =	strace s3  }
0x9d: {  	_ =	strace $0x8FFFFFFF  }
0x9e: {  	s18 =	sld [smem:$0x3FDB];
	_ =	sdelay $0x1  }
0x9f: {  	s19 =	simm.s32 $_scs_section_size  }
0xa0: {  	s5 =	simm.s32 $_size__tile_overlayer_lowered;
	s6 =	simm.s32 $_tile_overlayer_lowered  }
0xa1: {  	s22 =	simm.s32 $0x1BFF;
	s21 =	sshll.u32 s6, $0x1;
	s3 =	sadd.s32 s19, s18  }
0xa2: {  	s7 =	simm.s32 $0x0;
	s20 =	sshll.u32 s5, $0x1;
	s5 =	sadd.s32 s21, s3  }
0xa3: {  	[timem:s7], [sflag:s22] =	dma.local [hbm:s5], s20  }
0xa4: {  	_ =	swait.ge [sflag:s22], s20  }
0xa5: {  	s4 =	ssub.s32 $0x0, s20;
	[sflag:s22] =	ssyncset.done $0x0  }
0xa6: {  	[sflag:s22] =	ssyncadd.s32 s4;
	_ =	sdelay $0x1  }
0xa7: {  	s23 =	simm.s32 $0x1B8B  }
0xa8: {  	_ =	swait.ge [sflag:s23], $0x1  }
0xa9: {  	[sflag:s23] =	ssyncset.done $0x0  }
0xaa: {  	s25 =	simm.s32 $0x1B8E;
	s24 =	sld [smem:$0x3FFE];
	[sflag:s23] =	ssyncadd.s32 $0xFFFFFFFF  }
0xab: {  	s26 =	simm.s32 $execute0_lowered;
	[smem:$0x3FD2] =	sst s25  }
0xac: {  	s5 =	sshll.u32 s26, $0x1;
	_ =	strace $0x80000049;
	[dreg:$0x1] =	wrdreg $0xFFFFFFFF  }
0xad: {  	s28 =	simm.s32 $_size_execute0_lowered;
	s3 =	sadd.s32 s3, s5;
	[dreg:$0x0] =	wrdreg $0x0  }
0xae: {  	s5 =	sshll.u32 s28, $0x1;
	[dreg:$0x2] =	wrdreg s3  }
0xaf: {  	[dreg:$0x3] =	wrdreg s5  }
0xb0: {  	[dreg:$0x4] =	wrdreg $0xC0  }
0xb1: {  	_ =	task [dreg:s7], $0x5FFFF  }
0xb2: {  	[dreg:$0x1] =	wrdreg $0xFFFFFFFF  }
0xb3: {  	[dreg:$0x0] =	wrdreg $0x60  }
0xb4: {  	[dreg:$0x2] =	wrdreg s24  }
0xb5: {  	[dreg:$0x3] =	wrdreg s16  }
0xb6: {  	[dreg:$0x4] =	wrdreg $0x9  }
0xb7: {  	_ =	task.clear_ibuf [dreg:s7], $0x5FFFF;
	_ =	strace $0x90000049  }
0xb8: {  	s29 =	simm.s32 $0x9;
	_ =	strace $0x8000004B  }
0xb9: {  	_ =	swait.ge [sflag:s29], $0x1  }
0xba: {  	[sflag:s29] =	ssyncadd.s32 $0xFFFFFFFF  }
0xbb: {  	_ =	strace $0x9000004B  }
0xbc: {  	_ =	sfence  }
0xbd: {  	s30 =	sld [smem:$0x0];
	_ =	sdelay $0x2  }
0xbe: {  	s31 =	sshll.u32 s1, $0xD;
	s1 =	sshrl.u32 s1, $0x2  }
0xbf: {  	s3 =	sand.u32 $0x4000, s31;
	s1 =	sadd.s32 s1, s30  }
0xc0: {  	s0 =	sor.u32 s3, s0;
	s1 =	sshll.u32 s1, $0x11  }
0xc1: {  	s0 =	sor.u32 s1, s0  }
0xc2: {  	s0 =	sadd.s32 $0x8F2B, s0  }
0xc3: {  	[sflag:s0] =	ssyncadd.remote.s32 $0x1  }
0xc4: {  	_ =	sfence.sel $0xFFFF  }
0xc5: {  	[dreg:$0x0] =	wrdreg $0xFFFFFFFF;
	(pc) =	sbr.abs _section_cstart, $3  }
0xc6: {  	[dreg:$0x1] =	wrdreg $0xFFFFFFFF  }
0xc7: {  	_ =	task.clear_ibuf [dreg:s7], $0x2FFFF;
	_ =	strace $0x9FFFFFFF  }
0xc8: {  	(tm) =	ssettm $0x7FFFFFFF  }
0xc9: {  	_ =	shalt  }
tec
execute0_lowered:
.L_overlay_start_1:
0x0: {  	(tag) =	ssettag $0x1  }
0x1: {  	s1 =	srdreg.scid;
	s0 =	stileid.u32  }
0x2: {  	s4 =	sand.u32 $0x1, s1;
	s9 =	sshll.u32 s0, $0x1  }
0x3: {  	s1 =	sor.u32 s4, s9  }
0x4: {  	s2 =	smul.u32 $0x140, s1  }
0x5: {  	s3 =	rddreg [dreg:$0x1]  }
0x6: {  	s1 =	rddreg [dreg:$0x0];
	s5 =	sshrl.u32 s2, $0x3;
	s2 =	simm.s32 $0x0  }
0x7: {  	[smem:$0x7FF] =	sst s2;
	s3 =	sadd.s32 s3, s5  }
0x8: {  	s15 =	simm.s32 $0x980;
	_ =	strace $0x8000004A;
	[dreg:$0x3] =	wrdreg s3  }
0x9: {  	s16 =	simm.s32 $0xD80;
	[dreg:$0x9] =	wrdreg s15  }
0xa: {  	s17 =	simm.s32 $0x1580;
	[dreg:$0xa] =	wrdreg s16  }
0xb: {  	s18 =	simm.s32 $0x1980;
	[dreg:$0xb] =	wrdreg s17  }
0xc: {  	s19 =	simm.s32 $0x2180;
	[dreg:$0xc] =	wrdreg s18  }
0xd: {  	s20 =	simm.s32 $0x2580;
	[dreg:$0xd] =	wrdreg s19  }
0xe: {  	s21 =	simm.s32 $0x2D80;
	[dreg:$0xe] =	wrdreg s20  }
0xf: {  	s22 =	simm.s32 $0x3180;
	[dreg:$0xf] =	wrdreg s21  }
0x10: {  	s23 =	simm.s32 $0x3980;
	[dreg:$0x10] =	wrdreg s22  }
0x11: {  	s24 =	simm.s32 $0x3D80;
	[dreg:$0x11] =	wrdreg s23  }
0x12: {  	s25 =	simm.s32 $0x4580;
	[dreg:$0x12] =	wrdreg s24  }
0x13: {  	s26 =	simm.s32 $0x4980;
	[dreg:$0x13] =	wrdreg s25  }
0x14: {  	s0 =	simm.s32 $0x5180;
	[dreg:$0x14] =	wrdreg s26  }
0x15: {  	s6 =	smul.u32 $0x180, s5;
	s5 =	simm.s32 $0x5580;
	[dreg:$0x15] =	wrdreg s0  }
0x16: {  	s7 =	simm.s32 $0x6980;
	[dreg:$0x16] =	wrdreg s5  }
0x17: {  	s8 =	simm.s32 $0x6D80;
	[dreg:$0x18] =	wrdreg s7  }
0x18: {  	s9 =	simm.s32 $0x7580;
	[dreg:$0x19] =	wrdreg s8  }
0x19: {  	[dreg:$0x1a] =	wrdreg s9;
	s15 =	simm.s32 $0x9980  }
0x1a: {  	s16 =	simm.s32 $0x9D80;
	[smem:$0x7DC] =	sst s15  }
0x1b: {  	s17 =	simm.s32 $0xA580;
	[smem:$0x7DD] =	sst s16  }
0x1c: {  	s18 =	simm.s32 $0xA980;
	[smem:$0x7DE] =	sst s17  }
0x1d: {  	s19 =	simm.s32 $0xB180;
	[smem:$0x7DF] =	sst s18  }
0x1e: {  	s20 =	simm.s32 $0xB580;
	[smem:$0x7E0] =	sst s19  }
0x1f: {  	s21 =	simm.s32 $0xBD80;
	[smem:$0x7E1] =	sst s20  }
0x20: {  	s22 =	simm.s32 $0xC980;
	[smem:$0x7E2] =	sst s21  }
0x21: {  	s23 =	simm.s32 $0xCD80;
	[smem:$0x7E3] =	sst s22  }
0x22: {  	s24 =	simm.s32 $0xD580;
	[smem:$0x7E4] =	sst s23  }
0x23: {  	s25 =	simm.s32 $0xD980;
	[smem:$0x7E5] =	sst s24  }
0x24: {  	s26 =	simm.s32 $0xE180;
	[smem:$0x7E6] =	sst s25  }
0x25: {  	s0 =	simm.s32 $0xE580;
	[smem:$0x7E7] =	sst s26  }
0x26: {  	s5 =	simm.s32 $0xED80;
	[smem:$0x7E8] =	sst s0  }
0x27: {  	s7 =	simm.s32 $0xF980;
	[smem:$0x7E9] =	sst s5  }
0x28: {  	s8 =	simm.s32 $0xFD80;
	[smem:$0x7EB] =	sst s7  }
0x29: {  	s9 =	simm.s32 $0x10580;
	[smem:$0x7EC] =	sst s8  }
0x2a: {  	[smem:$0x7ED] =	sst s9;
	s15 =	simm.s32 $0x12D80  }
0x2b: {  	s16 =	simm.s32 $0x13580;
	[smem:$0x7F3] =	sst s15  }
0x2c: {  	s17 =	simm.s32 $0x13980;
	[smem:$0x7F4] =	sst s16  }
0x2d: {  	s18 =	simm.s32 $0x14180;
	[smem:$0x7F5] =	sst s17  }
0x2e: {  	s28 =	simm.s32 $0x1D180;
	s20 =	simm.s32 $0x14580;
	[smem:$0x7F6] =	sst s18  }
0x2f: {  	s29 =	simm.s32 $0x1D580;
	s21 =	simm.s32 $0x14D80;
	[smem:$0x7F7] =	sst s20  }
0x30: {  	s30 =	simm.s32 $0x1DD80;
	s22 =	simm.s32 $0x15180;
	[smem:$0x7F8] =	sst s21  }
0x31: {  	s31 =	simm.s32 $0x1;
	s23 =	simm.s32 $0x15980;
	[smem:$0x7F9] =	sst s22  }
0x32: {  	s4 =	ssub.s32 $0x2, s4;
	s24 =	simm.s32 $0x15D80;
	[smem:$0x7FA] =	sst s23  }
0x33: {  	s3 =	sadd.s32 $0x15400, s1;
	s25 =	simm.s32 $0x16580;
	[smem:$0x7FB] =	sst s24  }
0x34: {  	s6 =	sadd.s32 s6, s1;
	s26 =	simm.s32 $0x16980;
	[smem:$0x7FC] =	sst s25  }
0x35: {  	s19 =	sshrl.u32 s4, $0x1;
	s10 =	sadd.s32 $0x8D400, s6;
	[smem:$0x7FD] =	sst s26  }
0x36: {  	s7 =	simm.s32 $0x180;
	s11 =	sadd.s32 $0x8E000, s6;
	[dreg:$0x4] =	wrdreg s10  }
0x37: {  	s8 =	simm.s32 $0x6180;
	s12 =	sadd.s32 $0x8EC00, s6;
	[dreg:$0x5] =	wrdreg s11  }
0x38: {  	s9 =	simm.s32 $0xC180;
	s13 =	sadd.s32 $0x8F800, s6;
	[dreg:$0x6] =	wrdreg s12  }
0x39: {  	s14 =	sadd.s32 $0x90400, s6;
	s6 =	simm.s32 $0x5D80;
	[dreg:$0x7] =	wrdreg s13  }
0x3a: {  	s15 =	simm.s32 $0x18980;
	s16 =	simm.s32 $0x18D80;
	[dreg:$0x8] =	wrdreg s14  }
0x3b: {  	s17 =	simm.s32 $0x19580;
	[dreg:$0x17] =	wrdreg s6;
	s10 =	simm.s32 $0x7980  }
0x3c: {  	s18 =	simm.s32 $0x19980;
	s11 =	simm.s32 $0x8180;
	[dreg:$0x1b] =	wrdreg s10  }
0x3d: {  	s20 =	simm.s32 $0x1A580;
	s12 =	simm.s32 $0x8580;
	[dreg:$0x1c] =	wrdreg s11  }
0x3e: {  	s21 =	simm.s32 $0x1AD80;
	s13 =	simm.s32 $0x8D80;
	[dreg:$0x1d] =	wrdreg s12  }
0x3f: {  	s22 =	simm.s32 $0x1B180;
	s14 =	simm.s32 $0x9180;
	[dreg:$0x1e] =	wrdreg s13  }
0x40: {  	s23 =	simm.s32 $0x1B980;
	s6 =	simm.s32 $0xF180;
	[dreg:$0x1f] =	wrdreg s14  }
0x41: {  	s24 =	simm.s32 $0x1BD80;
	[smem:$0x7EA] =	sst s6;
	s10 =	simm.s32 $0x10980  }
0x42: {  	s25 =	simm.s32 $0x1C580;
	s11 =	simm.s32 $0x11180;
	[smem:$0x7EE] =	sst s10  }
0x43: {  	s26 =	simm.s32 $0x1C980;
	s12 =	simm.s32 $0x11580;
	[smem:$0x7EF] =	sst s11  }
0x44: {  	s13 =	simm.s32 $0x11D80;
	s14 =	simm.s32 $0x12980;
	[smem:$0x7F0] =	sst s12  }
0x45: {  	s6 =	ssub.s32 s4, s19;
	s4 =	sadd.s32 $0x15500, s1;
	[smem:$0x7F1] =	sst s13  }
0x46: {  	v2 =	vlaneseq.u32;
	s19 =	simm.s32 $0x1A180;
	s1 =	simm.s32 $0x2;
	[smem:$0x7F2] =	sst s14  }
0x47: {  	vm0 =	vmmov $0xffff;
	vm1 =	vmmov $0xff;
	v1 =	vshrl.u32 v2, $0x3;
	s5 =	smax.u32 s6, $0x1;
	s6 =	simm.s32 $0x3;
	s10 =	simm.s32 $0x12180  }
0x48: {  	v0 =	vand.u32 $0x7, v2;
	v2 =	vor.u32 $0x8, v2;
	v1 =	vmul.u32 $0x8, v1;
	s12 =	simm.s32 $0x17580;
	s13 =	simm.s32 $0x17D80;
	s14 =	simm.s32 $0x18180  }
.LBB2_1:
0x49: {  	s0 =	rddreg [dreg:$0x3]  }
0x4a: {  	[tilespmem:s2], [sflag:$0x3] =	stream.linear.gather [hbm4b:s0+s2], $0x140, $0x38;
	[tilespmem:$0x1E180] =	vst v63  }
0x4b: {  	_ =	swait.ge [sflag:s6], $0x140  }
0x4c: {  	[sflag:s6] =	ssyncset.done $0x0  }
0x4d: {  	[sflag:s6] =	ssyncadd.s32 $0xFFFFFEC0  }
0x4e: {  	v3 =	vld [tilespmem:$0x0];
	_ =	sdelay $0x4  }
0x4f: {  	v4 =	vshrl.u32 v3, $0x3  }
0x50: {  	v4 =	vmul.u32 $0x18, v4  }
0x51: {  	v3 =	vand.u32 $0x7, v3  }
0x52: {  	v3 =	vor.u32 v3, v4  }
0x53: {  	v4 =	vperm.xlane v3, v0;
	_ =	sdelay $0x1  }
0x54: {  	v4 =	vadd.s32 v1, v4;
	_ =	sdelay $0x1  }
0x55: {  	v3 =	vperm.xlane v3, v2;
	_ =	sdelay $0x1  }
0x56: {  	v3 =	vadd.s32 v1, v3  }
0x57: {  	[tilespmem:s7], [sflag:$0x1] =	stream.indirect_vreg.gather [hbm4b:s3+s2], $0x80, v4, vm0, $0xb8;
	[tilespmem:$0x1E180] =	vst v63  }
0x58: {  	s0 =	rddreg [dreg:$0x9]  }
0x59: {  	[tilespmem:s0], [sflag:$0x1] =	stream.indirect_vreg.gather [hbm4b:s4+s2], $0x80, v4, vm1, $0xb8;
	[tilespmem:$0x1E180] =	vst v63  }
0x5a: {  	s11 =	rddreg [dreg:$0xa]  }
0x5b: {  	[tilespmem:s11], [sflag:$0x1] =	stream.indirect_vreg.gather [hbm4b:s3+s2], $0x80, v3, vm0, $0xb8;
	[tilespmem:$0x1E180] =	vst v63  }
0x5c: {  	s0 =	rddreg [dreg:$0xb]  }
0x5d: {  	[tilespmem:s0], [sflag:$0x1] =	stream.indirect_vreg.gather [hbm4b:s4+s2], $0x80, v3, vm1, $0xb8;
	[tilespmem:$0x1E180] =	vst v63  }
0x5e: {  	v3 =	vld [tilespmem:$0x10];
	_ =	sdelay $0x4  }
0x5f: {  	v45 =	vshrl.u32 v3, $0x3  }
0x60: {  	v4 =	vmul.u32 $0x18, v45  }
0x61: {  	v3 =	vand.u32 $0x7, v3  }
0x62: {  	v3 =	vor.u32 v3, v4  }
0x63: {  	v4 =	vperm.xlane v3, v0;
	_ =	sdelay $0x1  }
0x64: {  	v4 =	vadd.s32 v1, v4;
	_ =	sdelay $0x1  }
0x65: {  	v3 =	vperm.xlane v3, v2;
	_ =	sdelay $0x1  }
0x66: {  	s0 =	rddreg [dreg:$0xc];
	v3 =	vadd.s32 v1, v3  }
0x67: {  	[tilespmem:s0], [sflag:$0x1] =	stream.indirect_vreg.gather [hbm4b:s3+s2], $0x80, v4, vm0, $0xb8;
	[tilespmem:$0x1E180] =	vst v63  }
0x68: {  	s11 =	rddreg [dreg:$0xd]  }
0x69: {  	[tilespmem:s11], [sflag:$0x1] =	stream.indirect_vreg.gather [hbm4b:s4+s2], $0x80, v4, vm1, $0xb8;
	[tilespmem:$0x1E180] =	vst v63  }
0x6a: {  	s0 =	rddreg [dreg:$0xe]  }
0x6b: {  	[tilespmem:s0], [sflag:$0x1] =	stream.indirect_vreg.gather [hbm4b:s3+s2], $0x80, v3, vm0, $0xb8;
	[tilespmem:$0x1E180] =	vst v63  }
0x6c: {  	s11 =	rddreg [dreg:$0xf]  }
0x6d: {  	[tilespmem:s11], [sflag:$0x1] =	stream.indirect_vreg.gather [hbm4b:s4+s2], $0x80, v3, vm1, $0xb8;
	[tilespmem:$0x1E180] =	vst v63  }
0x6e: {  	v3 =	vld [tilespmem:$0x20];
	_ =	sdelay $0x4  }
0x6f: {  	v46 =	vshrl.u32 v3, $0x3  }
0x70: {  	v4 =	vmul.u32 $0x18, v46  }
0x71: {  	v3 =	vand.u32 $0x7, v3  }
0x72: {  	v3 =	vor.u32 v3, v4  }
0x73: {  	v4 =	vperm.xlane v3, v0;
	_ =	sdelay $0x1  }
0x74: {  	v4 =	vadd.s32 v1, v4;
	_ =	sdelay $0x1  }
0x75: {  	v3 =	vperm.xlane v3, v2;
	_ =	sdelay $0x1  }
0x76: {  	s0 =	rddreg [dreg:$0x10];
	v3 =	vadd.s32 v1, v3  }
0x77: {  	[tilespmem:s0], [sflag:$0x1] =	stream.indirect_vreg.gather [hbm4b:s3+s2], $0x80, v4, vm0, $0xb8;
	[tilespmem:$0x1E180] =	vst v63  }
0x78: {  	s11 =	rddreg [dreg:$0x11]  }
0x79: {  	[tilespmem:s11], [sflag:$0x1] =	stream.indirect_vreg.gather [hbm4b:s4+s2], $0x80, v4, vm1, $0xb8;
	[tilespmem:$0x1E180] =	vst v63  }
0x7a: {  	s0 =	rddreg [dreg:$0x12]  }
0x7b: {  	[tilespmem:s0], [sflag:$0x1] =	stream.indirect_vreg.gather [hbm4b:s3+s2], $0x80, v3, vm0, $0xb8;
	[tilespmem:$0x1E180] =	vst v63  }
0x7c: {  	s11 =	rddreg [dreg:$0x13]  }
0x7d: {  	[tilespmem:s11], [sflag:$0x1] =	stream.indirect_vreg.gather [hbm4b:s4+s2], $0x80, v3, vm1, $0xb8;
	[tilespmem:$0x1E180] =	vst v63  }
0x7e: {  	v3 =	vld [tilespmem:$0x30];
	_ =	sdelay $0x4  }
0x7f: {  	v47 =	vshrl.u32 v3, $0x3  }
0x80: {  	v4 =	vmul.u32 $0x18, v47  }
0x81: {  	v3 =	vand.u32 $0x7, v3  }
0x82: {  	v3 =	vor.u32 v3, v4  }
0x83: {  	v4 =	vperm.xlane v3, v0;
	_ =	sdelay $0x1  }
0x84: {  	v4 =	vadd.s32 v1, v4;
	_ =	sdelay $0x1  }
0x85: {  	v3 =	vperm.xlane v3, v2;
	_ =	sdelay $0x1  }
0x86: {  	s0 =	rddreg [dreg:$0x14];
	v3 =	vadd.s32 v1, v3  }
0x87: {  	[tilespmem:s0], [sflag:$0x1] =	stream.indirect_vreg.gather [hbm4b:s3+s2], $0x80, v4, vm0, $0xb8;
	[tilespmem:$0x1E180] =	vst v63  }
0x88: {  	s11 =	rddreg [dreg:$0x15]  }
0x89: {  	[tilespmem:s11], [sflag:$0x1] =	stream.indirect_vreg.gather [hbm4b:s4+s2], $0x80, v4, vm1, $0xb8;
	[tilespmem:$0x1E180] =	vst v63  }
0x8a: {  	s0 =	rddreg [dreg:$0x16]  }
0x8b: {  	[tilespmem:s0], [sflag:$0x1] =	stream.indirect_vreg.gather [hbm4b:s3+s2], $0x80, v3, vm0, $0xb8;
	[tilespmem:$0x1E180] =	vst v63  }
0x8c: {  	s11 =	rddreg [dreg:$0x17]  }
0x8d: {  	[tilespmem:s11], [sflag:$0x1] =	stream.indirect_vreg.gather [hbm4b:s4+s2], $0x80, v3, vm1, $0xb8;
	[tilespmem:$0x1E180] =	vst v63  }
0x8e: {  	v3 =	vld [tilespmem:$0x40];
	_ =	sdelay $0x4  }
0x8f: {  	v48 =	vshrl.u32 v3, $0x3  }
0x90: {  	v4 =	vmul.u32 $0x18, v48  }
0x91: {  	v3 =	vand.u32 $0x7, v3  }
0x92: {  	v3 =	vor.u32 v3, v4  }
0x93: {  	v4 =	vperm.xlane v3, v0;
	_ =	sdelay $0x1  }
0x94: {  	v4 =	vadd.s32 v1, v4;
	_ =	sdelay $0x1  }
0x95: {  	v3 =	vperm.xlane v3, v2;
	_ =	sdelay $0x1  }
0x96: {  	v3 =	vadd.s32 v1, v3  }
0x97: {  	[tilespmem:s8], [sflag:$0x1] =	stream.indirect_vreg.gather [hbm4b:s3+s2], $0x80, v4, vm0, $0xb8;
	[tilespmem:$0x1E180] =	vst v63  }
0x98: {  	s0 =	rddreg [dreg:$0x18]  }
0x99: {  	[tilespmem:s0], [sflag:$0x1] =	stream.indirect_vreg.gather [hbm4b:s4+s2], $0x80, v4, vm1, $0xb8;
	[tilespmem:$0x1E180] =	vst v63  }
0x9a: {  	s11 =	rddreg [dreg:$0x19]  }
0x9b: {  	[tilespmem:s11], [sflag:$0x1] =	stream.indirect_vreg.gather [hbm4b:s3+s2], $0x80, v3, vm0, $0xb8;
	[tilespmem:$0x1E180] =	vst v63  }
0x9c: {  	s0 =	rddreg [dreg:$0x1a]  }
0x9d: {  	[tilespmem:s0], [sflag:$0x1] =	stream.indirect_vreg.gather [hbm4b:s4+s2], $0x80, v3, vm1, $0xb8;
	[tilespmem:$0x1E180] =	vst v63  }
0x9e: {  	v3 =	vld [tilespmem:$0x50];
	_ =	sdelay $0x4  }
0x9f: {  	v49 =	vshrl.u32 v3, $0x3  }
0xa0: {  	v4 =	vmul.u32 $0x18, v49  }
0xa1: {  	v3 =	vand.u32 $0x7, v3  }
0xa2: {  	v3 =	vor.u32 v3, v4  }
0xa3: {  	v4 =	vperm.xlane v3, v0;
	_ =	sdelay $0x1  }
0xa4: {  	v4 =	vadd.s32 v1, v4;
	_ =	sdelay $0x1  }
0xa5: {  	v3 =	vperm.xlane v3, v2;
	_ =	sdelay $0x1  }
0xa6: {  	s0 =	rddreg [dreg:$0x1b];
	v3 =	vadd.s32 v1, v3  }
0xa7: {  	[tilespmem:s0], [sflag:$0x1] =	stream.indirect_vreg.gather [hbm4b:s3+s2], $0x80, v4, vm0, $0xb8;
	[tilespmem:$0x1E180] =	vst v63  }
0xa8: {  	s11 =	rddreg [dreg:$0x1c]  }
0xa9: {  	[tilespmem:s11], [sflag:$0x1] =	stream.indirect_vreg.gather [hbm4b:s4+s2], $0x80, v4, vm1, $0xb8;
	[tilespmem:$0x1E180] =	vst v63  }
0xaa: {  	s0 =	rddreg [dreg:$0x1d]  }
0xab: {  	[tilespmem:s0], [sflag:$0x1] =	stream.indirect_vreg.gather [hbm4b:s3+s2], $0x80, v3, vm0, $0xb8;
	[tilespmem:$0x1E180] =	vst v63  }
0xac: {  	s11 =	rddreg [dreg:$0x1e]  }
0xad: {  	[tilespmem:s11], [sflag:$0x1] =	stream.indirect_vreg.gather [hbm4b:s4+s2], $0x80, v3, vm1, $0xb8;
	[tilespmem:$0x1E180] =	vst v63  }
0xae: {  	v3 =	vld [tilespmem:$0x60];
	_ =	sdelay $0x4  }
0xaf: {  	v50 =	vshrl.u32 v3, $0x3  }
0xb0: {  	v4 =	vmul.u32 $0x18, v50  }
0xb1: {  	v3 =	vand.u32 $0x7, v3  }
0xb2: {  	v3 =	vor.u32 v3, v4  }
0xb3: {  	v4 =	vperm.xlane v3, v0;
	_ =	sdelay $0x1  }
0xb4: {  	v4 =	vadd.s32 v1, v4;
	_ =	sdelay $0x1  }
0xb5: {  	v3 =	vperm.xlane v3, v2  }
0xb6: {  	s0 =	rddreg [dreg:$0x1f]  }
0xb7: {  	s11 =	sld [smem:$0x7DC];
	v3 =	vadd.s32 v1, v3  }
0xb8: {  	[tilespmem:s0], [sflag:$0x1] =	stream.indirect_vreg.gather [hbm4b:s3+s2], $0x80, v4, vm0, $0xb8;
	[tilespmem:$0x1E180] =	vst v63  }
0xb9: {  	s0 =	sld [smem:$0x7DD]  }
0xba: {  	[tilespmem:s11], [sflag:$0x1] =	stream.indirect_vreg.gather [hbm4b:s4+s2], $0x80, v4, vm1, $0xb8;
	[tilespmem:$0x1E180] =	vst v63  }
0xbb: {  	s11 =	sld [smem:$0x7DE]  }
0xbc: {  	[tilespmem:s0], [sflag:$0x1] =	stream.indirect_vreg.gather [hbm4b:s3+s2], $0x80, v3, vm0, $0xb8;
	[tilespmem:$0x1E180] =	vst v63  }
0xbd: {  	_ = 	snop  }
0xbe: {  	[tilespmem:s11], [sflag:$0x1] =	stream.indirect_vreg.gather [hbm4b:s4+s2], $0x80, v3, vm1, $0xb8;
	[tilespmem:$0x1E180] =	vst v63  }
0xbf: {  	v3 =	vld [tilespmem:$0x70];
	_ =	sdelay $0x4  }
0xc0: {  	v51 =	vshrl.u32 v3, $0x3  }
0xc1: {  	v4 =	vmul.u32 $0x18, v51  }
0xc2: {  	v3 =	vand.u32 $0x7, v3  }
0xc3: {  	v3 =	vor.u32 v3, v4  }
0xc4: {  	v4 =	vperm.xlane v3, v0;
	_ =	sdelay $0x1  }
0xc5: {  	v4 =	vadd.s32 v1, v4;
	_ =	sdelay $0x1  }
0xc6: {  	s0 =	sld [smem:$0x7DF];
	v3 =	vperm.xlane v3, v2;
	_ =	sdelay $0x1  }
0xc7: {  	s11 =	sld [smem:$0x7E0];
	v3 =	vadd.s32 v1, v3  }
0xc8: {  	[tilespmem:s0], [sflag:$0x1] =	stream.indirect_vreg.gather [hbm4b:s3+s2], $0x80, v4, vm0, $0xb8;
	[tilespmem:$0x1E180] =	vst v63  }
0xc9: {  	s0 =	sld [smem:$0x7E1]  }
0xca: {  	[tilespmem:s11], [sflag:$0x1] =	stream.indirect_vreg.gather [hbm4b:s4+s2], $0x80, v4, vm1, $0xb8;
	[tilespmem:$0x1E180] =	vst v63  }
0xcb: {  	s11 =	sld [smem:$0x7E2]  }
0xcc: {  	[tilespmem:s0], [sflag:$0x1] =	stream.indirect_vreg.gather [hbm4b:s3+s2], $0x80, v3, vm0, $0xb8;
	[tilespmem:$0x1E180] =	vst v63  }
0xcd: {  	_ = 	snop  }
0xce: {  	[tilespmem:s11], [sflag:$0x1] =	stream.indirect_vreg.gather [hbm4b:s4+s2], $0x80, v3, vm1, $0xb8;
	[tilespmem:$0x1E180] =	vst v63  }
0xcf: {  	v3 =	vld [tilespmem:$0x80];
	_ =	sdelay $0x4  }
0xd0: {  	v52 =	vshrl.u32 v3, $0x3  }
0xd1: {  	v4 =	vmul.u32 $0x18, v52  }
0xd2: {  	v3 =	vand.u32 $0x7, v3  }
0xd3: {  	v3 =	vor.u32 v3, v4  }
0xd4: {  	v4 =	vperm.xlane v3, v0;
	_ =	sdelay $0x1  }
0xd5: {  	v4 =	vadd.s32 v1, v4;
	_ =	sdelay $0x1  }
0xd6: {  	v3 =	vperm.xlane v3, v2;
	_ =	sdelay $0x1  }
0xd7: {  	s0 =	sld [smem:$0x7E3];
	v3 =	vadd.s32 v1, v3  }
0xd8: {  	[tilespmem:s9], [sflag:$0x1] =	stream.indirect_vreg.gather [hbm4b:s3+s2], $0x80, v4, vm0, $0xb8;
	[tilespmem:$0x1E180] =	vst v63  }
0xd9: {  	s11 =	sld [smem:$0x7E4]  }
0xda: {  	[tilespmem:s0], [sflag:$0x1] =	stream.indirect_vreg.gather [hbm4b:s4+s2], $0x80, v4, vm1, $0xb8;
	[tilespmem:$0x1E180] =	vst v63  }
0xdb: {  	s0 =	sld [smem:$0x7E5]  }
0xdc: {  	[tilespmem:s11], [sflag:$0x1] =	stream.indirect_vreg.gather [hbm4b:s3+s2], $0x80, v3, vm0, $0xb8;
	[tilespmem:$0x1E180] =	vst v63  }
0xdd: {  	_ = 	snop  }
0xde: {  	[tilespmem:s0], [sflag:$0x1] =	stream.indirect_vreg.gather [hbm4b:s4+s2], $0x80, v3, vm1, $0xb8;
	[tilespmem:$0x1E180] =	vst v63  }
0xdf: {  	v3 =	vld [tilespmem:$0x90];
	_ =	sdelay $0x4  }
0xe0: {  	v53 =	vshrl.u32 v3, $0x3  }
0xe1: {  	v4 =	vmul.u32 $0x18, v53  }
0xe2: {  	v3 =	vand.u32 $0x7, v3  }
0xe3: {  	v3 =	vor.u32 v3, v4  }
0xe4: {  	v4 =	vperm.xlane v3, v0;
	_ =	sdelay $0x1  }
0xe5: {  	v4 =	vadd.s32 v1, v4;
	_ =	sdelay $0x1  }
0xe6: {  	s0 =	sld [smem:$0x7E6];
	v3 =	vperm.xlane v3, v2;
	_ =	sdelay $0x1  }
0xe7: {  	s11 =	sld [smem:$0x7E7];
	v3 =	vadd.s32 v1, v3  }
0xe8: {  	[tilespmem:s0], [sflag:$0x1] =	stream.indirect_vreg.gather [hbm4b:s3+s2], $0x80, v4, vm0, $0xb8;
	[tilespmem:$0x1E180] =	vst v63  }
0xe9: {  	s0 =	sld [smem:$0x7E8]  }
0xea: {  	[tilespmem:s11], [sflag:$0x1] =	stream.indirect_vreg.gather [hbm4b:s4+s2], $0x80, v4, vm1, $0xb8;
	[tilespmem:$0x1E180] =	vst v63  }
0xeb: {  	s11 =	sld [smem:$0x7E9]  }
0xec: {  	[tilespmem:s0], [sflag:$0x1] =	stream.indirect_vreg.gather [hbm4b:s3+s2], $0x80, v3, vm0, $0xb8;
	[tilespmem:$0x1E180] =	vst v63  }
0xed: {  	_ = 	snop  }
0xee: {  	[tilespmem:s11], [sflag:$0x1] =	stream.indirect_vreg.gather [hbm4b:s4+s2], $0x80, v3, vm1, $0xb8;
	[tilespmem:$0x1E180] =	vst v63  }
0xef: {  	v3 =	vld [tilespmem:$0xA0];
	_ =	sdelay $0x4  }
0xf0: {  	v54 =	vshrl.u32 v3, $0x3  }
0xf1: {  	v4 =	vmul.u32 $0x18, v54  }
0xf2: {  	v3 =	vand.u32 $0x7, v3  }
0xf3: {  	v3 =	vor.u32 v3, v4  }
0xf4: {  	v4 =	vperm.xlane v3, v0;
	_ =	sdelay $0x1  }
0xf5: {  	v4 =	vadd.s32 v1, v4;
	_ =	sdelay $0x1  }
0xf6: {  	s0 =	sld [smem:$0x7EA];
	v3 =	vperm.xlane v3, v2;
	_ =	sdelay $0x1  }
0xf7: {  	s11 =	sld [smem:$0x7EB];
	v3 =	vadd.s32 v1, v3  }
0xf8: {  	[tilespmem:s0], [sflag:$0x1] =	stream.indirect_vreg.gather [hbm4b:s3+s2], $0x80, v4, vm0, $0xb8;
	[tilespmem:$0x1E180] =	vst v63  }
0xf9: {  	s0 =	sld [smem:$0x7EC]  }
0xfa: {  	[tilespmem:s11], [sflag:$0x1] =	stream.indirect_vreg.gather [hbm4b:s4+s2], $0x80, v4, vm1, $0xb8;
	[tilespmem:$0x1E180] =	vst v63  }
0xfb: {  	s11 =	sld [smem:$0x7ED]  }
0xfc: {  	[tilespmem:s0], [sflag:$0x1] =	stream.indirect_vreg.gather [hbm4b:s3+s2], $0x80, v3, vm0, $0xb8;
	[tilespmem:$0x1E180] =	vst v63  }
0xfd: {  	_ = 	snop  }
0xfe: {  	[tilespmem:s11], [sflag:$0x1] =	stream.indirect_vreg.gather [hbm4b:s4+s2], $0x80, v3, vm1, $0xb8;
	[tilespmem:$0x1E180] =	vst v63  }
0xff: {  	v3 =	vld [tilespmem:$0xB0];
	_ =	sdelay $0x4  }
0x100: {  	v55 =	vshrl.u32 v3, $0x3  }
0x101: {  	v4 =	vmul.u32 $0x18, v55  }
0x102: {  	v3 =	vand.u32 $0x7, v3  }
0x103: {  	v3 =	vor.u32 v3, v4  }
0x104: {  	v4 =	vperm.xlane v3, v0;
	_ =	sdelay $0x1  }
0x105: {  	v4 =	vadd.s32 v1, v4;
	_ =	sdelay $0x1  }
0x106: {  	s0 =	sld [smem:$0x7EE];
	v3 =	vperm.xlane v3, v2;
	_ =	sdelay $0x1  }
0x107: {  	s11 =	sld [smem:$0x7EF];
	v3 =	vadd.s32 v1, v3  }
0x108: {  	[tilespmem:s0], [sflag:$0x1] =	stream.indirect_vreg.gather [hbm4b:s3+s2], $0x80, v4, vm0, $0xb8;
	[tilespmem:$0x1E180] =	vst v63  }
0x109: {  	s0 =	sld [smem:$0x7F0]  }
0x10a: {  	[tilespmem:s11], [sflag:$0x1] =	stream.indirect_vreg.gather [hbm4b:s4+s2], $0x80, v4, vm1, $0xb8;
	[tilespmem:$0x1E180] =	vst v63  }
0x10b: {  	s11 =	sld [smem:$0x7F1]  }
0x10c: {  	[tilespmem:s0], [sflag:$0x1] =	stream.indirect_vreg.gather [hbm4b:s3+s2], $0x80, v3, vm0, $0xb8;
	[tilespmem:$0x1E180] =	vst v63  }
0x10d: {  	_ = 	snop  }
0x10e: {  	[tilespmem:s11], [sflag:$0x1] =	stream.indirect_vreg.gather [hbm4b:s4+s2], $0x80, v3, vm1, $0xb8;
	[tilespmem:$0x1E180] =	vst v63  }
0x10f: {  	v3 =	vld [tilespmem:$0xC0];
	_ =	sdelay $0x4  }
0x110: {  	v56 =	vshrl.u32 v3, $0x3  }
0x111: {  	v4 =	vmul.u32 $0x18, v56  }
0x112: {  	v3 =	vand.u32 $0x7, v3  }
0x113: {  	v3 =	vor.u32 v3, v4  }
0x114: {  	v4 =	vperm.xlane v3, v0;
	_ =	sdelay $0x1  }
0x115: {  	v4 =	vadd.s32 v1, v4;
	_ =	sdelay $0x1  }
0x116: {  	v3 =	vperm.xlane v3, v2;
	_ =	sdelay $0x1  }
0x117: {  	s0 =	sld [smem:$0x7F2];
	v3 =	vadd.s32 v1, v3  }
0x118: {  	[tilespmem:s10], [sflag:$0x1] =	stream.indirect_vreg.gather [hbm4b:s3+s2], $0x80, v4, vm0, $0xb8;
	[tilespmem:$0x1E180] =	vst v63  }
0x119: {  	s11 =	sld [smem:$0x7F3]  }
0x11a: {  	[tilespmem:s0], [sflag:$0x1] =	stream.indirect_vreg.gather [hbm4b:s4+s2], $0x80, v4, vm1, $0xb8;
	[tilespmem:$0x1E180] =	vst v63  }
0x11b: {  	s0 =	sld [smem:$0x7F4]  }
0x11c: {  	[tilespmem:s11], [sflag:$0x1] =	stream.indirect_vreg.gather [hbm4b:s3+s2], $0x80, v3, vm0, $0xb8;
	[tilespmem:$0x1E180] =	vst v63  }
0x11d: {  	_ = 	snop  }
0x11e: {  	[tilespmem:s0], [sflag:$0x1] =	stream.indirect_vreg.gather [hbm4b:s4+s2], $0x80, v3, vm1, $0xb8;
	[tilespmem:$0x1E180] =	vst v63  }
0x11f: {  	v3 =	vld [tilespmem:$0xD0];
	_ =	sdelay $0x4  }
0x120: {  	v57 =	vshrl.u32 v3, $0x3  }
0x121: {  	v4 =	vmul.u32 $0x18, v57  }
0x122: {  	v3 =	vand.u32 $0x7, v3  }
0x123: {  	v3 =	vor.u32 v3, v4  }
0x124: {  	v4 =	vperm.xlane v3, v0;
	_ =	sdelay $0x1  }
0x125: {  	v4 =	vadd.s32 v1, v4;
	_ =	sdelay $0x1  }
0x126: {  	s0 =	sld [smem:$0x7F5];
	v3 =	vperm.xlane v3, v2;
	_ =	sdelay $0x1  }
0x127: {  	s11 =	sld [smem:$0x7F6];
	v3 =	vadd.s32 v1, v3  }
0x128: {  	[tilespmem:s0], [sflag:$0x1] =	stream.indirect_vreg.gather [hbm4b:s3+s2], $0x80, v4, vm0, $0xb8;
	[tilespmem:$0x1E180] =	vst v63  }
0x129: {  	s0 =	sld [smem:$0x7F7]  }
0x12a: {  	[tilespmem:s11], [sflag:$0x1] =	stream.indirect_vreg.gather [hbm4b:s4+s2], $0x80, v4, vm1, $0xb8;
	[tilespmem:$0x1E180] =	vst v63  }
0x12b: {  	s11 =	sld [smem:$0x7F8]  }
0x12c: {  	[tilespmem:s0], [sflag:$0x1] =	stream.indirect_vreg.gather [hbm4b:s3+s2], $0x80, v3, vm0, $0xb8;
	[tilespmem:$0x1E180] =	vst v63  }
0x12d: {  	_ = 	snop  }
0x12e: {  	[tilespmem:s11], [sflag:$0x1] =	stream.indirect_vreg.gather [hbm4b:s4+s2], $0x80, v3, vm1, $0xb8;
	[tilespmem:$0x1E180] =	vst v63  }
0x12f: {  	v3 =	vld [tilespmem:$0xE0];
	_ =	sdelay $0x4  }
0x130: {  	v58 =	vshrl.u32 v3, $0x3  }
0x131: {  	v4 =	vmul.u32 $0x18, v58  }
0x132: {  	v3 =	vand.u32 $0x7, v3  }
0x133: {  	v3 =	vor.u32 v3, v4  }
0x134: {  	v4 =	vperm.xlane v3, v0;
	_ =	sdelay $0x1  }
0x135: {  	v4 =	vadd.s32 v1, v4;
	_ =	sdelay $0x1  }
0x136: {  	s0 =	sld [smem:$0x7F9];
	v3 =	vperm.xlane v3, v2;
	_ =	sdelay $0x1  }
0x137: {  	s11 =	sld [smem:$0x7FA];
	v3 =	vadd.s32 v1, v3  }
0x138: {  	[tilespmem:s0], [sflag:$0x1] =	stream.indirect_vreg.gather [hbm4b:s3+s2], $0x80, v4, vm0, $0xb8;
	[tilespmem:$0x1E180] =	vst v63  }
0x139: {  	s0 =	sld [smem:$0x7FB]  }
0x13a: {  	[tilespmem:s11], [sflag:$0x1] =	stream.indirect_vreg.gather [hbm4b:s4+s2], $0x80, v4, vm1, $0xb8;
	[tilespmem:$0x1E180] =	vst v63  }
0x13b: {  	s11 =	sld [smem:$0x7FC]  }
0x13c: {  	[tilespmem:s0], [sflag:$0x1] =	stream.indirect_vreg.gather [hbm4b:s3+s2], $0x80, v3, vm0, $0xb8;
	[tilespmem:$0x1E180] =	vst v63  }
0x13d: {  	_ = 	snop  }
0x13e: {  	[tilespmem:s11], [sflag:$0x1] =	stream.indirect_vreg.gather [hbm4b:s4+s2], $0x80, v3, vm1, $0xb8;
	[tilespmem:$0x1E180] =	vst v63  }
0x13f: {  	v3 =	vld [tilespmem:$0xF0];
	_ =	sdelay $0x4  }
0x140: {  	v59 =	vshrl.u32 v3, $0x3  }
0x141: {  	v4 =	vmul.u32 $0x18, v59  }
0x142: {  	v3 =	vand.u32 $0x7, v3  }
0x143: {  	v3 =	vor.u32 v3, v4  }
0x144: {  	v4 =	vperm.xlane v3, v0;
	_ =	sdelay $0x1  }
0x145: {  	v4 =	vadd.s32 v1, v4;
	_ =	sdelay $0x1  }
0x146: {  	s11 =	sld [smem:$0x7FD];
	v3 =	vperm.xlane v3, v2;
	_ =	sdelay $0x1  }
0x147: {  	v3 =	vadd.s32 v1, v3  }
0x148: {  	[tilespmem:s11], [sflag:$0x1] =	stream.indirect_vreg.gather [hbm4b:s3+s2], $0x80, v4, vm0, $0xb8;
	[tilespmem:$0x1E180] =	vst v63  }
0x149: {  	s11 =	simm.s32 $0x17180  }
0x14a: {  	[tilespmem:s11], [sflag:$0x1] =	stream.indirect_vreg.gather [hbm4b:s4+s2], $0x80, v4, vm1, $0xb8;
	[tilespmem:$0x1E180] =	vst v63  }
0x14b: {  	_ = 	snop  }
0x14c: {  	[tilespmem:s12], [sflag:$0x1] =	stream.indirect_vreg.gather [hbm4b:s3+s2], $0x80, v3, vm0, $0xb8;
	[tilespmem:$0x1E180] =	vst v63  }
0x14d: {  	_ = 	snop  }
0x14e: {  	[tilespmem:s13], [sflag:$0x1] =	stream.indirect_vreg.gather [hbm4b:s4+s2], $0x80, v3, vm1, $0xb8;
	[tilespmem:$0x1E180] =	vst v63  }
0x14f: {  	v3 =	vld [tilespmem:$0x100];
	_ =	sdelay $0x4  }
0x150: {  	v60 =	vshrl.u32 v3, $0x3  }
0x151: {  	v4 =	vmul.u32 $0x18, v60  }
0x152: {  	v3 =	vand.u32 $0x7, v3  }
0x153: {  	v3 =	vor.u32 v3, v4  }
0x154: {  	v4 =	vperm.xlane v3, v0;
	_ =	sdelay $0x1  }
0x155: {  	v4 =	vadd.s32 v1, v4;
	_ =	sdelay $0x1  }
0x156: {  	v3 =	vperm.xlane v3, v2;
	_ =	sdelay $0x1  }
0x157: {  	v3 =	vadd.s32 v1, v3  }
0x158: {  	[tilespmem:s14], [sflag:$0x1] =	stream.indirect_vreg.gather [hbm4b:s3+s2], $0x80, v4, vm0, $0xb8;
	[tilespmem:$0x1E180] =	vst v63  }
0x159: {  	_ = 	snop  }
0x15a: {  	[tilespmem:s15], [sflag:$0x1] =	stream.indirect_vreg.gather [hbm4b:s4+s2], $0x80, v4, vm1, $0xb8;
	[tilespmem:$0x1E180] =	vst v63  }
0x15b: {  	_ = 	snop  }
0x15c: {  	[tilespmem:s16], [sflag:$0x1] =	stream.indirect_vreg.gather [hbm4b:s3+s2], $0x80, v3, vm0, $0xb8;
	[tilespmem:$0x1E180] =	vst v63  }
0x15d: {  	_ = 	snop  }
0x15e: {  	[tilespmem:s17], [sflag:$0x1] =	stream.indirect_vreg.gather [hbm4b:s4+s2], $0x80, v3, vm1, $0xb8;
	[tilespmem:$0x1E180] =	vst v63  }
0x15f: {  	v3 =	vld [tilespmem:$0x110];
	_ =	sdelay $0x4  }
0x160: {  	v61 =	vshrl.u32 v3, $0x3  }
0x161: {  	v4 =	vmul.u32 $0x18, v61  }
0x162: {  	v3 =	vand.u32 $0x7, v3  }
0x163: {  	v3 =	vor.u32 v3, v4  }
0x164: {  	v4 =	vperm.xlane v3, v0;
	_ =	sdelay $0x1  }
0x165: {  	v4 =	vadd.s32 v1, v4;
	_ =	sdelay $0x1  }
0x166: {  	v3 =	vperm.xlane v3, v2;
	_ =	sdelay $0x1  }
0x167: {  	v3 =	vadd.s32 v1, v3  }
0x168: {  	[tilespmem:s18], [sflag:$0x1] =	stream.indirect_vreg.gather [hbm4b:s3+s2], $0x80, v4, vm0, $0xb8;
	[tilespmem:$0x1E180] =	vst v63  }
0x169: {  	_ = 	snop  }
0x16a: {  	[tilespmem:s19], [sflag:$0x1] =	stream.indirect_vreg.gather [hbm4b:s4+s2], $0x80, v4, vm1, $0xb8;
	[tilespmem:$0x1E180] =	vst v63  }
0x16b: {  	_ = 	snop  }
0x16c: {  	[tilespmem:s20], [sflag:$0x1] =	stream.indirect_vreg.gather [hbm4b:s3+s2], $0x80, v3, vm0, $0xb8;
	[tilespmem:$0x1E180] =	vst v63  }
0x16d: {  	_ = 	snop  }
0x16e: {  	[tilespmem:s21], [sflag:$0x1] =	stream.indirect_vreg.gather [hbm4b:s4+s2], $0x80, v3, vm1, $0xb8;
	[tilespmem:$0x1E180] =	vst v63  }
0x16f: {  	v3 =	vld [tilespmem:$0x120];
	_ =	sdelay $0x4  }
0x170: {  	v62 =	vshrl.u32 v3, $0x3  }
0x171: {  	v4 =	vmul.u32 $0x18, v62  }
0x172: {  	v3 =	vand.u32 $0x7, v3  }
0x173: {  	v3 =	vor.u32 v3, v4  }
0x174: {  	v4 =	vperm.xlane v3, v0;
	_ =	sdelay $0x1  }
0x175: {  	v4 =	vadd.s32 v1, v4;
	_ =	sdelay $0x1  }
0x176: {  	v3 =	vperm.xlane v3, v2;
	_ =	sdelay $0x1  }
0x177: {  	v3 =	vadd.s32 v1, v3  }
0x178: {  	[tilespmem:s22], [sflag:$0x1] =	stream.indirect_vreg.gather [hbm4b:s3+s2], $0x80, v4, vm0, $0xb8;
	[tilespmem:$0x1E180] =	vst v63  }
0x179: {  	_ = 	snop  }
0x17a: {  	[tilespmem:s23], [sflag:$0x1] =	stream.indirect_vreg.gather [hbm4b:s4+s2], $0x80, v4, vm1, $0xb8;
	[tilespmem:$0x1E180] =	vst v63  }
0x17b: {  	_ = 	snop  }
0x17c: {  	[tilespmem:s24], [sflag:$0x1] =	stream.indirect_vreg.gather [hbm4b:s3+s2], $0x80, v3, vm0, $0xb8;
	[tilespmem:$0x1E180] =	vst v63  }
0x17d: {  	_ = 	snop  }
0x17e: {  	[tilespmem:s25], [sflag:$0x1] =	stream.indirect_vreg.gather [hbm4b:s4+s2], $0x80, v3, vm1, $0xb8;
	[tilespmem:$0x1E180] =	vst v63  }
0x17f: {  	v3 =	vld [tilespmem:$0x130];
	_ =	sdelay $0x4  }
0x180: {  	v63 =	vshrl.u32 v3, $0x3  }
0x181: {  	v4 =	vmul.u32 $0x18, v63  }
0x182: {  	v3 =	vand.u32 $0x7, v3  }
0x183: {  	v3 =	vor.u32 v3, v4  }
0x184: {  	v4 =	vperm.xlane v3, v0;
	_ =	sdelay $0x1  }
0x185: {  	v4 =	vadd.s32 v1, v4;
	_ =	sdelay $0x1  }
0x186: {  	v3 =	vperm.xlane v3, v2;
	_ =	sdelay $0x1  }
0x187: {  	v3 =	vadd.s32 v1, v3  }
0x188: {  	[tilespmem:s26], [sflag:$0x1] =	stream.indirect_vreg.gather [hbm4b:s3+s2], $0x80, v4, vm0, $0xb8;
	[tilespmem:$0x1E180] =	vst v63  }
0x189: {  	_ = 	snop  }
0x18a: {  	[tilespmem:s28], [sflag:$0x1] =	stream.indirect_vreg.gather [hbm4b:s4+s2], $0x80, v4, vm1, $0xb8;
	[tilespmem:$0x1E180] =	vst v63  }
0x18b: {  	_ = 	snop  }
0x18c: {  	[tilespmem:s29], [sflag:$0x1] =	stream.indirect_vreg.gather [hbm4b:s3+s2], $0x80, v3, vm0, $0xb8;
	[tilespmem:$0x1E180] =	vst v63  }
0x18d: {  	_ = 	snop  }
0x18e: {  	[tilespmem:s30], [sflag:$0x1] =	stream.indirect_vreg.gather [hbm4b:s4+s2], $0x80, v3, vm1, $0xb8;
	[tilespmem:$0x1E180] =	vst v63  }
0x18f: {  	_ =	swait.ge [sflag:s31], $0x6000  }
0x190: {  	[sflag:s31] =	ssyncset.done $0x0  }
0x191: {  	s11 =	rddreg [dreg:$0x4];
	[sflag:s31] =	ssyncadd.s32 $0xFFFFA000  }
0x192: {  	[hbm4b:s11+s2] =	stream.linear.scatter [tilespmem:s7], [sflag:$0x2], $0x6000, $0x38;
	[tilespmem:$0x1E180] =	vst v63  }
0x193: {  	_ =	swait.ge [sflag:s31], $0x6000  }
0x194: {  	[sflag:s31] =	ssyncset.done $0x0  }
0x195: {  	s11 =	rddreg [dreg:$0x5];
	[sflag:s31] =	ssyncadd.s32 $0xFFFFA000  }
0x196: {  	[hbm4b:s11+s2] =	stream.linear.scatter [tilespmem:s8], [sflag:$0x2], $0x6000, $0x38;
	[tilespmem:$0x1E180] =	vst v63  }
0x197: {  	_ =	swait.ge [sflag:s31], $0x6000  }
0x198: {  	[sflag:s31] =	ssyncset.done $0x0  }
0x199: {  	s11 =	rddreg [dreg:$0x6];
	[sflag:s31] =	ssyncadd.s32 $0xFFFFA000  }
0x19a: {  	[hbm4b:s11+s2] =	stream.linear.scatter [tilespmem:s9], [sflag:$0x2], $0x6000, $0x38;
	[tilespmem:$0x1E180] =	vst v63  }
0x19b: {  	_ =	swait.ge [sflag:s31], $0x6000  }
0x19c: {  	[sflag:s31] =	ssyncset.done $0x0  }
0x19d: {  	s11 =	rddreg [dreg:$0x7];
	[sflag:s31] =	ssyncadd.s32 $0xFFFFA000  }
0x19e: {  	[hbm4b:s11+s2] =	stream.linear.scatter [tilespmem:s10], [sflag:$0x2], $0x6000, $0x38;
	[tilespmem:$0x1E180] =	vst v63  }
0x19f: {  	_ =	swait.ge [sflag:s31], $0x6000  }
0x1a0: {  	[sflag:s31] =	ssyncset.done $0x0  }
0x1a1: {  	s11 =	rddreg [dreg:$0x8];
	[sflag:s31] =	ssyncadd.s32 $0xFFFFA000  }
0x1a2: {  	[hbm4b:s11+s2] =	stream.linear.scatter [tilespmem:s14], [sflag:$0x2], $0x6000, $0x38;
	[tilespmem:$0x1E180] =	vst v63  }
0x1a3: {  	_ =	swait.ge [sflag:s1], $0x6000  }
0x1a4: {  	[sflag:s1] =	ssyncset.done $0x0  }
0x1a5: {  	[sflag:s1] =	ssyncadd.s32 $0xFFFFA000  }
0x1a6: {  	_ =	swait.ge [sflag:s1], $0x6000  }
0x1a7: {  	[sflag:s1] =	ssyncset.done $0x0  }
0x1a8: {  	[sflag:s1] =	ssyncadd.s32 $0xFFFFA000  }
0x1a9: {  	_ =	swait.ge [sflag:s1], $0x6000  }
0x1aa: {  	[sflag:s1] =	ssyncset.done $0x0  }
0x1ab: {  	[sflag:s1] =	ssyncadd.s32 $0xFFFFA000  }
0x1ac: {  	p0 =	sne.s32 s5, $0x1;
	_ =	swait.ge [sflag:s1], $0x6000  }
.Ltmp0:
0x1ad: {  	[sflag:s1] =	ssyncset.done $0x0;
	(pc) =	sbr.rel @p0 .LBB2_1-.Ltmp0, $4  }
0x1ae: {  	[sflag:s1] =	ssyncadd.s32 $0xFFFFA000  }
0x1af: {  	_ =	swait.ge [sflag:s1], $0x6000  }
0x1b0: {  	[sflag:s1] =	ssyncset.done $0x0  }
0x1b1: {  	s5 =	sadd.s32 $0xFFFFFFFF, s5;
	[sflag:s1] =	ssyncadd.s32 $0xFFFFA000  }
0x1b2: {  	_ =	sfence.sel $0x180000  }
0x1b3: {  	[bflag:$0x0] =	sbarrier.arrive $0xFFFF  }
0x1b4: {  	_ =	strace $0x9000004A  }
0x1b5: {  	s0 =	stileid.u32;
	[bflag:$0x2] =	sbarrier.arrive $0xFFFF  }
0x1b6: {  	p0 =	sne.s32 s0, $0x0;
	s0 =	rddreg [dreg:$0x2]  }
0x1b7: {  	s0 =	sadd.s32 @!p0 $0x100000, s0  }
0x1b8: {  	[sflag:s0] =	ssyncadd.tile.s32 @!p0 $0x1;
	_ =	shalt  }
.Lfunc_end2:
_tile_overlayer_lowered:
.L_overlay_start_2:
0x1b9: {  	(tag) =	ssettag $0x2  }
0x1ba: {  	s0 =	rddreg [dreg:$0x0];
	s2 =	stileid.u32  }
0x1bb: {  	s1 =	rddreg [dreg:$0x1];
	p0 =	sne.s32 s2, $0x0  }
0x1bc: {  	s3 =	rddreg [dreg:$0x2];
	[bflag:$0x3] =	sbarrier.arrive $0xFFFF;
	s2 =	simm.s32 @!p0 $0x1C03  }
0x1bd: {  	[timem:s3], [sflag:s2] =	dma.local @!p0 [hbm:s0], s1  }
0x1be: {  	s0 =	simm.s32 @!p0 $0x3  }
0x1bf: {  	_ =	swait.ge @!p0 [sflag:s0], s1  }
0x1c0: {  	s1 =	ssub.s32 @!p0 $0x0, s1;
	[sflag:s0] =	ssyncset.done @!p0 $0x0  }
0x1c1: {  	[sflag:s0] =	ssyncadd.s32 @!p0 s1  }
0x1c2: {  	[bflag:$0x3] =	sbarrier.arrive $0xFFFF  }
0x1c3: {  	_ =	shalt  }

// kernel: kernel.17.cloned.1.call-start
scs
__scs_entry_jumppad:
0x0: {  	(pc) =	sbr.rel $0x88, $3  }
0x1: {  	(tag) =	ssettag $0x0;
	lr =	simm.s32 $0x1  }
0x2: {  	[smem:$0x3F84] =	sst lr;
	_ =	strace $0xD0000000  }
0x3: {  	_ = 	snop  }
0x4: {  	_ = 	snop  }
0x5: {  	_ = 	snop  }
0x6: {  	_ = 	snop  }
0x7: {  	_ = 	snop  }
__scs_overlays_trampoline_lowered:
0x8: {  	[smem:$0x3F93] =	sst s0  }
0x9: {  	[smem:$0x3F94] =	sst s1  }
0xa: {  	[smem:$0x3F95] =	sst s2  }
0xb: {  	[smem:$0x3F96] =	sst s3  }
0xc: {  	[smem:$0x3F97] =	sst s4  }
0xd: {  	[smem:$0x3F98] =	sst s5  }
0xe: {  	[smem:$0x3F99] =	sst s6  }
0xf: {  	[smem:$0x3F9A] =	sst s7  }
0x10: {  	[smem:$0x3F9B] =	sst s8  }
0x11: {  	[smem:$0x3F9C] =	sst s9;
	s0 =	simm.s32 @!p0 $0x0  }
0x12: {  	s1 =	sld [smem:$0x3F82];
	s0 =	simm.s32 @p0 $0x1  }
0x13: {  	[smem:$0x3F9D] =	sst s0;
	s0 =	simm.s32 @!p1 $0x0  }
0x14: {  	s2 =	sld [smem:$0x3F81];
	s0 =	simm.s32 @p1 $0x1  }
0x15: {  	[smem:$0x3F9E] =	sst s0;
	s0 =	simm.s32 @!p2 $0x0  }
0x16: {  	s3 =	sld [smem:$0x3FDB];
	s0 =	simm.s32 @p2 $0x1  }
0x17: {  	s4 =	simm.s32 $0x1BF5;
	[smem:$0x3FA0] =	sst s0  }
0x18: {  	s0 =	sld [smem:$0x3F83];
	_ =	swait.ge [sflag:s4], $0x0  }
0x19: {  	s7 =	sld [smem:$0x3F84]  }
0x1a: {  	s8 =	sadd.s32 $0xFFFFE003, lr  }
0x1b: {  	s9 =	sadd.s32 $0xFFFFFEF7, lr;
	s5 =	simm.s32 $0xFFFFFFFF;
	p2 =	slt.u32 s8, $0xFFFFF086  }
0x1c: {  	p1 =	slt.u32 s9, $0xF7A;
	s5 =	simm.s32 @!p2 $0x0  }
0x1d: {  	s5 =	simm.s32 @p1 $0x1;
	p0 =	seq.s32 s7, s2  }
0x1e: {  	s7 =	smul.u32 @!p0 $0xF7A, s2;
	p2 =	seq.s32 @!p0 s5, $0x0  }
0x1f: {  	s9 =	smul.u32 $0xF7A, s1;
	s8 =	simm.s32 @!p0 $0x1BF5;
	p2 =	por !p2, p0  }
0x20: {  	[sflag:s8] =	ssyncset.s32 @!p0 $0xFFFFF086;
	s6 =	sadd.s32 @!p0 s3, s7;
	s7 =	simm.s32 @!p0 $0x108  }
0x21: {  	s3 =	sadd.s32 s3, s9;
	s6 =	sadd.s32 @!p0 $0x88, s6;
	s7 =	simm.s32 @p2 $0x1082  }
0x22: {  	[simem:s7], [sflag:s8] =	dma.local @!p0 [hbm:s6], $0xF7A  }
0x23: {  	s9 =	sor.u32 $0xD0000000, s2;
	s6 =	simm.s32 $0x108;
	_ =	swait.ge @!p0 [sflag:s8], $0x0  }
0x24: {  	s3 =	sadd.s32 $0x88, s3;
	s6 =	simm.s32 @!p1 $0x1082;
	[sflag:s4] =	ssyncset.s32 $0xFFFFF086  }
0x25: {  	[simem:s6], [sflag:s4] =	dma.local [hbm:s3], $0xF7A  }
0x26: {  	[smem:$0x3F84] =	sst s1;
	(tag) =	ssettag s2;
	_ =	strace s9  }
0x27: {  	s1 =	sld [smem:$0x3F94]  }
0x28: {  	s2 =	sld [smem:$0x3F95]  }
0x29: {  	s4 =	sld [smem:$0x3F97]  }
0x2a: {  	p0 =	seq.s32 s5, $0x0;
	s5 =	sld [smem:$0x3F98]  }
0x2b: {  	s6 =	sld [smem:$0x3F99]  }
0x2c: {  	s7 =	sld [smem:$0x3F9A]  }
0x2d: {  	s3 =	simm.s32 $0x108;
	s8 =	sld [smem:$0x3F9B]  }
0x2e: {  	s3 =	simm.s32 @!p0 $0x1082;
	s9 =	sld [smem:$0x3F9C]  }
0x2f: {  	lr =	sadd.s32 s0, s3;
	s0 =	sld [smem:$0x3F93]  }
0x30: {  	s3 =	sld [smem:$0x3F96]  }
0x31: {  	[smem:$0x3F9F] =	sst s10  }
0x32: {  	s10 =	sld [smem:$0x3F9D];
	_ =	sdelay $0x3  }
0x33: {  	p0 =	seq.s32 s10, $0x1;
	s10 =	sld [smem:$0x3F9F];
	_ =	sdelay $0x3  }
0x34: {  	[smem:$0x3F9F] =	sst s10  }
0x35: {  	s10 =	sld [smem:$0x3F9E];
	_ =	sdelay $0x3  }
0x36: {  	p1 =	seq.s32 s10, $0x1;
	s10 =	sld [smem:$0x3F9F];
	_ =	sdelay $0x3  }
0x37: {  	[smem:$0x3F9F] =	sst s10  }
0x38: {  	s10 =	sld [smem:$0x3FA0]  }
0x39: {  	_ = 	snop;
	(pc) =	sbr.ind lr, $3  }
0x3a: {  	_ = 	snop  }
0x3b: {  	_ = 	snop  }
0x3c: {  	p2 =	seq.s32 s10, $0x1;
	s10 =	sld [smem:$0x3F9F]  }
0x3d: {  	_ =	shalt  }
0x3e: {  	_ =	shalt  }
0x3f: {  	_ =	shalt  }
0x40: {  	_ =	shalt  }
0x41: {  	_ =	shalt  }
0x42: {  	_ =	shalt  }
0x43: {  	_ =	shalt  }
0x44: {  	_ =	shalt  }
0x45: {  	_ =	shalt  }
0x46: {  	_ =	shalt  }
0x47: {  	_ =	shalt  }
0x48: {  	_ =	shalt  }
0x49: {  	_ =	shalt  }
0x4a: {  	_ =	shalt  }
0x4b: {  	_ =	shalt  }
0x4c: {  	_ =	shalt  }
0x4d: {  	_ =	shalt  }
0x4e: {  	_ =	shalt  }
0x4f: {  	_ =	shalt  }
0x50: {  	_ =	shalt  }
0x51: {  	_ =	shalt  }
0x52: {  	_ =	shalt  }
0x53: {  	_ =	shalt  }
0x54: {  	_ =	shalt  }
0x55: {  	_ =	shalt  }
0x56: {  	_ =	shalt  }
0x57: {  	_ =	shalt  }
0x58: {  	_ =	shalt  }
0x59: {  	_ =	shalt  }
0x5a: {  	_ =	shalt  }
0x5b: {  	_ =	shalt  }
0x5c: {  	_ =	shalt  }
0x5d: {  	_ =	shalt  }
0x5e: {  	_ =	shalt  }
0x5f: {  	_ =	shalt  }
0x60: {  	_ =	shalt  }
0x61: {  	_ =	shalt  }
0x62: {  	_ =	shalt  }
0x63: {  	_ =	shalt  }
0x64: {  	_ =	shalt  }
0x65: {  	_ =	shalt  }
0x66: {  	_ =	shalt  }
0x67: {  	_ =	shalt  }
0x68: {  	_ =	shalt  }
0x69: {  	_ =	shalt  }
0x6a: {  	_ =	shalt  }
0x6b: {  	_ =	shalt  }
0x6c: {  	_ =	shalt  }
0x6d: {  	_ =	shalt  }
0x6e: {  	_ =	shalt  }
0x6f: {  	_ =	shalt  }
0x70: {  	_ =	shalt  }
0x71: {  	_ =	shalt  }
0x72: {  	_ =	shalt  }
0x73: {  	_ =	shalt  }
0x74: {  	_ =	shalt  }
0x75: {  	_ =	shalt  }
0x76: {  	_ =	shalt  }
0x77: {  	_ =	shalt  }
0x78: {  	_ =	shalt  }
0x79: {  	_ =	shalt  }
0x7a: {  	_ =	shalt  }
0x7b: {  	_ =	shalt  }
0x7c: {  	_ =	shalt  }
0x7d: {  	_ =	shalt  }
0x7e: {  	_ =	shalt  }
0x7f: {  	_ =	shalt  }
0x80: {  	_ =	shalt  }
0x81: {  	_ =	shalt  }
0x82: {  	_ =	shalt  }
0x83: {  	_ =	shalt  }
0x84: {  	_ =	shalt  }
0x85: {  	_ =	shalt  }
0x86: {  	_ =	shalt  }
0x87: {  	_ =	shalt  }
.Lfunc_end0:
.L_simem_size_0:
called_computation.2_lowered:
.L_overlay_start_0:
0x88: {  	s2 =	sld [smem:$0x3FD9]  }
0x89: {  	s3 =	sld [smem:$0x3FFE];
	_ =	sdelay $0x1  }
0x8a: {  	s1 =	srdreg.scid  }
0x8b: {  	s0 =	sand.u32 $0x1, s1  }
0x8c: {  	s14 =	sshll.u32 s0, $0xA;
	s2 =	sadd.s32 s3, s2  }
0x8d: {  	s2 =	sadd.s32 s2, s14  }
0x8e: {  	[smem:$0x3FAB] =	sst s2  }
0x8f: {  	_ = 	snop  }
0x90: {  	s2 =	sld [smem:$0x3FD0];
	_ =	sdelay $0x2  }
0x91: {  	s15 =	simm.s32 $0xA;
	s4 =	simm.s32 $0x10  }
0x92: {  	[smem:s4], [sflag:s15] =	dma.local [hbm:s2], $0x1  }
0x93: {  	_ =	swait.eq [sflag:s15], $0x1  }
0x94: {  	[sflag:s15] =	ssyncset.done $0x0  }
0x95: {  	[sflag:s15] =	ssyncadd.s32 $0xFFFFFFFF  }
0x96: {  	s16 =	sld [smem:$0x11];
	(tm) =	ssettm $0x1  }
0x97: {  	s17 =	sld [smem:$0x3FFB];
	_ =	sdelay $0x3  }
0x98: {  	_ =	strace s17  }
0x99: {  	s3 =	sld [smem:$0x3FFC];
	_ =	sdelay $0x3  }
0x9a: {  	_ =	strace s3  }
0x9b: {  	s3 =	sld [smem:$0x3FFD];
	_ =	sdelay $0x3  }
0x9c: {  	_ =	strace s3  }
0x9d: {  	_ =	strace $0x8FFFFFFF  }
0x9e: {  	s18 =	sld [smem:$0x3FDB];
	_ =	sdelay $0x1  }
0x9f: {  	s19 =	simm.s32 $_scs_section_size  }
0xa0: {  	s5 =	simm.s32 $_size__tile_overlayer_lowered;
	s6 =	simm.s32 $_tile_overlayer_lowered  }
0xa1: {  	s22 =	simm.s32 $0x1BFF;
	s21 =	sshll.u32 s6, $0x1;
	s3 =	sadd.s32 s19, s18  }
0xa2: {  	s7 =	simm.s32 $0x0;
	s20 =	sshll.u32 s5, $0x1;
	s5 =	sadd.s32 s21, s3  }
0xa3: {  	[timem:s7], [sflag:s22] =	dma.local [hbm:s5], s20  }
0xa4: {  	_ =	swait.ge [sflag:s22], s20  }
0xa5: {  	s4 =	ssub.s32 $0x0, s20;
	[sflag:s22] =	ssyncset.done $0x0  }
0xa6: {  	[sflag:s22] =	ssyncadd.s32 s4;
	_ =	sdelay $0x1  }
0xa7: {  	s23 =	simm.s32 $0x1B8B  }
0xa8: {  	_ =	swait.ge [sflag:s23], $0x1  }
0xa9: {  	[sflag:s23] =	ssyncset.done $0x0  }
0xaa: {  	s25 =	simm.s32 $0x1B8E;
	s24 =	sld [smem:$0x3FFE];
	[sflag:s23] =	ssyncadd.s32 $0xFFFFFFFF  }
0xab: {  	s26 =	simm.s32 $execute0_lowered;
	[smem:$0x3FD2] =	sst s25  }
0xac: {  	s5 =	sshll.u32 s26, $0x1;
	_ =	strace $0x8000004C;
	[dreg:$0x1] =	wrdreg $0xFFFFFFFF  }
0xad: {  	s28 =	simm.s32 $_size_execute0_lowered;
	s3 =	sadd.s32 s3, s5;
	[dreg:$0x0] =	wrdreg $0x0  }
0xae: {  	s5 =	sshll.u32 s28, $0x1;
	[dreg:$0x2] =	wrdreg s3  }
0xaf: {  	[dreg:$0x3] =	wrdreg s5  }
0xb0: {  	[dreg:$0x4] =	wrdreg $0xC0  }
0xb1: {  	_ =	task [dreg:s7], $0x5FFFF  }
0xb2: {  	[dreg:$0x1] =	wrdreg $0xFFFFFFFF  }
0xb3: {  	[dreg:$0x0] =	wrdreg $0x60  }
0xb4: {  	[dreg:$0x2] =	wrdreg s24  }
0xb5: {  	[dreg:$0x3] =	wrdreg s16  }
0xb6: {  	[dreg:$0x4] =	wrdreg $0x9  }
0xb7: {  	_ =	task.clear_ibuf [dreg:s7], $0x5FFFF;
	_ =	strace $0x9000004C  }
0xb8: {  	s29 =	simm.s32 $0x9;
	_ =	strace $0x8000004E  }
0xb9: {  	_ =	swait.ge [sflag:s29], $0x1  }
0xba: {  	[sflag:s29] =	ssyncadd.s32 $0xFFFFFFFF  }
0xbb: {  	_ =	strace $0x9000004E  }
0xbc: {  	_ =	sfence  }
0xbd: {  	s30 =	sld [smem:$0x0];
	_ =	sdelay $0x2  }
0xbe: {  	s31 =	sshll.u32 s1, $0xD;
	s1 =	sshrl.u32 s1, $0x2  }
0xbf: {  	s3 =	sand.u32 $0x4000, s31;
	s1 =	sadd.s32 s1, s30  }
0xc0: {  	s0 =	sor.u32 s3, s0;
	s1 =	sshll.u32 s1, $0x11  }
0xc1: {  	s0 =	sor.u32 s1, s0  }
0xc2: {  	s0 =	sadd.s32 $0x8F2B, s0  }
0xc3: {  	[sflag:s0] =	ssyncadd.remote.s32 $0x1  }
0xc4: {  	_ =	sfence.sel $0xFFFF  }
0xc5: {  	[dreg:$0x0] =	wrdreg $0xFFFFFFFF;
	(pc) =	sbr.abs _section_cstart, $3  }
0xc6: {  	[dreg:$0x1] =	wrdreg $0xFFFFFFFF  }
0xc7: {  	_ =	task.clear_ibuf [dreg:s7], $0x2FFFF;
	_ =	strace $0x9FFFFFFF  }
0xc8: {  	(tm) =	ssettm $0x7FFFFFFF  }
0xc9: {  	_ =	shalt  }
tec
execute0_lowered:
.L_overlay_start_1:
0x0: {  	(tag) =	ssettag $0x1  }
0x1: {  	s1 =	srdreg.scid;
	s0 =	stileid.u32  }
0x2: {  	s4 =	sand.u32 $0x1, s1;
	s9 =	sshll.u32 s0, $0x1  }
0x3: {  	s1 =	sor.u32 s4, s9  }
0x4: {  	s2 =	smul.u32 $0x140, s1  }
0x5: {  	s3 =	rddreg [dreg:$0x1]  }
0x6: {  	s1 =	rddreg [dreg:$0x0];
	s5 =	sshrl.u32 s2, $0x3;
	s2 =	simm.s32 $0x0  }
0x7: {  	[smem:$0x7FF] =	sst s2;
	s3 =	sadd.s32 s3, s5  }
0x8: {  	s15 =	simm.s32 $0x980;
	_ =	strace $0x8000004D;
	[dreg:$0x3] =	wrdreg s3  }
0x9: {  	s16 =	simm.s32 $0xD80;
	[dreg:$0x9] =	wrdreg s15  }
0xa: {  	s17 =	simm.s32 $0x1580;
	[dreg:$0xa] =	wrdreg s16  }
0xb: {  	s18 =	simm.s32 $0x1980;
	[dreg:$0xb] =	wrdreg s17  }
0xc: {  	s19 =	simm.s32 $0x2180;
	[dreg:$0xc] =	wrdreg s18  }
0xd: {  	s20 =	simm.s32 $0x2580;
	[dreg:$0xd] =	wrdreg s19  }
0xe: {  	s21 =	simm.s32 $0x2D80;
	[dreg:$0xe] =	wrdreg s20  }
0xf: {  	s22 =	simm.s32 $0x3180;
	[dreg:$0xf] =	wrdreg s21  }
0x10: {  	s23 =	simm.s32 $0x3980;
	[dreg:$0x10] =	wrdreg s22  }
0x11: {  	s24 =	simm.s32 $0x3D80;
	[dreg:$0x11] =	wrdreg s23  }
0x12: {  	s25 =	simm.s32 $0x4580;
	[dreg:$0x12] =	wrdreg s24  }
0x13: {  	s26 =	simm.s32 $0x4980;
	[dreg:$0x13] =	wrdreg s25  }
0x14: {  	s0 =	simm.s32 $0x5180;
	[dreg:$0x14] =	wrdreg s26  }
0x15: {  	s6 =	smul.u32 $0x180, s5;
	s5 =	simm.s32 $0x5580;
	[dreg:$0x15] =	wrdreg s0  }
0x16: {  	s7 =	simm.s32 $0x6980;
	[dreg:$0x16] =	wrdreg s5  }
0x17: {  	s8 =	simm.s32 $0x6D80;
	[dreg:$0x18] =	wrdreg s7  }
0x18: {  	s9 =	simm.s32 $0x7580;
	[dreg:$0x19] =	wrdreg s8  }
0x19: {  	[dreg:$0x1a] =	wrdreg s9;
	s15 =	simm.s32 $0x9980  }
0x1a: {  	s16 =	simm.s32 $0x9D80;
	[smem:$0x7DC] =	sst s15  }
0x1b: {  	s17 =	simm.s32 $0xA580;
	[smem:$0x7DD] =	sst s16  }
0x1c: {  	s18 =	simm.s32 $0xA980;
	[smem:$0x7DE] =	sst s17  }
0x1d: {  	s19 =	simm.s32 $0xB180;
	[smem:$0x7DF] =	sst s18  }
0x1e: {  	s20 =	simm.s32 $0xB580;
	[smem:$0x7E0] =	sst s19  }
0x1f: {  	s21 =	simm.s32 $0xBD80;
	[smem:$0x7E1] =	sst s20  }
0x20: {  	s22 =	simm.s32 $0xC980;
	[smem:$0x7E2] =	sst s21  }
0x21: {  	s23 =	simm.s32 $0xCD80;
	[smem:$0x7E3] =	sst s22  }
0x22: {  	s24 =	simm.s32 $0xD580;
	[smem:$0x7E4] =	sst s23  }
0x23: {  	s25 =	simm.s32 $0xD980;
	[smem:$0x7E5] =	sst s24  }
0x24: {  	s26 =	simm.s32 $0xE180;
	[smem:$0x7E6] =	sst s25  }
0x25: {  	s0 =	simm.s32 $0xE580;
	[smem:$0x7E7] =	sst s26  }
0x26: {  	s5 =	simm.s32 $0xED80;
	[smem:$0x7E8] =	sst s0  }
0x27: {  	s7 =	simm.s32 $0xF980;
	[smem:$0x7E9] =	sst s5  }
0x28: {  	s8 =	simm.s32 $0xFD80;
	[smem:$0x7EB] =	sst s7  }
0x29: {  	s9 =	simm.s32 $0x10580;
	[smem:$0x7EC] =	sst s8  }
0x2a: {  	[smem:$0x7ED] =	sst s9;
	s15 =	simm.s32 $0x12D80  }
0x2b: {  	s16 =	simm.s32 $0x13580;
	[smem:$0x7F3] =	sst s15  }
0x2c: {  	s17 =	simm.s32 $0x13980;
	[smem:$0x7F4] =	sst s16  }
0x2d: {  	s18 =	simm.s32 $0x14180;
	[smem:$0x7F5] =	sst s17  }
0x2e: {  	s28 =	simm.s32 $0x1D180;
	s20 =	simm.s32 $0x14580;
	[smem:$0x7F6] =	sst s18  }
0x2f: {  	s29 =	simm.s32 $0x1D580;
	s21 =	simm.s32 $0x14D80;
	[smem:$0x7F7] =	sst s20  }
0x30: {  	s30 =	simm.s32 $0x1DD80;
	s22 =	simm.s32 $0x15180;
	[smem:$0x7F8] =	sst s21  }
0x31: {  	s31 =	simm.s32 $0x1;
	s23 =	simm.s32 $0x15980;
	[smem:$0x7F9] =	sst s22  }
0x32: {  	s4 =	ssub.s32 $0x2, s4;
	s24 =	simm.s32 $0x15D80;
	[smem:$0x7FA] =	sst s23  }
0x33: {  	s3 =	sadd.s32 $0x105400, s1;
	s25 =	simm.s32 $0x16580;
	[smem:$0x7FB] =	sst s24  }
0x34: {  	s6 =	sadd.s32 s6, s1;
	s26 =	simm.s32 $0x16980;
	[smem:$0x7FC] =	sst s25  }
0x35: {  	s19 =	sshrl.u32 s4, $0x1;
	s10 =	sadd.s32 $0x6400, s6;
	[smem:$0x7FD] =	sst s26  }
0x36: {  	s7 =	simm.s32 $0x180;
	s11 =	sadd.s32 $0x7000, s6;
	[dreg:$0x4] =	wrdreg s10  }
0x37: {  	s8 =	simm.s32 $0x6180;
	s12 =	sadd.s32 $0x7C00, s6;
	[dreg:$0x5] =	wrdreg s11  }
0x38: {  	s9 =	simm.s32 $0xC180;
	s13 =	sadd.s32 $0x8800, s6;
	[dreg:$0x6] =	wrdreg s12  }
0x39: {  	s14 =	sadd.s32 $0x9400, s6;
	s6 =	simm.s32 $0x5D80;
	[dreg:$0x7] =	wrdreg s13  }
0x3a: {  	s15 =	simm.s32 $0x18980;
	s16 =	simm.s32 $0x18D80;
	[dreg:$0x8] =	wrdreg s14  }
0x3b: {  	s17 =	simm.s32 $0x19580;
	[dreg:$0x17] =	wrdreg s6;
	s10 =	simm.s32 $0x7980  }
0x3c: {  	s18 =	simm.s32 $0x19980;
	s11 =	simm.s32 $0x8180;
	[dreg:$0x1b] =	wrdreg s10  }
0x3d: {  	s20 =	simm.s32 $0x1A580;
	s12 =	simm.s32 $0x8580;
	[dreg:$0x1c] =	wrdreg s11  }
0x3e: {  	s21 =	simm.s32 $0x1AD80;
	s13 =	simm.s32 $0x8D80;
	[dreg:$0x1d] =	wrdreg s12  }
0x3f: {  	s22 =	simm.s32 $0x1B180;
	s14 =	simm.s32 $0x9180;
	[dreg:$0x1e] =	wrdreg s13  }
0x40: {  	s23 =	simm.s32 $0x1B980;
	s6 =	simm.s32 $0xF180;
	[dreg:$0x1f] =	wrdreg s14  }
0x41: {  	s24 =	simm.s32 $0x1BD80;
	[smem:$0x7EA] =	sst s6;
	s10 =	simm.s32 $0x10980  }
0x42: {  	s25 =	simm.s32 $0x1C580;
	s11 =	simm.s32 $0x11180;
	[smem:$0x7EE] =	sst s10  }
0x43: {  	s26 =	simm.s32 $0x1C980;
	s12 =	simm.s32 $0x11580;
	[smem:$0x7EF] =	sst s11  }
0x44: {  	s13 =	simm.s32 $0x11D80;
	s14 =	simm.s32 $0x12980;
	[smem:$0x7F0] =	sst s12  }
0x45: {  	s6 =	ssub.s32 s4, s19;
	s4 =	sadd.s32 $0x105500, s1;
	[smem:$0x7F1] =	sst s13  }
0x46: {  	v2 =	vlaneseq.u32;
	s19 =	simm.s32 $0x1A180;
	s1 =	simm.s32 $0x2;
	[smem:$0x7F2] =	sst s14  }
0x47: {  	vm0 =	vmmov $0xffff;
	vm1 =	vmmov $0xff;
	v1 =	vshrl.u32 v2, $0x3;
	s5 =	smax.u32 s6, $0x1;
	s6 =	simm.s32 $0x3;
	s10 =	simm.s32 $0x12180  }
0x48: {  	v0 =	vand.u32 $0x7, v2;
	v2 =	vor.u32 $0x8, v2;
	v1 =	vmul.u32 $0x8, v1;
	s12 =	simm.s32 $0x17580;
	s13 =	simm.s32 $0x17D80;
	s14 =	simm.s32 $0x18180  }
.LBB2_1:
0x49: {  	s0 =	rddreg [dreg:$0x3]  }
0x4a: {  	[tilespmem:s2], [sflag:$0x3] =	stream.linear.gather [hbm4b:s0+s2], $0x140, $0x38;
	[tilespmem:$0x1E180] =	vst v63  }
0x4b: {  	_ =	swait.ge [sflag:s6], $0x140  }
0x4c: {  	[sflag:s6] =	ssyncset.done $0x0  }
0x4d: {  	[sflag:s6] =	ssyncadd.s32 $0xFFFFFEC0  }
0x4e: {  	v3 =	vld [tilespmem:$0x0];
	_ =	sdelay $0x4  }
0x4f: {  	v4 =	vshrl.u32 v3, $0x3  }
0x50: {  	v4 =	vmul.u32 $0x18, v4  }
0x51: {  	v3 =	vand.u32 $0x7, v3  }
0x52: {  	v3 =	vor.u32 v3, v4  }
0x53: {  	v4 =	vperm.xlane v3, v0;
	_ =	sdelay $0x1  }
0x54: {  	v4 =	vadd.s32 v1, v4;
	_ =	sdelay $0x1  }
0x55: {  	v3 =	vperm.xlane v3, v2;
	_ =	sdelay $0x1  }
0x56: {  	v3 =	vadd.s32 v1, v3  }
0x57: {  	[tilespmem:s7], [sflag:$0x1] =	stream.indirect_vreg.gather [hbm4b:s3+s2], $0x80, v4, vm0, $0xb8;
	[tilespmem:$0x1E180] =	vst v63  }
0x58: {  	s0 =	rddreg [dreg:$0x9]  }
0x59: {  	[tilespmem:s0], [sflag:$0x1] =	stream.indirect_vreg.gather [hbm4b:s4+s2], $0x80, v4, vm1, $0xb8;
	[tilespmem:$0x1E180] =	vst v63  }
0x5a: {  	s11 =	rddreg [dreg:$0xa]  }
0x5b: {  	[tilespmem:s11], [sflag:$0x1] =	stream.indirect_vreg.gather [hbm4b:s3+s2], $0x80, v3, vm0, $0xb8;
	[tilespmem:$0x1E180] =	vst v63  }
0x5c: {  	s0 =	rddreg [dreg:$0xb]  }
0x5d: {  	[tilespmem:s0], [sflag:$0x1] =	stream.indirect_vreg.gather [hbm4b:s4+s2], $0x80, v3, vm1, $0xb8;
	[tilespmem:$0x1E180] =	vst v63  }
0x5e: {  	v3 =	vld [tilespmem:$0x10];
	_ =	sdelay $0x4  }
0x5f: {  	v45 =	vshrl.u32 v3, $0x3  }
0x60: {  	v4 =	vmul.u32 $0x18, v45  }
0x61: {  	v3 =	vand.u32 $0x7, v3  }
0x62: {  	v3 =	vor.u32 v3, v4  }
0x63: {  	v4 =	vperm.xlane v3, v0;
	_ =	sdelay $0x1  }
0x64: {  	v4 =	vadd.s32 v1, v4;
	_ =	sdelay $0x1  }
0x65: {  	v3 =	vperm.xlane v3, v2;
	_ =	sdelay $0x1  }
0x66: {  	s0 =	rddreg [dreg:$0xc];
	v3 =	vadd.s32 v1, v3  }
0x67: {  	[tilespmem:s0], [sflag:$0x1] =	stream.indirect_vreg.gather [hbm4b:s3+s2], $0x80, v4, vm0, $0xb8;
	[tilespmem:$0x1E180] =	vst v63  }
0x68: {  	s11 =	rddreg [dreg:$0xd]  }
0x69: {  	[tilespmem:s11], [sflag:$0x1] =	stream.indirect_vreg.gather [hbm4b:s4+s2], $0x80, v4, vm1, $0xb8;
	[tilespmem:$0x1E180] =	vst v63  }
0x6a: {  	s0 =	rddreg [dreg:$0xe]  }
0x6b: {  	[tilespmem:s0], [sflag:$0x1] =	stream.indirect_vreg.gather [hbm4b:s3+s2], $0x80, v3, vm0, $0xb8;
	[tilespmem:$0x1E180] =	vst v63  }
0x6c: {  	s11 =	rddreg [dreg:$0xf]  }
0x6d: {  	[tilespmem:s11], [sflag:$0x1] =	stream.indirect_vreg.gather [hbm4b:s4+s2], $0x80, v3, vm1, $0xb8;
	[tilespmem:$0x1E180] =	vst v63  }
0x6e: {  	v3 =	vld [tilespmem:$0x20];
	_ =	sdelay $0x4  }
0x6f: {  	v46 =	vshrl.u32 v3, $0x3  }
0x70: {  	v4 =	vmul.u32 $0x18, v46  }
0x71: {  	v3 =	vand.u32 $0x7, v3  }
0x72: {  	v3 =	vor.u32 v3, v4  }
0x73: {  	v4 =	vperm.xlane v3, v0;
	_ =	sdelay $0x1  }
0x74: {  	v4 =	vadd.s32 v1, v4;
	_ =	sdelay $0x1  }
0x75: {  	v3 =	vperm.xlane v3, v2;
	_ =	sdelay $0x1  }
0x76: {  	s0 =	rddreg [dreg:$0x10];
	v3 =	vadd.s32 v1, v3  }
0x77: {  	[tilespmem:s0], [sflag:$0x1] =	stream.indirect_vreg.gather [hbm4b:s3+s2], $0x80, v4, vm0, $0xb8;
	[tilespmem:$0x1E180] =	vst v63  }
0x78: {  	s11 =	rddreg [dreg:$0x11]  }
0x79: {  	[tilespmem:s11], [sflag:$0x1] =	stream.indirect_vreg.gather [hbm4b:s4+s2], $0x80, v4, vm1, $0xb8;
	[tilespmem:$0x1E180] =	vst v63  }
0x7a: {  	s0 =	rddreg [dreg:$0x12]  }
0x7b: {  	[tilespmem:s0], [sflag:$0x1] =	stream.indirect_vreg.gather [hbm4b:s3+s2], $0x80, v3, vm0, $0xb8;
	[tilespmem:$0x1E180] =	vst v63  }
0x7c: {  	s11 =	rddreg [dreg:$0x13]  }
0x7d: {  	[tilespmem:s11], [sflag:$0x1] =	stream.indirect_vreg.gather [hbm4b:s4+s2], $0x80, v3, vm1, $0xb8;
	[tilespmem:$0x1E180] =	vst v63  }
0x7e: {  	v3 =	vld [tilespmem:$0x30];
	_ =	sdelay $0x4  }
0x7f: {  	v47 =	vshrl.u32 v3, $0x3  }
0x80: {  	v4 =	vmul.u32 $0x18, v47  }
0x81: {  	v3 =	vand.u32 $0x7, v3  }
0x82: {  	v3 =	vor.u32 v3, v4  }
0x83: {  	v4 =	vperm.xlane v3, v0;
	_ =	sdelay $0x1  }
0x84: {  	v4 =	vadd.s32 v1, v4;
	_ =	sdelay $0x1  }
0x85: {  	v3 =	vperm.xlane v3, v2;
	_ =	sdelay $0x1  }
0x86: {  	s0 =	rddreg [dreg:$0x14];
	v3 =	vadd.s32 v1, v3  }
0x87: {  	[tilespmem:s0], [sflag:$0x1] =	stream.indirect_vreg.gather [hbm4b:s3+s2], $0x80, v4, vm0, $0xb8;
	[tilespmem:$0x1E180] =	vst v63  }
0x88: {  	s11 =	rddreg [dreg:$0x15]  }
0x89: {  	[tilespmem:s11], [sflag:$0x1] =	stream.indirect_vreg.gather [hbm4b:s4+s2], $0x80, v4, vm1, $0xb8;
	[tilespmem:$0x1E180] =	vst v63  }
0x8a: {  	s0 =	rddreg [dreg:$0x16]  }
0x8b: {  	[tilespmem:s0], [sflag:$0x1] =	stream.indirect_vreg.gather [hbm4b:s3+s2], $0x80, v3, vm0, $0xb8;
	[tilespmem:$0x1E180] =	vst v63  }
0x8c: {  	s11 =	rddreg [dreg:$0x17]  }
0x8d: {  	[tilespmem:s11], [sflag:$0x1] =	stream.indirect_vreg.gather [hbm4b:s4+s2], $0x80, v3, vm1, $0xb8;
	[tilespmem:$0x1E180] =	vst v63  }
0x8e: {  	v3 =	vld [tilespmem:$0x40];
	_ =	sdelay $0x4  }
0x8f: {  	v48 =	vshrl.u32 v3, $0x3  }
0x90: {  	v4 =	vmul.u32 $0x18, v48  }
0x91: {  	v3 =	vand.u32 $0x7, v3  }
0x92: {  	v3 =	vor.u32 v3, v4  }
0x93: {  	v4 =	vperm.xlane v3, v0;
	_ =	sdelay $0x1  }
0x94: {  	v4 =	vadd.s32 v1, v4;
	_ =	sdelay $0x1  }
0x95: {  	v3 =	vperm.xlane v3, v2;
	_ =	sdelay $0x1  }
0x96: {  	v3 =	vadd.s32 v1, v3  }
0x97: {  	[tilespmem:s8], [sflag:$0x1] =	stream.indirect_vreg.gather [hbm4b:s3+s2], $0x80, v4, vm0, $0xb8;
	[tilespmem:$0x1E180] =	vst v63  }
0x98: {  	s0 =	rddreg [dreg:$0x18]  }
0x99: {  	[tilespmem:s0], [sflag:$0x1] =	stream.indirect_vreg.gather [hbm4b:s4+s2], $0x80, v4, vm1, $0xb8;
	[tilespmem:$0x1E180] =	vst v63  }
0x9a: {  	s11 =	rddreg [dreg:$0x19]  }
0x9b: {  	[tilespmem:s11], [sflag:$0x1] =	stream.indirect_vreg.gather [hbm4b:s3+s2], $0x80, v3, vm0, $0xb8;
	[tilespmem:$0x1E180] =	vst v63  }
0x9c: {  	s0 =	rddreg [dreg:$0x1a]  }
0x9d: {  	[tilespmem:s0], [sflag:$0x1] =	stream.indirect_vreg.gather [hbm4b:s4+s2], $0x80, v3, vm1, $0xb8;
	[tilespmem:$0x1E180] =	vst v63  }
0x9e: {  	v3 =	vld [tilespmem:$0x50];
	_ =	sdelay $0x4  }
0x9f: {  	v49 =	vshrl.u32 v3, $0x3  }
0xa0: {  	v4 =	vmul.u32 $0x18, v49  }
0xa1: {  	v3 =	vand.u32 $0x7, v3  }
0xa2: {  	v3 =	vor.u32 v3, v4  }
0xa3: {  	v4 =	vperm.xlane v3, v0;
	_ =	sdelay $0x1  }
0xa4: {  	v4 =	vadd.s32 v1, v4;
	_ =	sdelay $0x1  }
0xa5: {  	v3 =	vperm.xlane v3, v2;
	_ =	sdelay $0x1  }
0xa6: {  	s0 =	rddreg [dreg:$0x1b];
	v3 =	vadd.s32 v1, v3  }
0xa7: {  	[tilespmem:s0], [sflag:$0x1] =	stream.indirect_vreg.gather [hbm4b:s3+s2], $0x80, v4, vm0, $0xb8;
	[tilespmem:$0x1E180] =	vst v63  }
0xa8: {  	s11 =	rddreg [dreg:$0x1c]  }
0xa9: {  	[tilespmem:s11], [sflag:$0x1] =	stream.indirect_vreg.gather [hbm4b:s4+s2], $0x80, v4, vm1, $0xb8;
	[tilespmem:$0x1E180] =	vst v63  }
0xaa: {  	s0 =	rddreg [dreg:$0x1d]  }
0xab: {  	[tilespmem:s0], [sflag:$0x1] =	stream.indirect_vreg.gather [hbm4b:s3+s2], $0x80, v3, vm0, $0xb8;
	[tilespmem:$0x1E180] =	vst v63  }
0xac: {  	s11 =	rddreg [dreg:$0x1e]  }
0xad: {  	[tilespmem:s11], [sflag:$0x1] =	stream.indirect_vreg.gather [hbm4b:s4+s2], $0x80, v3, vm1, $0xb8;
	[tilespmem:$0x1E180] =	vst v63  }
0xae: {  	v3 =	vld [tilespmem:$0x60];
	_ =	sdelay $0x4  }
0xaf: {  	v50 =	vshrl.u32 v3, $0x3  }
0xb0: {  	v4 =	vmul.u32 $0x18, v50  }
0xb1: {  	v3 =	vand.u32 $0x7, v3  }
0xb2: {  	v3 =	vor.u32 v3, v4  }
0xb3: {  	v4 =	vperm.xlane v3, v0;
	_ =	sdelay $0x1  }
0xb4: {  	v4 =	vadd.s32 v1, v4;
	_ =	sdelay $0x1  }
0xb5: {  	v3 =	vperm.xlane v3, v2  }
0xb6: {  	s0 =	rddreg [dreg:$0x1f]  }
0xb7: {  	s11 =	sld [smem:$0x7DC];
	v3 =	vadd.s32 v1, v3  }
0xb8: {  	[tilespmem:s0], [sflag:$0x1] =	stream.indirect_vreg.gather [hbm4b:s3+s2], $0x80, v4, vm0, $0xb8;
	[tilespmem:$0x1E180] =	vst v63  }
0xb9: {  	s0 =	sld [smem:$0x7DD]  }
0xba: {  	[tilespmem:s11], [sflag:$0x1] =	stream.indirect_vreg.gather [hbm4b:s4+s2], $0x80, v4, vm1, $0xb8;
	[tilespmem:$0x1E180] =	vst v63  }
0xbb: {  	s11 =	sld [smem:$0x7DE]  }
0xbc: {  	[tilespmem:s0], [sflag:$0x1] =	stream.indirect_vreg.gather [hbm4b:s3+s2], $0x80, v3, vm0, $0xb8;
	[tilespmem:$0x1E180] =	vst v63  }
0xbd: {  	_ = 	snop  }
0xbe: {  	[tilespmem:s11], [sflag:$0x1] =	stream.indirect_vreg.gather [hbm4b:s4+s2], $0x80, v3, vm1, $0xb8;
	[tilespmem:$0x1E180] =	vst v63  }
0xbf: {  	v3 =	vld [tilespmem:$0x70];
	_ =	sdelay $0x4  }
0xc0: {  	v51 =	vshrl.u32 v3, $0x3  }
0xc1: {  	v4 =	vmul.u32 $0x18, v51  }
0xc2: {  	v3 =	vand.u32 $0x7, v3  }
0xc3: {  	v3 =	vor.u32 v3, v4  }
0xc4: {  	v4 =	vperm.xlane v3, v0;
	_ =	sdelay $0x1  }
0xc5: {  	v4 =	vadd.s32 v1, v4;
	_ =	sdelay $0x1  }
0xc6: {  	s0 =	sld [smem:$0x7DF];
	v3 =	vperm.xlane v3, v2;
	_ =	sdelay $0x1  }
0xc7: {  	s11 =	sld [smem:$0x7E0];
	v3 =	vadd.s32 v1, v3  }
0xc8: {  	[tilespmem:s0], [sflag:$0x1] =	stream.indirect_vreg.gather [hbm4b:s3+s2], $0x80, v4, vm0, $0xb8;
	[tilespmem:$0x1E180] =	vst v63  }
0xc9: {  	s0 =	sld [smem:$0x7E1]  }
0xca: {  	[tilespmem:s11], [sflag:$0x1] =	stream.indirect_vreg.gather [hbm4b:s4+s2], $0x80, v4, vm1, $0xb8;
	[tilespmem:$0x1E180] =	vst v63  }
0xcb: {  	s11 =	sld [smem:$0x7E2]  }
0xcc: {  	[tilespmem:s0], [sflag:$0x1] =	stream.indirect_vreg.gather [hbm4b:s3+s2], $0x80, v3, vm0, $0xb8;
	[tilespmem:$0x1E180] =	vst v63  }
0xcd: {  	_ = 	snop  }
0xce: {  	[tilespmem:s11], [sflag:$0x1] =	stream.indirect_vreg.gather [hbm4b:s4+s2], $0x80, v3, vm1, $0xb8;
	[tilespmem:$0x1E180] =	vst v63  }
0xcf: {  	v3 =	vld [tilespmem:$0x80];
	_ =	sdelay $0x4  }
0xd0: {  	v52 =	vshrl.u32 v3, $0x3  }
0xd1: {  	v4 =	vmul.u32 $0x18, v52  }
0xd2: {  	v3 =	vand.u32 $0x7, v3  }
0xd3: {  	v3 =	vor.u32 v3, v4  }
0xd4: {  	v4 =	vperm.xlane v3, v0;
	_ =	sdelay $0x1  }
0xd5: {  	v4 =	vadd.s32 v1, v4;
	_ =	sdelay $0x1  }
0xd6: {  	v3 =	vperm.xlane v3, v2;
	_ =	sdelay $0x1  }
0xd7: {  	s0 =	sld [smem:$0x7E3];
	v3 =	vadd.s32 v1, v3  }
0xd8: {  	[tilespmem:s9], [sflag:$0x1] =	stream.indirect_vreg.gather [hbm4b:s3+s2], $0x80, v4, vm0, $0xb8;
	[tilespmem:$0x1E180] =	vst v63  }
0xd9: {  	s11 =	sld [smem:$0x7E4]  }
0xda: {  	[tilespmem:s0], [sflag:$0x1] =	stream.indirect_vreg.gather [hbm4b:s4+s2], $0x80, v4, vm1, $0xb8;
	[tilespmem:$0x1E180] =	vst v63  }
0xdb: {  	s0 =	sld [smem:$0x7E5]  }
0xdc: {  	[tilespmem:s11], [sflag:$0x1] =	stream.indirect_vreg.gather [hbm4b:s3+s2], $0x80, v3, vm0, $0xb8;
	[tilespmem:$0x1E180] =	vst v63  }
0xdd: {  	_ = 	snop  }
0xde: {  	[tilespmem:s0], [sflag:$0x1] =	stream.indirect_vreg.gather [hbm4b:s4+s2], $0x80, v3, vm1, $0xb8;
	[tilespmem:$0x1E180] =	vst v63  }
0xdf: {  	v3 =	vld [tilespmem:$0x90];
	_ =	sdelay $0x4  }
0xe0: {  	v53 =	vshrl.u32 v3, $0x3  }
0xe1: {  	v4 =	vmul.u32 $0x18, v53  }
0xe2: {  	v3 =	vand.u32 $0x7, v3  }
0xe3: {  	v3 =	vor.u32 v3, v4  }
0xe4: {  	v4 =	vperm.xlane v3, v0;
	_ =	sdelay $0x1  }
0xe5: {  	v4 =	vadd.s32 v1, v4;
	_ =	sdelay $0x1  }
0xe6: {  	s0 =	sld [smem:$0x7E6];
	v3 =	vperm.xlane v3, v2;
	_ =	sdelay $0x1  }
0xe7: {  	s11 =	sld [smem:$0x7E7];
	v3 =	vadd.s32 v1, v3  }
0xe8: {  	[tilespmem:s0], [sflag:$0x1] =	stream.indirect_vreg.gather [hbm4b:s3+s2], $0x80, v4, vm0, $0xb8;
	[tilespmem:$0x1E180] =	vst v63  }
0xe9: {  	s0 =	sld [smem:$0x7E8]  }
0xea: {  	[tilespmem:s11], [sflag:$0x1] =	stream.indirect_vreg.gather [hbm4b:s4+s2], $0x80, v4, vm1, $0xb8;
	[tilespmem:$0x1E180] =	vst v63  }
0xeb: {  	s11 =	sld [smem:$0x7E9]  }
0xec: {  	[tilespmem:s0], [sflag:$0x1] =	stream.indirect_vreg.gather [hbm4b:s3+s2], $0x80, v3, vm0, $0xb8;
	[tilespmem:$0x1E180] =	vst v63  }
0xed: {  	_ = 	snop  }
0xee: {  	[tilespmem:s11], [sflag:$0x1] =	stream.indirect_vreg.gather [hbm4b:s4+s2], $0x80, v3, vm1, $0xb8;
	[tilespmem:$0x1E180] =	vst v63  }
0xef: {  	v3 =	vld [tilespmem:$0xA0];
	_ =	sdelay $0x4  }
0xf0: {  	v54 =	vshrl.u32 v3, $0x3  }
0xf1: {  	v4 =	vmul.u32 $0x18, v54  }
0xf2: {  	v3 =	vand.u32 $0x7, v3  }
0xf3: {  	v3 =	vor.u32 v3, v4  }
0xf4: {  	v4 =	vperm.xlane v3, v0;
	_ =	sdelay $0x1  }
0xf5: {  	v4 =	vadd.s32 v1, v4;
	_ =	sdelay $0x1  }
0xf6: {  	s0 =	sld [smem:$0x7EA];
	v3 =	vperm.xlane v3, v2;
	_ =	sdelay $0x1  }
0xf7: {  	s11 =	sld [smem:$0x7EB];
	v3 =	vadd.s32 v1, v3  }
0xf8: {  	[tilespmem:s0], [sflag:$0x1] =	stream.indirect_vreg.gather [hbm4b:s3+s2], $0x80, v4, vm0, $0xb8;
	[tilespmem:$0x1E180] =	vst v63  }
0xf9: {  	s0 =	sld [smem:$0x7EC]  }
0xfa: {  	[tilespmem:s11], [sflag:$0x1] =	stream.indirect_vreg.gather [hbm4b:s4+s2], $0x80, v4, vm1, $0xb8;
	[tilespmem:$0x1E180] =	vst v63  }
0xfb: {  	s11 =	sld [smem:$0x7ED]  }
0xfc: {  	[tilespmem:s0], [sflag:$0x1] =	stream.indirect_vreg.gather [hbm4b:s3+s2], $0x80, v3, vm0, $0xb8;
	[tilespmem:$0x1E180] =	vst v63  }
0xfd: {  	_ = 	snop  }
0xfe: {  	[tilespmem:s11], [sflag:$0x1] =	stream.indirect_vreg.gather [hbm4b:s4+s2], $0x80, v3, vm1, $0xb8;
	[tilespmem:$0x1E180] =	vst v63  }
0xff: {  	v3 =	vld [tilespmem:$0xB0];
	_ =	sdelay $0x4  }
0x100: {  	v55 =	vshrl.u32 v3, $0x3  }
0x101: {  	v4 =	vmul.u32 $0x18, v55  }
0x102: {  	v3 =	vand.u32 $0x7, v3  }
0x103: {  	v3 =	vor.u32 v3, v4  }
0x104: {  	v4 =	vperm.xlane v3, v0;
	_ =	sdelay $0x1  }
0x105: {  	v4 =	vadd.s32 v1, v4;
	_ =	sdelay $0x1  }
0x106: {  	s0 =	sld [smem:$0x7EE];
	v3 =	vperm.xlane v3, v2;
	_ =	sdelay $0x1  }
0x107: {  	s11 =	sld [smem:$0x7EF];
	v3 =	vadd.s32 v1, v3  }
0x108: {  	[tilespmem:s0], [sflag:$0x1] =	stream.indirect_vreg.gather [hbm4b:s3+s2], $0x80, v4, vm0, $0xb8;
	[tilespmem:$0x1E180] =	vst v63  }
0x109: {  	s0 =	sld [smem:$0x7F0]  }
0x10a: {  	[tilespmem:s11], [sflag:$0x1] =	stream.indirect_vreg.gather [hbm4b:s4+s2], $0x80, v4, vm1, $0xb8;
	[tilespmem:$0x1E180] =	vst v63  }
0x10b: {  	s11 =	sld [smem:$0x7F1]  }
0x10c: {  	[tilespmem:s0], [sflag:$0x1] =	stream.indirect_vreg.gather [hbm4b:s3+s2], $0x80, v3, vm0, $0xb8;
	[tilespmem:$0x1E180] =	vst v63  }
0x10d: {  	_ = 	snop  }
0x10e: {  	[tilespmem:s11], [sflag:$0x1] =	stream.indirect_vreg.gather [hbm4b:s4+s2], $0x80, v3, vm1, $0xb8;
	[tilespmem:$0x1E180] =	vst v63  }
0x10f: {  	v3 =	vld [tilespmem:$0xC0];
	_ =	sdelay $0x4  }
0x110: {  	v56 =	vshrl.u32 v3, $0x3  }
0x111: {  	v4 =	vmul.u32 $0x18, v56  }
0x112: {  	v3 =	vand.u32 $0x7, v3  }
0x113: {  	v3 =	vor.u32 v3, v4  }
0x114: {  	v4 =	vperm.xlane v3, v0;
	_ =	sdelay $0x1  }
0x115: {  	v4 =	vadd.s32 v1, v4;
	_ =	sdelay $0x1  }
0x116: {  	v3 =	vperm.xlane v3, v2;
	_ =	sdelay $0x1  }
0x117: {  	s0 =	sld [smem:$0x7F2];
	v3 =	vadd.s32 v1, v3  }
0x118: {  	[tilespmem:s10], [sflag:$0x1] =	stream.indirect_vreg.gather [hbm4b:s3+s2], $0x80, v4, vm0, $0xb8;
	[tilespmem:$0x1E180] =	vst v63  }
0x119: {  	s11 =	sld [smem:$0x7F3]  }
0x11a: {  	[tilespmem:s0], [sflag:$0x1] =	stream.indirect_vreg.gather [hbm4b:s4+s2], $0x80, v4, vm1, $0xb8;
	[tilespmem:$0x1E180] =	vst v63  }
0x11b: {  	s0 =	sld [smem:$0x7F4]  }
0x11c: {  	[tilespmem:s11], [sflag:$0x1] =	stream.indirect_vreg.gather [hbm4b:s3+s2], $0x80, v3, vm0, $0xb8;
	[tilespmem:$0x1E180] =	vst v63  }
0x11d: {  	_ = 	snop  }
0x11e: {  	[tilespmem:s0], [sflag:$0x1] =	stream.indirect_vreg.gather [hbm4b:s4+s2], $0x80, v3, vm1, $0xb8;
	[tilespmem:$0x1E180] =	vst v63  }
0x11f: {  	v3 =	vld [tilespmem:$0xD0];
	_ =	sdelay $0x4  }
0x120: {  	v57 =	vshrl.u32 v3, $0x3  }
0x121: {  	v4 =	vmul.u32 $0x18, v57  }
0x122: {  	v3 =	vand.u32 $0x7, v3  }
0x123: {  	v3 =	vor.u32 v3, v4  }
0x124: {  	v4 =	vperm.xlane v3, v0;
	_ =	sdelay $0x1  }
0x125: {  	v4 =	vadd.s32 v1, v4;
	_ =	sdelay $0x1  }
0x126: {  	s0 =	sld [smem:$0x7F5];
	v3 =	vperm.xlane v3, v2;
	_ =	sdelay $0x1  }
0x127: {  	s11 =	sld [smem:$0x7F6];
	v3 =	vadd.s32 v1, v3  }
0x128: {  	[tilespmem:s0], [sflag:$0x1] =	stream.indirect_vreg.gather [hbm4b:s3+s2], $0x80, v4, vm0, $0xb8;
	[tilespmem:$0x1E180] =	vst v63  }
0x129: {  	s0 =	sld [smem:$0x7F7]  }
0x12a: {  	[tilespmem:s11], [sflag:$0x1] =	stream.indirect_vreg.gather [hbm4b:s4+s2], $0x80, v4, vm1, $0xb8;
	[tilespmem:$0x1E180] =	vst v63  }
0x12b: {  	s11 =	sld [smem:$0x7F8]  }
0x12c: {  	[tilespmem:s0], [sflag:$0x1] =	stream.indirect_vreg.gather [hbm4b:s3+s2], $0x80, v3, vm0, $0xb8;
	[tilespmem:$0x1E180] =	vst v63  }
0x12d: {  	_ = 	snop  }
0x12e: {  	[tilespmem:s11], [sflag:$0x1] =	stream.indirect_vreg.gather [hbm4b:s4+s2], $0x80, v3, vm1, $0xb8;
	[tilespmem:$0x1E180] =	vst v63  }
0x12f: {  	v3 =	vld [tilespmem:$0xE0];
	_ =	sdelay $0x4  }
0x130: {  	v58 =	vshrl.u32 v3, $0x3  }
0x131: {  	v4 =	vmul.u32 $0x18, v58  }
0x132: {  	v3 =	vand.u32 $0x7, v3  }
0x133: {  	v3 =	vor.u32 v3, v4  }
0x134: {  	v4 =	vperm.xlane v3, v0;
	_ =	sdelay $0x1  }
0x135: {  	v4 =	vadd.s32 v1, v4;
	_ =	sdelay $0x1  }
0x136: {  	s0 =	sld [smem:$0x7F9];
	v3 =	vperm.xlane v3, v2;
	_ =	sdelay $0x1  }
0x137: {  	s11 =	sld [smem:$0x7FA];
	v3 =	vadd.s32 v1, v3  }
0x138: {  	[tilespmem:s0], [sflag:$0x1] =	stream.indirect_vreg.gather [hbm4b:s3+s2], $0x80, v4, vm0, $0xb8;
	[tilespmem:$0x1E180] =	vst v63  }
0x139: {  	s0 =	sld [smem:$0x7FB]  }
0x13a: {  	[tilespmem:s11], [sflag:$0x1] =	stream.indirect_vreg.gather [hbm4b:s4+s2], $0x80, v4, vm1, $0xb8;
	[tilespmem:$0x1E180] =	vst v63  }
0x13b: {  	s11 =	sld [smem:$0x7FC]  }
0x13c: {  	[tilespmem:s0], [sflag:$0x1] =	stream.indirect_vreg.gather [hbm4b:s3+s2], $0x80, v3, vm0, $0xb8;
	[tilespmem:$0x1E180] =	vst v63  }
0x13d: {  	_ = 	snop  }
0x13e: {  	[tilespmem:s11], [sflag:$0x1] =	stream.indirect_vreg.gather [hbm4b:s4+s2], $0x80, v3, vm1, $0xb8;
	[tilespmem:$0x1E180] =	vst v63  }
0x13f: {  	v3 =	vld [tilespmem:$0xF0];
	_ =	sdelay $0x4  }
0x140: {  	v59 =	vshrl.u32 v3, $0x3  }
0x141: {  	v4 =	vmul.u32 $0x18, v59  }
0x142: {  	v3 =	vand.u32 $0x7, v3  }
0x143: {  	v3 =	vor.u32 v3, v4  }
0x144: {  	v4 =	vperm.xlane v3, v0;
	_ =	sdelay $0x1  }
0x145: {  	v4 =	vadd.s32 v1, v4;
	_ =	sdelay $0x1  }
0x146: {  	s11 =	sld [smem:$0x7FD];
	v3 =	vperm.xlane v3, v2;
	_ =	sdelay $0x1  }
0x147: {  	v3 =	vadd.s32 v1, v3  }
0x148: {  	[tilespmem:s11], [sflag:$0x1] =	stream.indirect_vreg.gather [hbm4b:s3+s2], $0x80, v4, vm0, $0xb8;
	[tilespmem:$0x1E180] =	vst v63  }
0x149: {  	s11 =	simm.s32 $0x17180  }
0x14a: {  	[tilespmem:s11], [sflag:$0x1] =	stream.indirect_vreg.gather [hbm4b:s4+s2], $0x80, v4, vm1, $0xb8;
	[tilespmem:$0x1E180] =	vst v63  }
0x14b: {  	_ = 	snop  }
0x14c: {  	[tilespmem:s12], [sflag:$0x1] =	stream.indirect_vreg.gather [hbm4b:s3+s2], $0x80, v3, vm0, $0xb8;
	[tilespmem:$0x1E180] =	vst v63  }
0x14d: {  	_ = 	snop  }
0x14e: {  	[tilespmem:s13], [sflag:$0x1] =	stream.indirect_vreg.gather [hbm4b:s4+s2], $0x80, v3, vm1, $0xb8;
	[tilespmem:$0x1E180] =	vst v63  }
0x14f: {  	v3 =	vld [tilespmem:$0x100];
	_ =	sdelay $0x4  }
0x150: {  	v60 =	vshrl.u32 v3, $0x3  }
0x151: {  	v4 =	vmul.u32 $0x18, v60  }
0x152: {  	v3 =	vand.u32 $0x7, v3  }
0x153: {  	v3 =	vor.u32 v3, v4  }
0x154: {  	v4 =	vperm.xlane v3, v0;
	_ =	sdelay $0x1  }
0x155: {  	v4 =	vadd.s32 v1, v4;
	_ =	sdelay $0x1  }
0x156: {  	v3 =	vperm.xlane v3, v2;
	_ =	sdelay $0x1  }
0x157: {  	v3 =	vadd.s32 v1, v3  }
0x158: {  	[tilespmem:s14], [sflag:$0x1] =	stream.indirect_vreg.gather [hbm4b:s3+s2], $0x80, v4, vm0, $0xb8;
	[tilespmem:$0x1E180] =	vst v63  }
0x159: {  	_ = 	snop  }
0x15a: {  	[tilespmem:s15], [sflag:$0x1] =	stream.indirect_vreg.gather [hbm4b:s4+s2], $0x80, v4, vm1, $0xb8;
	[tilespmem:$0x1E180] =	vst v63  }
0x15b: {  	_ = 	snop  }
0x15c: {  	[tilespmem:s16], [sflag:$0x1] =	stream.indirect_vreg.gather [hbm4b:s3+s2], $0x80, v3, vm0, $0xb8;
	[tilespmem:$0x1E180] =	vst v63  }
0x15d: {  	_ = 	snop  }
0x15e: {  	[tilespmem:s17], [sflag:$0x1] =	stream.indirect_vreg.gather [hbm4b:s4+s2], $0x80, v3, vm1, $0xb8;
	[tilespmem:$0x1E180] =	vst v63  }
0x15f: {  	v3 =	vld [tilespmem:$0x110];
	_ =	sdelay $0x4  }
0x160: {  	v61 =	vshrl.u32 v3, $0x3  }
0x161: {  	v4 =	vmul.u32 $0x18, v61  }
0x162: {  	v3 =	vand.u32 $0x7, v3  }
0x163: {  	v3 =	vor.u32 v3, v4  }
0x164: {  	v4 =	vperm.xlane v3, v0;
	_ =	sdelay $0x1  }
0x165: {  	v4 =	vadd.s32 v1, v4;
	_ =	sdelay $0x1  }
0x166: {  	v3 =	vperm.xlane v3, v2;
	_ =	sdelay $0x1  }
0x167: {  	v3 =	vadd.s32 v1, v3  }
0x168: {  	[tilespmem:s18], [sflag:$0x1] =	stream.indirect_vreg.gather [hbm4b:s3+s2], $0x80, v4, vm0, $0xb8;
	[tilespmem:$0x1E180] =	vst v63  }
0x169: {  	_ = 	snop  }
0x16a: {  	[tilespmem:s19], [sflag:$0x1] =	stream.indirect_vreg.gather [hbm4b:s4+s2], $0x80, v4, vm1, $0xb8;
	[tilespmem:$0x1E180] =	vst v63  }
0x16b: {  	_ = 	snop  }
0x16c: {  	[tilespmem:s20], [sflag:$0x1] =	stream.indirect_vreg.gather [hbm4b:s3+s2], $0x80, v3, vm0, $0xb8;
	[tilespmem:$0x1E180] =	vst v63  }
0x16d: {  	_ = 	snop  }
0x16e: {  	[tilespmem:s21], [sflag:$0x1] =	stream.indirect_vreg.gather [hbm4b:s4+s2], $0x80, v3, vm1, $0xb8;
	[tilespmem:$0x1E180] =	vst v63  }
0x16f: {  	v3 =	vld [tilespmem:$0x120];
	_ =	sdelay $0x4  }
0x170: {  	v62 =	vshrl.u32 v3, $0x3  }
0x171: {  	v4 =	vmul.u32 $0x18, v62  }
0x172: {  	v3 =	vand.u32 $0x7, v3  }
0x173: {  	v3 =	vor.u32 v3, v4  }
0x174: {  	v4 =	vperm.xlane v3, v0;
	_ =	sdelay $0x1  }
0x175: {  	v4 =	vadd.s32 v1, v4;
	_ =	sdelay $0x1  }
0x176: {  	v3 =	vperm.xlane v3, v2;
	_ =	sdelay $0x1  }
0x177: {  	v3 =	vadd.s32 v1, v3  }
0x178: {  	[tilespmem:s22], [sflag:$0x1] =	stream.indirect_vreg.gather [hbm4b:s3+s2], $0x80, v4, vm0, $0xb8;
	[tilespmem:$0x1E180] =	vst v63  }
0x179: {  	_ = 	snop  }
0x17a: {  	[tilespmem:s23], [sflag:$0x1] =	stream.indirect_vreg.gather [hbm4b:s4+s2], $0x80, v4, vm1, $0xb8;
	[tilespmem:$0x1E180] =	vst v63  }
0x17b: {  	_ = 	snop  }
0x17c: {  	[tilespmem:s24], [sflag:$0x1] =	stream.indirect_vreg.gather [hbm4b:s3+s2], $0x80, v3, vm0, $0xb8;
	[tilespmem:$0x1E180] =	vst v63  }
0x17d: {  	_ = 	snop  }
0x17e: {  	[tilespmem:s25], [sflag:$0x1] =	stream.indirect_vreg.gather [hbm4b:s4+s2], $0x80, v3, vm1, $0xb8;
	[tilespmem:$0x1E180] =	vst v63  }
0x17f: {  	v3 =	vld [tilespmem:$0x130];
	_ =	sdelay $0x4  }
0x180: {  	v63 =	vshrl.u32 v3, $0x3  }
0x181: {  	v4 =	vmul.u32 $0x18, v63  }
0x182: {  	v3 =	vand.u32 $0x7, v3  }
0x183: {  	v3 =	vor.u32 v3, v4  }
0x184: {  	v4 =	vperm.xlane v3, v0;
	_ =	sdelay $0x1  }
0x185: {  	v4 =	vadd.s32 v1, v4;
	_ =	sdelay $0x1  }
0x186: {  	v3 =	vperm.xlane v3, v2;
	_ =	sdelay $0x1  }
0x187: {  	v3 =	vadd.s32 v1, v3  }
0x188: {  	[tilespmem:s26], [sflag:$0x1] =	stream.indirect_vreg.gather [hbm4b:s3+s2], $0x80, v4, vm0, $0xb8;
	[tilespmem:$0x1E180] =	vst v63  }
0x189: {  	_ = 	snop  }
0x18a: {  	[tilespmem:s28], [sflag:$0x1] =	stream.indirect_vreg.gather [hbm4b:s4+s2], $0x80, v4, vm1, $0xb8;
	[tilespmem:$0x1E180] =	vst v63  }
0x18b: {  	_ = 	snop  }
0x18c: {  	[tilespmem:s29], [sflag:$0x1] =	stream.indirect_vreg.gather [hbm4b:s3+s2], $0x80, v3, vm0, $0xb8;
	[tilespmem:$0x1E180] =	vst v63  }
0x18d: {  	_ = 	snop  }
0x18e: {  	[tilespmem:s30], [sflag:$0x1] =	stream.indirect_vreg.gather [hbm4b:s4+s2], $0x80, v3, vm1, $0xb8;
	[tilespmem:$0x1E180] =	vst v63  }
0x18f: {  	_ =	swait.ge [sflag:s31], $0x6000  }
0x190: {  	[sflag:s31] =	ssyncset.done $0x0  }
0x191: {  	s11 =	rddreg [dreg:$0x4];
	[sflag:s31] =	ssyncadd.s32 $0xFFFFA000  }
0x192: {  	[hbm4b:s11+s2] =	stream.linear.scatter [tilespmem:s7], [sflag:$0x2], $0x6000, $0x38;
	[tilespmem:$0x1E180] =	vst v63  }
0x193: {  	_ =	swait.ge [sflag:s31], $0x6000  }
0x194: {  	[sflag:s31] =	ssyncset.done $0x0  }
0x195: {  	s11 =	rddreg [dreg:$0x5];
	[sflag:s31] =	ssyncadd.s32 $0xFFFFA000  }
0x196: {  	[hbm4b:s11+s2] =	stream.linear.scatter [tilespmem:s8], [sflag:$0x2], $0x6000, $0x38;
	[tilespmem:$0x1E180] =	vst v63  }
0x197: {  	_ =	swait.ge [sflag:s31], $0x6000  }
0x198: {  	[sflag:s31] =	ssyncset.done $0x0  }
0x199: {  	s11 =	rddreg [dreg:$0x6];
	[sflag:s31] =	ssyncadd.s32 $0xFFFFA000  }
0x19a: {  	[hbm4b:s11+s2] =	stream.linear.scatter [tilespmem:s9], [sflag:$0x2], $0x6000, $0x38;
	[tilespmem:$0x1E180] =	vst v63  }
0x19b: {  	_ =	swait.ge [sflag:s31], $0x6000  }
0x19c: {  	[sflag:s31] =	ssyncset.done $0x0  }
0x19d: {  	s11 =	rddreg [dreg:$0x7];
	[sflag:s31] =	ssyncadd.s32 $0xFFFFA000  }
0x19e: {  	[hbm4b:s11+s2] =	stream.linear.scatter [tilespmem:s10], [sflag:$0x2], $0x6000, $0x38;
	[tilespmem:$0x1E180] =	vst v63  }
0x19f: {  	_ =	swait.ge [sflag:s31], $0x6000  }
0x1a0: {  	[sflag:s31] =	ssyncset.done $0x0  }
0x1a1: {  	s11 =	rddreg [dreg:$0x8];
	[sflag:s31] =	ssyncadd.s32 $0xFFFFA000  }
0x1a2: {  	[hbm4b:s11+s2] =	stream.linear.scatter [tilespmem:s14], [sflag:$0x2], $0x6000, $0x38;
	[tilespmem:$0x1E180] =	vst v63  }
0x1a3: {  	_ =	swait.ge [sflag:s1], $0x6000  }
0x1a4: {  	[sflag:s1] =	ssyncset.done $0x0  }
0x1a5: {  	[sflag:s1] =	ssyncadd.s32 $0xFFFFA000  }
0x1a6: {  	_ =	swait.ge [sflag:s1], $0x6000  }
0x1a7: {  	[sflag:s1] =	ssyncset.done $0x0  }
0x1a8: {  	[sflag:s1] =	ssyncadd.s32 $0xFFFFA000  }
0x1a9: {  	_ =	swait.ge [sflag:s1], $0x6000  }
0x1aa: {  	[sflag:s1] =	ssyncset.done $0x0  }
0x1ab: {  	[sflag:s1] =	ssyncadd.s32 $0xFFFFA000  }
0x1ac: {  	p0 =	sne.s32 s5, $0x1;
	_ =	swait.ge [sflag:s1], $0x6000  }
.Ltmp0:
0x1ad: {  	[sflag:s1] =	ssyncset.done $0x0;
	(pc) =	sbr.rel @p0 .LBB2_1-.Ltmp0, $4  }
0x1ae: {  	[sflag:s1] =	ssyncadd.s32 $0xFFFFA000  }
0x1af: {  	_ =	swait.ge [sflag:s1], $0x6000  }
0x1b0: {  	[sflag:s1] =	ssyncset.done $0x0  }
0x1b1: {  	s5 =	sadd.s32 $0xFFFFFFFF, s5;
	[sflag:s1] =	ssyncadd.s32 $0xFFFFA000  }
0x1b2: {  	_ =	sfence.sel $0x180000  }
0x1b3: {  	[bflag:$0x0] =	sbarrier.arrive $0xFFFF  }
0x1b4: {  	_ =	strace $0x9000004D  }
0x1b5: {  	s0 =	stileid.u32;
	[bflag:$0x2] =	sbarrier.arrive $0xFFFF  }
0x1b6: {  	p0 =	sne.s32 s0, $0x0;
	s0 =	rddreg [dreg:$0x2]  }
0x1b7: {  	s0 =	sadd.s32 @!p0 $0x100000, s0  }
0x1b8: {  	[sflag:s0] =	ssyncadd.tile.s32 @!p0 $0x1;
	_ =	shalt  }
.Lfunc_end2:
_tile_overlayer_lowered:
.L_overlay_start_2:
0x1b9: {  	(tag) =	ssettag $0x2  }
0x1ba: {  	s0 =	rddreg [dreg:$0x0];
	s2 =	stileid.u32  }
0x1bb: {  	s1 =	rddreg [dreg:$0x1];
	p0 =	sne.s32 s2, $0x0  }
0x1bc: {  	s3 =	rddreg [dreg:$0x2];
	[bflag:$0x3] =	sbarrier.arrive $0xFFFF;
	s2 =	simm.s32 @!p0 $0x1C03  }
0x1bd: {  	[timem:s3], [sflag:s2] =	dma.local @!p0 [hbm:s0], s1  }
0x1be: {  	s0 =	simm.s32 @!p0 $0x3  }
0x1bf: {  	_ =	swait.ge @!p0 [sflag:s0], s1  }
0x1c0: {  	s1 =	ssub.s32 @!p0 $0x0, s1;
	[sflag:s0] =	ssyncset.done @!p0 $0x0  }
0x1c1: {  	[sflag:s0] =	ssyncadd.s32 @!p0 s1  }
0x1c2: {  	[bflag:$0x3] =	sbarrier.arrive $0xFFFF  }
0x1c3: {  	_ =	shalt  }

// kernel: kernel.20.cloned.1.call-start
scs
__scs_entry_jumppad:
0x0: {  	(pc) =	sbr.rel $0x88, $3  }
0x1: {  	(tag) =	ssettag $0x0;
	lr =	simm.s32 $0x1  }
0x2: {  	[smem:$0x3F84] =	sst lr;
	_ =	strace $0xD0000000  }
0x3: {  	_ = 	snop  }
0x4: {  	_ = 	snop  }
0x5: {  	_ = 	snop  }
0x6: {  	_ = 	snop  }
0x7: {  	_ = 	snop  }
__scs_overlays_trampoline_lowered:
0x8: {  	[smem:$0x3F93] =	sst s0  }
0x9: {  	[smem:$0x3F94] =	sst s1  }
0xa: {  	[smem:$0x3F95] =	sst s2  }
0xb: {  	[smem:$0x3F96] =	sst s3  }
0xc: {  	[smem:$0x3F97] =	sst s4  }
0xd: {  	[smem:$0x3F98] =	sst s5  }
0xe: {  	[smem:$0x3F99] =	sst s6  }
0xf: {  	[smem:$0x3F9A] =	sst s7  }
0x10: {  	[smem:$0x3F9B] =	sst s8  }
0x11: {  	[smem:$0x3F9C] =	sst s9;
	s0 =	simm.s32 @!p0 $0x0  }
0x12: {  	s1 =	sld [smem:$0x3F82];
	s0 =	simm.s32 @p0 $0x1  }
0x13: {  	[smem:$0x3F9D] =	sst s0;
	s0 =	simm.s32 @!p1 $0x0  }
0x14: {  	s2 =	sld [smem:$0x3F81];
	s0 =	simm.s32 @p1 $0x1  }
0x15: {  	[smem:$0x3F9E] =	sst s0;
	s0 =	simm.s32 @!p2 $0x0  }
0x16: {  	s3 =	sld [smem:$0x3FDB];
	s0 =	simm.s32 @p2 $0x1  }
0x17: {  	s4 =	simm.s32 $0x1BF5;
	[smem:$0x3FA0] =	sst s0  }
0x18: {  	s0 =	sld [smem:$0x3F83];
	_ =	swait.ge [sflag:s4], $0x0  }
0x19: {  	s7 =	sld [smem:$0x3F84]  }
0x1a: {  	s8 =	sadd.s32 $0xFFFFE003, lr  }
0x1b: {  	s9 =	sadd.s32 $0xFFFFFEF7, lr;
	s5 =	simm.s32 $0xFFFFFFFF;
	p2 =	slt.u32 s8, $0xFFFFF086  }
0x1c: {  	p1 =	slt.u32 s9, $0xF7A;
	s5 =	simm.s32 @!p2 $0x0  }
0x1d: {  	s5 =	simm.s32 @p1 $0x1;
	p0 =	seq.s32 s7, s2  }
0x1e: {  	s7 =	smul.u32 @!p0 $0xF7A, s2;
	p2 =	seq.s32 @!p0 s5, $0x0  }
0x1f: {  	s9 =	smul.u32 $0xF7A, s1;
	s8 =	simm.s32 @!p0 $0x1BF5;
	p2 =	por !p2, p0  }
0x20: {  	[sflag:s8] =	ssyncset.s32 @!p0 $0xFFFFF086;
	s6 =	sadd.s32 @!p0 s3, s7;
	s7 =	simm.s32 @!p0 $0x108  }
0x21: {  	s3 =	sadd.s32 s3, s9;
	s6 =	sadd.s32 @!p0 $0x88, s6;
	s7 =	simm.s32 @p2 $0x1082  }
0x22: {  	[simem:s7], [sflag:s8] =	dma.local @!p0 [hbm:s6], $0xF7A  }
0x23: {  	s9 =	sor.u32 $0xD0000000, s2;
	s6 =	simm.s32 $0x108;
	_ =	swait.ge @!p0 [sflag:s8], $0x0  }
0x24: {  	s3 =	sadd.s32 $0x88, s3;
	s6 =	simm.s32 @!p1 $0x1082;
	[sflag:s4] =	ssyncset.s32 $0xFFFFF086  }
0x25: {  	[simem:s6], [sflag:s4] =	dma.local [hbm:s3], $0xF7A  }
0x26: {  	[smem:$0x3F84] =	sst s1;
	(tag) =	ssettag s2;
	_ =	strace s9  }
0x27: {  	s1 =	sld [smem:$0x3F94]  }
0x28: {  	s2 =	sld [smem:$0x3F95]  }
0x29: {  	s4 =	sld [smem:$0x3F97]  }
0x2a: {  	p0 =	seq.s32 s5, $0x0;
	s5 =	sld [smem:$0x3F98]  }
0x2b: {  	s6 =	sld [smem:$0x3F99]  }
0x2c: {  	s7 =	sld [smem:$0x3F9A]  }
0x2d: {  	s3 =	simm.s32 $0x108;
	s8 =	sld [smem:$0x3F9B]  }
0x2e: {  	s3 =	simm.s32 @!p0 $0x1082;
	s9 =	sld [smem:$0x3F9C]  }
0x2f: {  	lr =	sadd.s32 s0, s3;
	s0 =	sld [smem:$0x3F93]  }
0x30: {  	s3 =	sld [smem:$0x3F96]  }
0x31: {  	[smem:$0x3F9F] =	sst s10  }
0x32: {  	s10 =	sld [smem:$0x3F9D];
	_ =	sdelay $0x3  }
0x33: {  	p0 =	seq.s32 s10, $0x1;
	s10 =	sld [smem:$0x3F9F];
	_ =	sdelay $0x3  }
0x34: {  	[smem:$0x3F9F] =	sst s10  }
0x35: {  	s10 =	sld [smem:$0x3F9E];
	_ =	sdelay $0x3  }
0x36: {  	p1 =	seq.s32 s10, $0x1;
	s10 =	sld [smem:$0x3F9F];
	_ =	sdelay $0x3  }
0x37: {  	[smem:$0x3F9F] =	sst s10  }
0x38: {  	s10 =	sld [smem:$0x3FA0]  }
0x39: {  	_ = 	snop;
	(pc) =	sbr.ind lr, $3  }
0x3a: {  	_ = 	snop  }
0x3b: {  	_ = 	snop  }
0x3c: {  	p2 =	seq.s32 s10, $0x1;
	s10 =	sld [smem:$0x3F9F]  }
0x3d: {  	_ =	shalt  }
0x3e: {  	_ =	shalt  }
0x3f: {  	_ =	shalt  }
0x40: {  	_ =	shalt  }
0x41: {  	_ =	shalt  }
0x42: {  	_ =	shalt  }
0x43: {  	_ =	shalt  }
0x44: {  	_ =	shalt  }
0x45: {  	_ =	shalt  }
0x46: {  	_ =	shalt  }
0x47: {  	_ =	shalt  }
0x48: {  	_ =	shalt  }
0x49: {  	_ =	shalt  }
0x4a: {  	_ =	shalt  }
0x4b: {  	_ =	shalt  }
0x4c: {  	_ =	shalt  }
0x4d: {  	_ =	shalt  }
0x4e: {  	_ =	shalt  }
0x4f: {  	_ =	shalt  }
0x50: {  	_ =	shalt  }
0x51: {  	_ =	shalt  }
0x52: {  	_ =	shalt  }
0x53: {  	_ =	shalt  }
0x54: {  	_ =	shalt  }
0x55: {  	_ =	shalt  }
0x56: {  	_ =	shalt  }
0x57: {  	_ =	shalt  }
0x58: {  	_ =	shalt  }
0x59: {  	_ =	shalt  }
0x5a: {  	_ =	shalt  }
0x5b: {  	_ =	shalt  }
0x5c: {  	_ =	shalt  }
0x5d: {  	_ =	shalt  }
0x5e: {  	_ =	shalt  }
0x5f: {  	_ =	shalt  }
0x60: {  	_ =	shalt  }
0x61: {  	_ =	shalt  }
0x62: {  	_ =	shalt  }
0x63: {  	_ =	shalt  }
0x64: {  	_ =	shalt  }
0x65: {  	_ =	shalt  }
0x66: {  	_ =	shalt  }
0x67: {  	_ =	shalt  }
0x68: {  	_ =	shalt  }
0x69: {  	_ =	shalt  }
0x6a: {  	_ =	shalt  }
0x6b: {  	_ =	shalt  }
0x6c: {  	_ =	shalt  }
0x6d: {  	_ =	shalt  }
0x6e: {  	_ =	shalt  }
0x6f: {  	_ =	shalt  }
0x70: {  	_ =	shalt  }
0x71: {  	_ =	shalt  }
0x72: {  	_ =	shalt  }
0x73: {  	_ =	shalt  }
0x74: {  	_ =	shalt  }
0x75: {  	_ =	shalt  }
0x76: {  	_ =	shalt  }
0x77: {  	_ =	shalt  }
0x78: {  	_ =	shalt  }
0x79: {  	_ =	shalt  }
0x7a: {  	_ =	shalt  }
0x7b: {  	_ =	shalt  }
0x7c: {  	_ =	shalt  }
0x7d: {  	_ =	shalt  }
0x7e: {  	_ =	shalt  }
0x7f: {  	_ =	shalt  }
0x80: {  	_ =	shalt  }
0x81: {  	_ =	shalt  }
0x82: {  	_ =	shalt  }
0x83: {  	_ =	shalt  }
0x84: {  	_ =	shalt  }
0x85: {  	_ =	shalt  }
0x86: {  	_ =	shalt  }
0x87: {  	_ =	shalt  }
.Lfunc_end0:
.L_simem_size_0:
called_computation.3_lowered:
.L_overlay_start_0:
0x88: {  	s2 =	sld [smem:$0x3FD9]  }
0x89: {  	s3 =	sld [smem:$0x3FFE];
	_ =	sdelay $0x1  }
0x8a: {  	s1 =	srdreg.scid  }
0x8b: {  	s0 =	sand.u32 $0x1, s1  }
0x8c: {  	s14 =	sshll.u32 s0, $0xA;
	s2 =	sadd.s32 s3, s2  }
0x8d: {  	s2 =	sadd.s32 s2, s14  }
0x8e: {  	[smem:$0x3FAB] =	sst s2  }
0x8f: {  	_ = 	snop  }
0x90: {  	s2 =	sld [smem:$0x3FD0];
	_ =	sdelay $0x2  }
0x91: {  	s15 =	simm.s32 $0xA;
	s4 =	simm.s32 $0x10  }
0x92: {  	[smem:s4], [sflag:s15] =	dma.local [hbm:s2], $0x1  }
0x93: {  	_ =	swait.eq [sflag:s15], $0x1  }
0x94: {  	[sflag:s15] =	ssyncset.done $0x0  }
0x95: {  	[sflag:s15] =	ssyncadd.s32 $0xFFFFFFFF  }
0x96: {  	s16 =	sld [smem:$0x11];
	(tm) =	ssettm $0x1  }
0x97: {  	s17 =	sld [smem:$0x3FFB];
	_ =	sdelay $0x3  }
0x98: {  	_ =	strace s17  }
0x99: {  	s3 =	sld [smem:$0x3FFC];
	_ =	sdelay $0x3  }
0x9a: {  	_ =	strace s3  }
0x9b: {  	s3 =	sld [smem:$0x3FFD];
	_ =	sdelay $0x3  }
0x9c: {  	_ =	strace s3  }
0x9d: {  	_ =	strace $0x8FFFFFFF  }
0x9e: {  	s18 =	sld [smem:$0x3FDB];
	_ =	sdelay $0x1  }
0x9f: {  	s19 =	simm.s32 $_scs_section_size  }
0xa0: {  	s5 =	simm.s32 $_size__tile_overlayer_lowered;
	s6 =	simm.s32 $_tile_overlayer_lowered  }
0xa1: {  	s22 =	simm.s32 $0x1BFF;
	s21 =	sshll.u32 s6, $0x1;
	s3 =	sadd.s32 s19, s18  }
0xa2: {  	s7 =	simm.s32 $0x0;
	s20 =	sshll.u32 s5, $0x1;
	s5 =	sadd.s32 s21, s3  }
0xa3: {  	[timem:s7], [sflag:s22] =	dma.local [hbm:s5], s20  }
0xa4: {  	_ =	swait.ge [sflag:s22], s20  }
0xa5: {  	s4 =	ssub.s32 $0x0, s20;
	[sflag:s22] =	ssyncset.done $0x0  }
0xa6: {  	[sflag:s22] =	ssyncadd.s32 s4;
	_ =	sdelay $0x1  }
0xa7: {  	s23 =	simm.s32 $0x1B8B  }
0xa8: {  	_ =	swait.ge [sflag:s23], $0x1  }
0xa9: {  	[sflag:s23] =	ssyncset.done $0x0  }
0xaa: {  	s25 =	simm.s32 $0x1B8E;
	s24 =	sld [smem:$0x3FFE];
	[sflag:s23] =	ssyncadd.s32 $0xFFFFFFFF  }
0xab: {  	s26 =	simm.s32 $execute0_lowered;
	[smem:$0x3FD2] =	sst s25  }
0xac: {  	s5 =	sshll.u32 s26, $0x1;
	_ =	strace $0x8000004F;
	[dreg:$0x1] =	wrdreg $0xFFFFFFFF  }
0xad: {  	s28 =	simm.s32 $_size_execute0_lowered;
	s3 =	sadd.s32 s3, s5;
	[dreg:$0x0] =	wrdreg $0x0  }
0xae: {  	s5 =	sshll.u32 s28, $0x1;
	[dreg:$0x2] =	wrdreg s3  }
0xaf: {  	[dreg:$0x3] =	wrdreg s5  }
0xb0: {  	[dreg:$0x4] =	wrdreg $0xC0  }
0xb1: {  	_ =	task [dreg:s7], $0x5FFFF  }
0xb2: {  	[dreg:$0x1] =	wrdreg $0xFFFFFFFF  }
0xb3: {  	[dreg:$0x0] =	wrdreg $0x60  }
0xb4: {  	[dreg:$0x2] =	wrdreg s24  }
0xb5: {  	[dreg:$0x3] =	wrdreg s16  }
0xb6: {  	[dreg:$0x4] =	wrdreg $0x9  }
0xb7: {  	_ =	task.clear_ibuf [dreg:s7], $0x5FFFF;
	_ =	strace $0x9000004F  }
0xb8: {  	s29 =	simm.s32 $0x9;
	_ =	strace $0x80000051  }
0xb9: {  	_ =	swait.ge [sflag:s29], $0x1  }
0xba: {  	[sflag:s29] =	ssyncadd.s32 $0xFFFFFFFF  }
0xbb: {  	_ =	strace $0x90000051  }
0xbc: {  	_ =	sfence  }
0xbd: {  	s30 =	sld [smem:$0x0];
	_ =	sdelay $0x2  }
0xbe: {  	s31 =	sshll.u32 s1, $0xD;
	s1 =	sshrl.u32 s1, $0x2  }
0xbf: {  	s3 =	sand.u32 $0x4000, s31;
	s1 =	sadd.s32 s1, s30  }
0xc0: {  	s0 =	sor.u32 s3, s0;
	s1 =	sshll.u32 s1, $0x11  }
0xc1: {  	s0 =	sor.u32 s1, s0  }
0xc2: {  	s0 =	sadd.s32 $0x8F2B, s0  }
0xc3: {  	[sflag:s0] =	ssyncadd.remote.s32 $0x1  }
0xc4: {  	_ =	sfence.sel $0xFFFF  }
0xc5: {  	[dreg:$0x0] =	wrdreg $0xFFFFFFFF;
	(pc) =	sbr.abs _section_cstart, $3  }
0xc6: {  	[dreg:$0x1] =	wrdreg $0xFFFFFFFF  }
0xc7: {  	_ =	task.clear_ibuf [dreg:s7], $0x2FFFF;
	_ =	strace $0x9FFFFFFF  }
0xc8: {  	(tm) =	ssettm $0x7FFFFFFF  }
0xc9: {  	_ =	shalt  }
tec
execute0_lowered:
.L_overlay_start_1:
0x0: {  	(tag) =	ssettag $0x1  }
0x1: {  	s1 =	srdreg.scid;
	s0 =	stileid.u32  }
0x2: {  	s4 =	sand.u32 $0x1, s1;
	s9 =	sshll.u32 s0, $0x1  }
0x3: {  	s1 =	sor.u32 s4, s9  }
0x4: {  	s2 =	smul.u32 $0x140, s1  }
0x5: {  	s3 =	rddreg [dreg:$0x1]  }
0x6: {  	s1 =	rddreg [dreg:$0x0];
	s5 =	sshrl.u32 s2, $0x3;
	s2 =	simm.s32 $0x0  }
0x7: {  	[smem:$0x7FF] =	sst s2;
	s3 =	sadd.s32 s3, s5  }
0x8: {  	s15 =	simm.s32 $0x980;
	_ =	strace $0x80000050;
	[dreg:$0x3] =	wrdreg s3  }
0x9: {  	s16 =	simm.s32 $0xD80;
	[dreg:$0x9] =	wrdreg s15  }
0xa: {  	s17 =	simm.s32 $0x1580;
	[dreg:$0xa] =	wrdreg s16  }
0xb: {  	s18 =	simm.s32 $0x1980;
	[dreg:$0xb] =	wrdreg s17  }
0xc: {  	s19 =	simm.s32 $0x2180;
	[dreg:$0xc] =	wrdreg s18  }
0xd: {  	s20 =	simm.s32 $0x2580;
	[dreg:$0xd] =	wrdreg s19  }
0xe: {  	s21 =	simm.s32 $0x2D80;
	[dreg:$0xe] =	wrdreg s20  }
0xf: {  	s22 =	simm.s32 $0x3180;
	[dreg:$0xf] =	wrdreg s21  }
0x10: {  	s23 =	simm.s32 $0x3980;
	[dreg:$0x10] =	wrdreg s22  }
0x11: {  	s24 =	simm.s32 $0x3D80;
	[dreg:$0x11] =	wrdreg s23  }
0x12: {  	s25 =	simm.s32 $0x4580;
	[dreg:$0x12] =	wrdreg s24  }
0x13: {  	s26 =	simm.s32 $0x4980;
	[dreg:$0x13] =	wrdreg s25  }
0x14: {  	s0 =	simm.s32 $0x5180;
	[dreg:$0x14] =	wrdreg s26  }
0x15: {  	s6 =	smul.u32 $0x180, s5;
	s5 =	simm.s32 $0x5580;
	[dreg:$0x15] =	wrdreg s0  }
0x16: {  	s7 =	simm.s32 $0x6980;
	[dreg:$0x16] =	wrdreg s5  }
0x17: {  	s8 =	simm.s32 $0x6D80;
	[dreg:$0x18] =	wrdreg s7  }
0x18: {  	s9 =	simm.s32 $0x7580;
	[dreg:$0x19] =	wrdreg s8  }
0x19: {  	[dreg:$0x1a] =	wrdreg s9;
	s15 =	simm.s32 $0x9980  }
0x1a: {  	s16 =	simm.s32 $0x9D80;
	[smem:$0x7DC] =	sst s15  }
0x1b: {  	s17 =	simm.s32 $0xA580;
	[smem:$0x7DD] =	sst s16  }
0x1c: {  	s18 =	simm.s32 $0xA980;
	[smem:$0x7DE] =	sst s17  }
0x1d: {  	s19 =	simm.s32 $0xB180;
	[smem:$0x7DF] =	sst s18  }
0x1e: {  	s20 =	simm.s32 $0xB580;
	[smem:$0x7E0] =	sst s19  }
0x1f: {  	s21 =	simm.s32 $0xBD80;
	[smem:$0x7E1] =	sst s20  }
0x20: {  	s22 =	simm.s32 $0xC980;
	[smem:$0x7E2] =	sst s21  }
0x21: {  	s23 =	simm.s32 $0xCD80;
	[smem:$0x7E3] =	sst s22  }
0x22: {  	s24 =	simm.s32 $0xD580;
	[smem:$0x7E4] =	sst s23  }
0x23: {  	s25 =	simm.s32 $0xD980;
	[smem:$0x7E5] =	sst s24  }
0x24: {  	s26 =	simm.s32 $0xE180;
	[smem:$0x7E6] =	sst s25  }
0x25: {  	s0 =	simm.s32 $0xE580;
	[smem:$0x7E7] =	sst s26  }
0x26: {  	s5 =	simm.s32 $0xED80;
	[smem:$0x7E8] =	sst s0  }
0x27: {  	s7 =	simm.s32 $0xF980;
	[smem:$0x7E9] =	sst s5  }
0x28: {  	s8 =	simm.s32 $0xFD80;
	[smem:$0x7EB] =	sst s7  }
0x29: {  	s9 =	simm.s32 $0x10580;
	[smem:$0x7EC] =	sst s8  }
0x2a: {  	[smem:$0x7ED] =	sst s9;
	s15 =	simm.s32 $0x12D80  }
0x2b: {  	s16 =	simm.s32 $0x13580;
	[smem:$0x7F3] =	sst s15  }
0x2c: {  	s17 =	simm.s32 $0x13980;
	[smem:$0x7F4] =	sst s16  }
0x2d: {  	s18 =	simm.s32 $0x14180;
	[smem:$0x7F5] =	sst s17  }
0x2e: {  	s28 =	simm.s32 $0x1D180;
	s20 =	simm.s32 $0x14580;
	[smem:$0x7F6] =	sst s18  }
0x2f: {  	s29 =	simm.s32 $0x1D580;
	s21 =	simm.s32 $0x14D80;
	[smem:$0x7F7] =	sst s20  }
0x30: {  	s30 =	simm.s32 $0x1DD80;
	s22 =	simm.s32 $0x15180;
	[smem:$0x7F8] =	sst s21  }
0x31: {  	s31 =	simm.s32 $0x1;
	s23 =	simm.s32 $0x15980;
	[smem:$0x7F9] =	sst s22  }
0x32: {  	s4 =	ssub.s32 $0x2, s4;
	s24 =	simm.s32 $0x15D80;
	[smem:$0x7FA] =	sst s23  }
0x33: {  	s3 =	sadd.s32 $0x7E400, s1;
	s25 =	simm.s32 $0x16580;
	[smem:$0x7FB] =	sst s24  }
0x34: {  	s6 =	sadd.s32 s6, s1;
	s26 =	simm.s32 $0x16980;
	[smem:$0x7FC] =	sst s25  }
0x35: {  	s19 =	sshrl.u32 s4, $0x1;
	s10 =	sadd.s32 $0x6400, s6;
	[smem:$0x7FD] =	sst s26  }
0x36: {  	s7 =	simm.s32 $0x180;
	s11 =	sadd.s32 $0x7000, s6;
	[dreg:$0x4] =	wrdreg s10  }
0x37: {  	s8 =	simm.s32 $0x6180;
	s12 =	sadd.s32 $0x7C00, s6;
	[dreg:$0x5] =	wrdreg s11  }
0x38: {  	s9 =	simm.s32 $0xC180;
	s13 =	sadd.s32 $0x8800, s6;
	[dreg:$0x6] =	wrdreg s12  }
0x39: {  	s14 =	sadd.s32 $0x9400, s6;
	s6 =	simm.s32 $0x5D80;
	[dreg:$0x7] =	wrdreg s13  }
0x3a: {  	s15 =	simm.s32 $0x18980;
	s16 =	simm.s32 $0x18D80;
	[dreg:$0x8] =	wrdreg s14  }
0x3b: {  	s17 =	simm.s32 $0x19580;
	[dreg:$0x17] =	wrdreg s6;
	s10 =	simm.s32 $0x7980  }
0x3c: {  	s18 =	simm.s32 $0x19980;
	s11 =	simm.s32 $0x8180;
	[dreg:$0x1b] =	wrdreg s10  }
0x3d: {  	s20 =	simm.s32 $0x1A580;
	s12 =	simm.s32 $0x8580;
	[dreg:$0x1c] =	wrdreg s11  }
0x3e: {  	s21 =	simm.s32 $0x1AD80;
	s13 =	simm.s32 $0x8D80;
	[dreg:$0x1d] =	wrdreg s12  }
0x3f: {  	s22 =	simm.s32 $0x1B180;
	s14 =	simm.s32 $0x9180;
	[dreg:$0x1e] =	wrdreg s13  }
0x40: {  	s23 =	simm.s32 $0x1B980;
	s6 =	simm.s32 $0xF180;
	[dreg:$0x1f] =	wrdreg s14  }
0x41: {  	s24 =	simm.s32 $0x1BD80;
	[smem:$0x7EA] =	sst s6;
	s10 =	simm.s32 $0x10980  }
0x42: {  	s25 =	simm.s32 $0x1C580;
	s11 =	simm.s32 $0x11180;
	[smem:$0x7EE] =	sst s10  }
0x43: {  	s26 =	simm.s32 $0x1C980;
	s12 =	simm.s32 $0x11580;
	[smem:$0x7EF] =	sst s11  }
0x44: {  	s13 =	simm.s32 $0x11D80;
	s14 =	simm.s32 $0x12980;
	[smem:$0x7F0] =	sst s12  }
0x45: {  	s6 =	ssub.s32 s4, s19;
	s4 =	sadd.s32 $0x7E500, s1;
	[smem:$0x7F1] =	sst s13  }
0x46: {  	v2 =	vlaneseq.u32;
	s19 =	simm.s32 $0x1A180;
	s1 =	simm.s32 $0x2;
	[smem:$0x7F2] =	sst s14  }
0x47: {  	vm0 =	vmmov $0xffff;
	vm1 =	vmmov $0xff;
	v1 =	vshrl.u32 v2, $0x3;
	s5 =	smax.u32 s6, $0x1;
	s6 =	simm.s32 $0x3;
	s10 =	simm.s32 $0x12180  }
0x48: {  	v0 =	vand.u32 $0x7, v2;
	v2 =	vor.u32 $0x8, v2;
	v1 =	vmul.u32 $0x8, v1;
	s12 =	simm.s32 $0x17580;
	s13 =	simm.s32 $0x17D80;
	s14 =	simm.s32 $0x18180  }
.LBB2_1:
0x49: {  	s0 =	rddreg [dreg:$0x3]  }
0x4a: {  	[tilespmem:s2], [sflag:$0x3] =	stream.linear.gather [hbm4b:s0+s2], $0x140, $0x38;
	[tilespmem:$0x1E180] =	vst v63  }
0x4b: {  	_ =	swait.ge [sflag:s6], $0x140  }
0x4c: {  	[sflag:s6] =	ssyncset.done $0x0  }
0x4d: {  	[sflag:s6] =	ssyncadd.s32 $0xFFFFFEC0  }
0x4e: {  	v3 =	vld [tilespmem:$0x0];
	_ =	sdelay $0x4  }
0x4f: {  	v4 =	vshrl.u32 v3, $0x3  }
0x50: {  	v4 =	vmul.u32 $0x18, v4  }
0x51: {  	v3 =	vand.u32 $0x7, v3  }
0x52: {  	v3 =	vor.u32 v3, v4  }
0x53: {  	v4 =	vperm.xlane v3, v0;
	_ =	sdelay $0x1  }
0x54: {  	v4 =	vadd.s32 v1, v4;
	_ =	sdelay $0x1  }
0x55: {  	v3 =	vperm.xlane v3, v2;
	_ =	sdelay $0x1  }
0x56: {  	v3 =	vadd.s32 v1, v3  }
0x57: {  	[tilespmem:s7], [sflag:$0x1] =	stream.indirect_vreg.gather [hbm4b:s3+s2], $0x80, v4, vm0, $0xb8;
	[tilespmem:$0x1E180] =	vst v63  }
0x58: {  	s0 =	rddreg [dreg:$0x9]  }
0x59: {  	[tilespmem:s0], [sflag:$0x1] =	stream.indirect_vreg.gather [hbm4b:s4+s2], $0x80, v4, vm1, $0xb8;
	[tilespmem:$0x1E180] =	vst v63  }
0x5a: {  	s11 =	rddreg [dreg:$0xa]  }
0x5b: {  	[tilespmem:s11], [sflag:$0x1] =	stream.indirect_vreg.gather [hbm4b:s3+s2], $0x80, v3, vm0, $0xb8;
	[tilespmem:$0x1E180] =	vst v63  }
0x5c: {  	s0 =	rddreg [dreg:$0xb]  }
0x5d: {  	[tilespmem:s0], [sflag:$0x1] =	stream.indirect_vreg.gather [hbm4b:s4+s2], $0x80, v3, vm1, $0xb8;
	[tilespmem:$0x1E180] =	vst v63  }
0x5e: {  	v3 =	vld [tilespmem:$0x10];
	_ =	sdelay $0x4  }
0x5f: {  	v45 =	vshrl.u32 v3, $0x3  }
0x60: {  	v4 =	vmul.u32 $0x18, v45  }
0x61: {  	v3 =	vand.u32 $0x7, v3  }
0x62: {  	v3 =	vor.u32 v3, v4  }
0x63: {  	v4 =	vperm.xlane v3, v0;
	_ =	sdelay $0x1  }
0x64: {  	v4 =	vadd.s32 v1, v4;
	_ =	sdelay $0x1  }
0x65: {  	v3 =	vperm.xlane v3, v2;
	_ =	sdelay $0x1  }
0x66: {  	s0 =	rddreg [dreg:$0xc];
	v3 =	vadd.s32 v1, v3  }
0x67: {  	[tilespmem:s0], [sflag:$0x1] =	stream.indirect_vreg.gather [hbm4b:s3+s2], $0x80, v4, vm0, $0xb8;
	[tilespmem:$0x1E180] =	vst v63  }
0x68: {  	s11 =	rddreg [dreg:$0xd]  }
0x69: {  	[tilespmem:s11], [sflag:$0x1] =	stream.indirect_vreg.gather [hbm4b:s4+s2], $0x80, v4, vm1, $0xb8;
	[tilespmem:$0x1E180] =	vst v63  }
0x6a: {  	s0 =	rddreg [dreg:$0xe]  }
0x6b: {  	[tilespmem:s0], [sflag:$0x1] =	stream.indirect_vreg.gather [hbm4b:s3+s2], $0x80, v3, vm0, $0xb8;
	[tilespmem:$0x1E180] =	vst v63  }
0x6c: {  	s11 =	rddreg [dreg:$0xf]  }
0x6d: {  	[tilespmem:s11], [sflag:$0x1] =	stream.indirect_vreg.gather [hbm4b:s4+s2], $0x80, v3, vm1, $0xb8;
	[tilespmem:$0x1E180] =	vst v63  }
0x6e: {  	v3 =	vld [tilespmem:$0x20];
	_ =	sdelay $0x4  }
0x6f: {  	v46 =	vshrl.u32 v3, $0x3  }
0x70: {  	v4 =	vmul.u32 $0x18, v46  }
0x71: {  	v3 =	vand.u32 $0x7, v3  }
0x72: {  	v3 =	vor.u32 v3, v4  }
0x73: {  	v4 =	vperm.xlane v3, v0;
	_ =	sdelay $0x1  }
0x74: {  	v4 =	vadd.s32 v1, v4;
	_ =	sdelay $0x1  }
0x75: {  	v3 =	vperm.xlane v3, v2;
	_ =	sdelay $0x1  }
0x76: {  	s0 =	rddreg [dreg:$0x10];
	v3 =	vadd.s32 v1, v3  }
0x77: {  	[tilespmem:s0], [sflag:$0x1] =	stream.indirect_vreg.gather [hbm4b:s3+s2], $0x80, v4, vm0, $0xb8;
	[tilespmem:$0x1E180] =	vst v63  }
0x78: {  	s11 =	rddreg [dreg:$0x11]  }
0x79: {  	[tilespmem:s11], [sflag:$0x1] =	stream.indirect_vreg.gather [hbm4b:s4+s2], $0x80, v4, vm1, $0xb8;
	[tilespmem:$0x1E180] =	vst v63  }
0x7a: {  	s0 =	rddreg [dreg:$0x12]  }
0x7b: {  	[tilespmem:s0], [sflag:$0x1] =	stream.indirect_vreg.gather [hbm4b:s3+s2], $0x80, v3, vm0, $0xb8;
	[tilespmem:$0x1E180] =	vst v63  }
0x7c: {  	s11 =	rddreg [dreg:$0x13]  }
0x7d: {  	[tilespmem:s11], [sflag:$0x1] =	stream.indirect_vreg.gather [hbm4b:s4+s2], $0x80, v3, vm1, $0xb8;
	[tilespmem:$0x1E180] =	vst v63  }
0x7e: {  	v3 =	vld [tilespmem:$0x30];
	_ =	sdelay $0x4  }
0x7f: {  	v47 =	vshrl.u32 v3, $0x3  }
0x80: {  	v4 =	vmul.u32 $0x18, v47  }
0x81: {  	v3 =	vand.u32 $0x7, v3  }
0x82: {  	v3 =	vor.u32 v3, v4  }
0x83: {  	v4 =	vperm.xlane v3, v0;
	_ =	sdelay $0x1  }
0x84: {  	v4 =	vadd.s32 v1, v4;
	_ =	sdelay $0x1  }
0x85: {  	v3 =	vperm.xlane v3, v2;
	_ =	sdelay $0x1  }
0x86: {  	s0 =	rddreg [dreg:$0x14];
	v3 =	vadd.s32 v1, v3  }
0x87: {  	[tilespmem:s0], [sflag:$0x1] =	stream.indirect_vreg.gather [hbm4b:s3+s2], $0x80, v4, vm0, $0xb8;
	[tilespmem:$0x1E180] =	vst v63  }
0x88: {  	s11 =	rddreg [dreg:$0x15]  }
0x89: {  	[tilespmem:s11], [sflag:$0x1] =	stream.indirect_vreg.gather [hbm4b:s4+s2], $0x80, v4, vm1, $0xb8;
	[tilespmem:$0x1E180] =	vst v63  }
0x8a: {  	s0 =	rddreg [dreg:$0x16]  }
0x8b: {  	[tilespmem:s0], [sflag:$0x1] =	stream.indirect_vreg.gather [hbm4b:s3+s2], $0x80, v3, vm0, $0xb8;
	[tilespmem:$0x1E180] =	vst v63  }
0x8c: {  	s11 =	rddreg [dreg:$0x17]  }
0x8d: {  	[tilespmem:s11], [sflag:$0x1] =	stream.indirect_vreg.gather [hbm4b:s4+s2], $0x80, v3, vm1, $0xb8;
	[tilespmem:$0x1E180] =	vst v63  }
0x8e: {  	v3 =	vld [tilespmem:$0x40];
	_ =	sdelay $0x4  }
0x8f: {  	v48 =	vshrl.u32 v3, $0x3  }
0x90: {  	v4 =	vmul.u32 $0x18, v48  }
0x91: {  	v3 =	vand.u32 $0x7, v3  }
0x92: {  	v3 =	vor.u32 v3, v4  }
0x93: {  	v4 =	vperm.xlane v3, v0;
	_ =	sdelay $0x1  }
0x94: {  	v4 =	vadd.s32 v1, v4;
	_ =	sdelay $0x1  }
0x95: {  	v3 =	vperm.xlane v3, v2;
	_ =	sdelay $0x1  }
0x96: {  	v3 =	vadd.s32 v1, v3  }
0x97: {  	[tilespmem:s8], [sflag:$0x1] =	stream.indirect_vreg.gather [hbm4b:s3+s2], $0x80, v4, vm0, $0xb8;
	[tilespmem:$0x1E180] =	vst v63  }
0x98: {  	s0 =	rddreg [dreg:$0x18]  }
0x99: {  	[tilespmem:s0], [sflag:$0x1] =	stream.indirect_vreg.gather [hbm4b:s4+s2], $0x80, v4, vm1, $0xb8;
	[tilespmem:$0x1E180] =	vst v63  }
0x9a: {  	s11 =	rddreg [dreg:$0x19]  }
0x9b: {  	[tilespmem:s11], [sflag:$0x1] =	stream.indirect_vreg.gather [hbm4b:s3+s2], $0x80, v3, vm0, $0xb8;
	[tilespmem:$0x1E180] =	vst v63  }
0x9c: {  	s0 =	rddreg [dreg:$0x1a]  }
0x9d: {  	[tilespmem:s0], [sflag:$0x1] =	stream.indirect_vreg.gather [hbm4b:s4+s2], $0x80, v3, vm1, $0xb8;
	[tilespmem:$0x1E180] =	vst v63  }
0x9e: {  	v3 =	vld [tilespmem:$0x50];
	_ =	sdelay $0x4  }
0x9f: {  	v49 =	vshrl.u32 v3, $0x3  }
0xa0: {  	v4 =	vmul.u32 $0x18, v49  }
0xa1: {  	v3 =	vand.u32 $0x7, v3  }
0xa2: {  	v3 =	vor.u32 v3, v4  }
0xa3: {  	v4 =	vperm.xlane v3, v0;
	_ =	sdelay $0x1  }
0xa4: {  	v4 =	vadd.s32 v1, v4;
	_ =	sdelay $0x1  }
0xa5: {  	v3 =	vperm.xlane v3, v2;
	_ =	sdelay $0x1  }
0xa6: {  	s0 =	rddreg [dreg:$0x1b];
	v3 =	vadd.s32 v1, v3  }
0xa7: {  	[tilespmem:s0], [sflag:$0x1] =	stream.indirect_vreg.gather [hbm4b:s3+s2], $0x80, v4, vm0, $0xb8;
	[tilespmem:$0x1E180] =	vst v63  }
0xa8: {  	s11 =	rddreg [dreg:$0x1c]  }
0xa9: {  	[tilespmem:s11], [sflag:$0x1] =	stream.indirect_vreg.gather [hbm4b:s4+s2], $0x80, v4, vm1, $0xb8;
	[tilespmem:$0x1E180] =	vst v63  }
0xaa: {  	s0 =	rddreg [dreg:$0x1d]  }
0xab: {  	[tilespmem:s0], [sflag:$0x1] =	stream.indirect_vreg.gather [hbm4b:s3+s2], $0x80, v3, vm0, $0xb8;
	[tilespmem:$0x1E180] =	vst v63  }
0xac: {  	s11 =	rddreg [dreg:$0x1e]  }
0xad: {  	[tilespmem:s11], [sflag:$0x1] =	stream.indirect_vreg.gather [hbm4b:s4+s2], $0x80, v3, vm1, $0xb8;
	[tilespmem:$0x1E180] =	vst v63  }
0xae: {  	v3 =	vld [tilespmem:$0x60];
	_ =	sdelay $0x4  }
0xaf: {  	v50 =	vshrl.u32 v3, $0x3  }
0xb0: {  	v4 =	vmul.u32 $0x18, v50  }
0xb1: {  	v3 =	vand.u32 $0x7, v3  }
0xb2: {  	v3 =	vor.u32 v3, v4  }
0xb3: {  	v4 =	vperm.xlane v3, v0;
	_ =	sdelay $0x1  }
0xb4: {  	v4 =	vadd.s32 v1, v4;
	_ =	sdelay $0x1  }
0xb5: {  	v3 =	vperm.xlane v3, v2  }
0xb6: {  	s0 =	rddreg [dreg:$0x1f]  }
0xb7: {  	s11 =	sld [smem:$0x7DC];
	v3 =	vadd.s32 v1, v3  }
0xb8: {  	[tilespmem:s0], [sflag:$0x1] =	stream.indirect_vreg.gather [hbm4b:s3+s2], $0x80, v4, vm0, $0xb8;
	[tilespmem:$0x1E180] =	vst v63  }
0xb9: {  	s0 =	sld [smem:$0x7DD]  }
0xba: {  	[tilespmem:s11], [sflag:$0x1] =	stream.indirect_vreg.gather [hbm4b:s4+s2], $0x80, v4, vm1, $0xb8;
	[tilespmem:$0x1E180] =	vst v63  }
0xbb: {  	s11 =	sld [smem:$0x7DE]  }
0xbc: {  	[tilespmem:s0], [sflag:$0x1] =	stream.indirect_vreg.gather [hbm4b:s3+s2], $0x80, v3, vm0, $0xb8;
	[tilespmem:$0x1E180] =	vst v63  }
0xbd: {  	_ = 	snop  }
0xbe: {  	[tilespmem:s11], [sflag:$0x1] =	stream.indirect_vreg.gather [hbm4b:s4+s2], $0x80, v3, vm1, $0xb8;
	[tilespmem:$0x1E180] =	vst v63  }
0xbf: {  	v3 =	vld [tilespmem:$0x70];
	_ =	sdelay $0x4  }
0xc0: {  	v51 =	vshrl.u32 v3, $0x3  }
0xc1: {  	v4 =	vmul.u32 $0x18, v51  }
0xc2: {  	v3 =	vand.u32 $0x7, v3  }
0xc3: {  	v3 =	vor.u32 v3, v4  }
0xc4: {  	v4 =	vperm.xlane v3, v0;
	_ =	sdelay $0x1  }
0xc5: {  	v4 =	vadd.s32 v1, v4;
	_ =	sdelay $0x1  }
0xc6: {  	s0 =	sld [smem:$0x7DF];
	v3 =	vperm.xlane v3, v2;
	_ =	sdelay $0x1  }
0xc7: {  	s11 =	sld [smem:$0x7E0];
	v3 =	vadd.s32 v1, v3  }
0xc8: {  	[tilespmem:s0], [sflag:$0x1] =	stream.indirect_vreg.gather [hbm4b:s3+s2], $0x80, v4, vm0, $0xb8;
	[tilespmem:$0x1E180] =	vst v63  }
0xc9: {  	s0 =	sld [smem:$0x7E1]  }
0xca: {  	[tilespmem:s11], [sflag:$0x1] =	stream.indirect_vreg.gather [hbm4b:s4+s2], $0x80, v4, vm1, $0xb8;
	[tilespmem:$0x1E180] =	vst v63  }
0xcb: {  	s11 =	sld [smem:$0x7E2]  }
0xcc: {  	[tilespmem:s0], [sflag:$0x1] =	stream.indirect_vreg.gather [hbm4b:s3+s2], $0x80, v3, vm0, $0xb8;
	[tilespmem:$0x1E180] =	vst v63  }
0xcd: {  	_ = 	snop  }
0xce: {  	[tilespmem:s11], [sflag:$0x1] =	stream.indirect_vreg.gather [hbm4b:s4+s2], $0x80, v3, vm1, $0xb8;
	[tilespmem:$0x1E180] =	vst v63  }
0xcf: {  	v3 =	vld [tilespmem:$0x80];
	_ =	sdelay $0x4  }
0xd0: {  	v52 =	vshrl.u32 v3, $0x3  }
0xd1: {  	v4 =	vmul.u32 $0x18, v52  }
0xd2: {  	v3 =	vand.u32 $0x7, v3  }
0xd3: {  	v3 =	vor.u32 v3, v4  }
0xd4: {  	v4 =	vperm.xlane v3, v0;
	_ =	sdelay $0x1  }
0xd5: {  	v4 =	vadd.s32 v1, v4;
	_ =	sdelay $0x1  }
0xd6: {  	v3 =	vperm.xlane v3, v2;
	_ =	sdelay $0x1  }
0xd7: {  	s0 =	sld [smem:$0x7E3];
	v3 =	vadd.s32 v1, v3  }
0xd8: {  	[tilespmem:s9], [sflag:$0x1] =	stream.indirect_vreg.gather [hbm4b:s3+s2], $0x80, v4, vm0, $0xb8;
	[tilespmem:$0x1E180] =	vst v63  }
0xd9: {  	s11 =	sld [smem:$0x7E4]  }
0xda: {  	[tilespmem:s0], [sflag:$0x1] =	stream.indirect_vreg.gather [hbm4b:s4+s2], $0x80, v4, vm1, $0xb8;
	[tilespmem:$0x1E180] =	vst v63  }
0xdb: {  	s0 =	sld [smem:$0x7E5]  }
0xdc: {  	[tilespmem:s11], [sflag:$0x1] =	stream.indirect_vreg.gather [hbm4b:s3+s2], $0x80, v3, vm0, $0xb8;
	[tilespmem:$0x1E180] =	vst v63  }
0xdd: {  	_ = 	snop  }
0xde: {  	[tilespmem:s0], [sflag:$0x1] =	stream.indirect_vreg.gather [hbm4b:s4+s2], $0x80, v3, vm1, $0xb8;
	[tilespmem:$0x1E180] =	vst v63  }
0xdf: {  	v3 =	vld [tilespmem:$0x90];
	_ =	sdelay $0x4  }
0xe0: {  	v53 =	vshrl.u32 v3, $0x3  }
0xe1: {  	v4 =	vmul.u32 $0x18, v53  }
0xe2: {  	v3 =	vand.u32 $0x7, v3  }
0xe3: {  	v3 =	vor.u32 v3, v4  }
0xe4: {  	v4 =	vperm.xlane v3, v0;
	_ =	sdelay $0x1  }
0xe5: {  	v4 =	vadd.s32 v1, v4;
	_ =	sdelay $0x1  }
0xe6: {  	s0 =	sld [smem:$0x7E6];
	v3 =	vperm.xlane v3, v2;
	_ =	sdelay $0x1  }
0xe7: {  	s11 =	sld [smem:$0x7E7];
	v3 =	vadd.s32 v1, v3  }
0xe8: {  	[tilespmem:s0], [sflag:$0x1] =	stream.indirect_vreg.gather [hbm4b:s3+s2], $0x80, v4, vm0, $0xb8;
	[tilespmem:$0x1E180] =	vst v63  }
0xe9: {  	s0 =	sld [smem:$0x7E8]  }
0xea: {  	[tilespmem:s11], [sflag:$0x1] =	stream.indirect_vreg.gather [hbm4b:s4+s2], $0x80, v4, vm1, $0xb8;
	[tilespmem:$0x1E180] =	vst v63  }
0xeb: {  	s11 =	sld [smem:$0x7E9]  }
0xec: {  	[tilespmem:s0], [sflag:$0x1] =	stream.indirect_vreg.gather [hbm4b:s3+s2], $0x80, v3, vm0, $0xb8;
	[tilespmem:$0x1E180] =	vst v63  }
0xed: {  	_ = 	snop  }
0xee: {  	[tilespmem:s11], [sflag:$0x1] =	stream.indirect_vreg.gather [hbm4b:s4+s2], $0x80, v3, vm1, $0xb8;
	[tilespmem:$0x1E180] =	vst v63  }
0xef: {  	v3 =	vld [tilespmem:$0xA0];
	_ =	sdelay $0x4  }
0xf0: {  	v54 =	vshrl.u32 v3, $0x3  }
0xf1: {  	v4 =	vmul.u32 $0x18, v54  }
0xf2: {  	v3 =	vand.u32 $0x7, v3  }
0xf3: {  	v3 =	vor.u32 v3, v4  }
0xf4: {  	v4 =	vperm.xlane v3, v0;
	_ =	sdelay $0x1  }
0xf5: {  	v4 =	vadd.s32 v1, v4;
	_ =	sdelay $0x1  }
0xf6: {  	s0 =	sld [smem:$0x7EA];
	v3 =	vperm.xlane v3, v2;
	_ =	sdelay $0x1  }
0xf7: {  	s11 =	sld [smem:$0x7EB];
	v3 =	vadd.s32 v1, v3  }
0xf8: {  	[tilespmem:s0], [sflag:$0x1] =	stream.indirect_vreg.gather [hbm4b:s3+s2], $0x80, v4, vm0, $0xb8;
	[tilespmem:$0x1E180] =	vst v63  }
0xf9: {  	s0 =	sld [smem:$0x7EC]  }
0xfa: {  	[tilespmem:s11], [sflag:$0x1] =	stream.indirect_vreg.gather [hbm4b:s4+s2], $0x80, v4, vm1, $0xb8;
	[tilespmem:$0x1E180] =	vst v63  }
0xfb: {  	s11 =	sld [smem:$0x7ED]  }
0xfc: {  	[tilespmem:s0], [sflag:$0x1] =	stream.indirect_vreg.gather [hbm4b:s3+s2], $0x80, v3, vm0, $0xb8;
	[tilespmem:$0x1E180] =	vst v63  }
0xfd: {  	_ = 	snop  }
0xfe: {  	[tilespmem:s11], [sflag:$0x1] =	stream.indirect_vreg.gather [hbm4b:s4+s2], $0x80, v3, vm1, $0xb8;
	[tilespmem:$0x1E180] =	vst v63  }
0xff: {  	v3 =	vld [tilespmem:$0xB0];
	_ =	sdelay $0x4  }
0x100: {  	v55 =	vshrl.u32 v3, $0x3  }
0x101: {  	v4 =	vmul.u32 $0x18, v55  }
0x102: {  	v3 =	vand.u32 $0x7, v3  }
0x103: {  	v3 =	vor.u32 v3, v4  }
0x104: {  	v4 =	vperm.xlane v3, v0;
	_ =	sdelay $0x1  }
0x105: {  	v4 =	vadd.s32 v1, v4;
	_ =	sdelay $0x1  }
0x106: {  	s0 =	sld [smem:$0x7EE];
	v3 =	vperm.xlane v3, v2;
	_ =	sdelay $0x1  }
0x107: {  	s11 =	sld [smem:$0x7EF];
	v3 =	vadd.s32 v1, v3  }
0x108: {  	[tilespmem:s0], [sflag:$0x1] =	stream.indirect_vreg.gather [hbm4b:s3+s2], $0x80, v4, vm0, $0xb8;
	[tilespmem:$0x1E180] =	vst v63  }
0x109: {  	s0 =	sld [smem:$0x7F0]  }
0x10a: {  	[tilespmem:s11], [sflag:$0x1] =	stream.indirect_vreg.gather [hbm4b:s4+s2], $0x80, v4, vm1, $0xb8;
	[tilespmem:$0x1E180] =	vst v63  }
0x10b: {  	s11 =	sld [smem:$0x7F1]  }
0x10c: {  	[tilespmem:s0], [sflag:$0x1] =	stream.indirect_vreg.gather [hbm4b:s3+s2], $0x80, v3, vm0, $0xb8;
	[tilespmem:$0x1E180] =	vst v63  }
0x10d: {  	_ = 	snop  }
0x10e: {  	[tilespmem:s11], [sflag:$0x1] =	stream.indirect_vreg.gather [hbm4b:s4+s2], $0x80, v3, vm1, $0xb8;
	[tilespmem:$0x1E180] =	vst v63  }
0x10f: {  	v3 =	vld [tilespmem:$0xC0];
	_ =	sdelay $0x4  }
0x110: {  	v56 =	vshrl.u32 v3, $0x3  }
0x111: {  	v4 =	vmul.u32 $0x18, v56  }
0x112: {  	v3 =	vand.u32 $0x7, v3  }
0x113: {  	v3 =	vor.u32 v3, v4  }
0x114: {  	v4 =	vperm.xlane v3, v0;
	_ =	sdelay $0x1  }
0x115: {  	v4 =	vadd.s32 v1, v4;
	_ =	sdelay $0x1  }
0x116: {  	v3 =	vperm.xlane v3, v2;
	_ =	sdelay $0x1  }
0x117: {  	s0 =	sld [smem:$0x7F2];
	v3 =	vadd.s32 v1, v3  }
0x118: {  	[tilespmem:s10], [sflag:$0x1] =	stream.indirect_vreg.gather [hbm4b:s3+s2], $0x80, v4, vm0, $0xb8;
	[tilespmem:$0x1E180] =	vst v63  }
0x119: {  	s11 =	sld [smem:$0x7F3]  }
0x11a: {  	[tilespmem:s0], [sflag:$0x1] =	stream.indirect_vreg.gather [hbm4b:s4+s2], $0x80, v4, vm1, $0xb8;
	[tilespmem:$0x1E180] =	vst v63  }
0x11b: {  	s0 =	sld [smem:$0x7F4]  }
0x11c: {  	[tilespmem:s11], [sflag:$0x1] =	stream.indirect_vreg.gather [hbm4b:s3+s2], $0x80, v3, vm0, $0xb8;
	[tilespmem:$0x1E180] =	vst v63  }
0x11d: {  	_ = 	snop  }
0x11e: {  	[tilespmem:s0], [sflag:$0x1] =	stream.indirect_vreg.gather [hbm4b:s4+s2], $0x80, v3, vm1, $0xb8;
	[tilespmem:$0x1E180] =	vst v63  }
0x11f: {  	v3 =	vld [tilespmem:$0xD0];
	_ =	sdelay $0x4  }
0x120: {  	v57 =	vshrl.u32 v3, $0x3  }
0x121: {  	v4 =	vmul.u32 $0x18, v57  }
0x122: {  	v3 =	vand.u32 $0x7, v3  }
0x123: {  	v3 =	vor.u32 v3, v4  }
0x124: {  	v4 =	vperm.xlane v3, v0;
	_ =	sdelay $0x1  }
0x125: {  	v4 =	vadd.s32 v1, v4;
	_ =	sdelay $0x1  }
0x126: {  	s0 =	sld [smem:$0x7F5];
	v3 =	vperm.xlane v3, v2;
	_ =	sdelay $0x1  }
0x127: {  	s11 =	sld [smem:$0x7F6];
	v3 =	vadd.s32 v1, v3  }
0x128: {  	[tilespmem:s0], [sflag:$0x1] =	stream.indirect_vreg.gather [hbm4b:s3+s2], $0x80, v4, vm0, $0xb8;
	[tilespmem:$0x1E180] =	vst v63  }
0x129: {  	s0 =	sld [smem:$0x7F7]  }
0x12a: {  	[tilespmem:s11], [sflag:$0x1] =	stream.indirect_vreg.gather [hbm4b:s4+s2], $0x80, v4, vm1, $0xb8;
	[tilespmem:$0x1E180] =	vst v63  }
0x12b: {  	s11 =	sld [smem:$0x7F8]  }
0x12c: {  	[tilespmem:s0], [sflag:$0x1] =	stream.indirect_vreg.gather [hbm4b:s3+s2], $0x80, v3, vm0, $0xb8;
	[tilespmem:$0x1E180] =	vst v63  }
0x12d: {  	_ = 	snop  }
0x12e: {  	[tilespmem:s11], [sflag:$0x1] =	stream.indirect_vreg.gather [hbm4b:s4+s2], $0x80, v3, vm1, $0xb8;
	[tilespmem:$0x1E180] =	vst v63  }
0x12f: {  	v3 =	vld [tilespmem:$0xE0];
	_ =	sdelay $0x4  }
0x130: {  	v58 =	vshrl.u32 v3, $0x3  }
0x131: {  	v4 =	vmul.u32 $0x18, v58  }
0x132: {  	v3 =	vand.u32 $0x7, v3  }
0x133: {  	v3 =	vor.u32 v3, v4  }
0x134: {  	v4 =	vperm.xlane v3, v0;
	_ =	sdelay $0x1  }
0x135: {  	v4 =	vadd.s32 v1, v4;
	_ =	sdelay $0x1  }
0x136: {  	s0 =	sld [smem:$0x7F9];
	v3 =	vperm.xlane v3, v2;
	_ =	sdelay $0x1  }
0x137: {  	s11 =	sld [smem:$0x7FA];
	v3 =	vadd.s32 v1, v3  }
0x138: {  	[tilespmem:s0], [sflag:$0x1] =	stream.indirect_vreg.gather [hbm4b:s3+s2], $0x80, v4, vm0, $0xb8;
	[tilespmem:$0x1E180] =	vst v63  }
0x139: {  	s0 =	sld [smem:$0x7FB]  }
0x13a: {  	[tilespmem:s11], [sflag:$0x1] =	stream.indirect_vreg.gather [hbm4b:s4+s2], $0x80, v4, vm1, $0xb8;
	[tilespmem:$0x1E180] =	vst v63  }
0x13b: {  	s11 =	sld [smem:$0x7FC]  }
0x13c: {  	[tilespmem:s0], [sflag:$0x1] =	stream.indirect_vreg.gather [hbm4b:s3+s2], $0x80, v3, vm0, $0xb8;
	[tilespmem:$0x1E180] =	vst v63  }
0x13d: {  	_ = 	snop  }
0x13e: {  	[tilespmem:s11], [sflag:$0x1] =	stream.indirect_vreg.gather [hbm4b:s4+s2], $0x80, v3, vm1, $0xb8;
	[tilespmem:$0x1E180] =	vst v63  }
0x13f: {  	v3 =	vld [tilespmem:$0xF0];
	_ =	sdelay $0x4  }
0x140: {  	v59 =	vshrl.u32 v3, $0x3  }
0x141: {  	v4 =	vmul.u32 $0x18, v59  }
0x142: {  	v3 =	vand.u32 $0x7, v3  }
0x143: {  	v3 =	vor.u32 v3, v4  }
0x144: {  	v4 =	vperm.xlane v3, v0;
	_ =	sdelay $0x1  }
0x145: {  	v4 =	vadd.s32 v1, v4;
	_ =	sdelay $0x1  }
0x146: {  	s11 =	sld [smem:$0x7FD];
	v3 =	vperm.xlane v3, v2;
	_ =	sdelay $0x1  }
0x147: {  	v3 =	vadd.s32 v1, v3  }
0x148: {  	[tilespmem:s11], [sflag:$0x1] =	stream.indirect_vreg.gather [hbm4b:s3+s2], $0x80, v4, vm0, $0xb8;
	[tilespmem:$0x1E180] =	vst v63  }
0x149: {  	s11 =	simm.s32 $0x17180  }
0x14a: {  	[tilespmem:s11], [sflag:$0x1] =	stream.indirect_vreg.gather [hbm4b:s4+s2], $0x80, v4, vm1, $0xb8;
	[tilespmem:$0x1E180] =	vst v63  }
0x14b: {  	_ = 	snop  }
0x14c: {  	[tilespmem:s12], [sflag:$0x1] =	stream.indirect_vreg.gather [hbm4b:s3+s2], $0x80, v3, vm0, $0xb8;
	[tilespmem:$0x1E180] =	vst v63  }
0x14d: {  	_ = 	snop  }
0x14e: {  	[tilespmem:s13], [sflag:$0x1] =	stream.indirect_vreg.gather [hbm4b:s4+s2], $0x80, v3, vm1, $0xb8;
	[tilespmem:$0x1E180] =	vst v63  }
0x14f: {  	v3 =	vld [tilespmem:$0x100];
	_ =	sdelay $0x4  }
0x150: {  	v60 =	vshrl.u32 v3, $0x3  }
0x151: {  	v4 =	vmul.u32 $0x18, v60  }
0x152: {  	v3 =	vand.u32 $0x7, v3  }
0x153: {  	v3 =	vor.u32 v3, v4  }
0x154: {  	v4 =	vperm.xlane v3, v0;
	_ =	sdelay $0x1  }
0x155: {  	v4 =	vadd.s32 v1, v4;
	_ =	sdelay $0x1  }
0x156: {  	v3 =	vperm.xlane v3, v2;
	_ =	sdelay $0x1  }
0x157: {  	v3 =	vadd.s32 v1, v3  }
0x158: {  	[tilespmem:s14], [sflag:$0x1] =	stream.indirect_vreg.gather [hbm4b:s3+s2], $0x80, v4, vm0, $0xb8;
	[tilespmem:$0x1E180] =	vst v63  }
0x159: {  	_ = 	snop  }
0x15a: {  	[tilespmem:s15], [sflag:$0x1] =	stream.indirect_vreg.gather [hbm4b:s4+s2], $0x80, v4, vm1, $0xb8;
	[tilespmem:$0x1E180] =	vst v63  }
0x15b: {  	_ = 	snop  }
0x15c: {  	[tilespmem:s16], [sflag:$0x1] =	stream.indirect_vreg.gather [hbm4b:s3+s2], $0x80, v3, vm0, $0xb8;
	[tilespmem:$0x1E180] =	vst v63  }
0x15d: {  	_ = 	snop  }
0x15e: {  	[tilespmem:s17], [sflag:$0x1] =	stream.indirect_vreg.gather [hbm4b:s4+s2], $0x80, v3, vm1, $0xb8;
	[tilespmem:$0x1E180] =	vst v63  }
0x15f: {  	v3 =	vld [tilespmem:$0x110];
	_ =	sdelay $0x4  }
0x160: {  	v61 =	vshrl.u32 v3, $0x3  }
0x161: {  	v4 =	vmul.u32 $0x18, v61  }
0x162: {  	v3 =	vand.u32 $0x7, v3  }
0x163: {  	v3 =	vor.u32 v3, v4  }
0x164: {  	v4 =	vperm.xlane v3, v0;
	_ =	sdelay $0x1  }
0x165: {  	v4 =	vadd.s32 v1, v4;
	_ =	sdelay $0x1  }
0x166: {  	v3 =	vperm.xlane v3, v2;
	_ =	sdelay $0x1  }
0x167: {  	v3 =	vadd.s32 v1, v3  }
0x168: {  	[tilespmem:s18], [sflag:$0x1] =	stream.indirect_vreg.gather [hbm4b:s3+s2], $0x80, v4, vm0, $0xb8;
	[tilespmem:$0x1E180] =	vst v63  }
0x169: {  	_ = 	snop  }
0x16a: {  	[tilespmem:s19], [sflag:$0x1] =	stream.indirect_vreg.gather [hbm4b:s4+s2], $0x80, v4, vm1, $0xb8;
	[tilespmem:$0x1E180] =	vst v63  }
0x16b: {  	_ = 	snop  }
0x16c: {  	[tilespmem:s20], [sflag:$0x1] =	stream.indirect_vreg.gather [hbm4b:s3+s2], $0x80, v3, vm0, $0xb8;
	[tilespmem:$0x1E180] =	vst v63  }
0x16d: {  	_ = 	snop  }
0x16e: {  	[tilespmem:s21], [sflag:$0x1] =	stream.indirect_vreg.gather [hbm4b:s4+s2], $0x80, v3, vm1, $0xb8;
	[tilespmem:$0x1E180] =	vst v63  }
0x16f: {  	v3 =	vld [tilespmem:$0x120];
	_ =	sdelay $0x4  }
0x170: {  	v62 =	vshrl.u32 v3, $0x3  }
0x171: {  	v4 =	vmul.u32 $0x18, v62  }
0x172: {  	v3 =	vand.u32 $0x7, v3  }
0x173: {  	v3 =	vor.u32 v3, v4  }
0x174: {  	v4 =	vperm.xlane v3, v0;
	_ =	sdelay $0x1  }
0x175: {  	v4 =	vadd.s32 v1, v4;
	_ =	sdelay $0x1  }
0x176: {  	v3 =	vperm.xlane v3, v2;
	_ =	sdelay $0x1  }
0x177: {  	v3 =	vadd.s32 v1, v3  }
0x178: {  	[tilespmem:s22], [sflag:$0x1] =	stream.indirect_vreg.gather [hbm4b:s3+s2], $0x80, v4, vm0, $0xb8;
	[tilespmem:$0x1E180] =	vst v63  }
0x179: {  	_ = 	snop  }
0x17a: {  	[tilespmem:s23], [sflag:$0x1] =	stream.indirect_vreg.gather [hbm4b:s4+s2], $0x80, v4, vm1, $0xb8;
	[tilespmem:$0x1E180] =	vst v63  }
0x17b: {  	_ = 	snop  }
0x17c: {  	[tilespmem:s24], [sflag:$0x1] =	stream.indirect_vreg.gather [hbm4b:s3+s2], $0x80, v3, vm0, $0xb8;
	[tilespmem:$0x1E180] =	vst v63  }
0x17d: {  	_ = 	snop  }
0x17e: {  	[tilespmem:s25], [sflag:$0x1] =	stream.indirect_vreg.gather [hbm4b:s4+s2], $0x80, v3, vm1, $0xb8;
	[tilespmem:$0x1E180] =	vst v63  }
0x17f: {  	v3 =	vld [tilespmem:$0x130];
	_ =	sdelay $0x4  }
0x180: {  	v63 =	vshrl.u32 v3, $0x3  }
0x181: {  	v4 =	vmul.u32 $0x18, v63  }
0x182: {  	v3 =	vand.u32 $0x7, v3  }
0x183: {  	v3 =	vor.u32 v3, v4  }
0x184: {  	v4 =	vperm.xlane v3, v0;
	_ =	sdelay $0x1  }
0x185: {  	v4 =	vadd.s32 v1, v4;
	_ =	sdelay $0x1  }
0x186: {  	v3 =	vperm.xlane v3, v2;
	_ =	sdelay $0x1  }
0x187: {  	v3 =	vadd.s32 v1, v3  }
0x188: {  	[tilespmem:s26], [sflag:$0x1] =	stream.indirect_vreg.gather [hbm4b:s3+s2], $0x80, v4, vm0, $0xb8;
	[tilespmem:$0x1E180] =	vst v63  }
0x189: {  	_ = 	snop  }
0x18a: {  	[tilespmem:s28], [sflag:$0x1] =	stream.indirect_vreg.gather [hbm4b:s4+s2], $0x80, v4, vm1, $0xb8;
	[tilespmem:$0x1E180] =	vst v63  }
0x18b: {  	_ = 	snop  }
0x18c: {  	[tilespmem:s29], [sflag:$0x1] =	stream.indirect_vreg.gather [hbm4b:s3+s2], $0x80, v3, vm0, $0xb8;
	[tilespmem:$0x1E180] =	vst v63  }
0x18d: {  	_ = 	snop  }
0x18e: {  	[tilespmem:s30], [sflag:$0x1] =	stream.indirect_vreg.gather [hbm4b:s4+s2], $0x80, v3, vm1, $0xb8;
	[tilespmem:$0x1E180] =	vst v63  }
0x18f: {  	_ =	swait.ge [sflag:s31], $0x6000  }
0x190: {  	[sflag:s31] =	ssyncset.done $0x0  }
0x191: {  	s11 =	rddreg [dreg:$0x4];
	[sflag:s31] =	ssyncadd.s32 $0xFFFFA000  }
0x192: {  	[hbm4b:s11+s2] =	stream.linear.scatter [tilespmem:s7], [sflag:$0x2], $0x6000, $0x38;
	[tilespmem:$0x1E180] =	vst v63  }
0x193: {  	_ =	swait.ge [sflag:s31], $0x6000  }
0x194: {  	[sflag:s31] =	ssyncset.done $0x0  }
0x195: {  	s11 =	rddreg [dreg:$0x5];
	[sflag:s31] =	ssyncadd.s32 $0xFFFFA000  }
0x196: {  	[hbm4b:s11+s2] =	stream.linear.scatter [tilespmem:s8], [sflag:$0x2], $0x6000, $0x38;
	[tilespmem:$0x1E180] =	vst v63  }
0x197: {  	_ =	swait.ge [sflag:s31], $0x6000  }
0x198: {  	[sflag:s31] =	ssyncset.done $0x0  }
0x199: {  	s11 =	rddreg [dreg:$0x6];
	[sflag:s31] =	ssyncadd.s32 $0xFFFFA000  }
0x19a: {  	[hbm4b:s11+s2] =	stream.linear.scatter [tilespmem:s9], [sflag:$0x2], $0x6000, $0x38;
	[tilespmem:$0x1E180] =	vst v63  }
0x19b: {  	_ =	swait.ge [sflag:s31], $0x6000  }
0x19c: {  	[sflag:s31] =	ssyncset.done $0x0  }
0x19d: {  	s11 =	rddreg [dreg:$0x7];
	[sflag:s31] =	ssyncadd.s32 $0xFFFFA000  }
0x19e: {  	[hbm4b:s11+s2] =	stream.linear.scatter [tilespmem:s10], [sflag:$0x2], $0x6000, $0x38;
	[tilespmem:$0x1E180] =	vst v63  }
0x19f: {  	_ =	swait.ge [sflag:s31], $0x6000  }
0x1a0: {  	[sflag:s31] =	ssyncset.done $0x0  }
0x1a1: {  	s11 =	rddreg [dreg:$0x8];
	[sflag:s31] =	ssyncadd.s32 $0xFFFFA000  }
0x1a2: {  	[hbm4b:s11+s2] =	stream.linear.scatter [tilespmem:s14], [sflag:$0x2], $0x6000, $0x38;
	[tilespmem:$0x1E180] =	vst v63  }
0x1a3: {  	_ =	swait.ge [sflag:s1], $0x6000  }
0x1a4: {  	[sflag:s1] =	ssyncset.done $0x0  }
0x1a5: {  	[sflag:s1] =	ssyncadd.s32 $0xFFFFA000  }
0x1a6: {  	_ =	swait.ge [sflag:s1], $0x6000  }
0x1a7: {  	[sflag:s1] =	ssyncset.done $0x0  }
0x1a8: {  	[sflag:s1] =	ssyncadd.s32 $0xFFFFA000  }
0x1a9: {  	_ =	swait.ge [sflag:s1], $0x6000  }
0x1aa: {  	[sflag:s1] =	ssyncset.done $0x0  }
0x1ab: {  	[sflag:s1] =	ssyncadd.s32 $0xFFFFA000  }
0x1ac: {  	p0 =	sne.s32 s5, $0x1;
	_ =	swait.ge [sflag:s1], $0x6000  }
.Ltmp0:
0x1ad: {  	[sflag:s1] =	ssyncset.done $0x0;
	(pc) =	sbr.rel @p0 .LBB2_1-.Ltmp0, $4  }
0x1ae: {  	[sflag:s1] =	ssyncadd.s32 $0xFFFFA000  }
0x1af: {  	_ =	swait.ge [sflag:s1], $0x6000  }
0x1b0: {  	[sflag:s1] =	ssyncset.done $0x0  }
0x1b1: {  	s5 =	sadd.s32 $0xFFFFFFFF, s5;
	[sflag:s1] =	ssyncadd.s32 $0xFFFFA000  }
0x1b2: {  	_ =	sfence.sel $0x180000  }
0x1b3: {  	[bflag:$0x0] =	sbarrier.arrive $0xFFFF  }
0x1b4: {  	_ =	strace $0x90000050  }
0x1b5: {  	s0 =	stileid.u32;
	[bflag:$0x2] =	sbarrier.arrive $0xFFFF  }
0x1b6: {  	p0 =	sne.s32 s0, $0x0;
	s0 =	rddreg [dreg:$0x2]  }
0x1b7: {  	s0 =	sadd.s32 @!p0 $0x100000, s0  }
0x1b8: {  	[sflag:s0] =	ssyncadd.tile.s32 @!p0 $0x1;
	_ =	shalt  }
.Lfunc_end2:
_tile_overlayer_lowered:
.L_overlay_start_2:
0x1b9: {  	(tag) =	ssettag $0x2  }
0x1ba: {  	s0 =	rddreg [dreg:$0x0];
	s2 =	stileid.u32  }
0x1bb: {  	s1 =	rddreg [dreg:$0x1];
	p0 =	sne.s32 s2, $0x0  }
0x1bc: {  	s3 =	rddreg [dreg:$0x2];
	[bflag:$0x3] =	sbarrier.arrive $0xFFFF;
	s2 =	simm.s32 @!p0 $0x1C03  }
0x1bd: {  	[timem:s3], [sflag:s2] =	dma.local @!p0 [hbm:s0], s1  }
0x1be: {  	s0 =	simm.s32 @!p0 $0x3  }
0x1bf: {  	_ =	swait.ge @!p0 [sflag:s0], s1  }
0x1c0: {  	s1 =	ssub.s32 @!p0 $0x0, s1;
	[sflag:s0] =	ssyncset.done @!p0 $0x0  }
0x1c1: {  	[sflag:s0] =	ssyncadd.s32 @!p0 s1  }
0x1c2: {  	[bflag:$0x3] =	sbarrier.arrive $0xFFFF  }
0x1c3: {  	_ =	shalt  }

</sc_bundles>
